<compile_context>
chip_gen: v7x
topology: tpu7x:2x2x1
jax: 0.10.2.dev20260603
libtpu: 0.0.44.dev20260713+nightly
codegen_flags: <defaults>
</compile_context>

<pallas_src>
import functools

import jax
import jax.numpy as jnp
import numpy as np
from jax import lax
from jax.experimental import pallas as pl
from jax.experimental.pallas import tpu as pltpu
from jax.experimental.pallas import tpu_sc as plsc

N = 10000
E = 320000
D = 128
G = 100
NPG = 100

NPAD = 10064
EPAD = 327680
CHUNKS = 80
CW = 128
IBLK = 40
DW = 16
DEGP = 10240

_MESH = plsc.VectorSubcoreMesh(core_axis_name="c", subcore_axis_name="s",
                               num_cores=2, num_subcores=16)


@functools.partial(
    pl.kernel,
    out_type=jax.ShapeDtypeStruct((2, DEGP, DW), jnp.float32),
    mesh=_MESH,
    compiler_params=pltpu.CompilerParams(use_tc_tiling_on_sc=False),
    scratch_types=[
        pltpu.MemorySpace.VMEM_SHARED((DEGP, DW), jnp.float32),
        pltpu.MemorySpace.VMEM((CHUNKS, CW), jnp.int32),
        pltpu.MemorySpace.VMEM((CW, DW), jnp.float32),
        pltpu.MemorySpace.VMEM((640, DW), jnp.float32),
        pltpu.SemaphoreType.DMA,
    ],
)
def _deg_sc(eir_hbm, ones_hbm, z1_hbm, out_hbm, dacc, dst_v, ones_v, z_v, sd):
    c = lax.axis_index("c")
    s = lax.axis_index("s")
    wid = s * 2 + c
    pltpu.sync_copy(z1_hbm, z_v)
    pltpu.sync_copy(z_v, dacc.at[pl.ds(s * 640, 640)])
    pltpu.sync_copy(ones_hbm, ones_v)
    pltpu.sync_copy(eir_hbm.at[1, wid], dst_v)
    plsc.subcore_barrier()

    def oblk(k, carry):
        for t in range(8):
            pltpu.async_copy(ones_v, dacc.at[dst_v.at[8 * k + t]], sd, add=True)
        for t in range(8):
            pltpu.make_async_copy(ones_v, dacc.at[dst_v.at[0]], sd).wait()
        return carry
    lax.fori_loop(0, CHUNKS // 8, oblk, 0)
    plsc.subcore_barrier()
    pltpu.sync_copy(dacc.at[pl.ds(s * 640, 640)],
                    out_hbm.at[c, pl.ds(s * 640, 640)])


@functools.partial(
    pl.kernel,
    out_type=jax.ShapeDtypeStruct((2, N, D), jnp.float32),
    mesh=_MESH,
    compiler_params=pltpu.CompilerParams(use_tc_tiling_on_sc=False),
    scratch_types=[
        pltpu.MemorySpace.VMEM_SHARED((NPAD, D), jnp.float32),
        pltpu.MemorySpace.VMEM((IBLK, CW), jnp.int32),
        pltpu.MemorySpace.VMEM((IBLK, CW), jnp.int32),
        pltpu.MemorySpace.VMEM((CW, D), jnp.float32),
        pltpu.MemorySpace.VMEM((CW, D), jnp.float32),
        pltpu.SemaphoreType.DMA,
        pltpu.SemaphoreType.DMA,
        pltpu.SemaphoreType.DMA,
        pltpu.SemaphoreType.DMA,
    ],
)
def _scatter_sc(xs_hbm, eir_hbm, out_hbm,
                acc_s, src_v, dst_v, rows0, rows1, g0, g1, s0, s1):
    c = lax.axis_index("c")
    s = lax.axis_index("s")
    wid = s * 2 + c
    def zrow(i, carry):
        for t in range(8):
            rows0[i, pl.ds(16 * t, 16)] = jnp.zeros((16,), jnp.float32)
        return carry
    lax.fori_loop(0, 80, zrow, 0)
    for j in range(8):
        i = s + 16 * j

        @pl.when(i < 125)
        def _():
            pltpu.async_copy(rows0.at[pl.ds(0, 80)], acc_s.at[pl.ds(80 * i, 80)], g0)
    for j in range(8):
        i = s + 16 * j

        @pl.when(i < 125)
        def _():
            pltpu.make_async_copy(rows0.at[pl.ds(0, 80)],
                                  acc_s.at[pl.ds(0, 80)], g0).wait()
    plsc.subcore_barrier()

    def wait_g(rows, sem):
        pltpu.make_async_copy(xs_hbm.at[src_v.at[0]], rows, sem).wait()

    def oblk(k, carry):
        pltpu.sync_copy(eir_hbm.at[0, wid, pl.ds(IBLK * k, IBLK)], src_v)
        pltpu.sync_copy(eir_hbm.at[1, wid, pl.ds(IBLK * k, IBLK)], dst_v)
        pltpu.async_copy(xs_hbm.at[src_v.at[0]], rows0, g0)

        def pair(p, carry2):
            j = 2 * p
            pltpu.async_copy(xs_hbm.at[src_v.at[j + 1]], rows1, g1)
            wait_g(rows0, g0)
            pltpu.sync_copy(rows0, acc_s.at[dst_v.at[j]], add=True)

            @pl.when(j + 2 < IBLK)
            def _():
                pltpu.async_copy(xs_hbm.at[src_v.at[j + 2]], rows0, g0)
            wait_g(rows1, g1)
            pltpu.sync_copy(rows1, acc_s.at[dst_v.at[j + 1]], add=True)
            return carry2
        return lax.fori_loop(0, IBLK // 2, pair, carry)
    lax.fori_loop(0, CHUNKS // IBLK, oblk, 0)
    plsc.subcore_barrier()

    bufs, gsems, wsems = (rows0, rows1), (g0, g1), (s0, s1)
    for j in range(8):
        i = s + 16 * j
        rv, gs, ws = bufs[j % 2], gsems[j % 2], wsems[j % 2]

        @pl.when(i < 125)
        def _():
            r0 = 80 * i
            if j >= 2:
                pltpu.make_async_copy(rv.at[pl.ds(0, 80)],
                                      out_hbm.at[c, pl.ds(0, 80)], ws).wait()
            pltpu.async_copy(acc_s.at[pl.ds(r0, 80)], rv.at[pl.ds(0, 80)], gs)
            pltpu.make_async_copy(acc_s.at[pl.ds(0, 80)],
                                  rv.at[pl.ds(0, 80)], gs).wait()
            pltpu.async_copy(rv.at[pl.ds(0, 80)], out_hbm.at[c, pl.ds(r0, 80)], ws)
    for b in range(2):
        pltpu.make_async_copy(bufs[b].at[pl.ds(0, 80)],
                              out_hbm.at[c, pl.ds(0, 80)], wsems[b]).wait()


_ROWS_B = 1000


def _pre_tc_body(x_ref, deg_ref, w_ref, xs_ref):
    deg = deg_ref[...]
    dinv = lax.rsqrt(deg[0, :, 0:1] + deg[1, :, 0:1] + 1.0)
    xs_ref[...] = dinv * jnp.dot(x_ref[...], w_ref[...],
                                 preferred_element_type=jnp.float32)


def _pre_tc(x, deg2, w0):
    return pl.pallas_call(
        _pre_tc_body,
        grid=(N // _ROWS_B,),
        in_specs=[
            pl.BlockSpec((_ROWS_B, D), lambda i: (i, 0)),
            pl.BlockSpec((2, _ROWS_B, DW), lambda i: (0, i, 0)),
            pl.BlockSpec((D, D), lambda i: (0, 0)),
        ],
        out_specs=pl.BlockSpec((_ROWS_B, D), lambda i: (i, 0)),
        out_shape=jax.ShapeDtypeStruct((N, D), jnp.float32),
    )(x, deg2, w0)


_GPB = _ROWS_B // NPG
_ISQD = 1.0 / np.sqrt(D)


def _layer_tc_body(has_next, acc_ref, xsin_ref, deg_ref, bc_ref, wq_ref,
                   bq_ref, wk_ref, bk_ref, *rest):
    if has_next:
        wn_ref, ro_ref, xs_ref = rest
    else:
        (ro_ref,) = rest
    deg = deg_ref[...]
    dinv = lax.rsqrt(deg[0, :, 0:1] + deg[1, :, 0:1] + 1.0)
    acc = acc_ref[...]
    h = dinv * (acc[0] + acc[1] + xsin_ref[...]) + bc_ref[...]
    gm = jnp.mean(h.reshape(_GPB, NPG, D), axis=1)
    xq = jnp.dot(gm, wq_ref[...], preferred_element_type=jnp.float32) + bq_ref[...]
    xk = jnp.dot(h, wk_ref[...], preferred_element_type=jnp.float32) + bk_ref[...]
    xqe = jnp.broadcast_to(xq[:, None, :], (_GPB, NPG, D)).reshape(_ROWS_B, D)
    sc = jnp.sum(xk * xqe, axis=-1, keepdims=True) * _ISQD
    att = jax.nn.sigmoid(sc)
    ro_ref[...] = jnp.mean((h * att).reshape(_GPB, NPG, D), axis=1
                           ).reshape(1, _GPB, D)
    if has_next:
        xs_ref[...] = dinv * jnp.dot(h, wn_ref[...],
                                     preferred_element_type=jnp.float32)


def _layer_tc(acc, xsin, deg2, bc, wq, bq, wk, bk, wn):
    has_next = wn is not None
    full = lambda i: (0, 0)
    in_specs = [
        pl.BlockSpec((2, _ROWS_B, D), lambda i: (0, i, 0)),
        pl.BlockSpec((_ROWS_B, D), lambda i: (i, 0)),
        pl.BlockSpec((2, _ROWS_B, DW), lambda i: (0, i, 0)),
        pl.BlockSpec((1, D), full),
        pl.BlockSpec((D, D), full),
        pl.BlockSpec((1, D), full),
        pl.BlockSpec((D, D), full),
        pl.BlockSpec((1, D), full),
    ]
    out_specs = [pl.BlockSpec((1, _GPB, D), lambda i: (i, 0, 0))]
    out_shape = [jax.ShapeDtypeStruct((G // _GPB, _GPB, D), jnp.float32)]
    args = [acc, xsin, deg2, bc.reshape(1, D), wq, bq.reshape(1, D), wk,
            bk.reshape(1, D)]
    if has_next:
        in_specs.append(pl.BlockSpec((D, D), full))
        out_specs.append(pl.BlockSpec((_ROWS_B, D), lambda i: (i, 0)))
        out_shape.append(jax.ShapeDtypeStruct((N, D), jnp.float32))
        args.append(wn)
    return pl.pallas_call(
        functools.partial(_layer_tc_body, has_next),
        grid=(N // _ROWS_B,),
        in_specs=in_specs,
        out_specs=out_specs,
        out_shape=out_shape,
    )(*args)


def kernel(x, edge_index, batch, Wc0, bc0, Wq0, bq0, Wk0, bk0,
           Wc1, bc1, Wq1, bq1, Wk1, bk1, Wc2, bc2, Wq2, bq2, Wk2, bk2):
    npd = EPAD - E
    pad2 = jnp.stack([jnp.arange(npd, dtype=jnp.int32) % 64,
                      N + (jnp.arange(npd, dtype=jnp.int32) % (NPAD - N))])
    eir = jnp.concatenate([edge_index.astype(jnp.int32), pad2], axis=1
                          ).reshape(2, 32, CHUNKS, CW)
    ones = jnp.ones((CW, DW), jnp.float32)
    z1 = jnp.zeros((640, DW), jnp.float32)

    deg2 = _deg_sc(eir, ones, z1)
    xs = _pre_tc(x, deg2, Wc0)
    params = [(bc0, Wq0, bq0, Wk0, bk0, Wc1),
              (bc1, Wq1, bq1, Wk1, bk1, Wc2),
              (bc2, Wq2, bq2, Wk2, bk2, None)]
    ros = []
    for bc, wq, bq, wk, bk, wn in params:
        acc = _scatter_sc(xs, eir)
        res = _layer_tc(acc, xs, deg2, bc, wq, bq, wk, bk, wn)
        if wn is not None:
            ro, xs = res
        else:
            (ro,) = res
        ros.append(ro.reshape(G, D))
    return jnp.concatenate(ros, axis=1)

# --- scband reference (transcript-rebuilt; emitter-appended) ---
"""Pipeline reference for scband-model-89713276878908 (READ-ONLY COPY).

The authoritative reference and input builder live on the scoring server;
editing this copy changes nothing except your own understanding.
"""

import jax, jax.numpy as jnp
import numpy as np

N = 10000
E = 320000
D = 128
G = 100
NPG = 100
L = 3


def setup_inputs(seed: int = 0):
    key = jax.random.key(seed)
    ks = jax.random.split(key, 2 + 6 * L)
    inp = {}
    inp["x"] = jax.random.normal(ks[0], (N, D), dtype=jnp.float32)
    inp["edge_index"] = jax.random.randint(ks[1], (2, E), 0, N)
    inp["batch"] = jnp.repeat(jnp.arange(G), NPG)
    for i in range(L):
        base = 2 + 6 * i
        inp["Wc%d" % i] = jax.random.normal(ks[base], (D, D), dtype=jnp.float32) / np.sqrt(D)
        inp["bc%d" % i] = jnp.zeros((D,), dtype=jnp.float32)
        inp["Wq%d" % i] = jax.random.normal(ks[base + 1], (D, D), dtype=jnp.float32) / np.sqrt(D)
        inp["bq%d" % i] = jnp.zeros((D,), dtype=jnp.float32)
        inp["Wk%d" % i] = jax.random.normal(ks[base + 2], (D, D), dtype=jnp.float32) / np.sqrt(D)
        inp["bk%d" % i] = jnp.zeros((D,), dtype=jnp.float32)
    return inp


def _gcn(x, src, dst, norm, W, b):
    # GCNConv with self-loops and symmetric normalization: D^-1/2 (A+I) D^-1/2 X W + b
    xw = x @ W
    msg = xw[src] * norm[:, None]
    out = jnp.zeros_like(xw).at[dst].add(msg)
    return out + b


def _readout(x, Wq, bq, Wk, bk):
    # AttentionReadout (eval mode: dropout is identity); equal-size graphs (G, NPG, d)
    xg = x.reshape(G, NPG, x.shape[-1])
    xq = xg.mean(axis=-2) @ Wq + bq
    xk = xg @ Wk + bk
    att = jax.nn.sigmoid(jnp.einsum('gd,gnd->gn', xq, xk) / np.sqrt(xq.shape[-1]))
    return (xg * att[:, :, None]).mean(axis=-2)


def reference(x, edge_index, batch, Wc0, bc0, Wq0, bq0, Wk0, bk0, Wc1, bc1, Wq1, bq1, Wk1, bk1, Wc2, bc2, Wq2, bq2, Wk2, bk2):
    loop = jnp.arange(N)
    src = jnp.concatenate([edge_index[0], loop])
    dst = jnp.concatenate([edge_index[1], loop])
    deg = jnp.zeros((N,), dtype=jnp.float32).at[dst].add(1.0)
    dinv = 1.0 / jnp.sqrt(deg)
    norm = dinv[src] * dinv[dst]
    params = [(Wc0, bc0, Wq0, bq0, Wk0, bk0), (Wc1, bc1, Wq1, bq1, Wk1, bk1), (Wc2, bc2, Wq2, bq2, Wk2, bk2)]
    h = x
    readouts = []
    for (Wc, bc, Wq, bq, Wk, bk) in params:
        h = _gcn(h, src, dst, norm, Wc, bc)
        readouts.append(_readout(h, Wq, bq, Wk, bk))
    return jnp.concatenate(readouts, axis=1)

if __name__ == "__main__":
    import jax
    _d = setup_inputs()
    print(jax.jit(kernel)(*tuple(_d.values())))

</pallas_src>

<mosaic_0001>
#map = affine_map<(d0, d1) -> (0, 0)>
#map1 = affine_map<(d0, d1) -> (0, 0, 0, 0)>
#map2 = affine_map<(d0, d1) -> (0, 0, 0)>
module attributes {stable_mosaic.version = 14 : i64} {
  func.func @_scatter_sc(%arg0: i32, %arg1: i32, %arg2: memref<10000x128xf32, #tpu.memory_space<hbm>>, %arg3: memref<2x32x80x128xi32, #tpu.memory_space<hbm>>, %arg4: memref<2x10000x128xf32, #tpu.memory_space<hbm>>, %arg5: memref<10064x128xf32, #tpu.memory_space<vmem_shared>>, %arg6: memref<40x128xi32, #tpu.memory_space<vmem>>, %arg7: memref<40x128xi32, #tpu.memory_space<vmem>>, %arg8: memref<128x128xf32, #tpu.memory_space<vmem>>, %arg9: memref<128x128xf32, #tpu.memory_space<vmem>>, %arg10: memref<!tpu.dma_semaphore, #tpu.memory_space<semaphore_mem>>, %arg11: memref<!tpu.dma_semaphore, #tpu.memory_space<semaphore_mem>>, %arg12: memref<!tpu.dma_semaphore, #tpu.memory_space<semaphore_mem>>, %arg13: memref<!tpu.dma_semaphore, #tpu.memory_space<semaphore_mem>>) attributes {dimension_semantics = [#tpu.dimension_semantics<core_parallel>, #tpu.dimension_semantics<subcore_parallel>], iteration_bounds = array<i64: 2, 16>, scalar_prefetch = 0 : i64, scratch_operands = 9 : i64, tpu.core_type = #tpu.core_type<sc_vector_subcore>, window_params = [{transform_indices = #map}, {transform_indices = #map1}, {transform_indices = #map2}]} {
    %mul3A = arith.constant 2 : i32
    %mul3A_0 = arith.muli %arg1, %mul3A : i32
    %add3A = arith.addi %mul3A_0, %arg0 : i32
    %scan3A = arith.constant 0 : i32
    %scan3A_1 = arith.constant 0 : i32
    %scan3A_2 = arith.constant 80 : i32
    %scan3A_3 = arith.addi %scan3A_1, %scan3A_2 : i32
    %scan3A_4 = arith.constant 1 : i32
    scf.for %scan3A_205 = %scan3A_1 to %scan3A_3 step %scan3A_4  : i32 {
      %broadcast_in_dim3A = arith.constant 0.000000e+00 : f32
      %broadcast_in_dim3A_206 = vector.broadcast %broadcast_in_dim3A : f32 to vector<16xf32>
      %swap3A = arith.index_cast %scan3A_205 : i32 to index
      %swap3A_207 = arith.constant 0 : index
      %swap3A_208 = tpu.vector_load %arg8[%swap3A, %swap3A_207] {strides = array<i32>} : memref<128x128xf32, #tpu.memory_space<vmem>>, vector<1x16xf32>,
      %swap3A_209 = vector.shape_cast %swap3A_208 : vector<1x16xf32> to vector<16xf32>
      %swap3A_210 = vector.shape_cast %broadcast_in_dim3A_206 : vector<16xf32> to vector<1x16xf32>
      tpu.vector_store %arg8[%swap3A, %swap3A_207], %swap3A_210 {strides = array<i32>} : memref<128x128xf32, #tpu.memory_space<vmem>>, vector<1x16xf32>,
      %broadcast_in_dim3A_211 = arith.constant 0.000000e+00 : f32
      %broadcast_in_dim3A_212 = vector.broadcast %broadcast_in_dim3A_211 : f32 to vector<16xf32>
      %swap3A_213 = arith.index_cast %scan3A_205 : i32 to index
      %swap3A_214 = arith.constant 16 : index
      %swap3A_215 = tpu.vector_load %arg8[%swap3A_213, %swap3A_214] {strides = array<i32>} : memref<128x128xf32, #tpu.memory_space<vmem>>, vector<1x16xf32>,
      %swap3A_216 = vector.shape_cast %swap3A_215 : vector<1x16xf32> to vector<16xf32>
      %swap3A_217 = vector.shape_cast %broadcast_in_dim3A_212 : vector<16xf32> to vector<1x16xf32>
      tpu.vector_store %arg8[%swap3A_213, %swap3A_214], %swap3A_217 {strides = array<i32>} : memref<128x128xf32, #tpu.memory_space<vmem>>, vector<1x16xf32>,
      %broadcast_in_dim3A_218 = arith.constant 0.000000e+00 : f32
      %broadcast_in_dim3A_219 = vector.broadcast %broadcast_in_dim3A_218 : f32 to vector<16xf32>
      %swap3A_220 = arith.index_cast %scan3A_205 : i32 to index
      %swap3A_221 = arith.constant 32 : index
      %swap3A_222 = tpu.vector_load %arg8[%swap3A_220, %swap3A_221] {strides = array<i32>} : memref<128x128xf32, #tpu.memory_space<vmem>>, vector<1x16xf32>,
      %swap3A_223 = vector.shape_cast %swap3A_222 : vector<1x16xf32> to vector<16xf32>
      %swap3A_224 = vector.shape_cast %broadcast_in_dim3A_219 : vector<16xf32> to vector<1x16xf32>
      tpu.vector_store %arg8[%swap3A_220, %swap3A_221], %swap3A_224 {strides = array<i32>} : memref<128x128xf32, #tpu.memory_space<vmem>>, vector<1x16xf32>,
      %broadcast_in_dim3A_225 = arith.constant 0.000000e+00 : f32
      %broadcast_in_dim3A_226 = vector.broadcast %broadcast_in_dim3A_225 : f32 to vector<16xf32>
      %swap3A_227 = arith.index_cast %scan3A_205 : i32 to index
      %swap3A_228 = arith.constant 48 : index
      %swap3A_229 = tpu.vector_load %arg8[%swap3A_227, %swap3A_228] {strides = array<i32>} : memref<128x128xf32, #tpu.memory_space<vmem>>, vector<1x16xf32>,
      %swap3A_230 = vector.shape_cast %swap3A_229 : vector<1x16xf32> to vector<16xf32>
      %swap3A_231 = vector.shape_cast %broadcast_in_dim3A_226 : vector<16xf32> to vector<1x16xf32>
      tpu.vector_store %arg8[%swap3A_227, %swap3A_228], %swap3A_231 {strides = array<i32>} : memref<128x128xf32, #tpu.memory_space<vmem>>, vector<1x16xf32>,
      %broadcast_in_dim3A_232 = arith.constant 0.000000e+00 : f32
      %broadcast_in_dim3A_233 = vector.broadcast %broadcast_in_dim3A_232 : f32 to vector<16xf32>
      %swap3A_234 = arith.index_cast %scan3A_205 : i32 to index
      %swap3A_235 = arith.constant 64 : index
      %swap3A_236 = tpu.vector_load %arg8[%swap3A_234, %swap3A_235] {strides = array<i32>} : memref<128x128xf32, #tpu.memory_space<vmem>>, vector<1x16xf32>,
      %swap3A_237 = vector.shape_cast %swap3A_236 : vector<1x16xf32> to vector<16xf32>
      %swap3A_238 = vector.shape_cast %broadcast_in_dim3A_233 : vector<16xf32> to vector<1x16xf32>
      tpu.vector_store %arg8[%swap3A_234, %swap3A_235], %swap3A_238 {strides = array<i32>} : memref<128x128xf32, #tpu.memory_space<vmem>>, vector<1x16xf32>,
      %broadcast_in_dim3A_239 = arith.constant 0.000000e+00 : f32
      %broadcast_in_dim3A_240 = vector.broadcast %broadcast_in_dim3A_239 : f32 to vector<16xf32>
      %swap3A_241 = arith.index_cast %scan3A_205 : i32 to index
      %swap3A_242 = arith.constant 80 : index
      %swap3A_243 = tpu.vector_load %arg8[%swap3A_241, %swap3A_242] {strides = array<i32>} : memref<128x128xf32, #tpu.memory_space<vmem>>, vector<1x16xf32>,
      %swap3A_244 = vector.shape_cast %swap3A_243 : vector<1x16xf32> to vector<16xf32>
      %swap3A_245 = vector.shape_cast %broadcast_in_dim3A_240 : vector<16xf32> to vector<1x16xf32>
      tpu.vector_store %arg8[%swap3A_241, %swap3A_242], %swap3A_245 {strides = array<i32>} : memref<128x128xf32, #tpu.memory_space<vmem>>, vector<1x16xf32>,
      %broadcast_in_dim3A_246 = arith.constant 0.000000e+00 : f32
      %broadcast_in_dim3A_247 = vector.broadcast %broadcast_in_dim3A_246 : f32 to vector<16xf32>
      %swap3A_248 = arith.index_cast %scan3A_205 : i32 to index
      %swap3A_249 = arith.constant 96 : index
      %swap3A_250 = tpu.vector_load %arg8[%swap3A_248, %swap3A_249] {strides = array<i32>} : memref<128x128xf32, #tpu.memory_space<vmem>>, vector<1x16xf32>,
      %swap3A_251 = vector.shape_cast %swap3A_250 : vector<1x16xf32> to vector<16xf32>
      %swap3A_252 = vector.shape_cast %broadcast_in_dim3A_247 : vector<16xf32> to vector<1x16xf32>
      tpu.vector_store %arg8[%swap3A_248, %swap3A_249], %swap3A_252 {strides = array<i32>} : memref<128x128xf32, #tpu.memory_space<vmem>>, vector<1x16xf32>,
      %broadcast_in_dim3A_253 = arith.constant 0.000000e+00 : f32
      %broadcast_in_dim3A_254 = vector.broadcast %broadcast_in_dim3A_253 : f32 to vector<16xf32>
      %swap3A_255 = arith.index_cast %scan3A_205 : i32 to index
      %swap3A_256 = arith.constant 112 : index
      %swap3A_257 = tpu.vector_load %arg8[%swap3A_255, %swap3A_256] {strides = array<i32>} : memref<128x128xf32, #tpu.memory_space<vmem>>, vector<1x16xf32>,
      %swap3A_258 = vector.shape_cast %swap3A_257 : vector<1x16xf32> to vector<16xf32>
      %swap3A_259 = vector.shape_cast %broadcast_in_dim3A_254 : vector<16xf32> to vector<1x16xf32>
      tpu.vector_store %arg8[%swap3A_255, %swap3A_256], %swap3A_259 {strides = array<i32>} : memref<128x128xf32, #tpu.memory_space<vmem>>, vector<1x16xf32>,
    }
    %scan3A_5 = arith.constant 80 : i32
    %add3A_6 = arith.constant 0 : i32
    %add3A_7 = arith.addi %arg1, %add3A_6 : i32
    %lt3A = arith.constant 125 : i32
    %lt3A_8 = arith.cmpi slt, %add3A_7, %lt3A : i32
    %convert_element_type3A = arith.extui %lt3A_8 : i1 to i32
    %cond3A = arith.constant 0 : i32
    %cond3A_9 = arith.cmpi ne, %convert_element_type3A, %cond3A : i32
    scf.if %cond3A_9 {
      %mul3A_205 = arith.constant 80 : i32
      %mul3A_206 = arith.muli %mul3A_205, %add3A_7 : i32
      %dma_start3A = arith.constant 0 : i32
      %dma_start3A_207 = arith.constant 0 : i32
      %dma_start3A_208 = tpu.memref_slice %arg8[%dma_start3A, %dma_start3A_207] : memref<128x128xf32, #tpu.memory_space<vmem>> -> memref<80x128xf32, #tpu.memory_space<vmem>>
      %dma_start3A_209 = arith.constant 0 : i32
      %dma_start3A_210 = tpu.memref_slice %arg5[%mul3A_206, %dma_start3A_209] : memref<10064x128xf32, #tpu.memory_space<vmem_shared>> -> memref<80x128xf32, #tpu.memory_space<vmem_shared>>
      %dma_start3A_211 = arith.constant 0 : i32
      %dma_start3A_212 = tpu.memref_slice %arg5[%mul3A_206, %dma_start3A_211] : memref<10064x128xf32, #tpu.memory_space<vmem_shared>> -> memref<80x128xf32, #tpu.memory_space<vmem_shared>>
      %dma_start3A_213 = arith.constant 0 : i32
      %dma_start3A_214 = arith.constant 0 : i32
      %dma_start3A_215 = tpu.memref_slice %arg8[%dma_start3A_213, %dma_start3A_214] : memref<128x128xf32, #tpu.memory_space<vmem>> -> memref<80x128xf32, #tpu.memory_space<vmem>>
      tpu.enqueue_dma source(%dma_start3A_215 : memref<80x128xf32, #tpu.memory_space<vmem>>) target(%dma_start3A_212 : memref<80x128xf32, #tpu.memory_space<vmem_shared>>) target_semaphore(%arg10 : memref<!tpu.dma_semaphore, #tpu.memory_space<semaphore_mem>>)
    } else {
    }
    %add3A_10 = arith.constant 16 : i32
    %add3A_11 = arith.addi %arg1, %add3A_10 : i32
    %lt3A_12 = arith.constant 125 : i32
    %lt3A_13 = arith.cmpi slt, %add3A_11, %lt3A_12 : i32
    %convert_element_type3A_14 = arith.extui %lt3A_13 : i1 to i32
    %cond3A_15 = arith.constant 0 : i32
    %cond3A_16 = arith.cmpi ne, %convert_element_type3A_14, %cond3A_15 : i32
    scf.if %cond3A_16 {
      %mul3A_205 = arith.constant 80 : i32
      %mul3A_206 = arith.muli %mul3A_205, %add3A_11 : i32
      %dma_start3A = arith.constant 0 : i32
      %dma_start3A_207 = arith.constant 0 : i32
      %dma_start3A_208 = tpu.memref_slice %arg8[%dma_start3A, %dma_start3A_207] : memref<128x128xf32, #tpu.memory_space<vmem>> -> memref<80x128xf32, #tpu.memory_space<vmem>>
      %dma_start3A_209 = arith.constant 0 : i32
      %dma_start3A_210 = tpu.memref_slice %arg5[%mul3A_206, %dma_start3A_209] : memref<10064x128xf32, #tpu.memory_space<vmem_shared>> -> memref<80x128xf32, #tpu.memory_space<vmem_shared>>
      %dma_start3A_211 = arith.constant 0 : i32
      %dma_start3A_212 = tpu.memref_slice %arg5[%mul3A_206, %dma_start3A_211] : memref<10064x128xf32, #tpu.memory_space<vmem_shared>> -> memref<80x128xf32, #tpu.memory_space<vmem_shared>>
      %dma_start3A_213 = arith.constant 0 : i32
      %dma_start3A_214 = arith.constant 0 : i32
      %dma_start3A_215 = tpu.memref_slice %arg8[%dma_start3A_213, %dma_start3A_214] : memref<128x128xf32, #tpu.memory_space<vmem>> -> memref<80x128xf32, #tpu.memory_space<vmem>>
      tpu.enqueue_dma source(%dma_start3A_215 : memref<80x128xf32, #tpu.memory_space<vmem>>) target(%dma_start3A_212 : memref<80x128xf32, #tpu.memory_space<vmem_shared>>) target_semaphore(%arg10 : memref<!tpu.dma_semaphore, #tpu.memory_space<semaphore_mem>>)
    } else {
    }
    %add3A_17 = arith.constant 32 : i32
    %add3A_18 = arith.addi %arg1, %add3A_17 : i32
    %lt3A_19 = arith.constant 125 : i32
    %lt3A_20 = arith.cmpi slt, %add3A_18, %lt3A_19 : i32
    %convert_element_type3A_21 = arith.extui %lt3A_20 : i1 to i32
    %cond3A_22 = arith.constant 0 : i32
    %cond3A_23 = arith.cmpi ne, %convert_element_type3A_21, %cond3A_22 : i32
    scf.if %cond3A_23 {
      %mul3A_205 = arith.constant 80 : i32
      %mul3A_206 = arith.muli %mul3A_205, %add3A_18 : i32
      %dma_start3A = arith.constant 0 : i32
      %dma_start3A_207 = arith.constant 0 : i32
      %dma_start3A_208 = tpu.memref_slice %arg8[%dma_start3A, %dma_start3A_207] : memref<128x128xf32, #tpu.memory_space<vmem>> -> memref<80x128xf32, #tpu.memory_space<vmem>>
      %dma_start3A_209 = arith.constant 0 : i32
      %dma_start3A_210 = tpu.memref_slice %arg5[%mul3A_206, %dma_start3A_209] : memref<10064x128xf32, #tpu.memory_space<vmem_shared>> -> memref<80x128xf32, #tpu.memory_space<vmem_shared>>
      %dma_start3A_211 = arith.constant 0 : i32
      %dma_start3A_212 = tpu.memref_slice %arg5[%mul3A_206, %dma_start3A_211] : memref<10064x128xf32, #tpu.memory_space<vmem_shared>> -> memref<80x128xf32, #tpu.memory_space<vmem_shared>>
      %dma_start3A_213 = arith.constant 0 : i32
      %dma_start3A_214 = arith.constant 0 : i32
      %dma_start3A_215 = tpu.memref_slice %arg8[%dma_start3A_213, %dma_start3A_214] : memref<128x128xf32, #tpu.memory_space<vmem>> -> memref<80x128xf32, #tpu.memory_space<vmem>>
      tpu.enqueue_dma source(%dma_start3A_215 : memref<80x128xf32, #tpu.memory_space<vmem>>) target(%dma_start3A_212 : memref<80x128xf32, #tpu.memory_space<vmem_shared>>) target_semaphore(%arg10 : memref<!tpu.dma_semaphore, #tpu.memory_space<semaphore_mem>>)
    } else {
    }
    %add3A_24 = arith.constant 48 : i32
    %add3A_25 = arith.addi %arg1, %add3A_24 : i32
    %lt3A_26 = arith.constant 125 : i32
    %lt3A_27 = arith.cmpi slt, %add3A_25, %lt3A_26 : i32
    %convert_element_type3A_28 = arith.extui %lt3A_27 : i1 to i32
    %cond3A_29 = arith.constant 0 : i32
    %cond3A_30 = arith.cmpi ne, %convert_element_type3A_28, %cond3A_29 : i32
    scf.if %cond3A_30 {
      %mul3A_205 = arith.constant 80 : i32
      %mul3A_206 = arith.muli %mul3A_205, %add3A_25 : i32
      %dma_start3A = arith.constant 0 : i32
      %dma_start3A_207 = arith.constant 0 : i32
      %dma_start3A_208 = tpu.memref_slice %arg8[%dma_start3A, %dma_start3A_207] : memref<128x128xf32, #tpu.memory_space<vmem>> -> memref<80x128xf32, #tpu.memory_space<vmem>>
      %dma_start3A_209 = arith.constant 0 : i32
      %dma_start3A_210 = tpu.memref_slice %arg5[%mul3A_206, %dma_start3A_209] : memref<10064x128xf32, #tpu.memory_space<vmem_shared>> -> memref<80x128xf32, #tpu.memory_space<vmem_shared>>
      %dma_start3A_211 = arith.constant 0 : i32
      %dma_start3A_212 = tpu.memref_slice %arg5[%mul3A_206, %dma_start3A_211] : memref<10064x128xf32, #tpu.memory_space<vmem_shared>> -> memref<80x128xf32, #tpu.memory_space<vmem_shared>>
      %dma_start3A_213 = arith.constant 0 : i32
      %dma_start3A_214 = arith.constant 0 : i32
      %dma_start3A_215 = tpu.memref_slice %arg8[%dma_start3A_213, %dma_start3A_214] : memref<128x128xf32, #tpu.memory_space<vmem>> -> memref<80x128xf32, #tpu.memory_space<vmem>>
      tpu.enqueue_dma source(%dma_start3A_215 : memref<80x128xf32, #tpu.memory_space<vmem>>) target(%dma_start3A_212 : memref<80x128xf32, #tpu.memory_space<vmem_shared>>) target_semaphore(%arg10 : memref<!tpu.dma_semaphore, #tpu.memory_space<semaphore_mem>>)
    } else {
    }
    %add3A_31 = arith.constant 64 : i32
    %add3A_32 = arith.addi %arg1, %add3A_31 : i32
    %lt3A_33 = arith.constant 125 : i32
    %lt3A_34 = arith.cmpi slt, %add3A_32, %lt3A_33 : i32
    %convert_element_type3A_35 = arith.extui %lt3A_34 : i1 to i32
    %cond3A_36 = arith.constant 0 : i32
    %cond3A_37 = arith.cmpi ne, %convert_element_type3A_35, %cond3A_36 : i32
    scf.if %cond3A_37 {
      %mul3A_205 = arith.constant 80 : i32
      %mul3A_206 = arith.muli %mul3A_205, %add3A_32 : i32
      %dma_start3A = arith.constant 0 : i32
      %dma_start3A_207 = arith.constant 0 : i32
      %dma_start3A_208 = tpu.memref_slice %arg8[%dma_start3A, %dma_start3A_207] : memref<128x128xf32, #tpu.memory_space<vmem>> -> memref<80x128xf32, #tpu.memory_space<vmem>>
      %dma_start3A_209 = arith.constant 0 : i32
      %dma_start3A_210 = tpu.memref_slice %arg5[%mul3A_206, %dma_start3A_209] : memref<10064x128xf32, #tpu.memory_space<vmem_shared>> -> memref<80x128xf32, #tpu.memory_space<vmem_shared>>
      %dma_start3A_211 = arith.constant 0 : i32
      %dma_start3A_212 = tpu.memref_slice %arg5[%mul3A_206, %dma_start3A_211] : memref<10064x128xf32, #tpu.memory_space<vmem_shared>> -> memref<80x128xf32, #tpu.memory_space<vmem_shared>>
      %dma_start3A_213 = arith.constant 0 : i32
      %dma_start3A_214 = arith.constant 0 : i32
      %dma_start3A_215 = tpu.memref_slice %arg8[%dma_start3A_213, %dma_start3A_214] : memref<128x128xf32, #tpu.memory_space<vmem>> -> memref<80x128xf32, #tpu.memory_space<vmem>>
      tpu.enqueue_dma source(%dma_start3A_215 : memref<80x128xf32, #tpu.memory_space<vmem>>) target(%dma_start3A_212 : memref<80x128xf32, #tpu.memory_space<vmem_shared>>) target_semaphore(%arg10 : memref<!tpu.dma_semaphore, #tpu.memory_space<semaphore_mem>>)
    } else {
    }
    %add3A_38 = arith.constant 80 : i32
    %add3A_39 = arith.addi %arg1, %add3A_38 : i32
    %lt3A_40 = arith.constant 125 : i32
    %lt3A_41 = arith.cmpi slt, %add3A_39, %lt3A_40 : i32
    %convert_element_type3A_42 = arith.extui %lt3A_41 : i1 to i32
    %cond3A_43 = arith.constant 0 : i32
    %cond3A_44 = arith.cmpi ne, %convert_element_type3A_42, %cond3A_43 : i32
    scf.if %cond3A_44 {
      %mul3A_205 = arith.constant 80 : i32
      %mul3A_206 = arith.muli %mul3A_205, %add3A_39 : i32
      %dma_start3A = arith.constant 0 : i32
      %dma_start3A_207 = arith.constant 0 : i32
      %dma_start3A_208 = tpu.memref_slice %arg8[%dma_start3A, %dma_start3A_207] : memref<128x128xf32, #tpu.memory_space<vmem>> -> memref<80x128xf32, #tpu.memory_space<vmem>>
      %dma_start3A_209 = arith.constant 0 : i32
      %dma_start3A_210 = tpu.memref_slice %arg5[%mul3A_206, %dma_start3A_209] : memref<10064x128xf32, #tpu.memory_space<vmem_shared>> -> memref<80x128xf32, #tpu.memory_space<vmem_shared>>
      %dma_start3A_211 = arith.constant 0 : i32
      %dma_start3A_212 = tpu.memref_slice %arg5[%mul3A_206, %dma_start3A_211] : memref<10064x128xf32, #tpu.memory_space<vmem_shared>> -> memref<80x128xf32, #tpu.memory_space<vmem_shared>>
      %dma_start3A_213 = arith.constant 0 : i32
      %dma_start3A_214 = arith.constant 0 : i32
      %dma_start3A_215 = tpu.memref_slice %arg8[%dma_start3A_213, %dma_start3A_214] : memref<128x128xf32, #tpu.memory_space<vmem>> -> memref<80x128xf32, #tpu.memory_space<vmem>>
      tpu.enqueue_dma source(%dma_start3A_215 : memref<80x128xf32, #tpu.memory_space<vmem>>) target(%dma_start3A_212 : memref<80x128xf32, #tpu.memory_space<vmem_shared>>) target_semaphore(%arg10 : memref<!tpu.dma_semaphore, #tpu.memory_space<semaphore_mem>>)
    } else {
    }
    %add3A_45 = arith.constant 96 : i32
    %add3A_46 = arith.addi %arg1, %add3A_45 : i32
    %lt3A_47 = arith.constant 125 : i32
    %lt3A_48 = arith.cmpi slt, %add3A_46, %lt3A_47 : i32
    %convert_element_type3A_49 = arith.extui %lt3A_48 : i1 to i32
    %cond3A_50 = arith.constant 0 : i32
    %cond3A_51 = arith.cmpi ne, %convert_element_type3A_49, %cond3A_50 : i32
    scf.if %cond3A_51 {
      %mul3A_205 = arith.constant 80 : i32
      %mul3A_206 = arith.muli %mul3A_205, %add3A_46 : i32
      %dma_start3A = arith.constant 0 : i32
      %dma_start3A_207 = arith.constant 0 : i32
      %dma_start3A_208 = tpu.memref_slice %arg8[%dma_start3A, %dma_start3A_207] : memref<128x128xf32, #tpu.memory_space<vmem>> -> memref<80x128xf32, #tpu.memory_space<vmem>>
      %dma_start3A_209 = arith.constant 0 : i32
      %dma_start3A_210 = tpu.memref_slice %arg5[%mul3A_206, %dma_start3A_209] : memref<10064x128xf32, #tpu.memory_space<vmem_shared>> -> memref<80x128xf32, #tpu.memory_space<vmem_shared>>
      %dma_start3A_211 = arith.constant 0 : i32
      %dma_start3A_212 = tpu.memref_slice %arg5[%mul3A_206, %dma_start3A_211] : memref<10064x128xf32, #tpu.memory_space<vmem_shared>> -> memref<80x128xf32, #tpu.memory_space<vmem_shared>>
      %dma_start3A_213 = arith.constant 0 : i32
      %dma_start3A_214 = arith.constant 0 : i32
      %dma_start3A_215 = tpu.memref_slice %arg8[%dma_start3A_213, %dma_start3A_214] : memref<128x128xf32, #tpu.memory_space<vmem>> -> memref<80x128xf32, #tpu.memory_space<vmem>>
      tpu.enqueue_dma source(%dma_start3A_215 : memref<80x128xf32, #tpu.memory_space<vmem>>) target(%dma_start3A_212 : memref<80x128xf32, #tpu.memory_space<vmem_shared>>) target_semaphore(%arg10 : memref<!tpu.dma_semaphore, #tpu.memory_space<semaphore_mem>>)
    } else {
    }
    %add3A_52 = arith.constant 112 : i32
    %add3A_53 = arith.addi %arg1, %add3A_52 : i32
    %lt3A_54 = arith.constant 125 : i32
    %lt3A_55 = arith.cmpi slt, %add3A_53, %lt3A_54 : i32
    %convert_element_type3A_56 = arith.extui %lt3A_55 : i1 to i32
    %cond3A_57 = arith.constant 0 : i32
    %cond3A_58 = arith.cmpi ne, %convert_element_type3A_56, %cond3A_57 : i32
    scf.if %cond3A_58 {
      %mul3A_205 = arith.constant 80 : i32
      %mul3A_206 = arith.muli %mul3A_205, %add3A_53 : i32
      %dma_start3A = arith.constant 0 : i32
      %dma_start3A_207 = arith.constant 0 : i32
      %dma_start3A_208 = tpu.memref_slice %arg8[%dma_start3A, %dma_start3A_207] : memref<128x128xf32, #tpu.memory_space<vmem>> -> memref<80x128xf32, #tpu.memory_space<vmem>>
      %dma_start3A_209 = arith.constant 0 : i32
      %dma_start3A_210 = tpu.memref_slice %arg5[%mul3A_206, %dma_start3A_209] : memref<10064x128xf32, #tpu.memory_space<vmem_shared>> -> memref<80x128xf32, #tpu.memory_space<vmem_shared>>
      %dma_start3A_211 = arith.constant 0 : i32
      %dma_start3A_212 = tpu.memref_slice %arg5[%mul3A_206, %dma_start3A_211] : memref<10064x128xf32, #tpu.memory_space<vmem_shared>> -> memref<80x128xf32, #tpu.memory_space<vmem_shared>>
      %dma_start3A_213 = arith.constant 0 : i32
      %dma_start3A_214 = arith.constant 0 : i32
      %dma_start3A_215 = tpu.memref_slice %arg8[%dma_start3A_213, %dma_start3A_214] : memref<128x128xf32, #tpu.memory_space<vmem>> -> memref<80x128xf32, #tpu.memory_space<vmem>>
      tpu.enqueue_dma source(%dma_start3A_215 : memref<80x128xf32, #tpu.memory_space<vmem>>) target(%dma_start3A_212 : memref<80x128xf32, #tpu.memory_space<vmem_shared>>) target_semaphore(%arg10 : memref<!tpu.dma_semaphore, #tpu.memory_space<semaphore_mem>>)
    } else {
    }
    %add3A_59 = arith.constant 0 : i32
    %add3A_60 = arith.addi %arg1, %add3A_59 : i32
    %lt3A_61 = arith.constant 125 : i32
    %lt3A_62 = arith.cmpi slt, %add3A_60, %lt3A_61 : i32
    %convert_element_type3A_63 = arith.extui %lt3A_62 : i1 to i32
    %cond3A_64 = arith.constant 0 : i32
    %cond3A_65 = arith.cmpi ne, %convert_element_type3A_63, %cond3A_64 : i32
    scf.if %cond3A_65 {
      %dma_wait3A_205 = arith.constant 0 : i32
      %dma_wait3A_206 = arith.constant 0 : i32
      %dma_wait3A_207 = tpu.memref_slice %arg8[%dma_wait3A_205, %dma_wait3A_206] : memref<128x128xf32, #tpu.memory_space<vmem>> -> memref<80x128xf32, #tpu.memory_space<vmem>>
      %dma_wait3A_208 = arith.constant 0 : i32
      %dma_wait3A_209 = arith.constant 0 : i32
      %dma_wait3A_210 = tpu.memref_slice %arg5[%dma_wait3A_208, %dma_wait3A_209] : memref<10064x128xf32, #tpu.memory_space<vmem_shared>> -> memref<80x128xf32, #tpu.memory_space<vmem_shared>>
      %dma_wait3A_211 = arith.constant 0 : i32
      %dma_wait3A_212 = arith.constant 0 : i32
      %dma_wait3A_213 = tpu.memref_slice %arg5[%dma_wait3A_211, %dma_wait3A_212] : memref<10064x128xf32, #tpu.memory_space<vmem_shared>> -> memref<80x128xf32, #tpu.memory_space<vmem_shared>>
      %dma_wait3A_214 = arith.constant 0 : i32
      %dma_wait3A_215 = arith.constant 0 : i32
      %dma_wait3A_216 = tpu.memref_slice %arg8[%dma_wait3A_214, %dma_wait3A_215] : memref<128x128xf32, #tpu.memory_space<vmem>> -> memref<80x128xf32, #tpu.memory_space<vmem>>
      tpu.wait_dma2 semaphore(%arg10 : memref<!tpu.dma_semaphore, #tpu.memory_space<semaphore_mem>>) src(%dma_wait3A_216 : memref<80x128xf32, #tpu.memory_space<vmem>>) dst(%dma_wait3A_213 : memref<80x128xf32, #tpu.memory_space<vmem_shared>>)
    } else {
    }
    %add3A_66 = arith.constant 16 : i32
    %add3A_67 = arith.addi %arg1, %add3A_66 : i32
    %lt3A_68 = arith.constant 125 : i32
    %lt3A_69 = arith.cmpi slt, %add3A_67, %lt3A_68 : i32
    %convert_element_type3A_70 = arith.extui %lt3A_69 : i1 to i32
    %cond3A_71 = arith.constant 0 : i32
    %cond3A_72 = arith.cmpi ne, %convert_element_type3A_70, %cond3A_71 : i32
    scf.if %cond3A_72 {
      %dma_wait3A_205 = arith.constant 0 : i32
      %dma_wait3A_206 = arith.constant 0 : i32
      %dma_wait3A_207 = tpu.memref_slice %arg8[%dma_wait3A_205, %dma_wait3A_206] : memref<128x128xf32, #tpu.memory_space<vmem>> -> memref<80x128xf32, #tpu.memory_space<vmem>>
      %dma_wait3A_208 = arith.constant 0 : i32
      %dma_wait3A_209 = arith.constant 0 : i32
      %dma_wait3A_210 = tpu.memref_slice %arg5[%dma_wait3A_208, %dma_wait3A_209] : memref<10064x128xf32, #tpu.memory_space<vmem_shared>> -> memref<80x128xf32, #tpu.memory_space<vmem_shared>>
      %dma_wait3A_211 = arith.constant 0 : i32
      %dma_wait3A_212 = arith.constant 0 : i32
      %dma_wait3A_213 = tpu.memref_slice %arg5[%dma_wait3A_211, %dma_wait3A_212] : memref<10064x128xf32, #tpu.memory_space<vmem_shared>> -> memref<80x128xf32, #tpu.memory_space<vmem_shared>>
      %dma_wait3A_214 = arith.constant 0 : i32
      %dma_wait3A_215 = arith.constant 0 : i32
      %dma_wait3A_216 = tpu.memref_slice %arg8[%dma_wait3A_214, %dma_wait3A_215] : memref<128x128xf32, #tpu.memory_space<vmem>> -> memref<80x128xf32, #tpu.memory_space<vmem>>
      tpu.wait_dma2 semaphore(%arg10 : memref<!tpu.dma_semaphore, #tpu.memory_space<semaphore_mem>>) src(%dma_wait3A_216 : memref<80x128xf32, #tpu.memory_space<vmem>>) dst(%dma_wait3A_213 : memref<80x128xf32, #tpu.memory_space<vmem_shared>>)
    } else {
    }
    %add3A_73 = arith.constant 32 : i32
    %add3A_74 = arith.addi %arg1, %add3A_73 : i32
    %lt3A_75 = arith.constant 125 : i32
    %lt3A_76 = arith.cmpi slt, %add3A_74, %lt3A_75 : i32
    %convert_element_type3A_77 = arith.extui %lt3A_76 : i1 to i32
    %cond3A_78 = arith.constant 0 : i32
    %cond3A_79 = arith.cmpi ne, %convert_element_type3A_77, %cond3A_78 : i32
    scf.if %cond3A_79 {
      %dma_wait3A_205 = arith.constant 0 : i32
      %dma_wait3A_206 = arith.constant 0 : i32
      %dma_wait3A_207 = tpu.memref_slice %arg8[%dma_wait3A_205, %dma_wait3A_206] : memref<128x128xf32, #tpu.memory_space<vmem>> -> memref<80x128xf32, #tpu.memory_space<vmem>>
      %dma_wait3A_208 = arith.constant 0 : i32
      %dma_wait3A_209 = arith.constant 0 : i32
      %dma_wait3A_210 = tpu.memref_slice %arg5[%dma_wait3A_208, %dma_wait3A_209] : memref<10064x128xf32, #tpu.memory_space<vmem_shared>> -> memref<80x128xf32, #tpu.memory_space<vmem_shared>>
      %dma_wait3A_211 = arith.constant 0 : i32
      %dma_wait3A_212 = arith.constant 0 : i32
      %dma_wait3A_213 = tpu.memref_slice %arg5[%dma_wait3A_211, %dma_wait3A_212] : memref<10064x128xf32, #tpu.memory_space<vmem_shared>> -> memref<80x128xf32, #tpu.memory_space<vmem_shared>>
      %dma_wait3A_214 = arith.constant 0 : i32
      %dma_wait3A_215 = arith.constant 0 : i32
      %dma_wait3A_216 = tpu.memref_slice %arg8[%dma_wait3A_214, %dma_wait3A_215] : memref<128x128xf32, #tpu.memory_space<vmem>> -> memref<80x128xf32, #tpu.memory_space<vmem>>
      tpu.wait_dma2 semaphore(%arg10 : memref<!tpu.dma_semaphore, #tpu.memory_space<semaphore_mem>>) src(%dma_wait3A_216 : memref<80x128xf32, #tpu.memory_space<vmem>>) dst(%dma_wait3A_213 : memref<80x128xf32, #tpu.memory_space<vmem_shared>>)
    } else {
    }
    %add3A_80 = arith.constant 48 : i32
    %add3A_81 = arith.addi %arg1, %add3A_80 : i32
    %lt3A_82 = arith.constant 125 : i32
    %lt3A_83 = arith.cmpi slt, %add3A_81, %lt3A_82 : i32
    %convert_element_type3A_84 = arith.extui %lt3A_83 : i1 to i32
    %cond3A_85 = arith.constant 0 : i32
    %cond3A_86 = arith.cmpi ne, %convert_element_type3A_84, %cond3A_85 : i32
    scf.if %cond3A_86 {
      %dma_wait3A_205 = arith.constant 0 : i32
      %dma_wait3A_206 = arith.constant 0 : i32
      %dma_wait3A_207 = tpu.memref_slice %arg8[%dma_wait3A_205, %dma_wait3A_206] : memref<128x128xf32, #tpu.memory_space<vmem>> -> memref<80x128xf32, #tpu.memory_space<vmem>>
      %dma_wait3A_208 = arith.constant 0 : i32
      %dma_wait3A_209 = arith.constant 0 : i32
      %dma_wait3A_210 = tpu.memref_slice %arg5[%dma_wait3A_208, %dma_wait3A_209] : memref<10064x128xf32, #tpu.memory_space<vmem_shared>> -> memref<80x128xf32, #tpu.memory_space<vmem_shared>>
      %dma_wait3A_211 = arith.constant 0 : i32
      %dma_wait3A_212 = arith.constant 0 : i32
      %dma_wait3A_213 = tpu.memref_slice %arg5[%dma_wait3A_211, %dma_wait3A_212] : memref<10064x128xf32, #tpu.memory_space<vmem_shared>> -> memref<80x128xf32, #tpu.memory_space<vmem_shared>>
      %dma_wait3A_214 = arith.constant 0 : i32
      %dma_wait3A_215 = arith.constant 0 : i32
      %dma_wait3A_216 = tpu.memref_slice %arg8[%dma_wait3A_214, %dma_wait3A_215] : memref<128x128xf32, #tpu.memory_space<vmem>> -> memref<80x128xf32, #tpu.memory_space<vmem>>
      tpu.wait_dma2 semaphore(%arg10 : memref<!tpu.dma_semaphore, #tpu.memory_space<semaphore_mem>>) src(%dma_wait3A_216 : memref<80x128xf32, #tpu.memory_space<vmem>>) dst(%dma_wait3A_213 : memref<80x128xf32, #tpu.memory_space<vmem_shared>>)
    } else {
    }
    %add3A_87 = arith.constant 64 : i32
    %add3A_88 = arith.addi %arg1, %add3A_87 : i32
    %lt3A_89 = arith.constant 125 : i32
    %lt3A_90 = arith.cmpi slt, %add3A_88, %lt3A_89 : i32
    %convert_element_type3A_91 = arith.extui %lt3A_90 : i1 to i32
    %cond3A_92 = arith.constant 0 : i32
    %cond3A_93 = arith.cmpi ne, %convert_element_type3A_91, %cond3A_92 : i32
    scf.if %cond3A_93 {
      %dma_wait3A_205 = arith.constant 0 : i32
      %dma_wait3A_206 = arith.constant 0 : i32
      %dma_wait3A_207 = tpu.memref_slice %arg8[%dma_wait3A_205, %dma_wait3A_206] : memref<128x128xf32, #tpu.memory_space<vmem>> -> memref<80x128xf32, #tpu.memory_space<vmem>>
      %dma_wait3A_208 = arith.constant 0 : i32
      %dma_wait3A_209 = arith.constant 0 : i32
      %dma_wait3A_210 = tpu.memref_slice %arg5[%dma_wait3A_208, %dma_wait3A_209] : memref<10064x128xf32, #tpu.memory_space<vmem_shared>> -> memref<80x128xf32, #tpu.memory_space<vmem_shared>>
      %dma_wait3A_211 = arith.constant 0 : i32
      %dma_wait3A_212 = arith.constant 0 : i32
      %dma_wait3A_213 = tpu.memref_slice %arg5[%dma_wait3A_211, %dma_wait3A_212] : memref<10064x128xf32, #tpu.memory_space<vmem_shared>> -> memref<80x128xf32, #tpu.memory_space<vmem_shared>>
      %dma_wait3A_214 = arith.constant 0 : i32
      %dma_wait3A_215 = arith.constant 0 : i32
      %dma_wait3A_216 = tpu.memref_slice %arg8[%dma_wait3A_214, %dma_wait3A_215] : memref<128x128xf32, #tpu.memory_space<vmem>> -> memref<80x128xf32, #tpu.memory_space<vmem>>
      tpu.wait_dma2 semaphore(%arg10 : memref<!tpu.dma_semaphore, #tpu.memory_space<semaphore_mem>>) src(%dma_wait3A_216 : memref<80x128xf32, #tpu.memory_space<vmem>>) dst(%dma_wait3A_213 : memref<80x128xf32, #tpu.memory_space<vmem_shared>>)
    } else {
    }
    %add3A_94 = arith.constant 80 : i32
    %add3A_95 = arith.addi %arg1, %add3A_94 : i32
    %lt3A_96 = arith.constant 125 : i32
    %lt3A_97 = arith.cmpi slt, %add3A_95, %lt3A_96 : i32
    %convert_element_type3A_98 = arith.extui %lt3A_97 : i1 to i32
    %cond3A_99 = arith.constant 0 : i32
    %cond3A_100 = arith.cmpi ne, %convert_element_type3A_98, %cond3A_99 : i32
    scf.if %cond3A_100 {
      %dma_wait3A_205 = arith.constant 0 : i32
      %dma_wait3A_206 = arith.constant 0 : i32
      %dma_wait3A_207 = tpu.memref_slice %arg8[%dma_wait3A_205, %dma_wait3A_206] : memref<128x128xf32, #tpu.memory_space<vmem>> -> memref<80x128xf32, #tpu.memory_space<vmem>>
      %dma_wait3A_208 = arith.constant 0 : i32
      %dma_wait3A_209 = arith.constant 0 : i32
      %dma_wait3A_210 = tpu.memref_slice %arg5[%dma_wait3A_208, %dma_wait3A_209] : memref<10064x128xf32, #tpu.memory_space<vmem_shared>> -> memref<80x128xf32, #tpu.memory_space<vmem_shared>>
      %dma_wait3A_211 = arith.constant 0 : i32
      %dma_wait3A_212 = arith.constant 0 : i32
      %dma_wait3A_213 = tpu.memref_slice %arg5[%dma_wait3A_211, %dma_wait3A_212] : memref<10064x128xf32, #tpu.memory_space<vmem_shared>> -> memref<80x128xf32, #tpu.memory_space<vmem_shared>>
      %dma_wait3A_214 = arith.constant 0 : i32
      %dma_wait3A_215 = arith.constant 0 : i32
      %dma_wait3A_216 = tpu.memref_slice %arg8[%dma_wait3A_214, %dma_wait3A_215] : memref<128x128xf32, #tpu.memory_space<vmem>> -> memref<80x128xf32, #tpu.memory_space<vmem>>
      tpu.wait_dma2 semaphore(%arg10 : memref<!tpu.dma_semaphore, #tpu.memory_space<semaphore_mem>>) src(%dma_wait3A_216 : memref<80x128xf32, #tpu.memory_space<vmem>>) dst(%dma_wait3A_213 : memref<80x128xf32, #tpu.memory_space<vmem_shared>>)
    } else {
    }
    %add3A_101 = arith.constant 96 : i32
    %add3A_102 = arith.addi %arg1, %add3A_101 : i32
    %lt3A_103 = arith.constant 125 : i32
    %lt3A_104 = arith.cmpi slt, %add3A_102, %lt3A_103 : i32
    %convert_element_type3A_105 = arith.extui %lt3A_104 : i1 to i32
    %cond3A_106 = arith.constant 0 : i32
    %cond3A_107 = arith.cmpi ne, %convert_element_type3A_105, %cond3A_106 : i32
    scf.if %cond3A_107 {
      %dma_wait3A_205 = arith.constant 0 : i32
      %dma_wait3A_206 = arith.constant 0 : i32
      %dma_wait3A_207 = tpu.memref_slice %arg8[%dma_wait3A_205, %dma_wait3A_206] : memref<128x128xf32, #tpu.memory_space<vmem>> -> memref<80x128xf32, #tpu.memory_space<vmem>>
      %dma_wait3A_208 = arith.constant 0 : i32
      %dma_wait3A_209 = arith.constant 0 : i32
      %dma_wait3A_210 = tpu.memref_slice %arg5[%dma_wait3A_208, %dma_wait3A_209] : memref<10064x128xf32, #tpu.memory_space<vmem_shared>> -> memref<80x128xf32, #tpu.memory_space<vmem_shared>>
      %dma_wait3A_211 = arith.constant 0 : i32
      %dma_wait3A_212 = arith.constant 0 : i32
      %dma_wait3A_213 = tpu.memref_slice %arg5[%dma_wait3A_211, %dma_wait3A_212] : memref<10064x128xf32, #tpu.memory_space<vmem_shared>> -> memref<80x128xf32, #tpu.memory_space<vmem_shared>>
      %dma_wait3A_214 = arith.constant 0 : i32
      %dma_wait3A_215 = arith.constant 0 : i32
      %dma_wait3A_216 = tpu.memref_slice %arg8[%dma_wait3A_214, %dma_wait3A_215] : memref<128x128xf32, #tpu.memory_space<vmem>> -> memref<80x128xf32, #tpu.memory_space<vmem>>
      tpu.wait_dma2 semaphore(%arg10 : memref<!tpu.dma_semaphore, #tpu.memory_space<semaphore_mem>>) src(%dma_wait3A_216 : memref<80x128xf32, #tpu.memory_space<vmem>>) dst(%dma_wait3A_213 : memref<80x128xf32, #tpu.memory_space<vmem_shared>>)
    } else {
    }
    %add3A_108 = arith.constant 112 : i32
    %add3A_109 = arith.addi %arg1, %add3A_108 : i32
    %lt3A_110 = arith.constant 125 : i32
    %lt3A_111 = arith.cmpi slt, %add3A_109, %lt3A_110 : i32
    %convert_element_type3A_112 = arith.extui %lt3A_111 : i1 to i32
    %cond3A_113 = arith.constant 0 : i32
    %cond3A_114 = arith.cmpi ne, %convert_element_type3A_112, %cond3A_113 : i32
    scf.if %cond3A_114 {
      %dma_wait3A_205 = arith.constant 0 : i32
      %dma_wait3A_206 = arith.constant 0 : i32
      %dma_wait3A_207 = tpu.memref_slice %arg8[%dma_wait3A_205, %dma_wait3A_206] : memref<128x128xf32, #tpu.memory_space<vmem>> -> memref<80x128xf32, #tpu.memory_space<vmem>>
      %dma_wait3A_208 = arith.constant 0 : i32
      %dma_wait3A_209 = arith.constant 0 : i32
      %dma_wait3A_210 = tpu.memref_slice %arg5[%dma_wait3A_208, %dma_wait3A_209] : memref<10064x128xf32, #tpu.memory_space<vmem_shared>> -> memref<80x128xf32, #tpu.memory_space<vmem_shared>>
      %dma_wait3A_211 = arith.constant 0 : i32
      %dma_wait3A_212 = arith.constant 0 : i32
      %dma_wait3A_213 = tpu.memref_slice %arg5[%dma_wait3A_211, %dma_wait3A_212] : memref<10064x128xf32, #tpu.memory_space<vmem_shared>> -> memref<80x128xf32, #tpu.memory_space<vmem_shared>>
      %dma_wait3A_214 = arith.constant 0 : i32
      %dma_wait3A_215 = arith.constant 0 : i32
      %dma_wait3A_216 = tpu.memref_slice %arg8[%dma_wait3A_214, %dma_wait3A_215] : memref<128x128xf32, #tpu.memory_space<vmem>> -> memref<80x128xf32, #tpu.memory_space<vmem>>
      tpu.wait_dma2 semaphore(%arg10 : memref<!tpu.dma_semaphore, #tpu.memory_space<semaphore_mem>>) src(%dma_wait3A_216 : memref<80x128xf32, #tpu.memory_space<vmem>>) dst(%dma_wait3A_213 : memref<80x128xf32, #tpu.memory_space<vmem_shared>>)
    } else {
    }
    %barrier3A = arith.constant 0 : index
    tpu.barrier barrier_id(%barrier3A)
    %scan3A_115 = arith.constant 0 : i32
    %scan3A_116 = arith.constant 0 : i32
    %scan3A_117 = arith.constant 2 : i32
    %scan3A_118 = arith.addi %scan3A_116, %scan3A_117 : i32
    %scan3A_119 = arith.constant 1 : i32
    scf.for %scan3A_205 = %scan3A_116 to %scan3A_118 step %scan3A_119  : i32 {
      %mul3A_206 = arith.constant 40 : i32
      %mul3A_207 = arith.muli %mul3A_206, %scan3A_205 : i32
      %run_scoped3A = arith.constant 0 : i32
      "tpu.region"() ({
        %run_scoped3A_222 = tpu.sem_alloc : memref<!tpu.dma_semaphore, #tpu.memory_space<semaphore_mem>>
        %dma_start3A_223 = arith.constant 0 : i32
        %dma_start3A_224 = tpu.memref_slice %arg3[%run_scoped3A, %add3A, %mul3A_207, %dma_start3A_223] : memref<2x32x80x128xi32, #tpu.memory_space<hbm>> -> memref<1x1x40x128xi32, #tpu.memory_space<hbm>>
        %dma_start3A_225 = tpu.memref_squeeze %dma_start3A_224 : memref<1x1x40x128xi32, #tpu.memory_space<hbm>> -> memref<40x128xi32, #tpu.memory_space<hbm>>
        %dma_start3A_226 = arith.constant 0 : i32
        %dma_start3A_227 = tpu.memref_slice %arg3[%run_scoped3A, %add3A, %mul3A_207, %dma_start3A_226] : memref<2x32x80x128xi32, #tpu.memory_space<hbm>> -> memref<1x1x40x128xi32, #tpu.memory_space<hbm>>
        %dma_start3A_228 = tpu.memref_squeeze %dma_start3A_227 : memref<1x1x40x128xi32, #tpu.memory_space<hbm>> -> memref<40x128xi32, #tpu.memory_space<hbm>>
        tpu.enqueue_dma source(%dma_start3A_228 : memref<40x128xi32, #tpu.memory_space<hbm>>) target(%arg6 : memref<40x128xi32, #tpu.memory_space<vmem>>) target_semaphore(%run_scoped3A_222 : memref<!tpu.dma_semaphore, #tpu.memory_space<semaphore_mem>>)
        %dma_wait3A_229 = arith.constant 0 : i32
        %dma_wait3A_230 = tpu.memref_slice %arg3[%run_scoped3A, %add3A, %mul3A_207, %dma_wait3A_229] : memref<2x32x80x128xi32, #tpu.memory_space<hbm>> -> memref<1x1x40x128xi32, #tpu.memory_space<hbm>>
        %dma_wait3A_231 = tpu.memref_squeeze %dma_wait3A_230 : memref<1x1x40x128xi32, #tpu.memory_space<hbm>> -> memref<40x128xi32, #tpu.memory_space<hbm>>
        %dma_wait3A_232 = arith.constant 0 : i32
        %dma_wait3A_233 = tpu.memref_slice %arg3[%run_scoped3A, %add3A, %mul3A_207, %dma_wait3A_232] : memref<2x32x80x128xi32, #tpu.memory_space<hbm>> -> memref<1x1x40x128xi32, #tpu.memory_space<hbm>>
        %dma_wait3A_234 = tpu.memref_squeeze %dma_wait3A_233 : memref<1x1x40x128xi32, #tpu.memory_space<hbm>> -> memref<40x128xi32, #tpu.memory_space<hbm>>
        tpu.wait_dma2 semaphore(%run_scoped3A_222 : memref<!tpu.dma_semaphore, #tpu.memory_space<semaphore_mem>>) src(%dma_wait3A_234 : memref<40x128xi32, #tpu.memory_space<hbm>>) dst(%arg6 : memref<40x128xi32, #tpu.memory_space<vmem>>)
        tpu.yield
      }) : () -> ()
      %mul3A_208 = arith.constant 40 : i32
      %mul3A_209 = arith.muli %mul3A_208, %scan3A_205 : i32
      %run_scoped3A_210 = arith.constant 1 : i32
      "tpu.region"() ({
        %run_scoped3A_222 = tpu.sem_alloc : memref<!tpu.dma_semaphore, #tpu.memory_space<semaphore_mem>>
        %dma_start3A_223 = arith.constant 0 : i32
        %dma_start3A_224 = tpu.memref_slice %arg3[%run_scoped3A_210, %add3A, %mul3A_209, %dma_start3A_223] : memref<2x32x80x128xi32, #tpu.memory_space<hbm>> -> memref<1x1x40x128xi32, #tpu.memory_space<hbm>>
        %dma_start3A_225 = tpu.memref_squeeze %dma_start3A_224 : memref<1x1x40x128xi32, #tpu.memory_space<hbm>> -> memref<40x128xi32, #tpu.memory_space<hbm>>
        %dma_start3A_226 = arith.constant 0 : i32
        %dma_start3A_227 = tpu.memref_slice %arg3[%run_scoped3A_210, %add3A, %mul3A_209, %dma_start3A_226] : memref<2x32x80x128xi32, #tpu.memory_space<hbm>> -> memref<1x1x40x128xi32, #tpu.memory_space<hbm>>
        %dma_start3A_228 = tpu.memref_squeeze %dma_start3A_227 : memref<1x1x40x128xi32, #tpu.memory_space<hbm>> -> memref<40x128xi32, #tpu.memory_space<hbm>>
        tpu.enqueue_dma source(%dma_start3A_228 : memref<40x128xi32, #tpu.memory_space<hbm>>) target(%arg7 : memref<40x128xi32, #tpu.memory_space<vmem>>) target_semaphore(%run_scoped3A_222 : memref<!tpu.dma_semaphore, #tpu.memory_space<semaphore_mem>>)
        %dma_wait3A_229 = arith.constant 0 : i32
        %dma_wait3A_230 = tpu.memref_slice %arg3[%run_scoped3A_210, %add3A, %mul3A_209, %dma_wait3A_229] : memref<2x32x80x128xi32, #tpu.memory_space<hbm>> -> memref<1x1x40x128xi32, #tpu.memory_space<hbm>>
        %dma_wait3A_231 = tpu.memref_squeeze %dma_wait3A_230 : memref<1x1x40x128xi32, #tpu.memory_space<hbm>> -> memref<40x128xi32, #tpu.memory_space<hbm>>
        %dma_wait3A_232 = arith.constant 0 : i32
        %dma_wait3A_233 = tpu.memref_slice %arg3[%run_scoped3A_210, %add3A, %mul3A_209, %dma_wait3A_232] : memref<2x32x80x128xi32, #tpu.memory_space<hbm>> -> memref<1x1x40x128xi32, #tpu.memory_space<hbm>>
        %dma_wait3A_234 = tpu.memref_squeeze %dma_wait3A_233 : memref<1x1x40x128xi32, #tpu.memory_space<hbm>> -> memref<40x128xi32, #tpu.memory_space<hbm>>
        tpu.wait_dma2 semaphore(%run_scoped3A_222 : memref<!tpu.dma_semaphore, #tpu.memory_space<semaphore_mem>>) src(%dma_wait3A_234 : memref<40x128xi32, #tpu.memory_space<hbm>>) dst(%arg7 : memref<40x128xi32, #tpu.memory_space<vmem>>)
        tpu.yield
      }) : () -> ()
      %dma_start3A = arith.constant 0 : i32
      %dma_start3A_211 = arith.constant 0 : i32
      %dma_start3A_212 = tpu.memref_slice %arg6[%dma_start3A, %dma_start3A_211] : memref<40x128xi32, #tpu.memory_space<vmem>> -> memref<1x128xi32, #tpu.memory_space<vmem>>
      %dma_start3A_213 = tpu.memref_squeeze %dma_start3A_212 : memref<1x128xi32, #tpu.memory_space<vmem>> -> memref<128xi32, #tpu.memory_space<vmem>>
      %dma_start3A_214 = arith.constant 0 : i32
      %dma_start3A_215 = arith.constant 0 : i32
      %dma_start3A_216 = tpu.memref_slice %arg2[%dma_start3A_214, %dma_start3A_215] : memref<10000x128xf32, #tpu.memory_space<hbm>> -> memref<10000x128xf32, #tpu.memory_space<hbm>>
      tpu.enqueue_indirect_dma source(%dma_start3A_216 : memref<10000x128xf32, #tpu.memory_space<hbm>>) target(%arg8 : memref<128x128xf32, #tpu.memory_space<vmem>>) offsets(%dma_start3A_213 : memref<128xi32, #tpu.memory_space<vmem>>) semaphore(%arg10 : memref<!tpu.dma_semaphore, #tpu.memory_space<semaphore_mem>>)
      %scan3A_217 = arith.constant 0 : i32
      %scan3A_218 = arith.constant 20 : i32
      %scan3A_219 = arith.addi %scan3A_217, %scan3A_218 : i32
      %scan3A_220 = arith.constant 1 : i32
      scf.for %scan3A_222 = %scan3A_217 to %scan3A_219 step %scan3A_220  : i32 {
        %mul3A_223 = arith.constant 2 : i32
        %mul3A_224 = arith.muli %mul3A_223, %scan3A_222 : i32
        %add3A_225 = arith.constant 1 : i32
        %add3A_226 = arith.addi %mul3A_224, %add3A_225 : i32
        %dma_start3A_227 = arith.constant 0 : i32
        %dma_start3A_228 = tpu.memref_slice %arg6[%add3A_226, %dma_start3A_227] : memref<40x128xi32, #tpu.memory_space<vmem>> -> memref<1x128xi32, #tpu.memory_space<vmem>>
        %dma_start3A_229 = tpu.memref_squeeze %dma_start3A_228 : memref<1x128xi32, #tpu.memory_space<vmem>> -> memref<128xi32, #tpu.memory_space<vmem>>
        %dma_start3A_230 = arith.constant 0 : i32
        %dma_start3A_231 = arith.constant 0 : i32
        %dma_start3A_232 = tpu.memref_slice %arg2[%dma_start3A_230, %dma_start3A_231] : memref<10000x128xf32, #tpu.memory_space<hbm>> -> memref<10000x128xf32, #tpu.memory_space<hbm>>
        tpu.enqueue_indirect_dma source(%dma_start3A_232 : memref<10000x128xf32, #tpu.memory_space<hbm>>) target(%arg9 : memref<128x128xf32, #tpu.memory_space<vmem>>) offsets(%dma_start3A_229 : memref<128xi32, #tpu.memory_space<vmem>>) semaphore(%arg11 : memref<!tpu.dma_semaphore, #tpu.memory_space<semaphore_mem>>)
        %dma_wait3A_233 = arith.constant 0 : i32
        %dma_wait3A_234 = arith.constant 0 : i32
        %dma_wait3A_235 = tpu.memref_slice %arg6[%dma_wait3A_233, %dma_wait3A_234] : memref<40x128xi32, #tpu.memory_space<vmem>> -> memref<1x128xi32, #tpu.memory_space<vmem>>
        %dma_wait3A_236 = tpu.memref_squeeze %dma_wait3A_235 : memref<1x128xi32, #tpu.memory_space<vmem>> -> memref<128xi32, #tpu.memory_space<vmem>>
        %dma_wait3A_237 = arith.constant 0 : i32
        %dma_wait3A_238 = arith.constant 0 : i32
        %dma_wait3A_239 = tpu.memref_slice %arg2[%dma_wait3A_237, %dma_wait3A_238] : memref<10000x128xf32, #tpu.memory_space<hbm>> -> memref<10000x128xf32, #tpu.memory_space<hbm>>
        tpu.wait_indirect_dma semaphore(%arg10 : memref<!tpu.dma_semaphore, #tpu.memory_space<semaphore_mem>>) src(%dma_wait3A_239 : memref<10000x128xf32, #tpu.memory_space<hbm>>) dst(%arg8 : memref<128x128xf32, #tpu.memory_space<vmem>>)
        "tpu.region"() ({
          %run_scoped3A_256 = tpu.sem_alloc : memref<!tpu.dma_semaphore, #tpu.memory_space<semaphore_mem>>
          %dma_start3A_257 = arith.constant 0 : i32
          %dma_start3A_258 = tpu.memref_slice %arg7[%mul3A_224, %dma_start3A_257] : memref<40x128xi32, #tpu.memory_space<vmem>> -> memref<1x128xi32, #tpu.memory_space<vmem>>
          %dma_start3A_259 = tpu.memref_squeeze %dma_start3A_258 : memref<1x128xi32, #tpu.memory_space<vmem>> -> memref<128xi32, #tpu.memory_space<vmem>>
          %dma_start3A_260 = arith.constant 0 : i32
          %dma_start3A_261 = arith.constant 0 : i32
          %dma_start3A_262 = tpu.memref_slice %arg5[%dma_start3A_260, %dma_start3A_261] : memref<10064x128xf32, #tpu.memory_space<vmem_shared>> -> memref<10064x128xf32, #tpu.memory_space<vmem_shared>>
          tpu.enqueue_indirect_dma source(%arg8 : memref<128x128xf32, #tpu.memory_space<vmem>>) target(%dma_start3A_262 : memref<10064x128xf32, #tpu.memory_space<vmem_shared>>) offsets(%dma_start3A_259 : memref<128xi32, #tpu.memory_space<vmem>>) semaphore(%run_scoped3A_256 : memref<!tpu.dma_semaphore, #tpu.memory_space<semaphore_mem>>) {add = true}
          %dma_wait3A_263 = arith.constant 0 : i32
          %dma_wait3A_264 = tpu.memref_slice %arg7[%mul3A_224, %dma_wait3A_263] : memref<40x128xi32, #tpu.memory_space<vmem>> -> memref<1x128xi32, #tpu.memory_space<vmem>>
          %dma_wait3A_265 = tpu.memref_squeeze %dma_wait3A_264 : memref<1x128xi32, #tpu.memory_space<vmem>> -> memref<128xi32, #tpu.memory_space<vmem>>
          %dma_wait3A_266 = arith.constant 0 : i32
          %dma_wait3A_267 = arith.constant 0 : i32
          %dma_wait3A_268 = tpu.memref_slice %arg5[%dma_wait3A_266, %dma_wait3A_267] : memref<10064x128xf32, #tpu.memory_space<vmem_shared>> -> memref<10064x128xf32, #tpu.memory_space<vmem_shared>>
          tpu.wait_indirect_dma semaphore(%run_scoped3A_256 : memref<!tpu.dma_semaphore, #tpu.memory_space<semaphore_mem>>) src(%arg8 : memref<128x128xf32, #tpu.memory_space<vmem>>) dst(%dma_wait3A_268 : memref<10064x128xf32, #tpu.memory_space<vmem_shared>>)
          tpu.yield
        }) : () -> ()
        %add3A_240 = arith.constant 2 : i32
        %add3A_241 = arith.addi %mul3A_224, %add3A_240 : i32
        %lt3A_242 = arith.constant 40 : i32
        %lt3A_243 = arith.cmpi slt, %add3A_241, %lt3A_242 : i32
        %convert_element_type3A_244 = arith.extui %lt3A_243 : i1 to i32
        %cond3A_245 = arith.constant 0 : i32
        %cond3A_246 = arith.cmpi ne, %convert_element_type3A_244, %cond3A_245 : i32
        scf.if %cond3A_246 {
          %add3A_256 = arith.constant 2 : i32
          %add3A_257 = arith.addi %mul3A_224, %add3A_256 : i32
          %dma_start3A_258 = arith.constant 0 : i32
          %dma_start3A_259 = tpu.memref_slice %arg6[%add3A_257, %dma_start3A_258] : memref<40x128xi32, #tpu.memory_space<vmem>> -> memref<1x128xi32, #tpu.memory_space<vmem>>
          %dma_start3A_260 = tpu.memref_squeeze %dma_start3A_259 : memref<1x128xi32, #tpu.memory_space<vmem>> -> memref<128xi32, #tpu.memory_space<vmem>>
          %dma_start3A_261 = arith.constant 0 : i32
          %dma_start3A_262 = arith.constant 0 : i32
          %dma_start3A_263 = tpu.memref_slice %arg2[%dma_start3A_261, %dma_start3A_262] : memref<10000x128xf32, #tpu.memory_space<hbm>> -> memref<10000x128xf32, #tpu.memory_space<hbm>>
          tpu.enqueue_indirect_dma source(%dma_start3A_263 : memref<10000x128xf32, #tpu.memory_space<hbm>>) target(%arg8 : memref<128x128xf32, #tpu.memory_space<vmem>>) offsets(%dma_start3A_260 : memref<128xi32, #tpu.memory_space<vmem>>) semaphore(%arg10 : memref<!tpu.dma_semaphore, #tpu.memory_space<semaphore_mem>>)
        } else {
        }
        %dma_wait3A_247 = arith.constant 0 : i32
        %dma_wait3A_248 = arith.constant 0 : i32
        %dma_wait3A_249 = tpu.memref_slice %arg6[%dma_wait3A_247, %dma_wait3A_248] : memref<40x128xi32, #tpu.memory_space<vmem>> -> memref<1x128xi32, #tpu.memory_space<vmem>>
        %dma_wait3A_250 = tpu.memref_squeeze %dma_wait3A_249 : memref<1x128xi32, #tpu.memory_space<vmem>> -> memref<128xi32, #tpu.memory_space<vmem>>
        %dma_wait3A_251 = arith.constant 0 : i32
        %dma_wait3A_252 = arith.constant 0 : i32
        %dma_wait3A_253 = tpu.memref_slice %arg2[%dma_wait3A_251, %dma_wait3A_252] : memref<10000x128xf32, #tpu.memory_space<hbm>> -> memref<10000x128xf32, #tpu.memory_space<hbm>>
        tpu.wait_indirect_dma semaphore(%arg11 : memref<!tpu.dma_semaphore, #tpu.memory_space<semaphore_mem>>) src(%dma_wait3A_253 : memref<10000x128xf32, #tpu.memory_space<hbm>>) dst(%arg9 : memref<128x128xf32, #tpu.memory_space<vmem>>)
        %add3A_254 = arith.constant 1 : i32
        %add3A_255 = arith.addi %mul3A_224, %add3A_254 : i32
        "tpu.region"() ({
          %run_scoped3A_256 = tpu.sem_alloc : memref<!tpu.dma_semaphore, #tpu.memory_space<semaphore_mem>>
          %dma_start3A_257 = arith.constant 0 : i32
          %dma_start3A_258 = tpu.memref_slice %arg7[%add3A_255, %dma_start3A_257] : memref<40x128xi32, #tpu.memory_space<vmem>> -> memref<1x128xi32, #tpu.memory_space<vmem>>
          %dma_start3A_259 = tpu.memref_squeeze %dma_start3A_258 : memref<1x128xi32, #tpu.memory_space<vmem>> -> memref<128xi32, #tpu.memory_space<vmem>>
          %dma_start3A_260 = arith.constant 0 : i32
          %dma_start3A_261 = arith.constant 0 : i32
          %dma_start3A_262 = tpu.memref_slice %arg5[%dma_start3A_260, %dma_start3A_261] : memref<10064x128xf32, #tpu.memory_space<vmem_shared>> -> memref<10064x128xf32, #tpu.memory_space<vmem_shared>>
          tpu.enqueue_indirect_dma source(%arg9 : memref<128x128xf32, #tpu.memory_space<vmem>>) target(%dma_start3A_262 : memref<10064x128xf32, #tpu.memory_space<vmem_shared>>) offsets(%dma_start3A_259 : memref<128xi32, #tpu.memory_space<vmem>>) semaphore(%run_scoped3A_256 : memref<!tpu.dma_semaphore, #tpu.memory_space<semaphore_mem>>) {add = true}
          %dma_wait3A_263 = arith.constant 0 : i32
          %dma_wait3A_264 = tpu.memref_slice %arg7[%add3A_255, %dma_wait3A_263] : memref<40x128xi32, #tpu.memory_space<vmem>> -> memref<1x128xi32, #tpu.memory_space<vmem>>
          %dma_wait3A_265 = tpu.memref_squeeze %dma_wait3A_264 : memref<1x128xi32, #tpu.memory_space<vmem>> -> memref<128xi32, #tpu.memory_space<vmem>>
          %dma_wait3A_266 = arith.constant 0 : i32
          %dma_wait3A_267 = arith.constant 0 : i32
          %dma_wait3A_268 = tpu.memref_slice %arg5[%dma_wait3A_266, %dma_wait3A_267] : memref<10064x128xf32, #tpu.memory_space<vmem_shared>> -> memref<10064x128xf32, #tpu.memory_space<vmem_shared>>
          tpu.wait_indirect_dma semaphore(%run_scoped3A_256 : memref<!tpu.dma_semaphore, #tpu.memory_space<semaphore_mem>>) src(%arg9 : memref<128x128xf32, #tpu.memory_space<vmem>>) dst(%dma_wait3A_268 : memref<10064x128xf32, #tpu.memory_space<vmem_shared>>)
          tpu.yield
        }) : () -> ()
      }
      %scan3A_221 = arith.constant 20 : i32
    }
    %scan3A_120 = arith.constant 2 : i32
    %barrier3A_121 = arith.constant 0 : index
    tpu.barrier barrier_id(%barrier3A_121)
    %add3A_122 = arith.constant 0 : i32
    %add3A_123 = arith.addi %arg1, %add3A_122 : i32
    %lt3A_124 = arith.constant 125 : i32
    %lt3A_125 = arith.cmpi slt, %add3A_123, %lt3A_124 : i32
    %convert_element_type3A_126 = arith.extui %lt3A_125 : i1 to i32
    %cond3A_127 = arith.constant 0 : i32
    %cond3A_128 = arith.cmpi ne, %convert_element_type3A_126, %cond3A_127 : i32
    scf.if %cond3A_128 {
      %mul3A_205 = arith.constant 80 : i32
      %mul3A_206 = arith.muli %mul3A_205, %add3A_123 : i32
      %dma_start3A = arith.constant 0 : i32
      %dma_start3A_207 = arith.constant 0 : i32
      %dma_start3A_208 = tpu.memref_slice %arg8[%dma_start3A, %dma_start3A_207] : memref<128x128xf32, #tpu.memory_space<vmem>> -> memref<80x128xf32, #tpu.memory_space<vmem>>
      %dma_start3A_209 = arith.constant 0 : i32
      %dma_start3A_210 = tpu.memref_slice %arg5[%mul3A_206, %dma_start3A_209] : memref<10064x128xf32, #tpu.memory_space<vmem_shared>> -> memref<80x128xf32, #tpu.memory_space<vmem_shared>>
      %dma_start3A_211 = arith.constant 0 : i32
      %dma_start3A_212 = arith.constant 0 : i32
      %dma_start3A_213 = tpu.memref_slice %arg8[%dma_start3A_211, %dma_start3A_212] : memref<128x128xf32, #tpu.memory_space<vmem>> -> memref<80x128xf32, #tpu.memory_space<vmem>>
      %dma_start3A_214 = arith.constant 0 : i32
      %dma_start3A_215 = tpu.memref_slice %arg5[%mul3A_206, %dma_start3A_214] : memref<10064x128xf32, #tpu.memory_space<vmem_shared>> -> memref<80x128xf32, #tpu.memory_space<vmem_shared>>
      tpu.enqueue_dma source(%dma_start3A_215 : memref<80x128xf32, #tpu.memory_space<vmem_shared>>) target(%dma_start3A_213 : memref<80x128xf32, #tpu.memory_space<vmem>>) target_semaphore(%arg10 : memref<!tpu.dma_semaphore, #tpu.memory_space<semaphore_mem>>)
      %dma_wait3A_216 = arith.constant 0 : i32
      %dma_wait3A_217 = arith.constant 0 : i32
      %dma_wait3A_218 = tpu.memref_slice %arg8[%dma_wait3A_216, %dma_wait3A_217] : memref<128x128xf32, #tpu.memory_space<vmem>> -> memref<80x128xf32, #tpu.memory_space<vmem>>
      %dma_wait3A_219 = arith.constant 0 : i32
      %dma_wait3A_220 = arith.constant 0 : i32
      %dma_wait3A_221 = tpu.memref_slice %arg5[%dma_wait3A_219, %dma_wait3A_220] : memref<10064x128xf32, #tpu.memory_space<vmem_shared>> -> memref<80x128xf32, #tpu.memory_space<vmem_shared>>
      %dma_wait3A_222 = arith.constant 0 : i32
      %dma_wait3A_223 = arith.constant 0 : i32
      %dma_wait3A_224 = tpu.memref_slice %arg8[%dma_wait3A_222, %dma_wait3A_223] : memref<128x128xf32, #tpu.memory_space<vmem>> -> memref<80x128xf32, #tpu.memory_space<vmem>>
      %dma_wait3A_225 = arith.constant 0 : i32
      %dma_wait3A_226 = arith.constant 0 : i32
      %dma_wait3A_227 = tpu.memref_slice %arg5[%dma_wait3A_225, %dma_wait3A_226] : memref<10064x128xf32, #tpu.memory_space<vmem_shared>> -> memref<80x128xf32, #tpu.memory_space<vmem_shared>>
      tpu.wait_dma2 semaphore(%arg10 : memref<!tpu.dma_semaphore, #tpu.memory_space<semaphore_mem>>) src(%dma_wait3A_227 : memref<80x128xf32, #tpu.memory_space<vmem_shared>>) dst(%dma_wait3A_224 : memref<80x128xf32, #tpu.memory_space<vmem>>)
      %dma_start3A_228 = arith.constant 0 : i32
      %dma_start3A_229 = arith.constant 0 : i32
      %dma_start3A_230 = tpu.memref_slice %arg8[%dma_start3A_228, %dma_start3A_229] : memref<128x128xf32, #tpu.memory_space<vmem>> -> memref<80x128xf32, #tpu.memory_space<vmem>>
      %dma_start3A_231 = arith.constant 0 : i32
      %dma_start3A_232 = tpu.memref_slice %arg4[%arg0, %mul3A_206, %dma_start3A_231] : memref<2x10000x128xf32, #tpu.memory_space<hbm>> -> memref<1x80x128xf32, #tpu.memory_space<hbm>>
      %dma_start3A_233 = tpu.memref_squeeze %dma_start3A_232 : memref<1x80x128xf32, #tpu.memory_space<hbm>> -> memref<80x128xf32, #tpu.memory_space<hbm>>
      %dma_start3A_234 = arith.constant 0 : i32
      %dma_start3A_235 = tpu.memref_slice %arg4[%arg0, %mul3A_206, %dma_start3A_234] : memref<2x10000x128xf32, #tpu.memory_space<hbm>> -> memref<1x80x128xf32, #tpu.memory_space<hbm>>
      %dma_start3A_236 = tpu.memref_squeeze %dma_start3A_235 : memref<1x80x128xf32, #tpu.memory_space<hbm>> -> memref<80x128xf32, #tpu.memory_space<hbm>>
      %dma_start3A_237 = arith.constant 0 : i32
      %dma_start3A_238 = arith.constant 0 : i32
      %dma_start3A_239 = tpu.memref_slice %arg8[%dma_start3A_237, %dma_start3A_238] : memref<128x128xf32, #tpu.memory_space<vmem>> -> memref<80x128xf32, #tpu.memory_space<vmem>>
      tpu.enqueue_dma source(%dma_start3A_239 : memref<80x128xf32, #tpu.memory_space<vmem>>) target(%dma_start3A_236 : memref<80x128xf32, #tpu.memory_space<hbm>>) target_semaphore(%arg12 : memref<!tpu.dma_semaphore, #tpu.memory_space<semaphore_mem>>)
    } else {
    }
    %add3A_129 = arith.constant 16 : i32
    %add3A_130 = arith.addi %arg1, %add3A_129 : i32
    %lt3A_131 = arith.constant 125 : i32
    %lt3A_132 = arith.cmpi slt, %add3A_130, %lt3A_131 : i32
    %convert_element_type3A_133 = arith.extui %lt3A_132 : i1 to i32
    %cond3A_134 = arith.constant 0 : i32
    %cond3A_135 = arith.cmpi ne, %convert_element_type3A_133, %cond3A_134 : i32
    scf.if %cond3A_135 {
      %mul3A_205 = arith.constant 80 : i32
      %mul3A_206 = arith.muli %mul3A_205, %add3A_130 : i32
      %dma_start3A = arith.constant 0 : i32
      %dma_start3A_207 = arith.constant 0 : i32
      %dma_start3A_208 = tpu.memref_slice %arg9[%dma_start3A, %dma_start3A_207] : memref<128x128xf32, #tpu.memory_space<vmem>> -> memref<80x128xf32, #tpu.memory_space<vmem>>
      %dma_start3A_209 = arith.constant 0 : i32
      %dma_start3A_210 = tpu.memref_slice %arg5[%mul3A_206, %dma_start3A_209] : memref<10064x128xf32, #tpu.memory_space<vmem_shared>> -> memref<80x128xf32, #tpu.memory_space<vmem_shared>>
      %dma_start3A_211 = arith.constant 0 : i32
      %dma_start3A_212 = arith.constant 0 : i32
      %dma_start3A_213 = tpu.memref_slice %arg9[%dma_start3A_211, %dma_start3A_212] : memref<128x128xf32, #tpu.memory_space<vmem>> -> memref<80x128xf32, #tpu.memory_space<vmem>>
      %dma_start3A_214 = arith.constant 0 : i32
      %dma_start3A_215 = tpu.memref_slice %arg5[%mul3A_206, %dma_start3A_214] : memref<10064x128xf32, #tpu.memory_space<vmem_shared>> -> memref<80x128xf32, #tpu.memory_space<vmem_shared>>
      tpu.enqueue_dma source(%dma_start3A_215 : memref<80x128xf32, #tpu.memory_space<vmem_shared>>) target(%dma_start3A_213 : memref<80x128xf32, #tpu.memory_space<vmem>>) target_semaphore(%arg11 : memref<!tpu.dma_semaphore, #tpu.memory_space<semaphore_mem>>)
      %dma_wait3A_216 = arith.constant 0 : i32
      %dma_wait3A_217 = arith.constant 0 : i32
      %dma_wait3A_218 = tpu.memref_slice %arg9[%dma_wait3A_216, %dma_wait3A_217] : memref<128x128xf32, #tpu.memory_space<vmem>> -> memref<80x128xf32, #tpu.memory_space<vmem>>
      %dma_wait3A_219 = arith.constant 0 : i32
      %dma_wait3A_220 = arith.constant 0 : i32
      %dma_wait3A_221 = tpu.memref_slice %arg5[%dma_wait3A_219, %dma_wait3A_220] : memref<10064x128xf32, #tpu.memory_space<vmem_shared>> -> memref<80x128xf32, #tpu.memory_space<vmem_shared>>
      %dma_wait3A_222 = arith.constant 0 : i32
      %dma_wait3A_223 = arith.constant 0 : i32
      %dma_wait3A_224 = tpu.memref_slice %arg9[%dma_wait3A_222, %dma_wait3A_223] : memref<128x128xf32, #tpu.memory_space<vmem>> -> memref<80x128xf32, #tpu.memory_space<vmem>>
      %dma_wait3A_225 = arith.constant 0 : i32
      %dma_wait3A_226 = arith.constant 0 : i32
      %dma_wait3A_227 = tpu.memref_slice %arg5[%dma_wait3A_225, %dma_wait3A_226] : memref<10064x128xf32, #tpu.memory_space<vmem_shared>> -> memref<80x128xf32, #tpu.memory_space<vmem_shared>>
      tpu.wait_dma2 semaphore(%arg11 : memref<!tpu.dma_semaphore, #tpu.memory_space<semaphore_mem>>) src(%dma_wait3A_227 : memref<80x128xf32, #tpu.memory_space<vmem_shared>>) dst(%dma_wait3A_224 : memref<80x128xf32, #tpu.memory_space<vmem>>)
      %dma_start3A_228 = arith.constant 0 : i32
      %dma_start3A_229 = arith.constant 0 : i32
      %dma_start3A_230 = tpu.memref_slice %arg9[%dma_start3A_228, %dma_start3A_229] : memref<128x128xf32, #tpu.memory_space<vmem>> -> memref<80x128xf32, #tpu.memory_space<vmem>>
      %dma_start3A_231 = arith.constant 0 : i32
      %dma_start3A_232 = tpu.memref_slice %arg4[%arg0, %mul3A_206, %dma_start3A_231] : memref<2x10000x128xf32, #tpu.memory_space<hbm>> -> memref<1x80x128xf32, #tpu.memory_space<hbm>>
      %dma_start3A_233 = tpu.memref_squeeze %dma_start3A_232 : memref<1x80x128xf32, #tpu.memory_space<hbm>> -> memref<80x128xf32, #tpu.memory_space<hbm>>
      %dma_start3A_234 = arith.constant 0 : i32
      %dma_start3A_235 = tpu.memref_slice %arg4[%arg0, %mul3A_206, %dma_start3A_234] : memref<2x10000x128xf32, #tpu.memory_space<hbm>> -> memref<1x80x128xf32, #tpu.memory_space<hbm>>
      %dma_start3A_236 = tpu.memref_squeeze %dma_start3A_235 : memref<1x80x128xf32, #tpu.memory_space<hbm>> -> memref<80x128xf32, #tpu.memory_space<hbm>>
      %dma_start3A_237 = arith.constant 0 : i32
      %dma_start3A_238 = arith.constant 0 : i32
      %dma_start3A_239 = tpu.memref_slice %arg9[%dma_start3A_237, %dma_start3A_238] : memref<128x128xf32, #tpu.memory_space<vmem>> -> memref<80x128xf32, #tpu.memory_space<vmem>>
      tpu.enqueue_dma source(%dma_start3A_239 : memref<80x128xf32, #tpu.memory_space<vmem>>) target(%dma_start3A_236 : memref<80x128xf32, #tpu.memory_space<hbm>>) target_semaphore(%arg13 : memref<!tpu.dma_semaphore, #tpu.memory_space<semaphore_mem>>)
    } else {
    }
    %add3A_136 = arith.constant 32 : i32
    %add3A_137 = arith.addi %arg1, %add3A_136 : i32
    %lt3A_138 = arith.constant 125 : i32
    %lt3A_139 = arith.cmpi slt, %add3A_137, %lt3A_138 : i32
    %convert_element_type3A_140 = arith.extui %lt3A_139 : i1 to i32
    %cond3A_141 = arith.constant 0 : i32
    %cond3A_142 = arith.cmpi ne, %convert_element_type3A_140, %cond3A_141 : i32
    scf.if %cond3A_142 {
      %mul3A_205 = arith.constant 80 : i32
      %mul3A_206 = arith.muli %mul3A_205, %add3A_137 : i32
      %dma_wait3A_207 = arith.constant 0 : i32
      %dma_wait3A_208 = arith.constant 0 : i32
      %dma_wait3A_209 = tpu.memref_slice %arg8[%dma_wait3A_207, %dma_wait3A_208] : memref<128x128xf32, #tpu.memory_space<vmem>> -> memref<80x128xf32, #tpu.memory_space<vmem>>
      %dma_wait3A_210 = arith.constant 0 : i32
      %dma_wait3A_211 = arith.constant 0 : i32
      %dma_wait3A_212 = tpu.memref_slice %arg4[%arg0, %dma_wait3A_210, %dma_wait3A_211] : memref<2x10000x128xf32, #tpu.memory_space<hbm>> -> memref<1x80x128xf32, #tpu.memory_space<hbm>>
      %dma_wait3A_213 = tpu.memref_squeeze %dma_wait3A_212 : memref<1x80x128xf32, #tpu.memory_space<hbm>> -> memref<80x128xf32, #tpu.memory_space<hbm>>
      %dma_wait3A_214 = arith.constant 0 : i32
      %dma_wait3A_215 = arith.constant 0 : i32
      %dma_wait3A_216 = tpu.memref_slice %arg4[%arg0, %dma_wait3A_214, %dma_wait3A_215] : memref<2x10000x128xf32, #tpu.memory_space<hbm>> -> memref<1x80x128xf32, #tpu.memory_space<hbm>>
      %dma_wait3A_217 = tpu.memref_squeeze %dma_wait3A_216 : memref<1x80x128xf32, #tpu.memory_space<hbm>> -> memref<80x128xf32, #tpu.memory_space<hbm>>
      %dma_wait3A_218 = arith.constant 0 : i32
      %dma_wait3A_219 = arith.constant 0 : i32
      %dma_wait3A_220 = tpu.memref_slice %arg8[%dma_wait3A_218, %dma_wait3A_219] : memref<128x128xf32, #tpu.memory_space<vmem>> -> memref<80x128xf32, #tpu.memory_space<vmem>>
      tpu.wait_dma2 semaphore(%arg12 : memref<!tpu.dma_semaphore, #tpu.memory_space<semaphore_mem>>) src(%dma_wait3A_220 : memref<80x128xf32, #tpu.memory_space<vmem>>) dst(%dma_wait3A_217 : memref<80x128xf32, #tpu.memory_space<hbm>>)
      %dma_start3A = arith.constant 0 : i32
      %dma_start3A_221 = arith.constant 0 : i32
      %dma_start3A_222 = tpu.memref_slice %arg8[%dma_start3A, %dma_start3A_221] : memref<128x128xf32, #tpu.memory_space<vmem>> -> memref<80x128xf32, #tpu.memory_space<vmem>>
      %dma_start3A_223 = arith.constant 0 : i32
      %dma_start3A_224 = tpu.memref_slice %arg5[%mul3A_206, %dma_start3A_223] : memref<10064x128xf32, #tpu.memory_space<vmem_shared>> -> memref<80x128xf32, #tpu.memory_space<vmem_shared>>
      %dma_start3A_225 = arith.constant 0 : i32
      %dma_start3A_226 = arith.constant 0 : i32
      %dma_start3A_227 = tpu.memref_slice %arg8[%dma_start3A_225, %dma_start3A_226] : memref<128x128xf32, #tpu.memory_space<vmem>> -> memref<80x128xf32, #tpu.memory_space<vmem>>
      %dma_start3A_228 = arith.constant 0 : i32
      %dma_start3A_229 = tpu.memref_slice %arg5[%mul3A_206, %dma_start3A_228] : memref<10064x128xf32, #tpu.memory_space<vmem_shared>> -> memref<80x128xf32, #tpu.memory_space<vmem_shared>>
      tpu.enqueue_dma source(%dma_start3A_229 : memref<80x128xf32, #tpu.memory_space<vmem_shared>>) target(%dma_start3A_227 : memref<80x128xf32, #tpu.memory_space<vmem>>) target_semaphore(%arg10 : memref<!tpu.dma_semaphore, #tpu.memory_space<semaphore_mem>>)
      %dma_wait3A_230 = arith.constant 0 : i32
      %dma_wait3A_231 = arith.constant 0 : i32
      %dma_wait3A_232 = tpu.memref_slice %arg8[%dma_wait3A_230, %dma_wait3A_231] : memref<128x128xf32, #tpu.memory_space<vmem>> -> memref<80x128xf32, #tpu.memory_space<vmem>>
      %dma_wait3A_233 = arith.constant 0 : i32
      %dma_wait3A_234 = arith.constant 0 : i32
      %dma_wait3A_235 = tpu.memref_slice %arg5[%dma_wait3A_233, %dma_wait3A_234] : memref<10064x128xf32, #tpu.memory_space<vmem_shared>> -> memref<80x128xf32, #tpu.memory_space<vmem_shared>>
      %dma_wait3A_236 = arith.constant 0 : i32
      %dma_wait3A_237 = arith.constant 0 : i32
      %dma_wait3A_238 = tpu.memref_slice %arg8[%dma_wait3A_236, %dma_wait3A_237] : memref<128x128xf32, #tpu.memory_space<vmem>> -> memref<80x128xf32, #tpu.memory_space<vmem>>
      %dma_wait3A_239 = arith.constant 0 : i32
      %dma_wait3A_240 = arith.constant 0 : i32
      %dma_wait3A_241 = tpu.memref_slice %arg5[%dma_wait3A_239, %dma_wait3A_240] : memref<10064x128xf32, #tpu.memory_space<vmem_shared>> -> memref<80x128xf32, #tpu.memory_space<vmem_shared>>
      tpu.wait_dma2 semaphore(%arg10 : memref<!tpu.dma_semaphore, #tpu.memory_space<semaphore_mem>>) src(%dma_wait3A_241 : memref<80x128xf32, #tpu.memory_space<vmem_shared>>) dst(%dma_wait3A_238 : memref<80x128xf32, #tpu.memory_space<vmem>>)
      %dma_start3A_242 = arith.constant 0 : i32
      %dma_start3A_243 = arith.constant 0 : i32
      %dma_start3A_244 = tpu.memref_slice %arg8[%dma_start3A_242, %dma_start3A_243] : memref<128x128xf32, #tpu.memory_space<vmem>> -> memref<80x128xf32, #tpu.memory_space<vmem>>
      %dma_start3A_245 = arith.constant 0 : i32
      %dma_start3A_246 = tpu.memref_slice %arg4[%arg0, %mul3A_206, %dma_start3A_245] : memref<2x10000x128xf32, #tpu.memory_space<hbm>> -> memref<1x80x128xf32, #tpu.memory_space<hbm>>
      %dma_start3A_247 = tpu.memref_squeeze %dma_start3A_246 : memref<1x80x128xf32, #tpu.memory_space<hbm>> -> memref<80x128xf32, #tpu.memory_space<hbm>>
      %dma_start3A_248 = arith.constant 0 : i32
      %dma_start3A_249 = tpu.memref_slice %arg4[%arg0, %mul3A_206, %dma_start3A_248] : memref<2x10000x128xf32, #tpu.memory_space<hbm>> -> memref<1x80x128xf32, #tpu.memory_space<hbm>>
      %dma_start3A_250 = tpu.memref_squeeze %dma_start3A_249 : memref<1x80x128xf32, #tpu.memory_space<hbm>> -> memref<80x128xf32, #tpu.memory_space<hbm>>
      %dma_start3A_251 = arith.constant 0 : i32
      %dma_start3A_252 = arith.constant 0 : i32
      %dma_start3A_253 = tpu.memref_slice %arg8[%dma_start3A_251, %dma_start3A_252] : memref<128x128xf32, #tpu.memory_space<vmem>> -> memref<80x128xf32, #tpu.memory_space<vmem>>
      tpu.enqueue_dma source(%dma_start3A_253 : memref<80x128xf32, #tpu.memory_space<vmem>>) target(%dma_start3A_250 : memref<80x128xf32, #tpu.memory_space<hbm>>) target_semaphore(%arg12 : memref<!tpu.dma_semaphore, #tpu.memory_space<semaphore_mem>>)
    } else {
    }
    %add3A_143 = arith.constant 48 : i32
    %add3A_144 = arith.addi %arg1, %add3A_143 : i32
    %lt3A_145 = arith.constant 125 : i32
    %lt3A_146 = arith.cmpi slt, %add3A_144, %lt3A_145 : i32
    %convert_element_type3A_147 = arith.extui %lt3A_146 : i1 to i32
    %cond3A_148 = arith.constant 0 : i32
    %cond3A_149 = arith.cmpi ne, %convert_element_type3A_147, %cond3A_148 : i32
    scf.if %cond3A_149 {
      %mul3A_205 = arith.constant 80 : i32
      %mul3A_206 = arith.muli %mul3A_205, %add3A_144 : i32
      %dma_wait3A_207 = arith.constant 0 : i32
      %dma_wait3A_208 = arith.constant 0 : i32
      %dma_wait3A_209 = tpu.memref_slice %arg9[%dma_wait3A_207, %dma_wait3A_208] : memref<128x128xf32, #tpu.memory_space<vmem>> -> memref<80x128xf32, #tpu.memory_space<vmem>>
      %dma_wait3A_210 = arith.constant 0 : i32
      %dma_wait3A_211 = arith.constant 0 : i32
      %dma_wait3A_212 = tpu.memref_slice %arg4[%arg0, %dma_wait3A_210, %dma_wait3A_211] : memref<2x10000x128xf32, #tpu.memory_space<hbm>> -> memref<1x80x128xf32, #tpu.memory_space<hbm>>
      %dma_wait3A_213 = tpu.memref_squeeze %dma_wait3A_212 : memref<1x80x128xf32, #tpu.memory_space<hbm>> -> memref<80x128xf32, #tpu.memory_space<hbm>>
      %dma_wait3A_214 = arith.constant 0 : i32
      %dma_wait3A_215 = arith.constant 0 : i32
      %dma_wait3A_216 = tpu.memref_slice %arg4[%arg0, %dma_wait3A_214, %dma_wait3A_215] : memref<2x10000x128xf32, #tpu.memory_space<hbm>> -> memref<1x80x128xf32, #tpu.memory_space<hbm>>
      %dma_wait3A_217 = tpu.memref_squeeze %dma_wait3A_216 : memref<1x80x128xf32, #tpu.memory_space<hbm>> -> memref<80x128xf32, #tpu.memory_space<hbm>>
      %dma_wait3A_218 = arith.constant 0 : i32
      %dma_wait3A_219 = arith.constant 0 : i32
      %dma_wait3A_220 = tpu.memref_slice %arg9[%dma_wait3A_218, %dma_wait3A_219] : memref<128x128xf32, #tpu.memory_space<vmem>> -> memref<80x128xf32, #tpu.memory_space<vmem>>
      tpu.wait_dma2 semaphore(%arg13 : memref<!tpu.dma_semaphore, #tpu.memory_space<semaphore_mem>>) src(%dma_wait3A_220 : memref<80x128xf32, #tpu.memory_space<vmem>>) dst(%dma_wait3A_217 : memref<80x128xf32, #tpu.memory_space<hbm>>)
      %dma_start3A = arith.constant 0 : i32
      %dma_start3A_221 = arith.constant 0 : i32
      %dma_start3A_222 = tpu.memref_slice %arg9[%dma_start3A, %dma_start3A_221] : memref<128x128xf32, #tpu.memory_space<vmem>> -> memref<80x128xf32, #tpu.memory_space<vmem>>
      %dma_start3A_223 = arith.constant 0 : i32
      %dma_start3A_224 = tpu.memref_slice %arg5[%mul3A_206, %dma_start3A_223] : memref<10064x128xf32, #tpu.memory_space<vmem_shared>> -> memref<80x128xf32, #tpu.memory_space<vmem_shared>>
      %dma_start3A_225 = arith.constant 0 : i32
      %dma_start3A_226 = arith.constant 0 : i32
      %dma_start3A_227 = tpu.memref_slice %arg9[%dma_start3A_225, %dma_start3A_226] : memref<128x128xf32, #tpu.memory_space<vmem>> -> memref<80x128xf32, #tpu.memory_space<vmem>>
      %dma_start3A_228 = arith.constant 0 : i32
      %dma_start3A_229 = tpu.memref_slice %arg5[%mul3A_206, %dma_start3A_228] : memref<10064x128xf32, #tpu.memory_space<vmem_shared>> -> memref<80x128xf32, #tpu.memory_space<vmem_shared>>
      tpu.enqueue_dma source(%dma_start3A_229 : memref<80x128xf32, #tpu.memory_space<vmem_shared>>) target(%dma_start3A_227 : memref<80x128xf32, #tpu.memory_space<vmem>>) target_semaphore(%arg11 : memref<!tpu.dma_semaphore, #tpu.memory_space<semaphore_mem>>)
      %dma_wait3A_230 = arith.constant 0 : i32
      %dma_wait3A_231 = arith.constant 0 : i32
      %dma_wait3A_232 = tpu.memref_slice %arg9[%dma_wait3A_230, %dma_wait3A_231] : memref<128x128xf32, #tpu.memory_space<vmem>> -> memref<80x128xf32, #tpu.memory_space<vmem>>
      %dma_wait3A_233 = arith.constant 0 : i32
      %dma_wait3A_234 = arith.constant 0 : i32
      %dma_wait3A_235 = tpu.memref_slice %arg5[%dma_wait3A_233, %dma_wait3A_234] : memref<10064x128xf32, #tpu.memory_space<vmem_shared>> -> memref<80x128xf32, #tpu.memory_space<vmem_shared>>
      %dma_wait3A_236 = arith.constant 0 : i32
      %dma_wait3A_237 = arith.constant 0 : i32
      %dma_wait3A_238 = tpu.memref_slice %arg9[%dma_wait3A_236, %dma_wait3A_237] : memref<128x128xf32, #tpu.memory_space<vmem>> -> memref<80x128xf32, #tpu.memory_space<vmem>>
      %dma_wait3A_239 = arith.constant 0 : i32
      %dma_wait3A_240 = arith.constant 0 : i32
      %dma_wait3A_241 = tpu.memref_slice %arg5[%dma_wait3A_239, %dma_wait3A_240] : memref<10064x128xf32, #tpu.memory_space<vmem_shared>> -> memref<80x128xf32, #tpu.memory_space<vmem_shared>>
      tpu.wait_dma2 semaphore(%arg11 : memref<!tpu.dma_semaphore, #tpu.memory_space<semaphore_mem>>) src(%dma_wait3A_241 : memref<80x128xf32, #tpu.memory_space<vmem_shared>>) dst(%dma_wait3A_238 : memref<80x128xf32, #tpu.memory_space<vmem>>)
      %dma_start3A_242 = arith.constant 0 : i32
      %dma_start3A_243 = arith.constant 0 : i32
      %dma_start3A_244 = tpu.memref_slice %arg9[%dma_start3A_242, %dma_start3A_243] : memref<128x128xf32, #tpu.memory_space<vmem>> -> memref<80x128xf32, #tpu.memory_space<vmem>>
      %dma_start3A_245 = arith.constant 0 : i32
      %dma_start3A_246 = tpu.memref_slice %arg4[%arg0, %mul3A_206, %dma_start3A_245] : memref<2x10000x128xf32, #tpu.memory_space<hbm>> -> memref<1x80x128xf32, #tpu.memory_space<hbm>>
      %dma_start3A_247 = tpu.memref_squeeze %dma_start3A_246 : memref<1x80x128xf32, #tpu.memory_space<hbm>> -> memref<80x128xf32, #tpu.memory_space<hbm>>
      %dma_start3A_248 = arith.constant 0 : i32
      %dma_start3A_249 = tpu.memref_slice %arg4[%arg0, %mul3A_206, %dma_start3A_248] : memref<2x10000x128xf32, #tpu.memory_space<hbm>> -> memref<1x80x128xf32, #tpu.memory_space<hbm>>
      %dma_start3A_250 = tpu.memref_squeeze %dma_start3A_249 : memref<1x80x128xf32, #tpu.memory_space<hbm>> -> memref<80x128xf32, #tpu.memory_space<hbm>>
      %dma_start3A_251 = arith.constant 0 : i32
      %dma_start3A_252 = arith.constant 0 : i32
      %dma_start3A_253 = tpu.memref_slice %arg9[%dma_start3A_251, %dma_start3A_252] : memref<128x128xf32, #tpu.memory_space<vmem>> -> memref<80x128xf32, #tpu.memory_space<vmem>>
      tpu.enqueue_dma source(%dma_start3A_253 : memref<80x128xf32, #tpu.memory_space<vmem>>) target(%dma_start3A_250 : memref<80x128xf32, #tpu.memory_space<hbm>>) target_semaphore(%arg13 : memref<!tpu.dma_semaphore, #tpu.memory_space<semaphore_mem>>)
    } else {
    }
    %add3A_150 = arith.constant 64 : i32
    %add3A_151 = arith.addi %arg1, %add3A_150 : i32
    %lt3A_152 = arith.constant 125 : i32
    %lt3A_153 = arith.cmpi slt, %add3A_151, %lt3A_152 : i32
    %convert_element_type3A_154 = arith.extui %lt3A_153 : i1 to i32
    %cond3A_155 = arith.constant 0 : i32
    %cond3A_156 = arith.cmpi ne, %convert_element_type3A_154, %cond3A_155 : i32
    scf.if %cond3A_156 {
      %mul3A_205 = arith.constant 80 : i32
      %mul3A_206 = arith.muli %mul3A_205, %add3A_151 : i32
      %dma_wait3A_207 = arith.constant 0 : i32
      %dma_wait3A_208 = arith.constant 0 : i32
      %dma_wait3A_209 = tpu.memref_slice %arg8[%dma_wait3A_207, %dma_wait3A_208] : memref<128x128xf32, #tpu.memory_space<vmem>> -> memref<80x128xf32, #tpu.memory_space<vmem>>
      %dma_wait3A_210 = arith.constant 0 : i32
      %dma_wait3A_211 = arith.constant 0 : i32
      %dma_wait3A_212 = tpu.memref_slice %arg4[%arg0, %dma_wait3A_210, %dma_wait3A_211] : memref<2x10000x128xf32, #tpu.memory_space<hbm>> -> memref<1x80x128xf32, #tpu.memory_space<hbm>>
      %dma_wait3A_213 = tpu.memref_squeeze %dma_wait3A_212 : memref<1x80x128xf32, #tpu.memory_space<hbm>> -> memref<80x128xf32, #tpu.memory_space<hbm>>
      %dma_wait3A_214 = arith.constant 0 : i32
      %dma_wait3A_215 = arith.constant 0 : i32
      %dma_wait3A_216 = tpu.memref_slice %arg4[%arg0, %dma_wait3A_214, %dma_wait3A_215] : memref<2x10000x128xf32, #tpu.memory_space<hbm>> -> memref<1x80x128xf32, #tpu.memory_space<hbm>>
      %dma_wait3A_217 = tpu.memref_squeeze %dma_wait3A_216 : memref<1x80x128xf32, #tpu.memory_space<hbm>> -> memref<80x128xf32, #tpu.memory_space<hbm>>
      %dma_wait3A_218 = arith.constant 0 : i32
      %dma_wait3A_219 = arith.constant 0 : i32
      %dma_wait3A_220 = tpu.memref_slice %arg8[%dma_wait3A_218, %dma_wait3A_219] : memref<128x128xf32, #tpu.memory_space<vmem>> -> memref<80x128xf32, #tpu.memory_space<vmem>>
      tpu.wait_dma2 semaphore(%arg12 : memref<!tpu.dma_semaphore, #tpu.memory_space<semaphore_mem>>) src(%dma_wait3A_220 : memref<80x128xf32, #tpu.memory_space<vmem>>) dst(%dma_wait3A_217 : memref<80x128xf32, #tpu.memory_space<hbm>>)
      %dma_start3A = arith.constant 0 : i32
      %dma_start3A_221 = arith.constant 0 : i32
      %dma_start3A_222 = tpu.memref_slice %arg8[%dma_start3A, %dma_start3A_221] : memref<128x128xf32, #tpu.memory_space<vmem>> -> memref<80x128xf32, #tpu.memory_space<vmem>>
      %dma_start3A_223 = arith.constant 0 : i32
      %dma_start3A_224 = tpu.memref_slice %arg5[%mul3A_206, %dma_start3A_223] : memref<10064x128xf32, #tpu.memory_space<vmem_shared>> -> memref<80x128xf32, #tpu.memory_space<vmem_shared>>
      %dma_start3A_225 = arith.constant 0 : i32
      %dma_start3A_226 = arith.constant 0 : i32
      %dma_start3A_227 = tpu.memref_slice %arg8[%dma_start3A_225, %dma_start3A_226] : memref<128x128xf32, #tpu.memory_space<vmem>> -> memref<80x128xf32, #tpu.memory_space<vmem>>
      %dma_start3A_228 = arith.constant 0 : i32
      %dma_start3A_229 = tpu.memref_slice %arg5[%mul3A_206, %dma_start3A_228] : memref<10064x128xf32, #tpu.memory_space<vmem_shared>> -> memref<80x128xf32, #tpu.memory_space<vmem_shared>>
      tpu.enqueue_dma source(%dma_start3A_229 : memref<80x128xf32, #tpu.memory_space<vmem_shared>>) target(%dma_start3A_227 : memref<80x128xf32, #tpu.memory_space<vmem>>) target_semaphore(%arg10 : memref<!tpu.dma_semaphore, #tpu.memory_space<semaphore_mem>>)
      %dma_wait3A_230 = arith.constant 0 : i32
      %dma_wait3A_231 = arith.constant 0 : i32
      %dma_wait3A_232 = tpu.memref_slice %arg8[%dma_wait3A_230, %dma_wait3A_231] : memref<128x128xf32, #tpu.memory_space<vmem>> -> memref<80x128xf32, #tpu.memory_space<vmem>>
      %dma_wait3A_233 = arith.constant 0 : i32
      %dma_wait3A_234 = arith.constant 0 : i32
      %dma_wait3A_235 = tpu.memref_slice %arg5[%dma_wait3A_233, %dma_wait3A_234] : memref<10064x128xf32, #tpu.memory_space<vmem_shared>> -> memref<80x128xf32, #tpu.memory_space<vmem_shared>>
      %dma_wait3A_236 = arith.constant 0 : i32
      %dma_wait3A_237 = arith.constant 0 : i32
      %dma_wait3A_238 = tpu.memref_slice %arg8[%dma_wait3A_236, %dma_wait3A_237] : memref<128x128xf32, #tpu.memory_space<vmem>> -> memref<80x128xf32, #tpu.memory_space<vmem>>
      %dma_wait3A_239 = arith.constant 0 : i32
      %dma_wait3A_240 = arith.constant 0 : i32
      %dma_wait3A_241 = tpu.memref_slice %arg5[%dma_wait3A_239, %dma_wait3A_240] : memref<10064x128xf32, #tpu.memory_space<vmem_shared>> -> memref<80x128xf32, #tpu.memory_space<vmem_shared>>
      tpu.wait_dma2 semaphore(%arg10 : memref<!tpu.dma_semaphore, #tpu.memory_space<semaphore_mem>>) src(%dma_wait3A_241 : memref<80x128xf32, #tpu.memory_space<vmem_shared>>) dst(%dma_wait3A_238 : memref<80x128xf32, #tpu.memory_space<vmem>>)
      %dma_start3A_242 = arith.constant 0 : i32
      %dma_start3A_243 = arith.constant 0 : i32
      %dma_start3A_244 = tpu.memref_slice %arg8[%dma_start3A_242, %dma_start3A_243] : memref<128x128xf32, #tpu.memory_space<vmem>> -> memref<80x128xf32, #tpu.memory_space<vmem>>
      %dma_start3A_245 = arith.constant 0 : i32
      %dma_start3A_246 = tpu.memref_slice %arg4[%arg0, %mul3A_206, %dma_start3A_245] : memref<2x10000x128xf32, #tpu.memory_space<hbm>> -> memref<1x80x128xf32, #tpu.memory_space<hbm>>
      %dma_start3A_247 = tpu.memref_squeeze %dma_start3A_246 : memref<1x80x128xf32, #tpu.memory_space<hbm>> -> memref<80x128xf32, #tpu.memory_space<hbm>>
      %dma_start3A_248 = arith.constant 0 : i32
      %dma_start3A_249 = tpu.memref_slice %arg4[%arg0, %mul3A_206, %dma_start3A_248] : memref<2x10000x128xf32, #tpu.memory_space<hbm>> -> memref<1x80x128xf32, #tpu.memory_space<hbm>>
      %dma_start3A_250 = tpu.memref_squeeze %dma_start3A_249 : memref<1x80x128xf32, #tpu.memory_space<hbm>> -> memref<80x128xf32, #tpu.memory_space<hbm>>
      %dma_start3A_251 = arith.constant 0 : i32
      %dma_start3A_252 = arith.constant 0 : i32
      %dma_start3A_253 = tpu.memref_slice %arg8[%dma_start3A_251, %dma_start3A_252] : memref<128x128xf32, #tpu.memory_space<vmem>> -> memref<80x128xf32, #tpu.memory_space<vmem>>
      tpu.enqueue_dma source(%dma_start3A_253 : memref<80x128xf32, #tpu.memory_space<vmem>>) target(%dma_start3A_250 : memref<80x128xf32, #tpu.memory_space<hbm>>) target_semaphore(%arg12 : memref<!tpu.dma_semaphore, #tpu.memory_space<semaphore_mem>>)
    } else {
    }
    %add3A_157 = arith.constant 80 : i32
    %add3A_158 = arith.addi %arg1, %add3A_157 : i32
    %lt3A_159 = arith.constant 125 : i32
    %lt3A_160 = arith.cmpi slt, %add3A_158, %lt3A_159 : i32
    %convert_element_type3A_161 = arith.extui %lt3A_160 : i1 to i32
    %cond3A_162 = arith.constant 0 : i32
    %cond3A_163 = arith.cmpi ne, %convert_element_type3A_161, %cond3A_162 : i32
    scf.if %cond3A_163 {
      %mul3A_205 = arith.constant 80 : i32
      %mul3A_206 = arith.muli %mul3A_205, %add3A_158 : i32
      %dma_wait3A_207 = arith.constant 0 : i32
      %dma_wait3A_208 = arith.constant 0 : i32
      %dma_wait3A_209 = tpu.memref_slice %arg9[%dma_wait3A_207, %dma_wait3A_208] : memref<128x128xf32, #tpu.memory_space<vmem>> -> memref<80x128xf32, #tpu.memory_space<vmem>>
      %dma_wait3A_210 = arith.constant 0 : i32
      %dma_wait3A_211 = arith.constant 0 : i32
      %dma_wait3A_212 = tpu.memref_slice %arg4[%arg0, %dma_wait3A_210, %dma_wait3A_211] : memref<2x10000x128xf32, #tpu.memory_space<hbm>> -> memref<1x80x128xf32, #tpu.memory_space<hbm>>
      %dma_wait3A_213 = tpu.memref_squeeze %dma_wait3A_212 : memref<1x80x128xf32, #tpu.memory_space<hbm>> -> memref<80x128xf32, #tpu.memory_space<hbm>>
      %dma_wait3A_214 = arith.constant 0 : i32
      %dma_wait3A_215 = arith.constant 0 : i32
      %dma_wait3A_216 = tpu.memref_slice %arg4[%arg0, %dma_wait3A_214, %dma_wait3A_215] : memref<2x10000x128xf32, #tpu.memory_space<hbm>> -> memref<1x80x128xf32, #tpu.memory_space<hbm>>
      %dma_wait3A_217 = tpu.memref_squeeze %dma_wait3A_216 : memref<1x80x128xf32, #tpu.memory_space<hbm>> -> memref<80x128xf32, #tpu.memory_space<hbm>>
      %dma_wait3A_218 = arith.constant 0 : i32
      %dma_wait3A_219 = arith.constant 0 : i32
      %dma_wait3A_220 = tpu.memref_slice %arg9[%dma_wait3A_218, %dma_wait3A_219] : memref<128x128xf32, #tpu.memory_space<vmem>> -> memref<80x128xf32, #tpu.memory_space<vmem>>
      tpu.wait_dma2 semaphore(%arg13 : memref<!tpu.dma_semaphore, #tpu.memory_space<semaphore_mem>>) src(%dma_wait3A_220 : memref<80x128xf32, #tpu.memory_space<vmem>>) dst(%dma_wait3A_217 : memref<80x128xf32, #tpu.memory_space<hbm>>)
      %dma_start3A = arith.constant 0 : i32
      %dma_start3A_221 = arith.constant 0 : i32
      %dma_start3A_222 = tpu.memref_slice %arg9[%dma_start3A, %dma_start3A_221] : memref<128x128xf32, #tpu.memory_space<vmem>> -> memref<80x128xf32, #tpu.memory_space<vmem>>
      %dma_start3A_223 = arith.constant 0 : i32
      %dma_start3A_224 = tpu.memref_slice %arg5[%mul3A_206, %dma_start3A_223] : memref<10064x128xf32, #tpu.memory_space<vmem_shared>> -> memref<80x128xf32, #tpu.memory_space<vmem_shared>>
      %dma_start3A_225 = arith.constant 0 : i32
      %dma_start3A_226 = arith.constant 0 : i32
      %dma_start3A_227 = tpu.memref_slice %arg9[%dma_start3A_225, %dma_start3A_226] : memref<128x128xf32, #tpu.memory_space<vmem>> -> memref<80x128xf32, #tpu.memory_space<vmem>>
      %dma_start3A_228 = arith.constant 0 : i32
      %dma_start3A_229 = tpu.memref_slice %arg5[%mul3A_206, %dma_start3A_228] : memref<10064x128xf32, #tpu.memory_space<vmem_shared>> -> memref<80x128xf32, #tpu.memory_space<vmem_shared>>
      tpu.enqueue_dma source(%dma_start3A_229 : memref<80x128xf32, #tpu.memory_space<vmem_shared>>) target(%dma_start3A_227 : memref<80x128xf32, #tpu.memory_space<vmem>>) target_semaphore(%arg11 : memref<!tpu.dma_semaphore, #tpu.memory_space<semaphore_mem>>)
      %dma_wait3A_230 = arith.constant 0 : i32
      %dma_wait3A_231 = arith.constant 0 : i32
      %dma_wait3A_232 = tpu.memref_slice %arg9[%dma_wait3A_230, %dma_wait3A_231] : memref<128x128xf32, #tpu.memory_space<vmem>> -> memref<80x128xf32, #tpu.memory_space<vmem>>
      %dma_wait3A_233 = arith.constant 0 : i32
      %dma_wait3A_234 = arith.constant 0 : i32
      %dma_wait3A_235 = tpu.memref_slice %arg5[%dma_wait3A_233, %dma_wait3A_234] : memref<10064x128xf32, #tpu.memory_space<vmem_shared>> -> memref<80x128xf32, #tpu.memory_space<vmem_shared>>
      %dma_wait3A_236 = arith.constant 0 : i32
      %dma_wait3A_237 = arith.constant 0 : i32
      %dma_wait3A_238 = tpu.memref_slice %arg9[%dma_wait3A_236, %dma_wait3A_237] : memref<128x128xf32, #tpu.memory_space<vmem>> -> memref<80x128xf32, #tpu.memory_space<vmem>>
      %dma_wait3A_239 = arith.constant 0 : i32
      %dma_wait3A_240 = arith.constant 0 : i32
      %dma_wait3A_241 = tpu.memref_slice %arg5[%dma_wait3A_239, %dma_wait3A_240] : memref<10064x128xf32, #tpu.memory_space<vmem_shared>> -> memref<80x128xf32, #tpu.memory_space<vmem_shared>>
      tpu.wait_dma2 semaphore(%arg11 : memref<!tpu.dma_semaphore, #tpu.memory_space<semaphore_mem>>) src(%dma_wait3A_241 : memref<80x128xf32, #tpu.memory_space<vmem_shared>>) dst(%dma_wait3A_238 : memref<80x128xf32, #tpu.memory_space<vmem>>)
      %dma_start3A_242 = arith.constant 0 : i32
      %dma_start3A_243 = arith.constant 0 : i32
      %dma_start3A_244 = tpu.memref_slice %arg9[%dma_start3A_242, %dma_start3A_243] : memref<128x128xf32, #tpu.memory_space<vmem>> -> memref<80x128xf32, #tpu.memory_space<vmem>>
      %dma_start3A_245 = arith.constant 0 : i32
      %dma_start3A_246 = tpu.memref_slice %arg4[%arg0, %mul3A_206, %dma_start3A_245] : memref<2x10000x128xf32, #tpu.memory_space<hbm>> -> memref<1x80x128xf32, #tpu.memory_space<hbm>>
      %dma_start3A_247 = tpu.memref_squeeze %dma_start3A_246 : memref<1x80x128xf32, #tpu.memory_space<hbm>> -> memref<80x128xf32, #tpu.memory_space<hbm>>
      %dma_start3A_248 = arith.constant 0 : i32
      %dma_start3A_249 = tpu.memref_slice %arg4[%arg0, %mul3A_206, %dma_start3A_248] : memref<2x10000x128xf32, #tpu.memory_space<hbm>> -> memref<1x80x128xf32, #tpu.memory_space<hbm>>
      %dma_start3A_250 = tpu.memref_squeeze %dma_start3A_249 : memref<1x80x128xf32, #tpu.memory_space<hbm>> -> memref<80x128xf32, #tpu.memory_space<hbm>>
      %dma_start3A_251 = arith.constant 0 : i32
      %dma_start3A_252 = arith.constant 0 : i32
      %dma_start3A_253 = tpu.memref_slice %arg9[%dma_start3A_251, %dma_start3A_252] : memref<128x128xf32, #tpu.memory_space<vmem>> -> memref<80x128xf32, #tpu.memory_space<vmem>>
      tpu.enqueue_dma source(%dma_start3A_253 : memref<80x128xf32, #tpu.memory_space<vmem>>) target(%dma_start3A_250 : memref<80x128xf32, #tpu.memory_space<hbm>>) target_semaphore(%arg13 : memref<!tpu.dma_semaphore, #tpu.memory_space<semaphore_mem>>)
    } else {
    }
    %add3A_164 = arith.constant 96 : i32
    %add3A_165 = arith.addi %arg1, %add3A_164 : i32
    %lt3A_166 = arith.constant 125 : i32
    %lt3A_167 = arith.cmpi slt, %add3A_165, %lt3A_166 : i32
    %convert_element_type3A_168 = arith.extui %lt3A_167 : i1 to i32
    %cond3A_169 = arith.constant 0 : i32
    %cond3A_170 = arith.cmpi ne, %convert_element_type3A_168, %cond3A_169 : i32
    scf.if %cond3A_170 {
      %mul3A_205 = arith.constant 80 : i32
      %mul3A_206 = arith.muli %mul3A_205, %add3A_165 : i32
      %dma_wait3A_207 = arith.constant 0 : i32
      %dma_wait3A_208 = arith.constant 0 : i32
      %dma_wait3A_209 = tpu.memref_slice %arg8[%dma_wait3A_207, %dma_wait3A_208] : memref<128x128xf32, #tpu.memory_space<vmem>> -> memref<80x128xf32, #tpu.memory_space<vmem>>
      %dma_wait3A_210 = arith.constant 0 : i32
      %dma_wait3A_211 = arith.constant 0 : i32
      %dma_wait3A_212 = tpu.memref_slice %arg4[%arg0, %dma_wait3A_210, %dma_wait3A_211] : memref<2x10000x128xf32, #tpu.memory_space<hbm>> -> memref<1x80x128xf32, #tpu.memory_space<hbm>>
      %dma_wait3A_213 = tpu.memref_squeeze %dma_wait3A_212 : memref<1x80x128xf32, #tpu.memory_space<hbm>> -> memref<80x128xf32, #tpu.memory_space<hbm>>
      %dma_wait3A_214 = arith.constant 0 : i32
      %dma_wait3A_215 = arith.constant 0 : i32
      %dma_wait3A_216 = tpu.memref_slice %arg4[%arg0, %dma_wait3A_214, %dma_wait3A_215] : memref<2x10000x128xf32, #tpu.memory_space<hbm>> -> memref<1x80x128xf32, #tpu.memory_space<hbm>>
      %dma_wait3A_217 = tpu.memref_squeeze %dma_wait3A_216 : memref<1x80x128xf32, #tpu.memory_space<hbm>> -> memref<80x128xf32, #tpu.memory_space<hbm>>
      %dma_wait3A_218 = arith.constant 0 : i32
      %dma_wait3A_219 = arith.constant 0 : i32
      %dma_wait3A_220 = tpu.memref_slice %arg8[%dma_wait3A_218, %dma_wait3A_219] : memref<128x128xf32, #tpu.memory_space<vmem>> -> memref<80x128xf32, #tpu.memory_space<vmem>>
      tpu.wait_dma2 semaphore(%arg12 : memref<!tpu.dma_semaphore, #tpu.memory_space<semaphore_mem>>) src(%dma_wait3A_220 : memref<80x128xf32, #tpu.memory_space<vmem>>) dst(%dma_wait3A_217 : memref<80x128xf32, #tpu.memory_space<hbm>>)
      %dma_start3A = arith.constant 0 : i32
      %dma_start3A_221 = arith.constant 0 : i32
      %dma_start3A_222 = tpu.memref_slice %arg8[%dma_start3A, %dma_start3A_221] : memref<128x128xf32, #tpu.memory_space<vmem>> -> memref<80x128xf32, #tpu.memory_space<vmem>>
      %dma_start3A_223 = arith.constant 0 : i32
      %dma_start3A_224 = tpu.memref_slice %arg5[%mul3A_206, %dma_start3A_223] : memref<10064x128xf32, #tpu.memory_space<vmem_shared>> -> memref<80x128xf32, #tpu.memory_space<vmem_shared>>
      %dma_start3A_225 = arith.constant 0 : i32
      %dma_start3A_226 = arith.constant 0 : i32
      %dma_start3A_227 = tpu.memref_slice %arg8[%dma_start3A_225, %dma_start3A_226] : memref<128x128xf32, #tpu.memory_space<vmem>> -> memref<80x128xf32, #tpu.memory_space<vmem>>
      %dma_start3A_228 = arith.constant 0 : i32
      %dma_start3A_229 = tpu.memref_slice %arg5[%mul3A_206, %dma_start3A_228] : memref<10064x128xf32, #tpu.memory_space<vmem_shared>> -> memref<80x128xf32, #tpu.memory_space<vmem_shared>>
      tpu.enqueue_dma source(%dma_start3A_229 : memref<80x128xf32, #tpu.memory_space<vmem_shared>>) target(%dma_start3A_227 : memref<80x128xf32, #tpu.memory_space<vmem>>) target_semaphore(%arg10 : memref<!tpu.dma_semaphore, #tpu.memory_space<semaphore_mem>>)
      %dma_wait3A_230 = arith.constant 0 : i32
      %dma_wait3A_231 = arith.constant 0 : i32
      %dma_wait3A_232 = tpu.memref_slice %arg8[%dma_wait3A_230, %dma_wait3A_231] : memref<128x128xf32, #tpu.memory_space<vmem>> -> memref<80x128xf32, #tpu.memory_space<vmem>>
      %dma_wait3A_233 = arith.constant 0 : i32
      %dma_wait3A_234 = arith.constant 0 : i32
      %dma_wait3A_235 = tpu.memref_slice %arg5[%dma_wait3A_233, %dma_wait3A_234] : memref<10064x128xf32, #tpu.memory_space<vmem_shared>> -> memref<80x128xf32, #tpu.memory_space<vmem_shared>>
      %dma_wait3A_236 = arith.constant 0 : i32
      %dma_wait3A_237 = arith.constant 0 : i32
      %dma_wait3A_238 = tpu.memref_slice %arg8[%dma_wait3A_236, %dma_wait3A_237] : memref<128x128xf32, #tpu.memory_space<vmem>> -> memref<80x128xf32, #tpu.memory_space<vmem>>
      %dma_wait3A_239 = arith.constant 0 : i32
      %dma_wait3A_240 = arith.constant 0 : i32
      %dma_wait3A_241 = tpu.memref_slice %arg5[%dma_wait3A_239, %dma_wait3A_240] : memref<10064x128xf32, #tpu.memory_space<vmem_shared>> -> memref<80x128xf32, #tpu.memory_space<vmem_shared>>
      tpu.wait_dma2 semaphore(%arg10 : memref<!tpu.dma_semaphore, #tpu.memory_space<semaphore_mem>>) src(%dma_wait3A_241 : memref<80x128xf32, #tpu.memory_space<vmem_shared>>) dst(%dma_wait3A_238 : memref<80x128xf32, #tpu.memory_space<vmem>>)
      %dma_start3A_242 = arith.constant 0 : i32
      %dma_start3A_243 = arith.constant 0 : i32
      %dma_start3A_244 = tpu.memref_slice %arg8[%dma_start3A_242, %dma_start3A_243] : memref<128x128xf32, #tpu.memory_space<vmem>> -> memref<80x128xf32, #tpu.memory_space<vmem>>
      %dma_start3A_245 = arith.constant 0 : i32
      %dma_start3A_246 = tpu.memref_slice %arg4[%arg0, %mul3A_206, %dma_start3A_245] : memref<2x10000x128xf32, #tpu.memory_space<hbm>> -> memref<1x80x128xf32, #tpu.memory_space<hbm>>
      %dma_start3A_247 = tpu.memref_squeeze %dma_start3A_246 : memref<1x80x128xf32, #tpu.memory_space<hbm>> -> memref<80x128xf32, #tpu.memory_space<hbm>>
      %dma_start3A_248 = arith.constant 0 : i32
      %dma_start3A_249 = tpu.memref_slice %arg4[%arg0, %mul3A_206, %dma_start3A_248] : memref<2x10000x128xf32, #tpu.memory_space<hbm>> -> memref<1x80x128xf32, #tpu.memory_space<hbm>>
      %dma_start3A_250 = tpu.memref_squeeze %dma_start3A_249 : memref<1x80x128xf32, #tpu.memory_space<hbm>> -> memref<80x128xf32, #tpu.memory_space<hbm>>
      %dma_start3A_251 = arith.constant 0 : i32
      %dma_start3A_252 = arith.constant 0 : i32
      %dma_start3A_253 = tpu.memref_slice %arg8[%dma_start3A_251, %dma_start3A_252] : memref<128x128xf32, #tpu.memory_space<vmem>> -> memref<80x128xf32, #tpu.memory_space<vmem>>
      tpu.enqueue_dma source(%dma_start3A_253 : memref<80x128xf32, #tpu.memory_space<vmem>>) target(%dma_start3A_250 : memref<80x128xf32, #tpu.memory_space<hbm>>) target_semaphore(%arg12 : memref<!tpu.dma_semaphore, #tpu.memory_space<semaphore_mem>>)
    } else {
    }
    %add3A_171 = arith.constant 112 : i32
    %add3A_172 = arith.addi %arg1, %add3A_171 : i32
    %lt3A_173 = arith.constant 125 : i32
    %lt3A_174 = arith.cmpi slt, %add3A_172, %lt3A_173 : i32
    %convert_element_type3A_175 = arith.extui %lt3A_174 : i1 to i32
    %cond3A_176 = arith.constant 0 : i32
    %cond3A_177 = arith.cmpi ne, %convert_element_type3A_175, %cond3A_176 : i32
    scf.if %cond3A_177 {
      %mul3A_205 = arith.constant 80 : i32
      %mul3A_206 = arith.muli %mul3A_205, %add3A_172 : i32
      %dma_wait3A_207 = arith.constant 0 : i32
      %dma_wait3A_208 = arith.constant 0 : i32
      %dma_wait3A_209 = tpu.memref_slice %arg9[%dma_wait3A_207, %dma_wait3A_208] : memref<128x128xf32, #tpu.memory_space<vmem>> -> memref<80x128xf32, #tpu.memory_space<vmem>>
      %dma_wait3A_210 = arith.constant 0 : i32
      %dma_wait3A_211 = arith.constant 0 : i32
      %dma_wait3A_212 = tpu.memref_slice %arg4[%arg0, %dma_wait3A_210, %dma_wait3A_211] : memref<2x10000x128xf32, #tpu.memory_space<hbm>> -> memref<1x80x128xf32, #tpu.memory_space<hbm>>
      %dma_wait3A_213 = tpu.memref_squeeze %dma_wait3A_212 : memref<1x80x128xf32, #tpu.memory_space<hbm>> -> memref<80x128xf32, #tpu.memory_space<hbm>>
      %dma_wait3A_214 = arith.constant 0 : i32
      %dma_wait3A_215 = arith.constant 0 : i32
      %dma_wait3A_216 = tpu.memref_slice %arg4[%arg0, %dma_wait3A_214, %dma_wait3A_215] : memref<2x10000x128xf32, #tpu.memory_space<hbm>> -> memref<1x80x128xf32, #tpu.memory_space<hbm>>
      %dma_wait3A_217 = tpu.memref_squeeze %dma_wait3A_216 : memref<1x80x128xf32, #tpu.memory_space<hbm>> -> memref<80x128xf32, #tpu.memory_space<hbm>>
      %dma_wait3A_218 = arith.constant 0 : i32
      %dma_wait3A_219 = arith.constant 0 : i32
      %dma_wait3A_220 = tpu.memref_slice %arg9[%dma_wait3A_218, %dma_wait3A_219] : memref<128x128xf32, #tpu.memory_space<vmem>> -> memref<80x128xf32, #tpu.memory_space<vmem>>
      tpu.wait_dma2 semaphore(%arg13 : memref<!tpu.dma_semaphore, #tpu.memory_space<semaphore_mem>>) src(%dma_wait3A_220 : memref<80x128xf32, #tpu.memory_space<vmem>>) dst(%dma_wait3A_217 : memref<80x128xf32, #tpu.memory_space<hbm>>)
      %dma_start3A = arith.constant 0 : i32
      %dma_start3A_221 = arith.constant 0 : i32
      %dma_start3A_222 = tpu.memref_slice %arg9[%dma_start3A, %dma_start3A_221] : memref<128x128xf32, #tpu.memory_space<vmem>> -> memref<80x128xf32, #tpu.memory_space<vmem>>
      %dma_start3A_223 = arith.constant 0 : i32
      %dma_start3A_224 = tpu.memref_slice %arg5[%mul3A_206, %dma_start3A_223] : memref<10064x128xf32, #tpu.memory_space<vmem_shared>> -> memref<80x128xf32, #tpu.memory_space<vmem_shared>>
      %dma_start3A_225 = arith.constant 0 : i32
      %dma_start3A_226 = arith.constant 0 : i32
      %dma_start3A_227 = tpu.memref_slice %arg9[%dma_start3A_225, %dma_start3A_226] : memref<128x128xf32, #tpu.memory_space<vmem>> -> memref<80x128xf32, #tpu.memory_space<vmem>>
      %dma_start3A_228 = arith.constant 0 : i32
      %dma_start3A_229 = tpu.memref_slice %arg5[%mul3A_206, %dma_start3A_228] : memref<10064x128xf32, #tpu.memory_space<vmem_shared>> -> memref<80x128xf32, #tpu.memory_space<vmem_shared>>
      tpu.enqueue_dma source(%dma_start3A_229 : memref<80x128xf32, #tpu.memory_space<vmem_shared>>) target(%dma_start3A_227 : memref<80x128xf32, #tpu.memory_space<vmem>>) target_semaphore(%arg11 : memref<!tpu.dma_semaphore, #tpu.memory_space<semaphore_mem>>)
      %dma_wait3A_230 = arith.constant 0 : i32
      %dma_wait3A_231 = arith.constant 0 : i32
      %dma_wait3A_232 = tpu.memref_slice %arg9[%dma_wait3A_230, %dma_wait3A_231] : memref<128x128xf32, #tpu.memory_space<vmem>> -> memref<80x128xf32, #tpu.memory_space<vmem>>
      %dma_wait3A_233 = arith.constant 0 : i32
      %dma_wait3A_234 = arith.constant 0 : i32
      %dma_wait3A_235 = tpu.memref_slice %arg5[%dma_wait3A_233, %dma_wait3A_234] : memref<10064x128xf32, #tpu.memory_space<vmem_shared>> -> memref<80x128xf32, #tpu.memory_space<vmem_shared>>
      %dma_wait3A_236 = arith.constant 0 : i32
      %dma_wait3A_237 = arith.constant 0 : i32
      %dma_wait3A_238 = tpu.memref_slice %arg9[%dma_wait3A_236, %dma_wait3A_237] : memref<128x128xf32, #tpu.memory_space<vmem>> -> memref<80x128xf32, #tpu.memory_space<vmem>>
      %dma_wait3A_239 = arith.constant 0 : i32
      %dma_wait3A_240 = arith.constant 0 : i32
      %dma_wait3A_241 = tpu.memref_slice %arg5[%dma_wait3A_239, %dma_wait3A_240] : memref<10064x128xf32, #tpu.memory_space<vmem_shared>> -> memref<80x128xf32, #tpu.memory_space<vmem_shared>>
      tpu.wait_dma2 semaphore(%arg11 : memref<!tpu.dma_semaphore, #tpu.memory_space<semaphore_mem>>) src(%dma_wait3A_241 : memref<80x128xf32, #tpu.memory_space<vmem_shared>>) dst(%dma_wait3A_238 : memref<80x128xf32, #tpu.memory_space<vmem>>)
      %dma_start3A_242 = arith.constant 0 : i32
      %dma_start3A_243 = arith.constant 0 : i32
      %dma_start3A_244 = tpu.memref_slice %arg9[%dma_start3A_242, %dma_start3A_243] : memref<128x128xf32, #tpu.memory_space<vmem>> -> memref<80x128xf32, #tpu.memory_space<vmem>>
      %dma_start3A_245 = arith.constant 0 : i32
      %dma_start3A_246 = tpu.memref_slice %arg4[%arg0, %mul3A_206, %dma_start3A_245] : memref<2x10000x128xf32, #tpu.memory_space<hbm>> -> memref<1x80x128xf32, #tpu.memory_space<hbm>>
      %dma_start3A_247 = tpu.memref_squeeze %dma_start3A_246 : memref<1x80x128xf32, #tpu.memory_space<hbm>> -> memref<80x128xf32, #tpu.memory_space<hbm>>
      %dma_start3A_248 = arith.constant 0 : i32
      %dma_start3A_249 = tpu.memref_slice %arg4[%arg0, %mul3A_206, %dma_start3A_248] : memref<2x10000x128xf32, #tpu.memory_space<hbm>> -> memref<1x80x128xf32, #tpu.memory_space<hbm>>
      %dma_start3A_250 = tpu.memref_squeeze %dma_start3A_249 : memref<1x80x128xf32, #tpu.memory_space<hbm>> -> memref<80x128xf32, #tpu.memory_space<hbm>>
      %dma_start3A_251 = arith.constant 0 : i32
      %dma_start3A_252 = arith.constant 0 : i32
      %dma_start3A_253 = tpu.memref_slice %arg9[%dma_start3A_251, %dma_start3A_252] : memref<128x128xf32, #tpu.memory_space<vmem>> -> memref<80x128xf32, #tpu.memory_space<vmem>>
      tpu.enqueue_dma source(%dma_start3A_253 : memref<80x128xf32, #tpu.memory_space<vmem>>) target(%dma_start3A_250 : memref<80x128xf32, #tpu.memory_space<hbm>>) target_semaphore(%arg13 : memref<!tpu.dma_semaphore, #tpu.memory_space<semaphore_mem>>)
    } else {
    }
    %dma_wait3A = arith.constant 0 : i32
    %dma_wait3A_178 = arith.constant 0 : i32
    %dma_wait3A_179 = tpu.memref_slice %arg8[%dma_wait3A, %dma_wait3A_178] : memref<128x128xf32, #tpu.memory_space<vmem>> -> memref<80x128xf32, #tpu.memory_space<vmem>>
    %dma_wait3A_180 = arith.constant 0 : i32
    %dma_wait3A_181 = arith.constant 0 : i32
    %dma_wait3A_182 = tpu.memref_slice %arg4[%arg0, %dma_wait3A_180, %dma_wait3A_181] : memref<2x10000x128xf32, #tpu.memory_space<hbm>> -> memref<1x80x128xf32, #tpu.memory_space<hbm>>
    %dma_wait3A_183 = tpu.memref_squeeze %dma_wait3A_182 : memref<1x80x128xf32, #tpu.memory_space<hbm>> -> memref<80x128xf32, #tpu.memory_space<hbm>>
    %dma_wait3A_184 = arith.constant 0 : i32
    %dma_wait3A_185 = arith.constant 0 : i32
    %dma_wait3A_186 = tpu.memref_slice %arg4[%arg0, %dma_wait3A_184, %dma_wait3A_185] : memref<2x10000x128xf32, #tpu.memory_space<hbm>> -> memref<1x80x128xf32, #tpu.memory_space<hbm>>
    %dma_wait3A_187 = tpu.memref_squeeze %dma_wait3A_186 : memref<1x80x128xf32, #tpu.memory_space<hbm>> -> memref<80x128xf32, #tpu.memory_space<hbm>>
    %dma_wait3A_188 = arith.constant 0 : i32
    %dma_wait3A_189 = arith.constant 0 : i32
    %dma_wait3A_190 = tpu.memref_slice %arg8[%dma_wait3A_188, %dma_wait3A_189] : memref<128x128xf32, #tpu.memory_space<vmem>> -> memref<80x128xf32, #tpu.memory_space<vmem>>
    tpu.wait_dma2 semaphore(%arg12 : memref<!tpu.dma_semaphore, #tpu.memory_space<semaphore_mem>>) src(%dma_wait3A_190 : memref<80x128xf32, #tpu.memory_space<vmem>>) dst(%dma_wait3A_187 : memref<80x128xf32, #tpu.memory_space<hbm>>)
    %dma_wait3A_191 = arith.constant 0 : i32
    %dma_wait3A_192 = arith.constant 0 : i32
    %dma_wait3A_193 = tpu.memref_slice %arg9[%dma_wait3A_191, %dma_wait3A_192] : memref<128x128xf32, #tpu.memory_space<vmem>> -> memref<80x128xf32, #tpu.memory_space<vmem>>
    %dma_wait3A_194 = arith.constant 0 : i32
    %dma_wait3A_195 = arith.constant 0 : i32
    %dma_wait3A_196 = tpu.memref_slice %arg4[%arg0, %dma_wait3A_194, %dma_wait3A_195] : memref<2x10000x128xf32, #tpu.memory_space<hbm>> -> memref<1x80x128xf32, #tpu.memory_space<hbm>>
    %dma_wait3A_197 = tpu.memref_squeeze %dma_wait3A_196 : memref<1x80x128xf32, #tpu.memory_space<hbm>> -> memref<80x128xf32, #tpu.memory_space<hbm>>
    %dma_wait3A_198 = arith.constant 0 : i32
    %dma_wait3A_199 = arith.constant 0 : i32
    %dma_wait3A_200 = tpu.memref_slice %arg4[%arg0, %dma_wait3A_198, %dma_wait3A_199] : memref<2x10000x128xf32, #tpu.memory_space<hbm>> -> memref<1x80x128xf32, #tpu.memory_space<hbm>>
    %dma_wait3A_201 = tpu.memref_squeeze %dma_wait3A_200 : memref<1x80x128xf32, #tpu.memory_space<hbm>> -> memref<80x128xf32, #tpu.memory_space<hbm>>
    %dma_wait3A_202 = arith.constant 0 : i32
    %dma_wait3A_203 = arith.constant 0 : i32
    %dma_wait3A_204 = tpu.memref_slice %arg9[%dma_wait3A_202, %dma_wait3A_203] : memref<128x128xf32, #tpu.memory_space<vmem>> -> memref<80x128xf32, #tpu.memory_space<vmem>>
    tpu.wait_dma2 semaphore(%arg13 : memref<!tpu.dma_semaphore, #tpu.memory_space<semaphore_mem>>) src(%dma_wait3A_204 : memref<80x128xf32, #tpu.memory_space<vmem>>) dst(%dma_wait3A_201 : memref<80x128xf32, #tpu.memory_space<hbm>>)
    return
  }
}

#map = affine_map<(d0, d1) -> (0, 0, 0, 0)>
#map1 = affine_map<(d0, d1) -> (0, 0)>
#map2 = affine_map<(d0, d1) -> (0, 0, 0)>
module attributes {stable_mosaic.version = 14 : i64} {
  func.func @_deg_sc(%arg0: i32, %arg1: i32, %arg2: memref<2x32x80x128xi32, #tpu.memory_space<hbm>>, %arg3: memref<128x16xf32, #tpu.memory_space<hbm>>, %arg4: memref<640x16xf32, #tpu.memory_space<hbm>>, %arg5: memref<2x10240x16xf32, #tpu.memory_space<hbm>>, %arg6: memref<10240x16xf32, #tpu.memory_space<vmem_shared>>, %arg7: memref<80x128xi32, #tpu.memory_space<vmem>>, %arg8: memref<128x16xf32, #tpu.memory_space<vmem>>, %arg9: memref<640x16xf32, #tpu.memory_space<vmem>>, %arg10: memref<!tpu.dma_semaphore, #tpu.memory_space<semaphore_mem>>) attributes {dimension_semantics = [#tpu.dimension_semantics<core_parallel>, #tpu.dimension_semantics<subcore_parallel>], iteration_bounds = array<i64: 2, 16>, scalar_prefetch = 0 : i64, scratch_operands = 5 : i64, tpu.core_type = #tpu.core_type<sc_vector_subcore>, window_params = [{transform_indices = #map}, {transform_indices = #map1}, {transform_indices = #map1}, {transform_indices = #map2}]} {
    %mul3A = arith.constant 2 : i32
    %mul3A_0 = arith.muli %arg1, %mul3A : i32
    %add3A = arith.addi %mul3A_0, %arg0 : i32
    "tpu.region"() ({
      %run_scoped3A_13 = tpu.sem_alloc : memref<!tpu.dma_semaphore, #tpu.memory_space<semaphore_mem>>
      tpu.enqueue_dma source(%arg4 : memref<640x16xf32, #tpu.memory_space<hbm>>) target(%arg9 : memref<640x16xf32, #tpu.memory_space<vmem>>) target_semaphore(%run_scoped3A_13 : memref<!tpu.dma_semaphore, #tpu.memory_space<semaphore_mem>>)
      tpu.wait_dma2 semaphore(%run_scoped3A_13 : memref<!tpu.dma_semaphore, #tpu.memory_space<semaphore_mem>>) src(%arg4 : memref<640x16xf32, #tpu.memory_space<hbm>>) dst(%arg9 : memref<640x16xf32, #tpu.memory_space<vmem>>)
      tpu.yield
    }) : () -> ()
    %mul3A_1 = arith.constant 640 : i32
    %mul3A_2 = arith.muli %arg1, %mul3A_1 : i32
    "tpu.region"() ({
      %run_scoped3A_13 = tpu.sem_alloc : memref<!tpu.dma_semaphore, #tpu.memory_space<semaphore_mem>>
      %dma_start3A = arith.constant 0 : i32
      %dma_start3A_14 = tpu.memref_slice %arg6[%mul3A_2, %dma_start3A] : memref<10240x16xf32, #tpu.memory_space<vmem_shared>> -> memref<640x16xf32, #tpu.memory_space<vmem_shared>>
      %dma_start3A_15 = arith.constant 0 : i32
      %dma_start3A_16 = tpu.memref_slice %arg6[%mul3A_2, %dma_start3A_15] : memref<10240x16xf32, #tpu.memory_space<vmem_shared>> -> memref<640x16xf32, #tpu.memory_space<vmem_shared>>
      tpu.enqueue_dma source(%arg9 : memref<640x16xf32, #tpu.memory_space<vmem>>) target(%dma_start3A_16 : memref<640x16xf32, #tpu.memory_space<vmem_shared>>) target_semaphore(%run_scoped3A_13 : memref<!tpu.dma_semaphore, #tpu.memory_space<semaphore_mem>>)
      %dma_wait3A = arith.constant 0 : i32
      %dma_wait3A_17 = tpu.memref_slice %arg6[%mul3A_2, %dma_wait3A] : memref<10240x16xf32, #tpu.memory_space<vmem_shared>> -> memref<640x16xf32, #tpu.memory_space<vmem_shared>>
      %dma_wait3A_18 = arith.constant 0 : i32
      %dma_wait3A_19 = tpu.memref_slice %arg6[%mul3A_2, %dma_wait3A_18] : memref<10240x16xf32, #tpu.memory_space<vmem_shared>> -> memref<640x16xf32, #tpu.memory_space<vmem_shared>>
      tpu.wait_dma2 semaphore(%run_scoped3A_13 : memref<!tpu.dma_semaphore, #tpu.memory_space<semaphore_mem>>) src(%arg9 : memref<640x16xf32, #tpu.memory_space<vmem>>) dst(%dma_wait3A_19 : memref<640x16xf32, #tpu.memory_space<vmem_shared>>)
      tpu.yield
    }) : () -> ()
    "tpu.region"() ({
      %run_scoped3A_13 = tpu.sem_alloc : memref<!tpu.dma_semaphore, #tpu.memory_space<semaphore_mem>>
      tpu.enqueue_dma source(%arg3 : memref<128x16xf32, #tpu.memory_space<hbm>>) target(%arg8 : memref<128x16xf32, #tpu.memory_space<vmem>>) target_semaphore(%run_scoped3A_13 : memref<!tpu.dma_semaphore, #tpu.memory_space<semaphore_mem>>)
      tpu.wait_dma2 semaphore(%run_scoped3A_13 : memref<!tpu.dma_semaphore, #tpu.memory_space<semaphore_mem>>) src(%arg3 : memref<128x16xf32, #tpu.memory_space<hbm>>) dst(%arg8 : memref<128x16xf32, #tpu.memory_space<vmem>>)
      tpu.yield
    }) : () -> ()
    %run_scoped3A = arith.constant 1 : i32
    "tpu.region"() ({
      %run_scoped3A_13 = tpu.sem_alloc : memref<!tpu.dma_semaphore, #tpu.memory_space<semaphore_mem>>
      %dma_start3A = arith.constant 0 : i32
      %dma_start3A_14 = arith.constant 0 : i32
      %dma_start3A_15 = tpu.memref_slice %arg2[%run_scoped3A, %add3A, %dma_start3A, %dma_start3A_14] : memref<2x32x80x128xi32, #tpu.memory_space<hbm>> -> memref<1x1x80x128xi32, #tpu.memory_space<hbm>>
      %dma_start3A_16 = tpu.memref_squeeze %dma_start3A_15 : memref<1x1x80x128xi32, #tpu.memory_space<hbm>> -> memref<80x128xi32, #tpu.memory_space<hbm>>
      %dma_start3A_17 = arith.constant 0 : i32
      %dma_start3A_18 = arith.constant 0 : i32
      %dma_start3A_19 = tpu.memref_slice %arg2[%run_scoped3A, %add3A, %dma_start3A_17, %dma_start3A_18] : memref<2x32x80x128xi32, #tpu.memory_space<hbm>> -> memref<1x1x80x128xi32, #tpu.memory_space<hbm>>
      %dma_start3A_20 = tpu.memref_squeeze %dma_start3A_19 : memref<1x1x80x128xi32, #tpu.memory_space<hbm>> -> memref<80x128xi32, #tpu.memory_space<hbm>>
      tpu.enqueue_dma source(%dma_start3A_20 : memref<80x128xi32, #tpu.memory_space<hbm>>) target(%arg7 : memref<80x128xi32, #tpu.memory_space<vmem>>) target_semaphore(%run_scoped3A_13 : memref<!tpu.dma_semaphore, #tpu.memory_space<semaphore_mem>>)
      %dma_wait3A = arith.constant 0 : i32
      %dma_wait3A_21 = arith.constant 0 : i32
      %dma_wait3A_22 = tpu.memref_slice %arg2[%run_scoped3A, %add3A, %dma_wait3A, %dma_wait3A_21] : memref<2x32x80x128xi32, #tpu.memory_space<hbm>> -> memref<1x1x80x128xi32, #tpu.memory_space<hbm>>
      %dma_wait3A_23 = tpu.memref_squeeze %dma_wait3A_22 : memref<1x1x80x128xi32, #tpu.memory_space<hbm>> -> memref<80x128xi32, #tpu.memory_space<hbm>>
      %dma_wait3A_24 = arith.constant 0 : i32
      %dma_wait3A_25 = arith.constant 0 : i32
      %dma_wait3A_26 = tpu.memref_slice %arg2[%run_scoped3A, %add3A, %dma_wait3A_24, %dma_wait3A_25] : memref<2x32x80x128xi32, #tpu.memory_space<hbm>> -> memref<1x1x80x128xi32, #tpu.memory_space<hbm>>
      %dma_wait3A_27 = tpu.memref_squeeze %dma_wait3A_26 : memref<1x1x80x128xi32, #tpu.memory_space<hbm>> -> memref<80x128xi32, #tpu.memory_space<hbm>>
      tpu.wait_dma2 semaphore(%run_scoped3A_13 : memref<!tpu.dma_semaphore, #tpu.memory_space<semaphore_mem>>) src(%dma_wait3A_27 : memref<80x128xi32, #tpu.memory_space<hbm>>) dst(%arg7 : memref<80x128xi32, #tpu.memory_space<vmem>>)
      tpu.yield
    }) : () -> ()
    %barrier3A = arith.constant 0 : index
    tpu.barrier barrier_id(%barrier3A)
    %scan3A = arith.constant 0 : i32
    %scan3A_3 = arith.constant 0 : i32
    %scan3A_4 = arith.constant 10 : i32
    %scan3A_5 = arith.addi %scan3A_3, %scan3A_4 : i32
    %scan3A_6 = arith.constant 1 : i32
    scf.for %scan3A_13 = %scan3A_3 to %scan3A_5 step %scan3A_6  : i32 {
      %mul3A_14 = arith.constant 8 : i32
      %mul3A_15 = arith.muli %mul3A_14, %scan3A_13 : i32
      %add3A_16 = arith.constant 0 : i32
      %add3A_17 = arith.addi %mul3A_15, %add3A_16 : i32
      %dma_start3A = arith.constant 0 : i32
      %dma_start3A_18 = tpu.memref_slice %arg7[%add3A_17, %dma_start3A] : memref<80x128xi32, #tpu.memory_space<vmem>> -> memref<1x128xi32, #tpu.memory_space<vmem>>
      %dma_start3A_19 = tpu.memref_squeeze %dma_start3A_18 : memref<1x128xi32, #tpu.memory_space<vmem>> -> memref<128xi32, #tpu.memory_space<vmem>>
      %dma_start3A_20 = arith.constant 0 : i32
      %dma_start3A_21 = arith.constant 0 : i32
      %dma_start3A_22 = tpu.memref_slice %arg6[%dma_start3A_20, %dma_start3A_21] : memref<10240x16xf32, #tpu.memory_space<vmem_shared>> -> memref<10240x16xf32, #tpu.memory_space<vmem_shared>>
      tpu.enqueue_indirect_dma source(%arg8 : memref<128x16xf32, #tpu.memory_space<vmem>>) target(%dma_start3A_22 : memref<10240x16xf32, #tpu.memory_space<vmem_shared>>) offsets(%dma_start3A_19 : memref<128xi32, #tpu.memory_space<vmem>>) semaphore(%arg10 : memref<!tpu.dma_semaphore, #tpu.memory_space<semaphore_mem>>) {add = true}
      %mul3A_23 = arith.constant 8 : i32
      %mul3A_24 = arith.muli %mul3A_23, %scan3A_13 : i32
      %add3A_25 = arith.constant 1 : i32
      %add3A_26 = arith.addi %mul3A_24, %add3A_25 : i32
      %dma_start3A_27 = arith.constant 0 : i32
      %dma_start3A_28 = tpu.memref_slice %arg7[%add3A_26, %dma_start3A_27] : memref<80x128xi32, #tpu.memory_space<vmem>> -> memref<1x128xi32, #tpu.memory_space<vmem>>
      %dma_start3A_29 = tpu.memref_squeeze %dma_start3A_28 : memref<1x128xi32, #tpu.memory_space<vmem>> -> memref<128xi32, #tpu.memory_space<vmem>>
      %dma_start3A_30 = arith.constant 0 : i32
      %dma_start3A_31 = arith.constant 0 : i32
      %dma_start3A_32 = tpu.memref_slice %arg6[%dma_start3A_30, %dma_start3A_31] : memref<10240x16xf32, #tpu.memory_space<vmem_shared>> -> memref<10240x16xf32, #tpu.memory_space<vmem_shared>>
      tpu.enqueue_indirect_dma source(%arg8 : memref<128x16xf32, #tpu.memory_space<vmem>>) target(%dma_start3A_32 : memref<10240x16xf32, #tpu.memory_space<vmem_shared>>) offsets(%dma_start3A_29 : memref<128xi32, #tpu.memory_space<vmem>>) semaphore(%arg10 : memref<!tpu.dma_semaphore, #tpu.memory_space<semaphore_mem>>) {add = true}
      %mul3A_33 = arith.constant 8 : i32
      %mul3A_34 = arith.muli %mul3A_33, %scan3A_13 : i32
      %add3A_35 = arith.constant 2 : i32
      %add3A_36 = arith.addi %mul3A_34, %add3A_35 : i32
      %dma_start3A_37 = arith.constant 0 : i32
      %dma_start3A_38 = tpu.memref_slice %arg7[%add3A_36, %dma_start3A_37] : memref<80x128xi32, #tpu.memory_space<vmem>> -> memref<1x128xi32, #tpu.memory_space<vmem>>
      %dma_start3A_39 = tpu.memref_squeeze %dma_start3A_38 : memref<1x128xi32, #tpu.memory_space<vmem>> -> memref<128xi32, #tpu.memory_space<vmem>>
      %dma_start3A_40 = arith.constant 0 : i32
      %dma_start3A_41 = arith.constant 0 : i32
      %dma_start3A_42 = tpu.memref_slice %arg6[%dma_start3A_40, %dma_start3A_41] : memref<10240x16xf32, #tpu.memory_space<vmem_shared>> -> memref<10240x16xf32, #tpu.memory_space<vmem_shared>>
      tpu.enqueue_indirect_dma source(%arg8 : memref<128x16xf32, #tpu.memory_space<vmem>>) target(%dma_start3A_42 : memref<10240x16xf32, #tpu.memory_space<vmem_shared>>) offsets(%dma_start3A_39 : memref<128xi32, #tpu.memory_space<vmem>>) semaphore(%arg10 : memref<!tpu.dma_semaphore, #tpu.memory_space<semaphore_mem>>) {add = true}
      %mul3A_43 = arith.constant 8 : i32
      %mul3A_44 = arith.muli %mul3A_43, %scan3A_13 : i32
      %add3A_45 = arith.constant 3 : i32
      %add3A_46 = arith.addi %mul3A_44, %add3A_45 : i32
      %dma_start3A_47 = arith.constant 0 : i32
      %dma_start3A_48 = tpu.memref_slice %arg7[%add3A_46, %dma_start3A_47] : memref<80x128xi32, #tpu.memory_space<vmem>> -> memref<1x128xi32, #tpu.memory_space<vmem>>
      %dma_start3A_49 = tpu.memref_squeeze %dma_start3A_48 : memref<1x128xi32, #tpu.memory_space<vmem>> -> memref<128xi32, #tpu.memory_space<vmem>>
      %dma_start3A_50 = arith.constant 0 : i32
      %dma_start3A_51 = arith.constant 0 : i32
      %dma_start3A_52 = tpu.memref_slice %arg6[%dma_start3A_50, %dma_start3A_51] : memref<10240x16xf32, #tpu.memory_space<vmem_shared>> -> memref<10240x16xf32, #tpu.memory_space<vmem_shared>>
      tpu.enqueue_indirect_dma source(%arg8 : memref<128x16xf32, #tpu.memory_space<vmem>>) target(%dma_start3A_52 : memref<10240x16xf32, #tpu.memory_space<vmem_shared>>) offsets(%dma_start3A_49 : memref<128xi32, #tpu.memory_space<vmem>>) semaphore(%arg10 : memref<!tpu.dma_semaphore, #tpu.memory_space<semaphore_mem>>) {add = true}
      %mul3A_53 = arith.constant 8 : i32
      %mul3A_54 = arith.muli %mul3A_53, %scan3A_13 : i32
      %add3A_55 = arith.constant 4 : i32
      %add3A_56 = arith.addi %mul3A_54, %add3A_55 : i32
      %dma_start3A_57 = arith.constant 0 : i32
      %dma_start3A_58 = tpu.memref_slice %arg7[%add3A_56, %dma_start3A_57] : memref<80x128xi32, #tpu.memory_space<vmem>> -> memref<1x128xi32, #tpu.memory_space<vmem>>
      %dma_start3A_59 = tpu.memref_squeeze %dma_start3A_58 : memref<1x128xi32, #tpu.memory_space<vmem>> -> memref<128xi32, #tpu.memory_space<vmem>>
      %dma_start3A_60 = arith.constant 0 : i32
      %dma_start3A_61 = arith.constant 0 : i32
      %dma_start3A_62 = tpu.memref_slice %arg6[%dma_start3A_60, %dma_start3A_61] : memref<10240x16xf32, #tpu.memory_space<vmem_shared>> -> memref<10240x16xf32, #tpu.memory_space<vmem_shared>>
      tpu.enqueue_indirect_dma source(%arg8 : memref<128x16xf32, #tpu.memory_space<vmem>>) target(%dma_start3A_62 : memref<10240x16xf32, #tpu.memory_space<vmem_shared>>) offsets(%dma_start3A_59 : memref<128xi32, #tpu.memory_space<vmem>>) semaphore(%arg10 : memref<!tpu.dma_semaphore, #tpu.memory_space<semaphore_mem>>) {add = true}
      %mul3A_63 = arith.constant 8 : i32
      %mul3A_64 = arith.muli %mul3A_63, %scan3A_13 : i32
      %add3A_65 = arith.constant 5 : i32
      %add3A_66 = arith.addi %mul3A_64, %add3A_65 : i32
      %dma_start3A_67 = arith.constant 0 : i32
      %dma_start3A_68 = tpu.memref_slice %arg7[%add3A_66, %dma_start3A_67] : memref<80x128xi32, #tpu.memory_space<vmem>> -> memref<1x128xi32, #tpu.memory_space<vmem>>
      %dma_start3A_69 = tpu.memref_squeeze %dma_start3A_68 : memref<1x128xi32, #tpu.memory_space<vmem>> -> memref<128xi32, #tpu.memory_space<vmem>>
      %dma_start3A_70 = arith.constant 0 : i32
      %dma_start3A_71 = arith.constant 0 : i32
      %dma_start3A_72 = tpu.memref_slice %arg6[%dma_start3A_70, %dma_start3A_71] : memref<10240x16xf32, #tpu.memory_space<vmem_shared>> -> memref<10240x16xf32, #tpu.memory_space<vmem_shared>>
      tpu.enqueue_indirect_dma source(%arg8 : memref<128x16xf32, #tpu.memory_space<vmem>>) target(%dma_start3A_72 : memref<10240x16xf32, #tpu.memory_space<vmem_shared>>) offsets(%dma_start3A_69 : memref<128xi32, #tpu.memory_space<vmem>>) semaphore(%arg10 : memref<!tpu.dma_semaphore, #tpu.memory_space<semaphore_mem>>) {add = true}
      %mul3A_73 = arith.constant 8 : i32
      %mul3A_74 = arith.muli %mul3A_73, %scan3A_13 : i32
      %add3A_75 = arith.constant 6 : i32
      %add3A_76 = arith.addi %mul3A_74, %add3A_75 : i32
      %dma_start3A_77 = arith.constant 0 : i32
      %dma_start3A_78 = tpu.memref_slice %arg7[%add3A_76, %dma_start3A_77] : memref<80x128xi32, #tpu.memory_space<vmem>> -> memref<1x128xi32, #tpu.memory_space<vmem>>
      %dma_start3A_79 = tpu.memref_squeeze %dma_start3A_78 : memref<1x128xi32, #tpu.memory_space<vmem>> -> memref<128xi32, #tpu.memory_space<vmem>>
      %dma_start3A_80 = arith.constant 0 : i32
      %dma_start3A_81 = arith.constant 0 : i32
      %dma_start3A_82 = tpu.memref_slice %arg6[%dma_start3A_80, %dma_start3A_81] : memref<10240x16xf32, #tpu.memory_space<vmem_shared>> -> memref<10240x16xf32, #tpu.memory_space<vmem_shared>>
      tpu.enqueue_indirect_dma source(%arg8 : memref<128x16xf32, #tpu.memory_space<vmem>>) target(%dma_start3A_82 : memref<10240x16xf32, #tpu.memory_space<vmem_shared>>) offsets(%dma_start3A_79 : memref<128xi32, #tpu.memory_space<vmem>>) semaphore(%arg10 : memref<!tpu.dma_semaphore, #tpu.memory_space<semaphore_mem>>) {add = true}
      %mul3A_83 = arith.constant 8 : i32
      %mul3A_84 = arith.muli %mul3A_83, %scan3A_13 : i32
      %add3A_85 = arith.constant 7 : i32
      %add3A_86 = arith.addi %mul3A_84, %add3A_85 : i32
      %dma_start3A_87 = arith.constant 0 : i32
      %dma_start3A_88 = tpu.memref_slice %arg7[%add3A_86, %dma_start3A_87] : memref<80x128xi32, #tpu.memory_space<vmem>> -> memref<1x128xi32, #tpu.memory_space<vmem>>
      %dma_start3A_89 = tpu.memref_squeeze %dma_start3A_88 : memref<1x128xi32, #tpu.memory_space<vmem>> -> memref<128xi32, #tpu.memory_space<vmem>>
      %dma_start3A_90 = arith.constant 0 : i32
      %dma_start3A_91 = arith.constant 0 : i32
      %dma_start3A_92 = tpu.memref_slice %arg6[%dma_start3A_90, %dma_start3A_91] : memref<10240x16xf32, #tpu.memory_space<vmem_shared>> -> memref<10240x16xf32, #tpu.memory_space<vmem_shared>>
      tpu.enqueue_indirect_dma source(%arg8 : memref<128x16xf32, #tpu.memory_space<vmem>>) target(%dma_start3A_92 : memref<10240x16xf32, #tpu.memory_space<vmem_shared>>) offsets(%dma_start3A_89 : memref<128xi32, #tpu.memory_space<vmem>>) semaphore(%arg10 : memref<!tpu.dma_semaphore, #tpu.memory_space<semaphore_mem>>) {add = true}
      %dma_wait3A = arith.constant 0 : i32
      %dma_wait3A_93 = arith.constant 0 : i32
      %dma_wait3A_94 = tpu.memref_slice %arg7[%dma_wait3A, %dma_wait3A_93] : memref<80x128xi32, #tpu.memory_space<vmem>> -> memref<1x128xi32, #tpu.memory_space<vmem>>
      %dma_wait3A_95 = tpu.memref_squeeze %dma_wait3A_94 : memref<1x128xi32, #tpu.memory_space<vmem>> -> memref<128xi32, #tpu.memory_space<vmem>>
      %dma_wait3A_96 = arith.constant 0 : i32
      %dma_wait3A_97 = arith.constant 0 : i32
      %dma_wait3A_98 = tpu.memref_slice %arg6[%dma_wait3A_96, %dma_wait3A_97] : memref<10240x16xf32, #tpu.memory_space<vmem_shared>> -> memref<10240x16xf32, #tpu.memory_space<vmem_shared>>
      tpu.wait_indirect_dma semaphore(%arg10 : memref<!tpu.dma_semaphore, #tpu.memory_space<semaphore_mem>>) src(%arg8 : memref<128x16xf32, #tpu.memory_space<vmem>>) dst(%dma_wait3A_98 : memref<10240x16xf32, #tpu.memory_space<vmem_shared>>)
      %dma_wait3A_99 = arith.constant 0 : i32
      %dma_wait3A_100 = arith.constant 0 : i32
      %dma_wait3A_101 = tpu.memref_slice %arg7[%dma_wait3A_99, %dma_wait3A_100] : memref<80x128xi32, #tpu.memory_space<vmem>> -> memref<1x128xi32, #tpu.memory_space<vmem>>
      %dma_wait3A_102 = tpu.memref_squeeze %dma_wait3A_101 : memref<1x128xi32, #tpu.memory_space<vmem>> -> memref<128xi32, #tpu.memory_space<vmem>>
      %dma_wait3A_103 = arith.constant 0 : i32
      %dma_wait3A_104 = arith.constant 0 : i32
      %dma_wait3A_105 = tpu.memref_slice %arg6[%dma_wait3A_103, %dma_wait3A_104] : memref<10240x16xf32, #tpu.memory_space<vmem_shared>> -> memref<10240x16xf32, #tpu.memory_space<vmem_shared>>
      tpu.wait_indirect_dma semaphore(%arg10 : memref<!tpu.dma_semaphore, #tpu.memory_space<semaphore_mem>>) src(%arg8 : memref<128x16xf32, #tpu.memory_space<vmem>>) dst(%dma_wait3A_105 : memref<10240x16xf32, #tpu.memory_space<vmem_shared>>)
      %dma_wait3A_106 = arith.constant 0 : i32
      %dma_wait3A_107 = arith.constant 0 : i32
      %dma_wait3A_108 = tpu.memref_slice %arg7[%dma_wait3A_106, %dma_wait3A_107] : memref<80x128xi32, #tpu.memory_space<vmem>> -> memref<1x128xi32, #tpu.memory_space<vmem>>
      %dma_wait3A_109 = tpu.memref_squeeze %dma_wait3A_108 : memref<1x128xi32, #tpu.memory_space<vmem>> -> memref<128xi32, #tpu.memory_space<vmem>>
      %dma_wait3A_110 = arith.constant 0 : i32
      %dma_wait3A_111 = arith.constant 0 : i32
      %dma_wait3A_112 = tpu.memref_slice %arg6[%dma_wait3A_110, %dma_wait3A_111] : memref<10240x16xf32, #tpu.memory_space<vmem_shared>> -> memref<10240x16xf32, #tpu.memory_space<vmem_shared>>
      tpu.wait_indirect_dma semaphore(%arg10 : memref<!tpu.dma_semaphore, #tpu.memory_space<semaphore_mem>>) src(%arg8 : memref<128x16xf32, #tpu.memory_space<vmem>>) dst(%dma_wait3A_112 : memref<10240x16xf32, #tpu.memory_space<vmem_shared>>)
      %dma_wait3A_113 = arith.constant 0 : i32
      %dma_wait3A_114 = arith.constant 0 : i32
      %dma_wait3A_115 = tpu.memref_slice %arg7[%dma_wait3A_113, %dma_wait3A_114] : memref<80x128xi32, #tpu.memory_space<vmem>> -> memref<1x128xi32, #tpu.memory_space<vmem>>
      %dma_wait3A_116 = tpu.memref_squeeze %dma_wait3A_115 : memref<1x128xi32, #tpu.memory_space<vmem>> -> memref<128xi32, #tpu.memory_space<vmem>>
      %dma_wait3A_117 = arith.constant 0 : i32
      %dma_wait3A_118 = arith.constant 0 : i32
      %dma_wait3A_119 = tpu.memref_slice %arg6[%dma_wait3A_117, %dma_wait3A_118] : memref<10240x16xf32, #tpu.memory_space<vmem_shared>> -> memref<10240x16xf32, #tpu.memory_space<vmem_shared>>
      tpu.wait_indirect_dma semaphore(%arg10 : memref<!tpu.dma_semaphore, #tpu.memory_space<semaphore_mem>>) src(%arg8 : memref<128x16xf32, #tpu.memory_space<vmem>>) dst(%dma_wait3A_119 : memref<10240x16xf32, #tpu.memory_space<vmem_shared>>)
      %dma_wait3A_120 = arith.constant 0 : i32
      %dma_wait3A_121 = arith.constant 0 : i32
      %dma_wait3A_122 = tpu.memref_slice %arg7[%dma_wait3A_120, %dma_wait3A_121] : memref<80x128xi32, #tpu.memory_space<vmem>> -> memref<1x128xi32, #tpu.memory_space<vmem>>
      %dma_wait3A_123 = tpu.memref_squeeze %dma_wait3A_122 : memref<1x128xi32, #tpu.memory_space<vmem>> -> memref<128xi32, #tpu.memory_space<vmem>>
      %dma_wait3A_124 = arith.constant 0 : i32
      %dma_wait3A_125 = arith.constant 0 : i32
      %dma_wait3A_126 = tpu.memref_slice %arg6[%dma_wait3A_124, %dma_wait3A_125] : memref<10240x16xf32, #tpu.memory_space<vmem_shared>> -> memref<10240x16xf32, #tpu.memory_space<vmem_shared>>
      tpu.wait_indirect_dma semaphore(%arg10 : memref<!tpu.dma_semaphore, #tpu.memory_space<semaphore_mem>>) src(%arg8 : memref<128x16xf32, #tpu.memory_space<vmem>>) dst(%dma_wait3A_126 : memref<10240x16xf32, #tpu.memory_space<vmem_shared>>)
      %dma_wait3A_127 = arith.constant 0 : i32
      %dma_wait3A_128 = arith.constant 0 : i32
      %dma_wait3A_129 = tpu.memref_slice %arg7[%dma_wait3A_127, %dma_wait3A_128] : memref<80x128xi32, #tpu.memory_space<vmem>> -> memref<1x128xi32, #tpu.memory_space<vmem>>
      %dma_wait3A_130 = tpu.memref_squeeze %dma_wait3A_129 : memref<1x128xi32, #tpu.memory_space<vmem>> -> memref<128xi32, #tpu.memory_space<vmem>>
      %dma_wait3A_131 = arith.constant 0 : i32
      %dma_wait3A_132 = arith.constant 0 : i32
      %dma_wait3A_133 = tpu.memref_slice %arg6[%dma_wait3A_131, %dma_wait3A_132] : memref<10240x16xf32, #tpu.memory_space<vmem_shared>> -> memref<10240x16xf32, #tpu.memory_space<vmem_shared>>
      tpu.wait_indirect_dma semaphore(%arg10 : memref<!tpu.dma_semaphore, #tpu.memory_space<semaphore_mem>>) src(%arg8 : memref<128x16xf32, #tpu.memory_space<vmem>>) dst(%dma_wait3A_133 : memref<10240x16xf32, #tpu.memory_space<vmem_shared>>)
      %dma_wait3A_134 = arith.constant 0 : i32
      %dma_wait3A_135 = arith.constant 0 : i32
      %dma_wait3A_136 = tpu.memref_slice %arg7[%dma_wait3A_134, %dma_wait3A_135] : memref<80x128xi32, #tpu.memory_space<vmem>> -> memref<1x128xi32, #tpu.memory_space<vmem>>
      %dma_wait3A_137 = tpu.memref_squeeze %dma_wait3A_136 : memref<1x128xi32, #tpu.memory_space<vmem>> -> memref<128xi32, #tpu.memory_space<vmem>>
      %dma_wait3A_138 = arith.constant 0 : i32
      %dma_wait3A_139 = arith.constant 0 : i32
      %dma_wait3A_140 = tpu.memref_slice %arg6[%dma_wait3A_138, %dma_wait3A_139] : memref<10240x16xf32, #tpu.memory_space<vmem_shared>> -> memref<10240x16xf32, #tpu.memory_space<vmem_shared>>
      tpu.wait_indirect_dma semaphore(%arg10 : memref<!tpu.dma_semaphore, #tpu.memory_space<semaphore_mem>>) src(%arg8 : memref<128x16xf32, #tpu.memory_space<vmem>>) dst(%dma_wait3A_140 : memref<10240x16xf32, #tpu.memory_space<vmem_shared>>)
      %dma_wait3A_141 = arith.constant 0 : i32
      %dma_wait3A_142 = arith.constant 0 : i32
      %dma_wait3A_143 = tpu.memref_slice %arg7[%dma_wait3A_141, %dma_wait3A_142] : memref<80x128xi32, #tpu.memory_space<vmem>> -> memref<1x128xi32, #tpu.memory_space<vmem>>
      %dma_wait3A_144 = tpu.memref_squeeze %dma_wait3A_143 : memref<1x128xi32, #tpu.memory_space<vmem>> -> memref<128xi32, #tpu.memory_space<vmem>>
      %dma_wait3A_145 = arith.constant 0 : i32
      %dma_wait3A_146 = arith.constant 0 : i32
      %dma_wait3A_147 = tpu.memref_slice %arg6[%dma_wait3A_145, %dma_wait3A_146] : memref<10240x16xf32, #tpu.memory_space<vmem_shared>> -> memref<10240x16xf32, #tpu.memory_space<vmem_shared>>
      tpu.wait_indirect_dma semaphore(%arg10 : memref<!tpu.dma_semaphore, #tpu.memory_space<semaphore_mem>>) src(%arg8 : memref<128x16xf32, #tpu.memory_space<vmem>>) dst(%dma_wait3A_147 : memref<10240x16xf32, #tpu.memory_space<vmem_shared>>)
    }
    %scan3A_7 = arith.constant 10 : i32
    %barrier3A_8 = arith.constant 0 : index
    tpu.barrier barrier_id(%barrier3A_8)
    %mul3A_9 = arith.constant 640 : i32
    %mul3A_10 = arith.muli %arg1, %mul3A_9 : i32
    %mul3A_11 = arith.constant 640 : i32
    %mul3A_12 = arith.muli %arg1, %mul3A_11 : i32
    "tpu.region"() ({
      %run_scoped3A_13 = tpu.sem_alloc : memref<!tpu.dma_semaphore, #tpu.memory_space<semaphore_mem>>
      %dma_start3A = arith.constant 0 : i32
      %dma_start3A_14 = tpu.memref_slice %arg5[%arg0, %mul3A_12, %dma_start3A] : memref<2x10240x16xf32, #tpu.memory_space<hbm>> -> memref<1x640x16xf32, #tpu.memory_space<hbm>>
      %dma_start3A_15 = tpu.memref_squeeze %dma_start3A_14 : memref<1x640x16xf32, #tpu.memory_space<hbm>> -> memref<640x16xf32, #tpu.memory_space<hbm>>
      %dma_start3A_16 = arith.constant 0 : i32
      %dma_start3A_17 = tpu.memref_slice %arg6[%mul3A_10, %dma_start3A_16] : memref<10240x16xf32, #tpu.memory_space<vmem_shared>> -> memref<640x16xf32, #tpu.memory_space<vmem_shared>>
      tpu.enqueue_dma source(%dma_start3A_17 : memref<640x16xf32, #tpu.memory_space<vmem_shared>>) target(%dma_start3A_15 : memref<640x16xf32, #tpu.memory_space<hbm>>) target_semaphore(%run_scoped3A_13 : memref<!tpu.dma_semaphore, #tpu.memory_space<semaphore_mem>>)
      %dma_wait3A = arith.constant 0 : i32
      %dma_wait3A_18 = tpu.memref_slice %arg5[%arg0, %mul3A_12, %dma_wait3A] : memref<2x10240x16xf32, #tpu.memory_space<hbm>> -> memref<1x640x16xf32, #tpu.memory_space<hbm>>
      %dma_wait3A_19 = tpu.memref_squeeze %dma_wait3A_18 : memref<1x640x16xf32, #tpu.memory_space<hbm>> -> memref<640x16xf32, #tpu.memory_space<hbm>>
      %dma_wait3A_20 = arith.constant 0 : i32
      %dma_wait3A_21 = tpu.memref_slice %arg6[%mul3A_10, %dma_wait3A_20] : memref<10240x16xf32, #tpu.memory_space<vmem_shared>> -> memref<640x16xf32, #tpu.memory_space<vmem_shared>>
      tpu.wait_dma2 semaphore(%run_scoped3A_13 : memref<!tpu.dma_semaphore, #tpu.memory_space<semaphore_mem>>) src(%dma_wait3A_21 : memref<640x16xf32, #tpu.memory_space<vmem_shared>>) dst(%dma_wait3A_19 : memref<640x16xf32, #tpu.memory_space<hbm>>)
      tpu.yield
    }) : () -> ()
    return
  }
}

#map = affine_map<(d0, d1) -> (0, 0)>
#map1 = affine_map<(d0, d1) -> (0, 0, 0, 0)>
#map2 = affine_map<(d0, d1) -> (0, 0, 0)>
module attributes {stable_mosaic.version = 14 : i64} {
  func.func @_scatter_sc(%arg0: i32, %arg1: i32, %arg2: memref<10000x128xf32, #tpu.memory_space<hbm>>, %arg3: memref<2x32x80x128xi32, #tpu.memory_space<hbm>>, %arg4: memref<2x10000x128xf32, #tpu.memory_space<hbm>>, %arg5: memref<10064x128xf32, #tpu.memory_space<vmem_shared>>, %arg6: memref<40x128xi32, #tpu.memory_space<vmem>>, %arg7: memref<40x128xi32, #tpu.memory_space<vmem>>, %arg8: memref<128x128xf32, #tpu.memory_space<vmem>>, %arg9: memref<128x128xf32, #tpu.memory_space<vmem>>, %arg10: memref<!tpu.dma_semaphore, #tpu.memory_space<semaphore_mem>>, %arg11: memref<!tpu.dma_semaphore, #tpu.memory_space<semaphore_mem>>, %arg12: memref<!tpu.dma_semaphore, #tpu.memory_space<semaphore_mem>>, %arg13: memref<!tpu.dma_semaphore, #tpu.memory_space<semaphore_mem>>) attributes {dimension_semantics = [#tpu.dimension_semantics<core_parallel>, #tpu.dimension_semantics<subcore_parallel>], iteration_bounds = array<i64: 2, 16>, scalar_prefetch = 0 : i64, scratch_operands = 9 : i64, tpu.core_type = #tpu.core_type<sc_vector_subcore>, window_params = [{transform_indices = #map}, {transform_indices = #map1}, {transform_indices = #map2}]} {
    %mul3A = arith.constant 2 : i32
    %mul3A_0 = arith.muli %arg1, %mul3A : i32
    %add3A = arith.addi %mul3A_0, %arg0 : i32
    %scan3A = arith.constant 0 : i32
    %scan3A_1 = arith.constant 0 : i32
    %scan3A_2 = arith.constant 80 : i32
    %scan3A_3 = arith.addi %scan3A_1, %scan3A_2 : i32
    %scan3A_4 = arith.constant 1 : i32
    scf.for %scan3A_205 = %scan3A_1 to %scan3A_3 step %scan3A_4  : i32 {
      %broadcast_in_dim3A = arith.constant 0.000000e+00 : f32
      %broadcast_in_dim3A_206 = vector.broadcast %broadcast_in_dim3A : f32 to vector<16xf32>
      %swap3A = arith.index_cast %scan3A_205 : i32 to index
      %swap3A_207 = arith.constant 0 : index
      %swap3A_208 = tpu.vector_load %arg8[%swap3A, %swap3A_207] {strides = array<i32>} : memref<128x128xf32, #tpu.memory_space<vmem>>, vector<1x16xf32>,
      %swap3A_209 = vector.shape_cast %swap3A_208 : vector<1x16xf32> to vector<16xf32>
      %swap3A_210 = vector.shape_cast %broadcast_in_dim3A_206 : vector<16xf32> to vector<1x16xf32>
      tpu.vector_store %arg8[%swap3A, %swap3A_207], %swap3A_210 {strides = array<i32>} : memref<128x128xf32, #tpu.memory_space<vmem>>, vector<1x16xf32>,
      %broadcast_in_dim3A_211 = arith.constant 0.000000e+00 : f32
      %broadcast_in_dim3A_212 = vector.broadcast %broadcast_in_dim3A_211 : f32 to vector<16xf32>
      %swap3A_213 = arith.index_cast %scan3A_205 : i32 to index
      %swap3A_214 = arith.constant 16 : index
      %swap3A_215 = tpu.vector_load %arg8[%swap3A_213, %swap3A_214] {strides = array<i32>} : memref<128x128xf32, #tpu.memory_space<vmem>>, vector<1x16xf32>,
      %swap3A_216 = vector.shape_cast %swap3A_215 : vector<1x16xf32> to vector<16xf32>
      %swap3A_217 = vector.shape_cast %broadcast_in_dim3A_212 : vector<16xf32> to vector<1x16xf32>
      tpu.vector_store %arg8[%swap3A_213, %swap3A_214], %swap3A_217 {strides = array<i32>} : memref<128x128xf32, #tpu.memory_space<vmem>>, vector<1x16xf32>,
      %broadcast_in_dim3A_218 = arith.constant 0.000000e+00 : f32
      %broadcast_in_dim3A_219 = vector.broadcast %broadcast_in_dim3A_218 : f32 to vector<16xf32>
      %swap3A_220 = arith.index_cast %scan3A_205 : i32 to index
      %swap3A_221 = arith.constant 32 : index
      %swap3A_222 = tpu.vector_load %arg8[%swap3A_220, %swap3A_221] {strides = array<i32>} : memref<128x128xf32, #tpu.memory_space<vmem>>, vector<1x16xf32>,
      %swap3A_223 = vector.shape_cast %swap3A_222 : vector<1x16xf32> to vector<16xf32>
      %swap3A_224 = vector.shape_cast %broadcast_in_dim3A_219 : vector<16xf32> to vector<1x16xf32>
      tpu.vector_store %arg8[%swap3A_220, %swap3A_221], %swap3A_224 {strides = array<i32>} : memref<128x128xf32, #tpu.memory_space<vmem>>, vector<1x16xf32>,
      %broadcast_in_dim3A_225 = arith.constant 0.000000e+00 : f32
      %broadcast_in_dim3A_226 = vector.broadcast %broadcast_in_dim3A_225 : f32 to vector<16xf32>
      %swap3A_227 = arith.index_cast %scan3A_205 : i32 to index
      %swap3A_228 = arith.constant 48 : index
      %swap3A_229 = tpu.vector_load %arg8[%swap3A_227, %swap3A_228] {strides = array<i32>} : memref<128x128xf32, #tpu.memory_space<vmem>>, vector<1x16xf32>,
      %swap3A_230 = vector.shape_cast %swap3A_229 : vector<1x16xf32> to vector<16xf32>
      %swap3A_231 = vector.shape_cast %broadcast_in_dim3A_226 : vector<16xf32> to vector<1x16xf32>
      tpu.vector_store %arg8[%swap3A_227, %swap3A_228], %swap3A_231 {strides = array<i32>} : memref<128x128xf32, #tpu.memory_space<vmem>>, vector<1x16xf32>,
      %broadcast_in_dim3A_232 = arith.constant 0.000000e+00 : f32
      %broadcast_in_dim3A_233 = vector.broadcast %broadcast_in_dim3A_232 : f32 to vector<16xf32>
      %swap3A_234 = arith.index_cast %scan3A_205 : i32 to index
      %swap3A_235 = arith.constant 64 : index
      %swap3A_236 = tpu.vector_load %arg8[%swap3A_234, %swap3A_235] {strides = array<i32>} : memref<128x128xf32, #tpu.memory_space<vmem>>, vector<1x16xf32>,
      %swap3A_237 = vector.shape_cast %swap3A_236 : vector<1x16xf32> to vector<16xf32>
      %swap3A_238 = vector.shape_cast %broadcast_in_dim3A_233 : vector<16xf32> to vector<1x16xf32>
      tpu.vector_store %arg8[%swap3A_234, %swap3A_235], %swap3A_238 {strides = array<i32>} : memref<128x128xf32, #tpu.memory_space<vmem>>, vector<1x16xf32>,
      %broadcast_in_dim3A_239 = arith.constant 0.000000e+00 : f32
      %broadcast_in_dim3A_240 = vector.broadcast %broadcast_in_dim3A_239 : f32 to vector<16xf32>
      %swap3A_241 = arith.index_cast %scan3A_205 : i32 to index
      %swap3A_242 = arith.constant 80 : index
      %swap3A_243 = tpu.vector_load %arg8[%swap3A_241, %swap3A_242] {strides = array<i32>} : memref<128x128xf32, #tpu.memory_space<vmem>>, vector<1x16xf32>,
      %swap3A_244 = vector.shape_cast %swap3A_243 : vector<1x16xf32> to vector<16xf32>
      %swap3A_245 = vector.shape_cast %broadcast_in_dim3A_240 : vector<16xf32> to vector<1x16xf32>
      tpu.vector_store %arg8[%swap3A_241, %swap3A_242], %swap3A_245 {strides = array<i32>} : memref<128x128xf32, #tpu.memory_space<vmem>>, vector<1x16xf32>,
      %broadcast_in_dim3A_246 = arith.constant 0.000000e+00 : f32
      %broadcast_in_dim3A_247 = vector.broadcast %broadcast_in_dim3A_246 : f32 to vector<16xf32>
      %swap3A_248 = arith.index_cast %scan3A_205 : i32 to index
      %swap3A_249 = arith.constant 96 : index
      %swap3A_250 = tpu.vector_load %arg8[%swap3A_248, %swap3A_249] {strides = array<i32>} : memref<128x128xf32, #tpu.memory_space<vmem>>, vector<1x16xf32>,
      %swap3A_251 = vector.shape_cast %swap3A_250 : vector<1x16xf32> to vector<16xf32>
      %swap3A_252 = vector.shape_cast %broadcast_in_dim3A_247 : vector<16xf32> to vector<1x16xf32>
      tpu.vector_store %arg8[%swap3A_248, %swap3A_249], %swap3A_252 {strides = array<i32>} : memref<128x128xf32, #tpu.memory_space<vmem>>, vector<1x16xf32>,
      %broadcast_in_dim3A_253 = arith.constant 0.000000e+00 : f32
      %broadcast_in_dim3A_254 = vector.broadcast %broadcast_in_dim3A_253 : f32 to vector<16xf32>
      %swap3A_255 = arith.index_cast %scan3A_205 : i32 to index
      %swap3A_256 = arith.constant 112 : index
      %swap3A_257 = tpu.vector_load %arg8[%swap3A_255, %swap3A_256] {strides = array<i32>} : memref<128x128xf32, #tpu.memory_space<vmem>>, vector<1x16xf32>,
      %swap3A_258 = vector.shape_cast %swap3A_257 : vector<1x16xf32> to vector<16xf32>
      %swap3A_259 = vector.shape_cast %broadcast_in_dim3A_254 : vector<16xf32> to vector<1x16xf32>
      tpu.vector_store %arg8[%swap3A_255, %swap3A_256], %swap3A_259 {strides = array<i32>} : memref<128x128xf32, #tpu.memory_space<vmem>>, vector<1x16xf32>,
    }
    %scan3A_5 = arith.constant 80 : i32
    %add3A_6 = arith.constant 0 : i32
    %add3A_7 = arith.addi %arg1, %add3A_6 : i32
    %lt3A = arith.constant 125 : i32
    %lt3A_8 = arith.cmpi slt, %add3A_7, %lt3A : i32
    %convert_element_type3A = arith.extui %lt3A_8 : i1 to i32
    %cond3A = arith.constant 0 : i32
    %cond3A_9 = arith.cmpi ne, %convert_element_type3A, %cond3A : i32
    scf.if %cond3A_9 {
      %mul3A_205 = arith.constant 80 : i32
      %mul3A_206 = arith.muli %mul3A_205, %add3A_7 : i32
      %dma_start3A = arith.constant 0 : i32
      %dma_start3A_207 = arith.constant 0 : i32
      %dma_start3A_208 = tpu.memref_slice %arg8[%dma_start3A, %dma_start3A_207] : memref<128x128xf32, #tpu.memory_space<vmem>> -> memref<80x128xf32, #tpu.memory_space<vmem>>
      %dma_start3A_209 = arith.constant 0 : i32
      %dma_start3A_210 = tpu.memref_slice %arg5[%mul3A_206, %dma_start3A_209] : memref<10064x128xf32, #tpu.memory_space<vmem_shared>> -> memref<80x128xf32, #tpu.memory_space<vmem_shared>>
      %dma_start3A_211 = arith.constant 0 : i32
      %dma_start3A_212 = tpu.memref_slice %arg5[%mul3A_206, %dma_start3A_211] : memref<10064x128xf32, #tpu.memory_space<vmem_shared>> -> memref<80x128xf32, #tpu.memory_space<vmem_shared>>
      %dma_start3A_213 = arith.constant 0 : i32
      %dma_start3A_214 = arith.constant 0 : i32
      %dma_start3A_215 = tpu.memref_slice %arg8[%dma_start3A_213, %dma_start3A_214] : memref<128x128xf32, #tpu.memory_space<vmem>> -> memref<80x128xf32, #tpu.memory_space<vmem>>
      tpu.enqueue_dma source(%dma_start3A_215 : memref<80x128xf32, #tpu.memory_space<vmem>>) target(%dma_start3A_212 : memref<80x128xf32, #tpu.memory_space<vmem_shared>>) target_semaphore(%arg10 : memref<!tpu.dma_semaphore, #tpu.memory_space<semaphore_mem>>)
    } else {
    }
    %add3A_10 = arith.constant 16 : i32
    %add3A_11 = arith.addi %arg1, %add3A_10 : i32
    %lt3A_12 = arith.constant 125 : i32
    %lt3A_13 = arith.cmpi slt, %add3A_11, %lt3A_12 : i32
    %convert_element_type3A_14 = arith.extui %lt3A_13 : i1 to i32
    %cond3A_15 = arith.constant 0 : i32
    %cond3A_16 = arith.cmpi ne, %convert_element_type3A_14, %cond3A_15 : i32
    scf.if %cond3A_16 {
      %mul3A_205 = arith.constant 80 : i32
      %mul3A_206 = arith.muli %mul3A_205, %add3A_11 : i32
      %dma_start3A = arith.constant 0 : i32
      %dma_start3A_207 = arith.constant 0 : i32
      %dma_start3A_208 = tpu.memref_slice %arg8[%dma_start3A, %dma_start3A_207] : memref<128x128xf32, #tpu.memory_space<vmem>> -> memref<80x128xf32, #tpu.memory_space<vmem>>
      %dma_start3A_209 = arith.constant 0 : i32
      %dma_start3A_210 = tpu.memref_slice %arg5[%mul3A_206, %dma_start3A_209] : memref<10064x128xf32, #tpu.memory_space<vmem_shared>> -> memref<80x128xf32, #tpu.memory_space<vmem_shared>>
      %dma_start3A_211 = arith.constant 0 : i32
      %dma_start3A_212 = tpu.memref_slice %arg5[%mul3A_206, %dma_start3A_211] : memref<10064x128xf32, #tpu.memory_space<vmem_shared>> -> memref<80x128xf32, #tpu.memory_space<vmem_shared>>
      %dma_start3A_213 = arith.constant 0 : i32
      %dma_start3A_214 = arith.constant 0 : i32
      %dma_start3A_215 = tpu.memref_slice %arg8[%dma_start3A_213, %dma_start3A_214] : memref<128x128xf32, #tpu.memory_space<vmem>> -> memref<80x128xf32, #tpu.memory_space<vmem>>
      tpu.enqueue_dma source(%dma_start3A_215 : memref<80x128xf32, #tpu.memory_space<vmem>>) target(%dma_start3A_212 : memref<80x128xf32, #tpu.memory_space<vmem_shared>>) target_semaphore(%arg10 : memref<!tpu.dma_semaphore, #tpu.memory_space<semaphore_mem>>)
    } else {
    }
    %add3A_17 = arith.constant 32 : i32
    %add3A_18 = arith.addi %arg1, %add3A_17 : i32
    %lt3A_19 = arith.constant 125 : i32
    %lt3A_20 = arith.cmpi slt, %add3A_18, %lt3A_19 : i32
    %convert_element_type3A_21 = arith.extui %lt3A_20 : i1 to i32
    %cond3A_22 = arith.constant 0 : i32
    %cond3A_23 = arith.cmpi ne, %convert_element_type3A_21, %cond3A_22 : i32
    scf.if %cond3A_23 {
      %mul3A_205 = arith.constant 80 : i32
      %mul3A_206 = arith.muli %mul3A_205, %add3A_18 : i32
      %dma_start3A = arith.constant 0 : i32
      %dma_start3A_207 = arith.constant 0 : i32
      %dma_start3A_208 = tpu.memref_slice %arg8[%dma_start3A, %dma_start3A_207] : memref<128x128xf32, #tpu.memory_space<vmem>> -> memref<80x128xf32, #tpu.memory_space<vmem>>
      %dma_start3A_209 = arith.constant 0 : i32
      %dma_start3A_210 = tpu.memref_slice %arg5[%mul3A_206, %dma_start3A_209] : memref<10064x128xf32, #tpu.memory_space<vmem_shared>> -> memref<80x128xf32, #tpu.memory_space<vmem_shared>>
      %dma_start3A_211 = arith.constant 0 : i32
      %dma_start3A_212 = tpu.memref_slice %arg5[%mul3A_206, %dma_start3A_211] : memref<10064x128xf32, #tpu.memory_space<vmem_shared>> -> memref<80x128xf32, #tpu.memory_space<vmem_shared>>
      %dma_start3A_213 = arith.constant 0 : i32
      %dma_start3A_214 = arith.constant 0 : i32
      %dma_start3A_215 = tpu.memref_slice %arg8[%dma_start3A_213, %dma_start3A_214] : memref<128x128xf32, #tpu.memory_space<vmem>> -> memref<80x128xf32, #tpu.memory_space<vmem>>
      tpu.enqueue_dma source(%dma_start3A_215 : memref<80x128xf32, #tpu.memory_space<vmem>>) target(%dma_start3A_212 : memref<80x128xf32, #tpu.memory_space<vmem_shared>>) target_semaphore(%arg10 : memref<!tpu.dma_semaphore, #tpu.memory_space<semaphore_mem>>)
    } else {
    }
    %add3A_24 = arith.constant 48 : i32
    %add3A_25 = arith.addi %arg1, %add3A_24 : i32
    %lt3A_26 = arith.constant 125 : i32
    %lt3A_27 = arith.cmpi slt, %add3A_25, %lt3A_26 : i32
    %convert_element_type3A_28 = arith.extui %lt3A_27 : i1 to i32
    %cond3A_29 = arith.constant 0 : i32
    %cond3A_30 = arith.cmpi ne, %convert_element_type3A_28, %cond3A_29 : i32
    scf.if %cond3A_30 {
      %mul3A_205 = arith.constant 80 : i32
      %mul3A_206 = arith.muli %mul3A_205, %add3A_25 : i32
      %dma_start3A = arith.constant 0 : i32
      %dma_start3A_207 = arith.constant 0 : i32
      %dma_start3A_208 = tpu.memref_slice %arg8[%dma_start3A, %dma_start3A_207] : memref<128x128xf32, #tpu.memory_space<vmem>> -> memref<80x128xf32, #tpu.memory_space<vmem>>
      %dma_start3A_209 = arith.constant 0 : i32
      %dma_start3A_210 = tpu.memref_slice %arg5[%mul3A_206, %dma_start3A_209] : memref<10064x128xf32, #tpu.memory_space<vmem_shared>> -> memref<80x128xf32, #tpu.memory_space<vmem_shared>>
      %dma_start3A_211 = arith.constant 0 : i32
      %dma_start3A_212 = tpu.memref_slice %arg5[%mul3A_206, %dma_start3A_211] : memref<10064x128xf32, #tpu.memory_space<vmem_shared>> -> memref<80x128xf32, #tpu.memory_space<vmem_shared>>
      %dma_start3A_213 = arith.constant 0 : i32
      %dma_start3A_214 = arith.constant 0 : i32
      %dma_start3A_215 = tpu.memref_slice %arg8[%dma_start3A_213, %dma_start3A_214] : memref<128x128xf32, #tpu.memory_space<vmem>> -> memref<80x128xf32, #tpu.memory_space<vmem>>
      tpu.enqueue_dma source(%dma_start3A_215 : memref<80x128xf32, #tpu.memory_space<vmem>>) target(%dma_start3A_212 : memref<80x128xf32, #tpu.memory_space<vmem_shared>>) target_semaphore(%arg10 : memref<!tpu.dma_semaphore, #tpu.memory_space<semaphore_mem>>)
    } else {
    }
    %add3A_31 = arith.constant 64 : i32
    %add3A_32 = arith.addi %arg1, %add3A_31 : i32
    %lt3A_33 = arith.constant 125 : i32
    %lt3A_34 = arith.cmpi slt, %add3A_32, %lt3A_33 : i32
    %convert_element_type3A_35 = arith.extui %lt3A_34 : i1 to i32
    %cond3A_36 = arith.constant 0 : i32
    %cond3A_37 = arith.cmpi ne, %convert_element_type3A_35, %cond3A_36 : i32
    scf.if %cond3A_37 {
      %mul3A_205 = arith.constant 80 : i32
      %mul3A_206 = arith.muli %mul3A_205, %add3A_32 : i32
      %dma_start3A = arith.constant 0 : i32
      %dma_start3A_207 = arith.constant 0 : i32
      %dma_start3A_208 = tpu.memref_slice %arg8[%dma_start3A, %dma_start3A_207] : memref<128x128xf32, #tpu.memory_space<vmem>> -> memref<80x128xf32, #tpu.memory_space<vmem>>
      %dma_start3A_209 = arith.constant 0 : i32
      %dma_start3A_210 = tpu.memref_slice %arg5[%mul3A_206, %dma_start3A_209] : memref<10064x128xf32, #tpu.memory_space<vmem_shared>> -> memref<80x128xf32, #tpu.memory_space<vmem_shared>>
      %dma_start3A_211 = arith.constant 0 : i32
      %dma_start3A_212 = tpu.memref_slice %arg5[%mul3A_206, %dma_start3A_211] : memref<10064x128xf32, #tpu.memory_space<vmem_shared>> -> memref<80x128xf32, #tpu.memory_space<vmem_shared>>
      %dma_start3A_213 = arith.constant 0 : i32
      %dma_start3A_214 = arith.constant 0 : i32
      %dma_start3A_215 = tpu.memref_slice %arg8[%dma_start3A_213, %dma_start3A_214] : memref<128x128xf32, #tpu.memory_space<vmem>> -> memref<80x128xf32, #tpu.memory_space<vmem>>
      tpu.enqueue_dma source(%dma_start3A_215 : memref<80x128xf32, #tpu.memory_space<vmem>>) target(%dma_start3A_212 : memref<80x128xf32, #tpu.memory_space<vmem_shared>>) target_semaphore(%arg10 : memref<!tpu.dma_semaphore, #tpu.memory_space<semaphore_mem>>)
    } else {
    }
    %add3A_38 = arith.constant 80 : i32
    %add3A_39 = arith.addi %arg1, %add3A_38 : i32
    %lt3A_40 = arith.constant 125 : i32
    %lt3A_41 = arith.cmpi slt, %add3A_39, %lt3A_40 : i32
    %convert_element_type3A_42 = arith.extui %lt3A_41 : i1 to i32
    %cond3A_43 = arith.constant 0 : i32
    %cond3A_44 = arith.cmpi ne, %convert_element_type3A_42, %cond3A_43 : i32
    scf.if %cond3A_44 {
      %mul3A_205 = arith.constant 80 : i32
      %mul3A_206 = arith.muli %mul3A_205, %add3A_39 : i32
      %dma_start3A = arith.constant 0 : i32
      %dma_start3A_207 = arith.constant 0 : i32
      %dma_start3A_208 = tpu.memref_slice %arg8[%dma_start3A, %dma_start3A_207] : memref<128x128xf32, #tpu.memory_space<vmem>> -> memref<80x128xf32, #tpu.memory_space<vmem>>
      %dma_start3A_209 = arith.constant 0 : i32
      %dma_start3A_210 = tpu.memref_slice %arg5[%mul3A_206, %dma_start3A_209] : memref<10064x128xf32, #tpu.memory_space<vmem_shared>> -> memref<80x128xf32, #tpu.memory_space<vmem_shared>>
      %dma_start3A_211 = arith.constant 0 : i32
      %dma_start3A_212 = tpu.memref_slice %arg5[%mul3A_206, %dma_start3A_211] : memref<10064x128xf32, #tpu.memory_space<vmem_shared>> -> memref<80x128xf32, #tpu.memory_space<vmem_shared>>
      %dma_start3A_213 = arith.constant 0 : i32
      %dma_start3A_214 = arith.constant 0 : i32
      %dma_start3A_215 = tpu.memref_slice %arg8[%dma_start3A_213, %dma_start3A_214] : memref<128x128xf32, #tpu.memory_space<vmem>> -> memref<80x128xf32, #tpu.memory_space<vmem>>
      tpu.enqueue_dma source(%dma_start3A_215 : memref<80x128xf32, #tpu.memory_space<vmem>>) target(%dma_start3A_212 : memref<80x128xf32, #tpu.memory_space<vmem_shared>>) target_semaphore(%arg10 : memref<!tpu.dma_semaphore, #tpu.memory_space<semaphore_mem>>)
    } else {
    }
    %add3A_45 = arith.constant 96 : i32
    %add3A_46 = arith.addi %arg1, %add3A_45 : i32
    %lt3A_47 = arith.constant 125 : i32
    %lt3A_48 = arith.cmpi slt, %add3A_46, %lt3A_47 : i32
    %convert_element_type3A_49 = arith.extui %lt3A_48 : i1 to i32
    %cond3A_50 = arith.constant 0 : i32
    %cond3A_51 = arith.cmpi ne, %convert_element_type3A_49, %cond3A_50 : i32
    scf.if %cond3A_51 {
      %mul3A_205 = arith.constant 80 : i32
      %mul3A_206 = arith.muli %mul3A_205, %add3A_46 : i32
      %dma_start3A = arith.constant 0 : i32
      %dma_start3A_207 = arith.constant 0 : i32
      %dma_start3A_208 = tpu.memref_slice %arg8[%dma_start3A, %dma_start3A_207] : memref<128x128xf32, #tpu.memory_space<vmem>> -> memref<80x128xf32, #tpu.memory_space<vmem>>
      %dma_start3A_209 = arith.constant 0 : i32
      %dma_start3A_210 = tpu.memref_slice %arg5[%mul3A_206, %dma_start3A_209] : memref<10064x128xf32, #tpu.memory_space<vmem_shared>> -> memref<80x128xf32, #tpu.memory_space<vmem_shared>>
      %dma_start3A_211 = arith.constant 0 : i32
      %dma_start3A_212 = tpu.memref_slice %arg5[%mul3A_206, %dma_start3A_211] : memref<10064x128xf32, #tpu.memory_space<vmem_shared>> -> memref<80x128xf32, #tpu.memory_space<vmem_shared>>
      %dma_start3A_213 = arith.constant 0 : i32
      %dma_start3A_214 = arith.constant 0 : i32
      %dma_start3A_215 = tpu.memref_slice %arg8[%dma_start3A_213, %dma_start3A_214] : memref<128x128xf32, #tpu.memory_space<vmem>> -> memref<80x128xf32, #tpu.memory_space<vmem>>
      tpu.enqueue_dma source(%dma_start3A_215 : memref<80x128xf32, #tpu.memory_space<vmem>>) target(%dma_start3A_212 : memref<80x128xf32, #tpu.memory_space<vmem_shared>>) target_semaphore(%arg10 : memref<!tpu.dma_semaphore, #tpu.memory_space<semaphore_mem>>)
    } else {
    }
    %add3A_52 = arith.constant 112 : i32
    %add3A_53 = arith.addi %arg1, %add3A_52 : i32
    %lt3A_54 = arith.constant 125 : i32
    %lt3A_55 = arith.cmpi slt, %add3A_53, %lt3A_54 : i32
    %convert_element_type3A_56 = arith.extui %lt3A_55 : i1 to i32
    %cond3A_57 = arith.constant 0 : i32
    %cond3A_58 = arith.cmpi ne, %convert_element_type3A_56, %cond3A_57 : i32
    scf.if %cond3A_58 {
      %mul3A_205 = arith.constant 80 : i32
      %mul3A_206 = arith.muli %mul3A_205, %add3A_53 : i32
      %dma_start3A = arith.constant 0 : i32
      %dma_start3A_207 = arith.constant 0 : i32
      %dma_start3A_208 = tpu.memref_slice %arg8[%dma_start3A, %dma_start3A_207] : memref<128x128xf32, #tpu.memory_space<vmem>> -> memref<80x128xf32, #tpu.memory_space<vmem>>
      %dma_start3A_209 = arith.constant 0 : i32
      %dma_start3A_210 = tpu.memref_slice %arg5[%mul3A_206, %dma_start3A_209] : memref<10064x128xf32, #tpu.memory_space<vmem_shared>> -> memref<80x128xf32, #tpu.memory_space<vmem_shared>>
      %dma_start3A_211 = arith.constant 0 : i32
      %dma_start3A_212 = tpu.memref_slice %arg5[%mul3A_206, %dma_start3A_211] : memref<10064x128xf32, #tpu.memory_space<vmem_shared>> -> memref<80x128xf32, #tpu.memory_space<vmem_shared>>
      %dma_start3A_213 = arith.constant 0 : i32
      %dma_start3A_214 = arith.constant 0 : i32
      %dma_start3A_215 = tpu.memref_slice %arg8[%dma_start3A_213, %dma_start3A_214] : memref<128x128xf32, #tpu.memory_space<vmem>> -> memref<80x128xf32, #tpu.memory_space<vmem>>
      tpu.enqueue_dma source(%dma_start3A_215 : memref<80x128xf32, #tpu.memory_space<vmem>>) target(%dma_start3A_212 : memref<80x128xf32, #tpu.memory_space<vmem_shared>>) target_semaphore(%arg10 : memref<!tpu.dma_semaphore, #tpu.memory_space<semaphore_mem>>)
    } else {
    }
    %add3A_59 = arith.constant 0 : i32
    %add3A_60 = arith.addi %arg1, %add3A_59 : i32
    %lt3A_61 = arith.constant 125 : i32
    %lt3A_62 = arith.cmpi slt, %add3A_60, %lt3A_61 : i32
    %convert_element_type3A_63 = arith.extui %lt3A_62 : i1 to i32
    %cond3A_64 = arith.constant 0 : i32
    %cond3A_65 = arith.cmpi ne, %convert_element_type3A_63, %cond3A_64 : i32
    scf.if %cond3A_65 {
      %dma_wait3A_205 = arith.constant 0 : i32
      %dma_wait3A_206 = arith.constant 0 : i32
      %dma_wait3A_207 = tpu.memref_slice %arg8[%dma_wait3A_205, %dma_wait3A_206] : memref<128x128xf32, #tpu.memory_space<vmem>> -> memref<80x128xf32, #tpu.memory_space<vmem>>
      %dma_wait3A_208 = arith.constant 0 : i32
      %dma_wait3A_209 = arith.constant 0 : i32
      %dma_wait3A_210 = tpu.memref_slice %arg5[%dma_wait3A_208, %dma_wait3A_209] : memref<10064x128xf32, #tpu.memory_space<vmem_shared>> -> memref<80x128xf32, #tpu.memory_space<vmem_shared>>
      %dma_wait3A_211 = arith.constant 0 : i32
      %dma_wait3A_212 = arith.constant 0 : i32
      %dma_wait3A_213 = tpu.memref_slice %arg5[%dma_wait3A_211, %dma_wait3A_212] : memref<10064x128xf32, #tpu.memory_space<vmem_shared>> -> memref<80x128xf32, #tpu.memory_space<vmem_shared>>
      %dma_wait3A_214 = arith.constant 0 : i32
      %dma_wait3A_215 = arith.constant 0 : i32
      %dma_wait3A_216 = tpu.memref_slice %arg8[%dma_wait3A_214, %dma_wait3A_215] : memref<128x128xf32, #tpu.memory_space<vmem>> -> memref<80x128xf32, #tpu.memory_space<vmem>>
      tpu.wait_dma2 semaphore(%arg10 : memref<!tpu.dma_semaphore, #tpu.memory_space<semaphore_mem>>) src(%dma_wait3A_216 : memref<80x128xf32, #tpu.memory_space<vmem>>) dst(%dma_wait3A_213 : memref<80x128xf32, #tpu.memory_space<vmem_shared>>)
    } else {
    }
    %add3A_66 = arith.constant 16 : i32
    %add3A_67 = arith.addi %arg1, %add3A_66 : i32
    %lt3A_68 = arith.constant 125 : i32
    %lt3A_69 = arith.cmpi slt, %add3A_67, %lt3A_68 : i32
    %convert_element_type3A_70 = arith.extui %lt3A_69 : i1 to i32
    %cond3A_71 = arith.constant 0 : i32
    %cond3A_72 = arith.cmpi ne, %convert_element_type3A_70, %cond3A_71 : i32
    scf.if %cond3A_72 {
      %dma_wait3A_205 = arith.constant 0 : i32
      %dma_wait3A_206 = arith.constant 0 : i32
      %dma_wait3A_207 = tpu.memref_slice %arg8[%dma_wait3A_205, %dma_wait3A_206] : memref<128x128xf32, #tpu.memory_space<vmem>> -> memref<80x128xf32, #tpu.memory_space<vmem>>
      %dma_wait3A_208 = arith.constant 0 : i32
      %dma_wait3A_209 = arith.constant 0 : i32
      %dma_wait3A_210 = tpu.memref_slice %arg5[%dma_wait3A_208, %dma_wait3A_209] : memref<10064x128xf32, #tpu.memory_space<vmem_shared>> -> memref<80x128xf32, #tpu.memory_space<vmem_shared>>
      %dma_wait3A_211 = arith.constant 0 : i32
      %dma_wait3A_212 = arith.constant 0 : i32
      %dma_wait3A_213 = tpu.memref_slice %arg5[%dma_wait3A_211, %dma_wait3A_212] : memref<10064x128xf32, #tpu.memory_space<vmem_shared>> -> memref<80x128xf32, #tpu.memory_space<vmem_shared>>
      %dma_wait3A_214 = arith.constant 0 : i32
      %dma_wait3A_215 = arith.constant 0 : i32
      %dma_wait3A_216 = tpu.memref_slice %arg8[%dma_wait3A_214, %dma_wait3A_215] : memref<128x128xf32, #tpu.memory_space<vmem>> -> memref<80x128xf32, #tpu.memory_space<vmem>>
      tpu.wait_dma2 semaphore(%arg10 : memref<!tpu.dma_semaphore, #tpu.memory_space<semaphore_mem>>) src(%dma_wait3A_216 : memref<80x128xf32, #tpu.memory_space<vmem>>) dst(%dma_wait3A_213 : memref<80x128xf32, #tpu.memory_space<vmem_shared>>)
    } else {
    }
    %add3A_73 = arith.constant 32 : i32
    %add3A_74 = arith.addi %arg1, %add3A_73 : i32
    %lt3A_75 = arith.constant 125 : i32
    %lt3A_76 = arith.cmpi slt, %add3A_74, %lt3A_75 : i32
    %convert_element_type3A_77 = arith.extui %lt3A_76 : i1 to i32
    %cond3A_78 = arith.constant 0 : i32
    %cond3A_79 = arith.cmpi ne, %convert_element_type3A_77, %cond3A_78 : i32
    scf.if %cond3A_79 {
      %dma_wait3A_205 = arith.constant 0 : i32
      %dma_wait3A_206 = arith.constant 0 : i32
      %dma_wait3A_207 = tpu.memref_slice %arg8[%dma_wait3A_205, %dma_wait3A_206] : memref<128x128xf32, #tpu.memory_space<vmem>> -> memref<80x128xf32, #tpu.memory_space<vmem>>
      %dma_wait3A_208 = arith.constant 0 : i32
      %dma_wait3A_209 = arith.constant 0 : i32
      %dma_wait3A_210 = tpu.memref_slice %arg5[%dma_wait3A_208, %dma_wait3A_209] : memref<10064x128xf32, #tpu.memory_space<vmem_shared>> -> memref<80x128xf32, #tpu.memory_space<vmem_shared>>
      %dma_wait3A_211 = arith.constant 0 : i32
      %dma_wait3A_212 = arith.constant 0 : i32
      %dma_wait3A_213 = tpu.memref_slice %arg5[%dma_wait3A_211, %dma_wait3A_212] : memref<10064x128xf32, #tpu.memory_space<vmem_shared>> -> memref<80x128xf32, #tpu.memory_space<vmem_shared>>
      %dma_wait3A_214 = arith.constant 0 : i32
      %dma_wait3A_215 = arith.constant 0 : i32
      %dma_wait3A_216 = tpu.memref_slice %arg8[%dma_wait3A_214, %dma_wait3A_215] : memref<128x128xf32, #tpu.memory_space<vmem>> -> memref<80x128xf32, #tpu.memory_space<vmem>>
      tpu.wait_dma2 semaphore(%arg10 : memref<!tpu.dma_semaphore, #tpu.memory_space<semaphore_mem>>) src(%dma_wait3A_216 : memref<80x128xf32, #tpu.memory_space<vmem>>) dst(%dma_wait3A_213 : memref<80x128xf32, #tpu.memory_space<vmem_shared>>)
    } else {
    }
    %add3A_80 = arith.constant 48 : i32
    %add3A_81 = arith.addi %arg1, %add3A_80 : i32
    %lt3A_82 = arith.constant 125 : i32
    %lt3A_83 = arith.cmpi slt, %add3A_81, %lt3A_82 : i32
    %convert_element_type3A_84 = arith.extui %lt3A_83 : i1 to i32
    %cond3A_85 = arith.constant 0 : i32
    %cond3A_86 = arith.cmpi ne, %convert_element_type3A_84, %cond3A_85 : i32
    scf.if %cond3A_86 {
      %dma_wait3A_205 = arith.constant 0 : i32
      %dma_wait3A_206 = arith.constant 0 : i32
      %dma_wait3A_207 = tpu.memref_slice %arg8[%dma_wait3A_205, %dma_wait3A_206] : memref<128x128xf32, #tpu.memory_space<vmem>> -> memref<80x128xf32, #tpu.memory_space<vmem>>
      %dma_wait3A_208 = arith.constant 0 : i32
      %dma_wait3A_209 = arith.constant 0 : i32
      %dma_wait3A_210 = tpu.memref_slice %arg5[%dma_wait3A_208, %dma_wait3A_209] : memref<10064x128xf32, #tpu.memory_space<vmem_shared>> -> memref<80x128xf32, #tpu.memory_space<vmem_shared>>
      %dma_wait3A_211 = arith.constant 0 : i32
      %dma_wait3A_212 = arith.constant 0 : i32
      %dma_wait3A_213 = tpu.memref_slice %arg5[%dma_wait3A_211, %dma_wait3A_212] : memref<10064x128xf32, #tpu.memory_space<vmem_shared>> -> memref<80x128xf32, #tpu.memory_space<vmem_shared>>
      %dma_wait3A_214 = arith.constant 0 : i32
      %dma_wait3A_215 = arith.constant 0 : i32
      %dma_wait3A_216 = tpu.memref_slice %arg8[%dma_wait3A_214, %dma_wait3A_215] : memref<128x128xf32, #tpu.memory_space<vmem>> -> memref<80x128xf32, #tpu.memory_space<vmem>>
      tpu.wait_dma2 semaphore(%arg10 : memref<!tpu.dma_semaphore, #tpu.memory_space<semaphore_mem>>) src(%dma_wait3A_216 : memref<80x128xf32, #tpu.memory_space<vmem>>) dst(%dma_wait3A_213 : memref<80x128xf32, #tpu.memory_space<vmem_shared>>)
    } else {
    }
    %add3A_87 = arith.constant 64 : i32
    %add3A_88 = arith.addi %arg1, %add3A_87 : i32
    %lt3A_89 = arith.constant 125 : i32
    %lt3A_90 = arith.cmpi slt, %add3A_88, %lt3A_89 : i32
    %convert_element_type3A_91 = arith.extui %lt3A_90 : i1 to i32
    %cond3A_92 = arith.constant 0 : i32
    %cond3A_93 = arith.cmpi ne, %convert_element_type3A_91, %cond3A_92 : i32
    scf.if %cond3A_93 {
      %dma_wait3A_205 = arith.constant 0 : i32
      %dma_wait3A_206 = arith.constant 0 : i32
      %dma_wait3A_207 = tpu.memref_slice %arg8[%dma_wait3A_205, %dma_wait3A_206] : memref<128x128xf32, #tpu.memory_space<vmem>> -> memref<80x128xf32, #tpu.memory_space<vmem>>
      %dma_wait3A_208 = arith.constant 0 : i32
      %dma_wait3A_209 = arith.constant 0 : i32
      %dma_wait3A_210 = tpu.memref_slice %arg5[%dma_wait3A_208, %dma_wait3A_209] : memref<10064x128xf32, #tpu.memory_space<vmem_shared>> -> memref<80x128xf32, #tpu.memory_space<vmem_shared>>
      %dma_wait3A_211 = arith.constant 0 : i32
      %dma_wait3A_212 = arith.constant 0 : i32
      %dma_wait3A_213 = tpu.memref_slice %arg5[%dma_wait3A_211, %dma_wait3A_212] : memref<10064x128xf32, #tpu.memory_space<vmem_shared>> -> memref<80x128xf32, #tpu.memory_space<vmem_shared>>
      %dma_wait3A_214 = arith.constant 0 : i32
      %dma_wait3A_215 = arith.constant 0 : i32
      %dma_wait3A_216 = tpu.memref_slice %arg8[%dma_wait3A_214, %dma_wait3A_215] : memref<128x128xf32, #tpu.memory_space<vmem>> -> memref<80x128xf32, #tpu.memory_space<vmem>>
      tpu.wait_dma2 semaphore(%arg10 : memref<!tpu.dma_semaphore, #tpu.memory_space<semaphore_mem>>) src(%dma_wait3A_216 : memref<80x128xf32, #tpu.memory_space<vmem>>) dst(%dma_wait3A_213 : memref<80x128xf32, #tpu.memory_space<vmem_shared>>)
    } else {
    }
    %add3A_94 = arith.constant 80 : i32
    %add3A_95 = arith.addi %arg1, %add3A_94 : i32
    %lt3A_96 = arith.constant 125 : i32
    %lt3A_97 = arith.cmpi slt, %add3A_95, %lt3A_96 : i32
    %convert_element_type3A_98 = arith.extui %lt3A_97 : i1 to i32
    %cond3A_99 = arith.constant 0 : i32
    %cond3A_100 = arith.cmpi ne, %convert_element_type3A_98, %cond3A_99 : i32
    scf.if %cond3A_100 {
      %dma_wait3A_205 = arith.constant 0 : i32
      %dma_wait3A_206 = arith.constant 0 : i32
      %dma_wait3A_207 = tpu.memref_slice %arg8[%dma_wait3A_205, %dma_wait3A_206] : memref<128x128xf32, #tpu.memory_space<vmem>> -> memref<80x128xf32, #tpu.memory_space<vmem>>
      %dma_wait3A_208 = arith.constant 0 : i32
      %dma_wait3A_209 = arith.constant 0 : i32
      %dma_wait3A_210 = tpu.memref_slice %arg5[%dma_wait3A_208, %dma_wait3A_209] : memref<10064x128xf32, #tpu.memory_space<vmem_shared>> -> memref<80x128xf32, #tpu.memory_space<vmem_shared>>
      %dma_wait3A_211 = arith.constant 0 : i32
      %dma_wait3A_212 = arith.constant 0 : i32
      %dma_wait3A_213 = tpu.memref_slice %arg5[%dma_wait3A_211, %dma_wait3A_212] : memref<10064x128xf32, #tpu.memory_space<vmem_shared>> -> memref<80x128xf32, #tpu.memory_space<vmem_shared>>
      %dma_wait3A_214 = arith.constant 0 : i32
      %dma_wait3A_215 = arith.constant 0 : i32
      %dma_wait3A_216 = tpu.memref_slice %arg8[%dma_wait3A_214, %dma_wait3A_215] : memref<128x128xf32, #tpu.memory_space<vmem>> -> memref<80x128xf32, #tpu.memory_space<vmem>>
      tpu.wait_dma2 semaphore(%arg10 : memref<!tpu.dma_semaphore, #tpu.memory_space<semaphore_mem>>) src(%dma_wait3A_216 : memref<80x128xf32, #tpu.memory_space<vmem>>) dst(%dma_wait3A_213 : memref<80x128xf32, #tpu.memory_space<vmem_shared>>)
    } else {
    }
    %add3A_101 = arith.constant 96 : i32
    %add3A_102 = arith.addi %arg1, %add3A_101 : i32
    %lt3A_103 = arith.constant 125 : i32
    %lt3A_104 = arith.cmpi slt, %add3A_102, %lt3A_103 : i32
    %convert_element_type3A_105 = arith.extui %lt3A_104 : i1 to i32
    %cond3A_106 = arith.constant 0 : i32
    %cond3A_107 = arith.cmpi ne, %convert_element_type3A_105, %cond3A_106 : i32
    scf.if %cond3A_107 {
      %dma_wait3A_205 = arith.constant 0 : i32
      %dma_wait3A_206 = arith.constant 0 : i32
      %dma_wait3A_207 = tpu.memref_slice %arg8[%dma_wait3A_205, %dma_wait3A_206] : memref<128x128xf32, #tpu.memory_space<vmem>> -> memref<80x128xf32, #tpu.memory_space<vmem>>
      %dma_wait3A_208 = arith.constant 0 : i32
      %dma_wait3A_209 = arith.constant 0 : i32
      %dma_wait3A_210 = tpu.memref_slice %arg5[%dma_wait3A_208, %dma_wait3A_209] : memref<10064x128xf32, #tpu.memory_space<vmem_shared>> -> memref<80x128xf32, #tpu.memory_space<vmem_shared>>
      %dma_wait3A_211 = arith.constant 0 : i32
      %dma_wait3A_212 = arith.constant 0 : i32
      %dma_wait3A_213 = tpu.memref_slice %arg5[%dma_wait3A_211, %dma_wait3A_212] : memref<10064x128xf32, #tpu.memory_space<vmem_shared>> -> memref<80x128xf32, #tpu.memory_space<vmem_shared>>
      %dma_wait3A_214 = arith.constant 0 : i32
      %dma_wait3A_215 = arith.constant 0 : i32
      %dma_wait3A_216 = tpu.memref_slice %arg8[%dma_wait3A_214, %dma_wait3A_215] : memref<128x128xf32, #tpu.memory_space<vmem>> -> memref<80x128xf32, #tpu.memory_space<vmem>>
      tpu.wait_dma2 semaphore(%arg10 : memref<!tpu.dma_semaphore, #tpu.memory_space<semaphore_mem>>) src(%dma_wait3A_216 : memref<80x128xf32, #tpu.memory_space<vmem>>) dst(%dma_wait3A_213 : memref<80x128xf32, #tpu.memory_space<vmem_shared>>)
    } else {
    }
    %add3A_108 = arith.constant 112 : i32
    %add3A_109 = arith.addi %arg1, %add3A_108 : i32
    %lt3A_110 = arith.constant 125 : i32
    %lt3A_111 = arith.cmpi slt, %add3A_109, %lt3A_110 : i32
    %convert_element_type3A_112 = arith.extui %lt3A_111 : i1 to i32
    %cond3A_113 = arith.constant 0 : i32
    %cond3A_114 = arith.cmpi ne, %convert_element_type3A_112, %cond3A_113 : i32
    scf.if %cond3A_114 {
      %dma_wait3A_205 = arith.constant 0 : i32
      %dma_wait3A_206 = arith.constant 0 : i32
      %dma_wait3A_207 = tpu.memref_slice %arg8[%dma_wait3A_205, %dma_wait3A_206] : memref<128x128xf32, #tpu.memory_space<vmem>> -> memref<80x128xf32, #tpu.memory_space<vmem>>
      %dma_wait3A_208 = arith.constant 0 : i32
      %dma_wait3A_209 = arith.constant 0 : i32
      %dma_wait3A_210 = tpu.memref_slice %arg5[%dma_wait3A_208, %dma_wait3A_209] : memref<10064x128xf32, #tpu.memory_space<vmem_shared>> -> memref<80x128xf32, #tpu.memory_space<vmem_shared>>
      %dma_wait3A_211 = arith.constant 0 : i32
      %dma_wait3A_212 = arith.constant 0 : i32
      %dma_wait3A_213 = tpu.memref_slice %arg5[%dma_wait3A_211, %dma_wait3A_212] : memref<10064x128xf32, #tpu.memory_space<vmem_shared>> -> memref<80x128xf32, #tpu.memory_space<vmem_shared>>
      %dma_wait3A_214 = arith.constant 0 : i32
      %dma_wait3A_215 = arith.constant 0 : i32
      %dma_wait3A_216 = tpu.memref_slice %arg8[%dma_wait3A_214, %dma_wait3A_215] : memref<128x128xf32, #tpu.memory_space<vmem>> -> memref<80x128xf32, #tpu.memory_space<vmem>>
      tpu.wait_dma2 semaphore(%arg10 : memref<!tpu.dma_semaphore, #tpu.memory_space<semaphore_mem>>) src(%dma_wait3A_216 : memref<80x128xf32, #tpu.memory_space<vmem>>) dst(%dma_wait3A_213 : memref<80x128xf32, #tpu.memory_space<vmem_shared>>)
    } else {
    }
    %barrier3A = arith.constant 0 : index
    tpu.barrier barrier_id(%barrier3A)
    %scan3A_115 = arith.constant 0 : i32
    %scan3A_116 = arith.constant 0 : i32
    %scan3A_117 = arith.constant 2 : i32
    %scan3A_118 = arith.addi %scan3A_116, %scan3A_117 : i32
    %scan3A_119 = arith.constant 1 : i32
    scf.for %scan3A_205 = %scan3A_116 to %scan3A_118 step %scan3A_119  : i32 {
      %mul3A_206 = arith.constant 40 : i32
      %mul3A_207 = arith.muli %mul3A_206, %scan3A_205 : i32
      %run_scoped3A = arith.constant 0 : i32
      "tpu.region"() ({
        %run_scoped3A_222 = tpu.sem_alloc : memref<!tpu.dma_semaphore, #tpu.memory_space<semaphore_mem>>
        %dma_start3A_223 = arith.constant 0 : i32
        %dma_start3A_224 = tpu.memref_slice %arg3[%run_scoped3A, %add3A, %mul3A_207, %dma_start3A_223] : memref<2x32x80x128xi32, #tpu.memory_space<hbm>> -> memref<1x1x40x128xi32, #tpu.memory_space<hbm>>
        %dma_start3A_225 = tpu.memref_squeeze %dma_start3A_224 : memref<1x1x40x128xi32, #tpu.memory_space<hbm>> -> memref<40x128xi32, #tpu.memory_space<hbm>>
        %dma_start3A_226 = arith.constant 0 : i32
        %dma_start3A_227 = tpu.memref_slice %arg3[%run_scoped3A, %add3A, %mul3A_207, %dma_start3A_226] : memref<2x32x80x128xi32, #tpu.memory_space<hbm>> -> memref<1x1x40x128xi32, #tpu.memory_space<hbm>>
        %dma_start3A_228 = tpu.memref_squeeze %dma_start3A_227 : memref<1x1x40x128xi32, #tpu.memory_space<hbm>> -> memref<40x128xi32, #tpu.memory_space<hbm>>
        tpu.enqueue_dma source(%dma_start3A_228 : memref<40x128xi32, #tpu.memory_space<hbm>>) target(%arg6 : memref<40x128xi32, #tpu.memory_space<vmem>>) target_semaphore(%run_scoped3A_222 : memref<!tpu.dma_semaphore, #tpu.memory_space<semaphore_mem>>)
        %dma_wait3A_229 = arith.constant 0 : i32
        %dma_wait3A_230 = tpu.memref_slice %arg3[%run_scoped3A, %add3A, %mul3A_207, %dma_wait3A_229] : memref<2x32x80x128xi32, #tpu.memory_space<hbm>> -> memref<1x1x40x128xi32, #tpu.memory_space<hbm>>
        %dma_wait3A_231 = tpu.memref_squeeze %dma_wait3A_230 : memref<1x1x40x128xi32, #tpu.memory_space<hbm>> -> memref<40x128xi32, #tpu.memory_space<hbm>>
        %dma_wait3A_232 = arith.constant 0 : i32
        %dma_wait3A_233 = tpu.memref_slice %arg3[%run_scoped3A, %add3A, %mul3A_207, %dma_wait3A_232] : memref<2x32x80x128xi32, #tpu.memory_space<hbm>> -> memref<1x1x40x128xi32, #tpu.memory_space<hbm>>
        %dma_wait3A_234 = tpu.memref_squeeze %dma_wait3A_233 : memref<1x1x40x128xi32, #tpu.memory_space<hbm>> -> memref<40x128xi32, #tpu.memory_space<hbm>>
        tpu.wait_dma2 semaphore(%run_scoped3A_222 : memref<!tpu.dma_semaphore, #tpu.memory_space<semaphore_mem>>) src(%dma_wait3A_234 : memref<40x128xi32, #tpu.memory_space<hbm>>) dst(%arg6 : memref<40x128xi32, #tpu.memory_space<vmem>>)
        tpu.yield
      }) : () -> ()
      %mul3A_208 = arith.constant 40 : i32
      %mul3A_209 = arith.muli %mul3A_208, %scan3A_205 : i32
      %run_scoped3A_210 = arith.constant 1 : i32
      "tpu.region"() ({
        %run_scoped3A_222 = tpu.sem_alloc : memref<!tpu.dma_semaphore, #tpu.memory_space<semaphore_mem>>
        %dma_start3A_223 = arith.constant 0 : i32
        %dma_start3A_224 = tpu.memref_slice %arg3[%run_scoped3A_210, %add3A, %mul3A_209, %dma_start3A_223] : memref<2x32x80x128xi32, #tpu.memory_space<hbm>> -> memref<1x1x40x128xi32, #tpu.memory_space<hbm>>
        %dma_start3A_225 = tpu.memref_squeeze %dma_start3A_224 : memref<1x1x40x128xi32, #tpu.memory_space<hbm>> -> memref<40x128xi32, #tpu.memory_space<hbm>>
        %dma_start3A_226 = arith.constant 0 : i32
        %dma_start3A_227 = tpu.memref_slice %arg3[%run_scoped3A_210, %add3A, %mul3A_209, %dma_start3A_226] : memref<2x32x80x128xi32, #tpu.memory_space<hbm>> -> memref<1x1x40x128xi32, #tpu.memory_space<hbm>>
        %dma_start3A_228 = tpu.memref_squeeze %dma_start3A_227 : memref<1x1x40x128xi32, #tpu.memory_space<hbm>> -> memref<40x128xi32, #tpu.memory_space<hbm>>
        tpu.enqueue_dma source(%dma_start3A_228 : memref<40x128xi32, #tpu.memory_space<hbm>>) target(%arg7 : memref<40x128xi32, #tpu.memory_space<vmem>>) target_semaphore(%run_scoped3A_222 : memref<!tpu.dma_semaphore, #tpu.memory_space<semaphore_mem>>)
        %dma_wait3A_229 = arith.constant 0 : i32
        %dma_wait3A_230 = tpu.memref_slice %arg3[%run_scoped3A_210, %add3A, %mul3A_209, %dma_wait3A_229] : memref<2x32x80x128xi32, #tpu.memory_space<hbm>> -> memref<1x1x40x128xi32, #tpu.memory_space<hbm>>
        %dma_wait3A_231 = tpu.memref_squeeze %dma_wait3A_230 : memref<1x1x40x128xi32, #tpu.memory_space<hbm>> -> memref<40x128xi32, #tpu.memory_space<hbm>>
        %dma_wait3A_232 = arith.constant 0 : i32
        %dma_wait3A_233 = tpu.memref_slice %arg3[%run_scoped3A_210, %add3A, %mul3A_209, %dma_wait3A_232] : memref<2x32x80x128xi32, #tpu.memory_space<hbm>> -> memref<1x1x40x128xi32, #tpu.memory_space<hbm>>
        %dma_wait3A_234 = tpu.memref_squeeze %dma_wait3A_233 : memref<1x1x40x128xi32, #tpu.memory_space<hbm>> -> memref<40x128xi32, #tpu.memory_space<hbm>>
        tpu.wait_dma2 semaphore(%run_scoped3A_222 : memref<!tpu.dma_semaphore, #tpu.memory_space<semaphore_mem>>) src(%dma_wait3A_234 : memref<40x128xi32, #tpu.memory_space<hbm>>) dst(%arg7 : memref<40x128xi32, #tpu.memory_space<vmem>>)
        tpu.yield
      }) : () -> ()
      %dma_start3A = arith.constant 0 : i32
      %dma_start3A_211 = arith.constant 0 : i32
      %dma_start3A_212 = tpu.memref_slice %arg6[%dma_start3A, %dma_start3A_211] : memref<40x128xi32, #tpu.memory_space<vmem>> -> memref<1x128xi32, #tpu.memory_space<vmem>>
      %dma_start3A_213 = tpu.memref_squeeze %dma_start3A_212 : memref<1x128xi32, #tpu.memory_space<vmem>> -> memref<128xi32, #tpu.memory_space<vmem>>
      %dma_start3A_214 = arith.constant 0 : i32
      %dma_start3A_215 = arith.constant 0 : i32
      %dma_start3A_216 = tpu.memref_slice %arg2[%dma_start3A_214, %dma_start3A_215] : memref<10000x128xf32, #tpu.memory_space<hbm>> -> memref<10000x128xf32, #tpu.memory_space<hbm>>
      tpu.enqueue_indirect_dma source(%dma_start3A_216 : memref<10000x128xf32, #tpu.memory_space<hbm>>) target(%arg8 : memref<128x128xf32, #tpu.memory_space<vmem>>) offsets(%dma_start3A_213 : memref<128xi32, #tpu.memory_space<vmem>>) semaphore(%arg10 : memref<!tpu.dma_semaphore, #tpu.memory_space<semaphore_mem>>)
      %scan3A_217 = arith.constant 0 : i32
      %scan3A_218 = arith.constant 20 : i32
      %scan3A_219 = arith.addi %scan3A_217, %scan3A_218 : i32
      %scan3A_220 = arith.constant 1 : i32
      scf.for %scan3A_222 = %scan3A_217 to %scan3A_219 step %scan3A_220  : i32 {
        %mul3A_223 = arith.constant 2 : i32
        %mul3A_224 = arith.muli %mul3A_223, %scan3A_222 : i32
        %add3A_225 = arith.constant 1 : i32
        %add3A_226 = arith.addi %mul3A_224, %add3A_225 : i32
        %dma_start3A_227 = arith.constant 0 : i32
        %dma_start3A_228 = tpu.memref_slice %arg6[%add3A_226, %dma_start3A_227] : memref<40x128xi32, #tpu.memory_space<vmem>> -> memref<1x128xi32, #tpu.memory_space<vmem>>
        %dma_start3A_229 = tpu.memref_squeeze %dma_start3A_228 : memref<1x128xi32, #tpu.memory_space<vmem>> -> memref<128xi32, #tpu.memory_space<vmem>>
        %dma_start3A_230 = arith.constant 0 : i32
        %dma_start3A_231 = arith.constant 0 : i32
        %dma_start3A_232 = tpu.memref_slice %arg2[%dma_start3A_230, %dma_start3A_231] : memref<10000x128xf32, #tpu.memory_space<hbm>> -> memref<10000x128xf32, #tpu.memory_space<hbm>>
        tpu.enqueue_indirect_dma source(%dma_start3A_232 : memref<10000x128xf32, #tpu.memory_space<hbm>>) target(%arg9 : memref<128x128xf32, #tpu.memory_space<vmem>>) offsets(%dma_start3A_229 : memref<128xi32, #tpu.memory_space<vmem>>) semaphore(%arg11 : memref<!tpu.dma_semaphore, #tpu.memory_space<semaphore_mem>>)
        %dma_wait3A_233 = arith.constant 0 : i32
        %dma_wait3A_234 = arith.constant 0 : i32
        %dma_wait3A_235 = tpu.memref_slice %arg6[%dma_wait3A_233, %dma_wait3A_234] : memref<40x128xi32, #tpu.memory_space<vmem>> -> memref<1x128xi32, #tpu.memory_space<vmem>>
        %dma_wait3A_236 = tpu.memref_squeeze %dma_wait3A_235 : memref<1x128xi32, #tpu.memory_space<vmem>> -> memref<128xi32, #tpu.memory_space<vmem>>
        %dma_wait3A_237 = arith.constant 0 : i32
        %dma_wait3A_238 = arith.constant 0 : i32
        %dma_wait3A_239 = tpu.memref_slice %arg2[%dma_wait3A_237, %dma_wait3A_238] : memref<10000x128xf32, #tpu.memory_space<hbm>> -> memref<10000x128xf32, #tpu.memory_space<hbm>>
        tpu.wait_indirect_dma semaphore(%arg10 : memref<!tpu.dma_semaphore, #tpu.memory_space<semaphore_mem>>) src(%dma_wait3A_239 : memref<10000x128xf32, #tpu.memory_space<hbm>>) dst(%arg8 : memref<128x128xf32, #tpu.memory_space<vmem>>)
        "tpu.region"() ({
          %run_scoped3A_256 = tpu.sem_alloc : memref<!tpu.dma_semaphore, #tpu.memory_space<semaphore_mem>>
          %dma_start3A_257 = arith.constant 0 : i32
          %dma_start3A_258 = tpu.memref_slice %arg7[%mul3A_224, %dma_start3A_257] : memref<40x128xi32, #tpu.memory_space<vmem>> -> memref<1x128xi32, #tpu.memory_space<vmem>>
          %dma_start3A_259 = tpu.memref_squeeze %dma_start3A_258 : memref<1x128xi32, #tpu.memory_space<vmem>> -> memref<128xi32, #tpu.memory_space<vmem>>
          %dma_start3A_260 = arith.constant 0 : i32
          %dma_start3A_261 = arith.constant 0 : i32
          %dma_start3A_262 = tpu.memref_slice %arg5[%dma_start3A_260, %dma_start3A_261] : memref<10064x128xf32, #tpu.memory_space<vmem_shared>> -> memref<10064x128xf32, #tpu.memory_space<vmem_shared>>
          tpu.enqueue_indirect_dma source(%arg8 : memref<128x128xf32, #tpu.memory_space<vmem>>) target(%dma_start3A_262 : memref<10064x128xf32, #tpu.memory_space<vmem_shared>>) offsets(%dma_start3A_259 : memref<128xi32, #tpu.memory_space<vmem>>) semaphore(%run_scoped3A_256 : memref<!tpu.dma_semaphore, #tpu.memory_space<semaphore_mem>>) {add = true}
          %dma_wait3A_263 = arith.constant 0 : i32
          %dma_wait3A_264 = tpu.memref_slice %arg7[%mul3A_224, %dma_wait3A_263] : memref<40x128xi32, #tpu.memory_space<vmem>> -> memref<1x128xi32, #tpu.memory_space<vmem>>
          %dma_wait3A_265 = tpu.memref_squeeze %dma_wait3A_264 : memref<1x128xi32, #tpu.memory_space<vmem>> -> memref<128xi32, #tpu.memory_space<vmem>>
          %dma_wait3A_266 = arith.constant 0 : i32
          %dma_wait3A_267 = arith.constant 0 : i32
          %dma_wait3A_268 = tpu.memref_slice %arg5[%dma_wait3A_266, %dma_wait3A_267] : memref<10064x128xf32, #tpu.memory_space<vmem_shared>> -> memref<10064x128xf32, #tpu.memory_space<vmem_shared>>
          tpu.wait_indirect_dma semaphore(%run_scoped3A_256 : memref<!tpu.dma_semaphore, #tpu.memory_space<semaphore_mem>>) src(%arg8 : memref<128x128xf32, #tpu.memory_space<vmem>>) dst(%dma_wait3A_268 : memref<10064x128xf32, #tpu.memory_space<vmem_shared>>)
          tpu.yield
        }) : () -> ()
        %add3A_240 = arith.constant 2 : i32
        %add3A_241 = arith.addi %mul3A_224, %add3A_240 : i32
        %lt3A_242 = arith.constant 40 : i32
        %lt3A_243 = arith.cmpi slt, %add3A_241, %lt3A_242 : i32
        %convert_element_type3A_244 = arith.extui %lt3A_243 : i1 to i32
        %cond3A_245 = arith.constant 0 : i32
        %cond3A_246 = arith.cmpi ne, %convert_element_type3A_244, %cond3A_245 : i32
        scf.if %cond3A_246 {
          %add3A_256 = arith.constant 2 : i32
          %add3A_257 = arith.addi %mul3A_224, %add3A_256 : i32
          %dma_start3A_258 = arith.constant 0 : i32
          %dma_start3A_259 = tpu.memref_slice %arg6[%add3A_257, %dma_start3A_258] : memref<40x128xi32, #tpu.memory_space<vmem>> -> memref<1x128xi32, #tpu.memory_space<vmem>>
          %dma_start3A_260 = tpu.memref_squeeze %dma_start3A_259 : memref<1x128xi32, #tpu.memory_space<vmem>> -> memref<128xi32, #tpu.memory_space<vmem>>
          %dma_start3A_261 = arith.constant 0 : i32
          %dma_start3A_262 = arith.constant 0 : i32
          %dma_start3A_263 = tpu.memref_slice %arg2[%dma_start3A_261, %dma_start3A_262] : memref<10000x128xf32, #tpu.memory_space<hbm>> -> memref<10000x128xf32, #tpu.memory_space<hbm>>
          tpu.enqueue_indirect_dma source(%dma_start3A_263 : memref<10000x128xf32, #tpu.memory_space<hbm>>) target(%arg8 : memref<128x128xf32, #tpu.memory_space<vmem>>) offsets(%dma_start3A_260 : memref<128xi32, #tpu.memory_space<vmem>>) semaphore(%arg10 : memref<!tpu.dma_semaphore, #tpu.memory_space<semaphore_mem>>)
        } else {
        }
        %dma_wait3A_247 = arith.constant 0 : i32
        %dma_wait3A_248 = arith.constant 0 : i32
        %dma_wait3A_249 = tpu.memref_slice %arg6[%dma_wait3A_247, %dma_wait3A_248] : memref<40x128xi32, #tpu.memory_space<vmem>> -> memref<1x128xi32, #tpu.memory_space<vmem>>
        %dma_wait3A_250 = tpu.memref_squeeze %dma_wait3A_249 : memref<1x128xi32, #tpu.memory_space<vmem>> -> memref<128xi32, #tpu.memory_space<vmem>>
        %dma_wait3A_251 = arith.constant 0 : i32
        %dma_wait3A_252 = arith.constant 0 : i32
        %dma_wait3A_253 = tpu.memref_slice %arg2[%dma_wait3A_251, %dma_wait3A_252] : memref<10000x128xf32, #tpu.memory_space<hbm>> -> memref<10000x128xf32, #tpu.memory_space<hbm>>
        tpu.wait_indirect_dma semaphore(%arg11 : memref<!tpu.dma_semaphore, #tpu.memory_space<semaphore_mem>>) src(%dma_wait3A_253 : memref<10000x128xf32, #tpu.memory_space<hbm>>) dst(%arg9 : memref<128x128xf32, #tpu.memory_space<vmem>>)
        %add3A_254 = arith.constant 1 : i32
        %add3A_255 = arith.addi %mul3A_224, %add3A_254 : i32
        "tpu.region"() ({
          %run_scoped3A_256 = tpu.sem_alloc : memref<!tpu.dma_semaphore, #tpu.memory_space<semaphore_mem>>
          %dma_start3A_257 = arith.constant 0 : i32
          %dma_start3A_258 = tpu.memref_slice %arg7[%add3A_255, %dma_start3A_257] : memref<40x128xi32, #tpu.memory_space<vmem>> -> memref<1x128xi32, #tpu.memory_space<vmem>>
          %dma_start3A_259 = tpu.memref_squeeze %dma_start3A_258 : memref<1x128xi32, #tpu.memory_space<vmem>> -> memref<128xi32, #tpu.memory_space<vmem>>
          %dma_start3A_260 = arith.constant 0 : i32
          %dma_start3A_261 = arith.constant 0 : i32
          %dma_start3A_262 = tpu.memref_slice %arg5[%dma_start3A_260, %dma_start3A_261] : memref<10064x128xf32, #tpu.memory_space<vmem_shared>> -> memref<10064x128xf32, #tpu.memory_space<vmem_shared>>
          tpu.enqueue_indirect_dma source(%arg9 : memref<128x128xf32, #tpu.memory_space<vmem>>) target(%dma_start3A_262 : memref<10064x128xf32, #tpu.memory_space<vmem_shared>>) offsets(%dma_start3A_259 : memref<128xi32, #tpu.memory_space<vmem>>) semaphore(%run_scoped3A_256 : memref<!tpu.dma_semaphore, #tpu.memory_space<semaphore_mem>>) {add = true}
          %dma_wait3A_263 = arith.constant 0 : i32
          %dma_wait3A_264 = tpu.memref_slice %arg7[%add3A_255, %dma_wait3A_263] : memref<40x128xi32, #tpu.memory_space<vmem>> -> memref<1x128xi32, #tpu.memory_space<vmem>>
          %dma_wait3A_265 = tpu.memref_squeeze %dma_wait3A_264 : memref<1x128xi32, #tpu.memory_space<vmem>> -> memref<128xi32, #tpu.memory_space<vmem>>
          %dma_wait3A_266 = arith.constant 0 : i32
          %dma_wait3A_267 = arith.constant 0 : i32
          %dma_wait3A_268 = tpu.memref_slice %arg5[%dma_wait3A_266, %dma_wait3A_267] : memref<10064x128xf32, #tpu.memory_space<vmem_shared>> -> memref<10064x128xf32, #tpu.memory_space<vmem_shared>>
          tpu.wait_indirect_dma semaphore(%run_scoped3A_256 : memref<!tpu.dma_semaphore, #tpu.memory_space<semaphore_mem>>) src(%arg9 : memref<128x128xf32, #tpu.memory_space<vmem>>) dst(%dma_wait3A_268 : memref<10064x128xf32, #tpu.memory_space<vmem_shared>>)
          tpu.yield
        }) : () -> ()
      }
      %scan3A_221 = arith.constant 20 : i32
    }
    %scan3A_120 = arith.constant 2 : i32
    %barrier3A_121 = arith.constant 0 : index
    tpu.barrier barrier_id(%barrier3A_121)
    %add3A_122 = arith.constant 0 : i32
    %add3A_123 = arith.addi %arg1, %add3A_122 : i32
    %lt3A_124 = arith.constant 125 : i32
    %lt3A_125 = arith.cmpi slt, %add3A_123, %lt3A_124 : i32
    %convert_element_type3A_126 = arith.extui %lt3A_125 : i1 to i32
    %cond3A_127 = arith.constant 0 : i32
    %cond3A_128 = arith.cmpi ne, %convert_element_type3A_126, %cond3A_127 : i32
    scf.if %cond3A_128 {
      %mul3A_205 = arith.constant 80 : i32
      %mul3A_206 = arith.muli %mul3A_205, %add3A_123 : i32
      %dma_start3A = arith.constant 0 : i32
      %dma_start3A_207 = arith.constant 0 : i32
      %dma_start3A_208 = tpu.memref_slice %arg8[%dma_start3A, %dma_start3A_207] : memref<128x128xf32, #tpu.memory_space<vmem>> -> memref<80x128xf32, #tpu.memory_space<vmem>>
      %dma_start3A_209 = arith.constant 0 : i32
      %dma_start3A_210 = tpu.memref_slice %arg5[%mul3A_206, %dma_start3A_209] : memref<10064x128xf32, #tpu.memory_space<vmem_shared>> -> memref<80x128xf32, #tpu.memory_space<vmem_shared>>
      %dma_start3A_211 = arith.constant 0 : i32
      %dma_start3A_212 = arith.constant 0 : i32
      %dma_start3A_213 = tpu.memref_slice %arg8[%dma_start3A_211, %dma_start3A_212] : memref<128x128xf32, #tpu.memory_space<vmem>> -> memref<80x128xf32, #tpu.memory_space<vmem>>
      %dma_start3A_214 = arith.constant 0 : i32
      %dma_start3A_215 = tpu.memref_slice %arg5[%mul3A_206, %dma_start3A_214] : memref<10064x128xf32, #tpu.memory_space<vmem_shared>> -> memref<80x128xf32, #tpu.memory_space<vmem_shared>>
      tpu.enqueue_dma source(%dma_start3A_215 : memref<80x128xf32, #tpu.memory_space<vmem_shared>>) target(%dma_start3A_213 : memref<80x128xf32, #tpu.memory_space<vmem>>) target_semaphore(%arg10 : memref<!tpu.dma_semaphore, #tpu.memory_space<semaphore_mem>>)
      %dma_wait3A_216 = arith.constant 0 : i32
      %dma_wait3A_217 = arith.constant 0 : i32
      %dma_wait3A_218 = tpu.memref_slice %arg8[%dma_wait3A_216, %dma_wait3A_217] : memref<128x128xf32, #tpu.memory_space<vmem>> -> memref<80x128xf32, #tpu.memory_space<vmem>>
      %dma_wait3A_219 = arith.constant 0 : i32
      %dma_wait3A_220 = arith.constant 0 : i32
      %dma_wait3A_221 = tpu.memref_slice %arg5[%dma_wait3A_219, %dma_wait3A_220] : memref<10064x128xf32, #tpu.memory_space<vmem_shared>> -> memref<80x128xf32, #tpu.memory_space<vmem_shared>>
      %dma_wait3A_222 = arith.constant 0 : i32
      %dma_wait3A_223 = arith.constant 0 : i32
      %dma_wait3A_224 = tpu.memref_slice %arg8[%dma_wait3A_222, %dma_wait3A_223] : memref<128x128xf32, #tpu.memory_space<vmem>> -> memref<80x128xf32, #tpu.memory_space<vmem>>
      %dma_wait3A_225 = arith.constant 0 : i32
      %dma_wait3A_226 = arith.constant 0 : i32
      %dma_wait3A_227 = tpu.memref_slice %arg5[%dma_wait3A_225, %dma_wait3A_226] : memref<10064x128xf32, #tpu.memory_space<vmem_shared>> -> memref<80x128xf32, #tpu.memory_space<vmem_shared>>
      tpu.wait_dma2 semaphore(%arg10 : memref<!tpu.dma_semaphore, #tpu.memory_space<semaphore_mem>>) src(%dma_wait3A_227 : memref<80x128xf32, #tpu.memory_space<vmem_shared>>) dst(%dma_wait3A_224 : memref<80x128xf32, #tpu.memory_space<vmem>>)
      %dma_start3A_228 = arith.constant 0 : i32
      %dma_start3A_229 = arith.constant 0 : i32
      %dma_start3A_230 = tpu.memref_slice %arg8[%dma_start3A_228, %dma_start3A_229] : memref<128x128xf32, #tpu.memory_space<vmem>> -> memref<80x128xf32, #tpu.memory_space<vmem>>
      %dma_start3A_231 = arith.constant 0 : i32
      %dma_start3A_232 = tpu.memref_slice %arg4[%arg0, %mul3A_206, %dma_start3A_231] : memref<2x10000x128xf32, #tpu.memory_space<hbm>> -> memref<1x80x128xf32, #tpu.memory_space<hbm>>
      %dma_start3A_233 = tpu.memref_squeeze %dma_start3A_232 : memref<1x80x128xf32, #tpu.memory_space<hbm>> -> memref<80x128xf32, #tpu.memory_space<hbm>>
      %dma_start3A_234 = arith.constant 0 : i32
      %dma_start3A_235 = tpu.memref_slice %arg4[%arg0, %mul3A_206, %dma_start3A_234] : memref<2x10000x128xf32, #tpu.memory_space<hbm>> -> memref<1x80x128xf32, #tpu.memory_space<hbm>>
      %dma_start3A_236 = tpu.memref_squeeze %dma_start3A_235 : memref<1x80x128xf32, #tpu.memory_space<hbm>> -> memref<80x128xf32, #tpu.memory_space<hbm>>
      %dma_start3A_237 = arith.constant 0 : i32
      %dma_start3A_238 = arith.constant 0 : i32
      %dma_start3A_239 = tpu.memref_slice %arg8[%dma_start3A_237, %dma_start3A_238] : memref<128x128xf32, #tpu.memory_space<vmem>> -> memref<80x128xf32, #tpu.memory_space<vmem>>
      tpu.enqueue_dma source(%dma_start3A_239 : memref<80x128xf32, #tpu.memory_space<vmem>>) target(%dma_start3A_236 : memref<80x128xf32, #tpu.memory_space<hbm>>) target_semaphore(%arg12 : memref<!tpu.dma_semaphore, #tpu.memory_space<semaphore_mem>>)
    } else {
    }
    %add3A_129 = arith.constant 16 : i32
    %add3A_130 = arith.addi %arg1, %add3A_129 : i32
    %lt3A_131 = arith.constant 125 : i32
    %lt3A_132 = arith.cmpi slt, %add3A_130, %lt3A_131 : i32
    %convert_element_type3A_133 = arith.extui %lt3A_132 : i1 to i32
    %cond3A_134 = arith.constant 0 : i32
    %cond3A_135 = arith.cmpi ne, %convert_element_type3A_133, %cond3A_134 : i32
    scf.if %cond3A_135 {
      %mul3A_205 = arith.constant 80 : i32
      %mul3A_206 = arith.muli %mul3A_205, %add3A_130 : i32
      %dma_start3A = arith.constant 0 : i32
      %dma_start3A_207 = arith.constant 0 : i32
      %dma_start3A_208 = tpu.memref_slice %arg9[%dma_start3A, %dma_start3A_207] : memref<128x128xf32, #tpu.memory_space<vmem>> -> memref<80x128xf32, #tpu.memory_space<vmem>>
      %dma_start3A_209 = arith.constant 0 : i32
      %dma_start3A_210 = tpu.memref_slice %arg5[%mul3A_206, %dma_start3A_209] : memref<10064x128xf32, #tpu.memory_space<vmem_shared>> -> memref<80x128xf32, #tpu.memory_space<vmem_shared>>
      %dma_start3A_211 = arith.constant 0 : i32
      %dma_start3A_212 = arith.constant 0 : i32
      %dma_start3A_213 = tpu.memref_slice %arg9[%dma_start3A_211, %dma_start3A_212] : memref<128x128xf32, #tpu.memory_space<vmem>> -> memref<80x128xf32, #tpu.memory_space<vmem>>
      %dma_start3A_214 = arith.constant 0 : i32
      %dma_start3A_215 = tpu.memref_slice %arg5[%mul3A_206, %dma_start3A_214] : memref<10064x128xf32, #tpu.memory_space<vmem_shared>> -> memref<80x128xf32, #tpu.memory_space<vmem_shared>>
      tpu.enqueue_dma source(%dma_start3A_215 : memref<80x128xf32, #tpu.memory_space<vmem_shared>>) target(%dma_start3A_213 : memref<80x128xf32, #tpu.memory_space<vmem>>) target_semaphore(%arg11 : memref<!tpu.dma_semaphore, #tpu.memory_space<semaphore_mem>>)
      %dma_wait3A_216 = arith.constant 0 : i32
      %dma_wait3A_217 = arith.constant 0 : i32
      %dma_wait3A_218 = tpu.memref_slice %arg9[%dma_wait3A_216, %dma_wait3A_217] : memref<128x128xf32, #tpu.memory_space<vmem>> -> memref<80x128xf32, #tpu.memory_space<vmem>>
      %dma_wait3A_219 = arith.constant 0 : i32
      %dma_wait3A_220 = arith.constant 0 : i32
      %dma_wait3A_221 = tpu.memref_slice %arg5[%dma_wait3A_219, %dma_wait3A_220] : memref<10064x128xf32, #tpu.memory_space<vmem_shared>> -> memref<80x128xf32, #tpu.memory_space<vmem_shared>>
      %dma_wait3A_222 = arith.constant 0 : i32
      %dma_wait3A_223 = arith.constant 0 : i32
      %dma_wait3A_224 = tpu.memref_slice %arg9[%dma_wait3A_222, %dma_wait3A_223] : memref<128x128xf32, #tpu.memory_space<vmem>> -> memref<80x128xf32, #tpu.memory_space<vmem>>
      %dma_wait3A_225 = arith.constant 0 : i32
      %dma_wait3A_226 = arith.constant 0 : i32
      %dma_wait3A_227 = tpu.memref_slice %arg5[%dma_wait3A_225, %dma_wait3A_226] : memref<10064x128xf32, #tpu.memory_space<vmem_shared>> -> memref<80x128xf32, #tpu.memory_space<vmem_shared>>
      tpu.wait_dma2 semaphore(%arg11 : memref<!tpu.dma_semaphore, #tpu.memory_space<semaphore_mem>>) src(%dma_wait3A_227 : memref<80x128xf32, #tpu.memory_space<vmem_shared>>) dst(%dma_wait3A_224 : memref<80x128xf32, #tpu.memory_space<vmem>>)
      %dma_start3A_228 = arith.constant 0 : i32
      %dma_start3A_229 = arith.constant 0 : i32
      %dma_start3A_230 = tpu.memref_slice %arg9[%dma_start3A_228, %dma_start3A_229] : memref<128x128xf32, #tpu.memory_space<vmem>> -> memref<80x128xf32, #tpu.memory_space<vmem>>
      %dma_start3A_231 = arith.constant 0 : i32
      %dma_start3A_232 = tpu.memref_slice %arg4[%arg0, %mul3A_206, %dma_start3A_231] : memref<2x10000x128xf32, #tpu.memory_space<hbm>> -> memref<1x80x128xf32, #tpu.memory_space<hbm>>
      %dma_start3A_233 = tpu.memref_squeeze %dma_start3A_232 : memref<1x80x128xf32, #tpu.memory_space<hbm>> -> memref<80x128xf32, #tpu.memory_space<hbm>>
      %dma_start3A_234 = arith.constant 0 : i32
      %dma_start3A_235 = tpu.memref_slice %arg4[%arg0, %mul3A_206, %dma_start3A_234] : memref<2x10000x128xf32, #tpu.memory_space<hbm>> -> memref<1x80x128xf32, #tpu.memory_space<hbm>>
      %dma_start3A_236 = tpu.memref_squeeze %dma_start3A_235 : memref<1x80x128xf32, #tpu.memory_space<hbm>> -> memref<80x128xf32, #tpu.memory_space<hbm>>
      %dma_start3A_237 = arith.constant 0 : i32
      %dma_start3A_238 = arith.constant 0 : i32
      %dma_start3A_239 = tpu.memref_slice %arg9[%dma_start3A_237, %dma_start3A_238] : memref<128x128xf32, #tpu.memory_space<vmem>> -> memref<80x128xf32, #tpu.memory_space<vmem>>
      tpu.enqueue_dma source(%dma_start3A_239 : memref<80x128xf32, #tpu.memory_space<vmem>>) target(%dma_start3A_236 : memref<80x128xf32, #tpu.memory_space<hbm>>) target_semaphore(%arg13 : memref<!tpu.dma_semaphore, #tpu.memory_space<semaphore_mem>>)
    } else {
    }
    %add3A_136 = arith.constant 32 : i32
    %add3A_137 = arith.addi %arg1, %add3A_136 : i32
    %lt3A_138 = arith.constant 125 : i32
    %lt3A_139 = arith.cmpi slt, %add3A_137, %lt3A_138 : i32
    %convert_element_type3A_140 = arith.extui %lt3A_139 : i1 to i32
    %cond3A_141 = arith.constant 0 : i32
    %cond3A_142 = arith.cmpi ne, %convert_element_type3A_140, %cond3A_141 : i32
    scf.if %cond3A_142 {
      %mul3A_205 = arith.constant 80 : i32
      %mul3A_206 = arith.muli %mul3A_205, %add3A_137 : i32
      %dma_wait3A_207 = arith.constant 0 : i32
      %dma_wait3A_208 = arith.constant 0 : i32
      %dma_wait3A_209 = tpu.memref_slice %arg8[%dma_wait3A_207, %dma_wait3A_208] : memref<128x128xf32, #tpu.memory_space<vmem>> -> memref<80x128xf32, #tpu.memory_space<vmem>>
      %dma_wait3A_210 = arith.constant 0 : i32
      %dma_wait3A_211 = arith.constant 0 : i32
      %dma_wait3A_212 = tpu.memref_slice %arg4[%arg0, %dma_wait3A_210, %dma_wait3A_211] : memref<2x10000x128xf32, #tpu.memory_space<hbm>> -> memref<1x80x128xf32, #tpu.memory_space<hbm>>
      %dma_wait3A_213 = tpu.memref_squeeze %dma_wait3A_212 : memref<1x80x128xf32, #tpu.memory_space<hbm>> -> memref<80x128xf32, #tpu.memory_space<hbm>>
      %dma_wait3A_214 = arith.constant 0 : i32
      %dma_wait3A_215 = arith.constant 0 : i32
      %dma_wait3A_216 = tpu.memref_slice %arg4[%arg0, %dma_wait3A_214, %dma_wait3A_215] : memref<2x10000x128xf32, #tpu.memory_space<hbm>> -> memref<1x80x128xf32, #tpu.memory_space<hbm>>
      %dma_wait3A_217 = tpu.memref_squeeze %dma_wait3A_216 : memref<1x80x128xf32, #tpu.memory_space<hbm>> -> memref<80x128xf32, #tpu.memory_space<hbm>>
      %dma_wait3A_218 = arith.constant 0 : i32
      %dma_wait3A_219 = arith.constant 0 : i32
      %dma_wait3A_220 = tpu.memref_slice %arg8[%dma_wait3A_218, %dma_wait3A_219] : memref<128x128xf32, #tpu.memory_space<vmem>> -> memref<80x128xf32, #tpu.memory_space<vmem>>
      tpu.wait_dma2 semaphore(%arg12 : memref<!tpu.dma_semaphore, #tpu.memory_space<semaphore_mem>>) src(%dma_wait3A_220 : memref<80x128xf32, #tpu.memory_space<vmem>>) dst(%dma_wait3A_217 : memref<80x128xf32, #tpu.memory_space<hbm>>)
      %dma_start3A = arith.constant 0 : i32
      %dma_start3A_221 = arith.constant 0 : i32
      %dma_start3A_222 = tpu.memref_slice %arg8[%dma_start3A, %dma_start3A_221] : memref<128x128xf32, #tpu.memory_space<vmem>> -> memref<80x128xf32, #tpu.memory_space<vmem>>
      %dma_start3A_223 = arith.constant 0 : i32
      %dma_start3A_224 = tpu.memref_slice %arg5[%mul3A_206, %dma_start3A_223] : memref<10064x128xf32, #tpu.memory_space<vmem_shared>> -> memref<80x128xf32, #tpu.memory_space<vmem_shared>>
      %dma_start3A_225 = arith.constant 0 : i32
      %dma_start3A_226 = arith.constant 0 : i32
      %dma_start3A_227 = tpu.memref_slice %arg8[%dma_start3A_225, %dma_start3A_226] : memref<128x128xf32, #tpu.memory_space<vmem>> -> memref<80x128xf32, #tpu.memory_space<vmem>>
      %dma_start3A_228 = arith.constant 0 : i32
      %dma_start3A_229 = tpu.memref_slice %arg5[%mul3A_206, %dma_start3A_228] : memref<10064x128xf32, #tpu.memory_space<vmem_shared>> -> memref<80x128xf32, #tpu.memory_space<vmem_shared>>
      tpu.enqueue_dma source(%dma_start3A_229 : memref<80x128xf32, #tpu.memory_space<vmem_shared>>) target(%dma_start3A_227 : memref<80x128xf32, #tpu.memory_space<vmem>>) target_semaphore(%arg10 : memref<!tpu.dma_semaphore, #tpu.memory_space<semaphore_mem>>)
      %dma_wait3A_230 = arith.constant 0 : i32
      %dma_wait3A_231 = arith.constant 0 : i32
      %dma_wait3A_232 = tpu.memref_slice %arg8[%dma_wait3A_230, %dma_wait3A_231] : memref<128x128xf32, #tpu.memory_space<vmem>> -> memref<80x128xf32, #tpu.memory_space<vmem>>
      %dma_wait3A_233 = arith.constant 0 : i32
      %dma_wait3A_234 = arith.constant 0 : i32
      %dma_wait3A_235 = tpu.memref_slice %arg5[%dma_wait3A_233, %dma_wait3A_234] : memref<10064x128xf32, #tpu.memory_space<vmem_shared>> -> memref<80x128xf32, #tpu.memory_space<vmem_shared>>
      %dma_wait3A_236 = arith.constant 0 : i32
      %dma_wait3A_237 = arith.constant 0 : i32
      %dma_wait3A_238 = tpu.memref_slice %arg8[%dma_wait3A_236, %dma_wait3A_237] : memref<128x128xf32, #tpu.memory_space<vmem>> -> memref<80x128xf32, #tpu.memory_space<vmem>>
      %dma_wait3A_239 = arith.constant 0 : i32
      %dma_wait3A_240 = arith.constant 0 : i32
      %dma_wait3A_241 = tpu.memref_slice %arg5[%dma_wait3A_239, %dma_wait3A_240] : memref<10064x128xf32, #tpu.memory_space<vmem_shared>> -> memref<80x128xf32, #tpu.memory_space<vmem_shared>>
      tpu.wait_dma2 semaphore(%arg10 : memref<!tpu.dma_semaphore, #tpu.memory_space<semaphore_mem>>) src(%dma_wait3A_241 : memref<80x128xf32, #tpu.memory_space<vmem_shared>>) dst(%dma_wait3A_238 : memref<80x128xf32, #tpu.memory_space<vmem>>)
      %dma_start3A_242 = arith.constant 0 : i32
      %dma_start3A_243 = arith.constant 0 : i32
      %dma_start3A_244 = tpu.memref_slice %arg8[%dma_start3A_242, %dma_start3A_243] : memref<128x128xf32, #tpu.memory_space<vmem>> -> memref<80x128xf32, #tpu.memory_space<vmem>>
      %dma_start3A_245 = arith.constant 0 : i32
      %dma_start3A_246 = tpu.memref_slice %arg4[%arg0, %mul3A_206, %dma_start3A_245] : memref<2x10000x128xf32, #tpu.memory_space<hbm>> -> memref<1x80x128xf32, #tpu.memory_space<hbm>>
      %dma_start3A_247 = tpu.memref_squeeze %dma_start3A_246 : memref<1x80x128xf32, #tpu.memory_space<hbm>> -> memref<80x128xf32, #tpu.memory_space<hbm>>
      %dma_start3A_248 = arith.constant 0 : i32
      %dma_start3A_249 = tpu.memref_slice %arg4[%arg0, %mul3A_206, %dma_start3A_248] : memref<2x10000x128xf32, #tpu.memory_space<hbm>> -> memref<1x80x128xf32, #tpu.memory_space<hbm>>
      %dma_start3A_250 = tpu.memref_squeeze %dma_start3A_249 : memref<1x80x128xf32, #tpu.memory_space<hbm>> -> memref<80x128xf32, #tpu.memory_space<hbm>>
      %dma_start3A_251 = arith.constant 0 : i32
      %dma_start3A_252 = arith.constant 0 : i32
      %dma_start3A_253 = tpu.memref_slice %arg8[%dma_start3A_251, %dma_start3A_252] : memref<128x128xf32, #tpu.memory_space<vmem>> -> memref<80x128xf32, #tpu.memory_space<vmem>>
      tpu.enqueue_dma source(%dma_start3A_253 : memref<80x128xf32, #tpu.memory_space<vmem>>) target(%dma_start3A_250 : memref<80x128xf32, #tpu.memory_space<hbm>>) target_semaphore(%arg12 : memref<!tpu.dma_semaphore, #tpu.memory_space<semaphore_mem>>)
    } else {
    }
    %add3A_143 = arith.constant 48 : i32
    %add3A_144 = arith.addi %arg1, %add3A_143 : i32
    %lt3A_145 = arith.constant 125 : i32
    %lt3A_146 = arith.cmpi slt, %add3A_144, %lt3A_145 : i32
    %convert_element_type3A_147 = arith.extui %lt3A_146 : i1 to i32
    %cond3A_148 = arith.constant 0 : i32
    %cond3A_149 = arith.cmpi ne, %convert_element_type3A_147, %cond3A_148 : i32
    scf.if %cond3A_149 {
      %mul3A_205 = arith.constant 80 : i32
      %mul3A_206 = arith.muli %mul3A_205, %add3A_144 : i32
      %dma_wait3A_207 = arith.constant 0 : i32
      %dma_wait3A_208 = arith.constant 0 : i32
      %dma_wait3A_209 = tpu.memref_slice %arg9[%dma_wait3A_207, %dma_wait3A_208] : memref<128x128xf32, #tpu.memory_space<vmem>> -> memref<80x128xf32, #tpu.memory_space<vmem>>
      %dma_wait3A_210 = arith.constant 0 : i32
      %dma_wait3A_211 = arith.constant 0 : i32
      %dma_wait3A_212 = tpu.memref_slice %arg4[%arg0, %dma_wait3A_210, %dma_wait3A_211] : memref<2x10000x128xf32, #tpu.memory_space<hbm>> -> memref<1x80x128xf32, #tpu.memory_space<hbm>>
      %dma_wait3A_213 = tpu.memref_squeeze %dma_wait3A_212 : memref<1x80x128xf32, #tpu.memory_space<hbm>> -> memref<80x128xf32, #tpu.memory_space<hbm>>
      %dma_wait3A_214 = arith.constant 0 : i32
      %dma_wait3A_215 = arith.constant 0 : i32
      %dma_wait3A_216 = tpu.memref_slice %arg4[%arg0, %dma_wait3A_214, %dma_wait3A_215] : memref<2x10000x128xf32, #tpu.memory_space<hbm>> -> memref<1x80x128xf32, #tpu.memory_space<hbm>>
      %dma_wait3A_217 = tpu.memref_squeeze %dma_wait3A_216 : memref<1x80x128xf32, #tpu.memory_space<hbm>> -> memref<80x128xf32, #tpu.memory_space<hbm>>
      %dma_wait3A_218 = arith.constant 0 : i32
      %dma_wait3A_219 = arith.constant 0 : i32
      %dma_wait3A_220 = tpu.memref_slice %arg9[%dma_wait3A_218, %dma_wait3A_219] : memref<128x128xf32, #tpu.memory_space<vmem>> -> memref<80x128xf32, #tpu.memory_space<vmem>>
      tpu.wait_dma2 semaphore(%arg13 : memref<!tpu.dma_semaphore, #tpu.memory_space<semaphore_mem>>) src(%dma_wait3A_220 : memref<80x128xf32, #tpu.memory_space<vmem>>) dst(%dma_wait3A_217 : memref<80x128xf32, #tpu.memory_space<hbm>>)
      %dma_start3A = arith.constant 0 : i32
      %dma_start3A_221 = arith.constant 0 : i32
      %dma_start3A_222 = tpu.memref_slice %arg9[%dma_start3A, %dma_start3A_221] : memref<128x128xf32, #tpu.memory_space<vmem>> -> memref<80x128xf32, #tpu.memory_space<vmem>>
      %dma_start3A_223 = arith.constant 0 : i32
      %dma_start3A_224 = tpu.memref_slice %arg5[%mul3A_206, %dma_start3A_223] : memref<10064x128xf32, #tpu.memory_space<vmem_shared>> -> memref<80x128xf32, #tpu.memory_space<vmem_shared>>
      %dma_start3A_225 = arith.constant 0 : i32
      %dma_start3A_226 = arith.constant 0 : i32
      %dma_start3A_227 = tpu.memref_slice %arg9[%dma_start3A_225, %dma_start3A_226] : memref<128x128xf32, #tpu.memory_space<vmem>> -> memref<80x128xf32, #tpu.memory_space<vmem>>
      %dma_start3A_228 = arith.constant 0 : i32
      %dma_start3A_229 = tpu.memref_slice %arg5[%mul3A_206, %dma_start3A_228] : memref<10064x128xf32, #tpu.memory_space<vmem_shared>> -> memref<80x128xf32, #tpu.memory_space<vmem_shared>>
      tpu.enqueue_dma source(%dma_start3A_229 : memref<80x128xf32, #tpu.memory_space<vmem_shared>>) target(%dma_start3A_227 : memref<80x128xf32, #tpu.memory_space<vmem>>) target_semaphore(%arg11 : memref<!tpu.dma_semaphore, #tpu.memory_space<semaphore_mem>>)
      %dma_wait3A_230 = arith.constant 0 : i32
      %dma_wait3A_231 = arith.constant 0 : i32
      %dma_wait3A_232 = tpu.memref_slice %arg9[%dma_wait3A_230, %dma_wait3A_231] : memref<128x128xf32, #tpu.memory_space<vmem>> -> memref<80x128xf32, #tpu.memory_space<vmem>>
      %dma_wait3A_233 = arith.constant 0 : i32
      %dma_wait3A_234 = arith.constant 0 : i32
      %dma_wait3A_235 = tpu.memref_slice %arg5[%dma_wait3A_233, %dma_wait3A_234] : memref<10064x128xf32, #tpu.memory_space<vmem_shared>> -> memref<80x128xf32, #tpu.memory_space<vmem_shared>>
      %dma_wait3A_236 = arith.constant 0 : i32
      %dma_wait3A_237 = arith.constant 0 : i32
      %dma_wait3A_238 = tpu.memref_slice %arg9[%dma_wait3A_236, %dma_wait3A_237] : memref<128x128xf32, #tpu.memory_space<vmem>> -> memref<80x128xf32, #tpu.memory_space<vmem>>
      %dma_wait3A_239 = arith.constant 0 : i32
      %dma_wait3A_240 = arith.constant 0 : i32
      %dma_wait3A_241 = tpu.memref_slice %arg5[%dma_wait3A_239, %dma_wait3A_240] : memref<10064x128xf32, #tpu.memory_space<vmem_shared>> -> memref<80x128xf32, #tpu.memory_space<vmem_shared>>
      tpu.wait_dma2 semaphore(%arg11 : memref<!tpu.dma_semaphore, #tpu.memory_space<semaphore_mem>>) src(%dma_wait3A_241 : memref<80x128xf32, #tpu.memory_space<vmem_shared>>) dst(%dma_wait3A_238 : memref<80x128xf32, #tpu.memory_space<vmem>>)
      %dma_start3A_242 = arith.constant 0 : i32
      %dma_start3A_243 = arith.constant 0 : i32
      %dma_start3A_244 = tpu.memref_slice %arg9[%dma_start3A_242, %dma_start3A_243] : memref<128x128xf32, #tpu.memory_space<vmem>> -> memref<80x128xf32, #tpu.memory_space<vmem>>
      %dma_start3A_245 = arith.constant 0 : i32
      %dma_start3A_246 = tpu.memref_slice %arg4[%arg0, %mul3A_206, %dma_start3A_245] : memref<2x10000x128xf32, #tpu.memory_space<hbm>> -> memref<1x80x128xf32, #tpu.memory_space<hbm>>
      %dma_start3A_247 = tpu.memref_squeeze %dma_start3A_246 : memref<1x80x128xf32, #tpu.memory_space<hbm>> -> memref<80x128xf32, #tpu.memory_space<hbm>>
      %dma_start3A_248 = arith.constant 0 : i32
      %dma_start3A_249 = tpu.memref_slice %arg4[%arg0, %mul3A_206, %dma_start3A_248] : memref<2x10000x128xf32, #tpu.memory_space<hbm>> -> memref<1x80x128xf32, #tpu.memory_space<hbm>>
      %dma_start3A_250 = tpu.memref_squeeze %dma_start3A_249 : memref<1x80x128xf32, #tpu.memory_space<hbm>> -> memref<80x128xf32, #tpu.memory_space<hbm>>
      %dma_start3A_251 = arith.constant 0 : i32
      %dma_start3A_252 = arith.constant 0 : i32
      %dma_start3A_253 = tpu.memref_slice %arg9[%dma_start3A_251, %dma_start3A_252] : memref<128x128xf32, #tpu.memory_space<vmem>> -> memref<80x128xf32, #tpu.memory_space<vmem>>
      tpu.enqueue_dma source(%dma_start3A_253 : memref<80x128xf32, #tpu.memory_space<vmem>>) target(%dma_start3A_250 : memref<80x128xf32, #tpu.memory_space<hbm>>) target_semaphore(%arg13 : memref<!tpu.dma_semaphore, #tpu.memory_space<semaphore_mem>>)
    } else {
    }
    %add3A_150 = arith.constant 64 : i32
    %add3A_151 = arith.addi %arg1, %add3A_150 : i32
    %lt3A_152 = arith.constant 125 : i32
    %lt3A_153 = arith.cmpi slt, %add3A_151, %lt3A_152 : i32
    %convert_element_type3A_154 = arith.extui %lt3A_153 : i1 to i32
    %cond3A_155 = arith.constant 0 : i32
    %cond3A_156 = arith.cmpi ne, %convert_element_type3A_154, %cond3A_155 : i32
    scf.if %cond3A_156 {
      %mul3A_205 = arith.constant 80 : i32
      %mul3A_206 = arith.muli %mul3A_205, %add3A_151 : i32
      %dma_wait3A_207 = arith.constant 0 : i32
      %dma_wait3A_208 = arith.constant 0 : i32
      %dma_wait3A_209 = tpu.memref_slice %arg8[%dma_wait3A_207, %dma_wait3A_208] : memref<128x128xf32, #tpu.memory_space<vmem>> -> memref<80x128xf32, #tpu.memory_space<vmem>>
      %dma_wait3A_210 = arith.constant 0 : i32
      %dma_wait3A_211 = arith.constant 0 : i32
      %dma_wait3A_212 = tpu.memref_slice %arg4[%arg0, %dma_wait3A_210, %dma_wait3A_211] : memref<2x10000x128xf32, #tpu.memory_space<hbm>> -> memref<1x80x128xf32, #tpu.memory_space<hbm>>
      %dma_wait3A_213 = tpu.memref_squeeze %dma_wait3A_212 : memref<1x80x128xf32, #tpu.memory_space<hbm>> -> memref<80x128xf32, #tpu.memory_space<hbm>>
      %dma_wait3A_214 = arith.constant 0 : i32
      %dma_wait3A_215 = arith.constant 0 : i32
      %dma_wait3A_216 = tpu.memref_slice %arg4[%arg0, %dma_wait3A_214, %dma_wait3A_215] : memref<2x10000x128xf32, #tpu.memory_space<hbm>> -> memref<1x80x128xf32, #tpu.memory_space<hbm>>
      %dma_wait3A_217 = tpu.memref_squeeze %dma_wait3A_216 : memref<1x80x128xf32, #tpu.memory_space<hbm>> -> memref<80x128xf32, #tpu.memory_space<hbm>>
      %dma_wait3A_218 = arith.constant 0 : i32
      %dma_wait3A_219 = arith.constant 0 : i32
      %dma_wait3A_220 = tpu.memref_slice %arg8[%dma_wait3A_218, %dma_wait3A_219] : memref<128x128xf32, #tpu.memory_space<vmem>> -> memref<80x128xf32, #tpu.memory_space<vmem>>
      tpu.wait_dma2 semaphore(%arg12 : memref<!tpu.dma_semaphore, #tpu.memory_space<semaphore_mem>>) src(%dma_wait3A_220 : memref<80x128xf32, #tpu.memory_space<vmem>>) dst(%dma_wait3A_217 : memref<80x128xf32, #tpu.memory_space<hbm>>)
      %dma_start3A = arith.constant 0 : i32
      %dma_start3A_221 = arith.constant 0 : i32
      %dma_start3A_222 = tpu.memref_slice %arg8[%dma_start3A, %dma_start3A_221] : memref<128x128xf32, #tpu.memory_space<vmem>> -> memref<80x128xf32, #tpu.memory_space<vmem>>
      %dma_start3A_223 = arith.constant 0 : i32
      %dma_start3A_224 = tpu.memref_slice %arg5[%mul3A_206, %dma_start3A_223] : memref<10064x128xf32, #tpu.memory_space<vmem_shared>> -> memref<80x128xf32, #tpu.memory_space<vmem_shared>>
      %dma_start3A_225 = arith.constant 0 : i32
      %dma_start3A_226 = arith.constant 0 : i32
      %dma_start3A_227 = tpu.memref_slice %arg8[%dma_start3A_225, %dma_start3A_226] : memref<128x128xf32, #tpu.memory_space<vmem>> -> memref<80x128xf32, #tpu.memory_space<vmem>>
      %dma_start3A_228 = arith.constant 0 : i32
      %dma_start3A_229 = tpu.memref_slice %arg5[%mul3A_206, %dma_start3A_228] : memref<10064x128xf32, #tpu.memory_space<vmem_shared>> -> memref<80x128xf32, #tpu.memory_space<vmem_shared>>
      tpu.enqueue_dma source(%dma_start3A_229 : memref<80x128xf32, #tpu.memory_space<vmem_shared>>) target(%dma_start3A_227 : memref<80x128xf32, #tpu.memory_space<vmem>>) target_semaphore(%arg10 : memref<!tpu.dma_semaphore, #tpu.memory_space<semaphore_mem>>)
      %dma_wait3A_230 = arith.constant 0 : i32
      %dma_wait3A_231 = arith.constant 0 : i32
      %dma_wait3A_232 = tpu.memref_slice %arg8[%dma_wait3A_230, %dma_wait3A_231] : memref<128x128xf32, #tpu.memory_space<vmem>> -> memref<80x128xf32, #tpu.memory_space<vmem>>
      %dma_wait3A_233 = arith.constant 0 : i32
      %dma_wait3A_234 = arith.constant 0 : i32
      %dma_wait3A_235 = tpu.memref_slice %arg5[%dma_wait3A_233, %dma_wait3A_234] : memref<10064x128xf32, #tpu.memory_space<vmem_shared>> -> memref<80x128xf32, #tpu.memory_space<vmem_shared>>
      %dma_wait3A_236 = arith.constant 0 : i32
      %dma_wait3A_237 = arith.constant 0 : i32
      %dma_wait3A_238 = tpu.memref_slice %arg8[%dma_wait3A_236, %dma_wait3A_237] : memref<128x128xf32, #tpu.memory_space<vmem>> -> memref<80x128xf32, #tpu.memory_space<vmem>>
      %dma_wait3A_239 = arith.constant 0 : i32
      %dma_wait3A_240 = arith.constant 0 : i32
      %dma_wait3A_241 = tpu.memref_slice %arg5[%dma_wait3A_239, %dma_wait3A_240] : memref<10064x128xf32, #tpu.memory_space<vmem_shared>> -> memref<80x128xf32, #tpu.memory_space<vmem_shared>>
      tpu.wait_dma2 semaphore(%arg10 : memref<!tpu.dma_semaphore, #tpu.memory_space<semaphore_mem>>) src(%dma_wait3A_241 : memref<80x128xf32, #tpu.memory_space<vmem_shared>>) dst(%dma_wait3A_238 : memref<80x128xf32, #tpu.memory_space<vmem>>)
      %dma_start3A_242 = arith.constant 0 : i32
      %dma_start3A_243 = arith.constant 0 : i32
      %dma_start3A_244 = tpu.memref_slice %arg8[%dma_start3A_242, %dma_start3A_243] : memref<128x128xf32, #tpu.memory_space<vmem>> -> memref<80x128xf32, #tpu.memory_space<vmem>>
      %dma_start3A_245 = arith.constant 0 : i32
      %dma_start3A_246 = tpu.memref_slice %arg4[%arg0, %mul3A_206, %dma_start3A_245] : memref<2x10000x128xf32, #tpu.memory_space<hbm>> -> memref<1x80x128xf32, #tpu.memory_space<hbm>>
      %dma_start3A_247 = tpu.memref_squeeze %dma_start3A_246 : memref<1x80x128xf32, #tpu.memory_space<hbm>> -> memref<80x128xf32, #tpu.memory_space<hbm>>
      %dma_start3A_248 = arith.constant 0 : i32
      %dma_start3A_249 = tpu.memref_slice %arg4[%arg0, %mul3A_206, %dma_start3A_248] : memref<2x10000x128xf32, #tpu.memory_space<hbm>> -> memref<1x80x128xf32, #tpu.memory_space<hbm>>
      %dma_start3A_250 = tpu.memref_squeeze %dma_start3A_249 : memref<1x80x128xf32, #tpu.memory_space<hbm>> -> memref<80x128xf32, #tpu.memory_space<hbm>>
      %dma_start3A_251 = arith.constant 0 : i32
      %dma_start3A_252 = arith.constant 0 : i32
      %dma_start3A_253 = tpu.memref_slice %arg8[%dma_start3A_251, %dma_start3A_252] : memref<128x128xf32, #tpu.memory_space<vmem>> -> memref<80x128xf32, #tpu.memory_space<vmem>>
      tpu.enqueue_dma source(%dma_start3A_253 : memref<80x128xf32, #tpu.memory_space<vmem>>) target(%dma_start3A_250 : memref<80x128xf32, #tpu.memory_space<hbm>>) target_semaphore(%arg12 : memref<!tpu.dma_semaphore, #tpu.memory_space<semaphore_mem>>)
    } else {
    }
    %add3A_157 = arith.constant 80 : i32
    %add3A_158 = arith.addi %arg1, %add3A_157 : i32
    %lt3A_159 = arith.constant 125 : i32
    %lt3A_160 = arith.cmpi slt, %add3A_158, %lt3A_159 : i32
    %convert_element_type3A_161 = arith.extui %lt3A_160 : i1 to i32
    %cond3A_162 = arith.constant 0 : i32
    %cond3A_163 = arith.cmpi ne, %convert_element_type3A_161, %cond3A_162 : i32
    scf.if %cond3A_163 {
      %mul3A_205 = arith.constant 80 : i32
      %mul3A_206 = arith.muli %mul3A_205, %add3A_158 : i32
      %dma_wait3A_207 = arith.constant 0 : i32
      %dma_wait3A_208 = arith.constant 0 : i32
      %dma_wait3A_209 = tpu.memref_slice %arg9[%dma_wait3A_207, %dma_wait3A_208] : memref<128x128xf32, #tpu.memory_space<vmem>> -> memref<80x128xf32, #tpu.memory_space<vmem>>
      %dma_wait3A_210 = arith.constant 0 : i32
      %dma_wait3A_211 = arith.constant 0 : i32
      %dma_wait3A_212 = tpu.memref_slice %arg4[%arg0, %dma_wait3A_210, %dma_wait3A_211] : memref<2x10000x128xf32, #tpu.memory_space<hbm>> -> memref<1x80x128xf32, #tpu.memory_space<hbm>>
      %dma_wait3A_213 = tpu.memref_squeeze %dma_wait3A_212 : memref<1x80x128xf32, #tpu.memory_space<hbm>> -> memref<80x128xf32, #tpu.memory_space<hbm>>
      %dma_wait3A_214 = arith.constant 0 : i32
      %dma_wait3A_215 = arith.constant 0 : i32
      %dma_wait3A_216 = tpu.memref_slice %arg4[%arg0, %dma_wait3A_214, %dma_wait3A_215] : memref<2x10000x128xf32, #tpu.memory_space<hbm>> -> memref<1x80x128xf32, #tpu.memory_space<hbm>>
      %dma_wait3A_217 = tpu.memref_squeeze %dma_wait3A_216 : memref<1x80x128xf32, #tpu.memory_space<hbm>> -> memref<80x128xf32, #tpu.memory_space<hbm>>
      %dma_wait3A_218 = arith.constant 0 : i32
      %dma_wait3A_219 = arith.constant 0 : i32
      %dma_wait3A_220 = tpu.memref_slice %arg9[%dma_wait3A_218, %dma_wait3A_219] : memref<128x128xf32, #tpu.memory_space<vmem>> -> memref<80x128xf32, #tpu.memory_space<vmem>>
      tpu.wait_dma2 semaphore(%arg13 : memref<!tpu.dma_semaphore, #tpu.memory_space<semaphore_mem>>) src(%dma_wait3A_220 : memref<80x128xf32, #tpu.memory_space<vmem>>) dst(%dma_wait3A_217 : memref<80x128xf32, #tpu.memory_space<hbm>>)
      %dma_start3A = arith.constant 0 : i32
      %dma_start3A_221 = arith.constant 0 : i32
      %dma_start3A_222 = tpu.memref_slice %arg9[%dma_start3A, %dma_start3A_221] : memref<128x128xf32, #tpu.memory_space<vmem>> -> memref<80x128xf32, #tpu.memory_space<vmem>>
      %dma_start3A_223 = arith.constant 0 : i32
      %dma_start3A_224 = tpu.memref_slice %arg5[%mul3A_206, %dma_start3A_223] : memref<10064x128xf32, #tpu.memory_space<vmem_shared>> -> memref<80x128xf32, #tpu.memory_space<vmem_shared>>
      %dma_start3A_225 = arith.constant 0 : i32
      %dma_start3A_226 = arith.constant 0 : i32
      %dma_start3A_227 = tpu.memref_slice %arg9[%dma_start3A_225, %dma_start3A_226] : memref<128x128xf32, #tpu.memory_space<vmem>> -> memref<80x128xf32, #tpu.memory_space<vmem>>
      %dma_start3A_228 = arith.constant 0 : i32
      %dma_start3A_229 = tpu.memref_slice %arg5[%mul3A_206, %dma_start3A_228] : memref<10064x128xf32, #tpu.memory_space<vmem_shared>> -> memref<80x128xf32, #tpu.memory_space<vmem_shared>>
      tpu.enqueue_dma source(%dma_start3A_229 : memref<80x128xf32, #tpu.memory_space<vmem_shared>>) target(%dma_start3A_227 : memref<80x128xf32, #tpu.memory_space<vmem>>) target_semaphore(%arg11 : memref<!tpu.dma_semaphore, #tpu.memory_space<semaphore_mem>>)
      %dma_wait3A_230 = arith.constant 0 : i32
      %dma_wait3A_231 = arith.constant 0 : i32
      %dma_wait3A_232 = tpu.memref_slice %arg9[%dma_wait3A_230, %dma_wait3A_231] : memref<128x128xf32, #tpu.memory_space<vmem>> -> memref<80x128xf32, #tpu.memory_space<vmem>>
      %dma_wait3A_233 = arith.constant 0 : i32
      %dma_wait3A_234 = arith.constant 0 : i32
      %dma_wait3A_235 = tpu.memref_slice %arg5[%dma_wait3A_233, %dma_wait3A_234] : memref<10064x128xf32, #tpu.memory_space<vmem_shared>> -> memref<80x128xf32, #tpu.memory_space<vmem_shared>>
      %dma_wait3A_236 = arith.constant 0 : i32
      %dma_wait3A_237 = arith.constant 0 : i32
      %dma_wait3A_238 = tpu.memref_slice %arg9[%dma_wait3A_236, %dma_wait3A_237] : memref<128x128xf32, #tpu.memory_space<vmem>> -> memref<80x128xf32, #tpu.memory_space<vmem>>
      %dma_wait3A_239 = arith.constant 0 : i32
      %dma_wait3A_240 = arith.constant 0 : i32
      %dma_wait3A_241 = tpu.memref_slice %arg5[%dma_wait3A_239, %dma_wait3A_240] : memref<10064x128xf32, #tpu.memory_space<vmem_shared>> -> memref<80x128xf32, #tpu.memory_space<vmem_shared>>
      tpu.wait_dma2 semaphore(%arg11 : memref<!tpu.dma_semaphore, #tpu.memory_space<semaphore_mem>>) src(%dma_wait3A_241 : memref<80x128xf32, #tpu.memory_space<vmem_shared>>) dst(%dma_wait3A_238 : memref<80x128xf32, #tpu.memory_space<vmem>>)
      %dma_start3A_242 = arith.constant 0 : i32
      %dma_start3A_243 = arith.constant 0 : i32
      %dma_start3A_244 = tpu.memref_slice %arg9[%dma_start3A_242, %dma_start3A_243] : memref<128x128xf32, #tpu.memory_space<vmem>> -> memref<80x128xf32, #tpu.memory_space<vmem>>
      %dma_start3A_245 = arith.constant 0 : i32
      %dma_start3A_246 = tpu.memref_slice %arg4[%arg0, %mul3A_206, %dma_start3A_245] : memref<2x10000x128xf32, #tpu.memory_space<hbm>> -> memref<1x80x128xf32, #tpu.memory_space<hbm>>
      %dma_start3A_247 = tpu.memref_squeeze %dma_start3A_246 : memref<1x80x128xf32, #tpu.memory_space<hbm>> -> memref<80x128xf32, #tpu.memory_space<hbm>>
      %dma_start3A_248 = arith.constant 0 : i32
      %dma_start3A_249 = tpu.memref_slice %arg4[%arg0, %mul3A_206, %dma_start3A_248] : memref<2x10000x128xf32, #tpu.memory_space<hbm>> -> memref<1x80x128xf32, #tpu.memory_space<hbm>>
      %dma_start3A_250 = tpu.memref_squeeze %dma_start3A_249 : memref<1x80x128xf32, #tpu.memory_space<hbm>> -> memref<80x128xf32, #tpu.memory_space<hbm>>
      %dma_start3A_251 = arith.constant 0 : i32
      %dma_start3A_252 = arith.constant 0 : i32
      %dma_start3A_253 = tpu.memref_slice %arg9[%dma_start3A_251, %dma_start3A_252] : memref<128x128xf32, #tpu.memory_space<vmem>> -> memref<80x128xf32, #tpu.memory_space<vmem>>
      tpu.enqueue_dma source(%dma_start3A_253 : memref<80x128xf32, #tpu.memory_space<vmem>>) target(%dma_start3A_250 : memref<80x128xf32, #tpu.memory_space<hbm>>) target_semaphore(%arg13 : memref<!tpu.dma_semaphore, #tpu.memory_space<semaphore_mem>>)
    } else {
    }
    %add3A_164 = arith.constant 96 : i32
    %add3A_165 = arith.addi %arg1, %add3A_164 : i32
    %lt3A_166 = arith.constant 125 : i32
    %lt3A_167 = arith.cmpi slt, %add3A_165, %lt3A_166 : i32
    %convert_element_type3A_168 = arith.extui %lt3A_167 : i1 to i32
    %cond3A_169 = arith.constant 0 : i32
    %cond3A_170 = arith.cmpi ne, %convert_element_type3A_168, %cond3A_169 : i32
    scf.if %cond3A_170 {
      %mul3A_205 = arith.constant 80 : i32
      %mul3A_206 = arith.muli %mul3A_205, %add3A_165 : i32
      %dma_wait3A_207 = arith.constant 0 : i32
      %dma_wait3A_208 = arith.constant 0 : i32
      %dma_wait3A_209 = tpu.memref_slice %arg8[%dma_wait3A_207, %dma_wait3A_208] : memref<128x128xf32, #tpu.memory_space<vmem>> -> memref<80x128xf32, #tpu.memory_space<vmem>>
      %dma_wait3A_210 = arith.constant 0 : i32
      %dma_wait3A_211 = arith.constant 0 : i32
      %dma_wait3A_212 = tpu.memref_slice %arg4[%arg0, %dma_wait3A_210, %dma_wait3A_211] : memref<2x10000x128xf32, #tpu.memory_space<hbm>> -> memref<1x80x128xf32, #tpu.memory_space<hbm>>
      %dma_wait3A_213 = tpu.memref_squeeze %dma_wait3A_212 : memref<1x80x128xf32, #tpu.memory_space<hbm>> -> memref<80x128xf32, #tpu.memory_space<hbm>>
      %dma_wait3A_214 = arith.constant 0 : i32
      %dma_wait3A_215 = arith.constant 0 : i32
      %dma_wait3A_216 = tpu.memref_slice %arg4[%arg0, %dma_wait3A_214, %dma_wait3A_215] : memref<2x10000x128xf32, #tpu.memory_space<hbm>> -> memref<1x80x128xf32, #tpu.memory_space<hbm>>
      %dma_wait3A_217 = tpu.memref_squeeze %dma_wait3A_216 : memref<1x80x128xf32, #tpu.memory_space<hbm>> -> memref<80x128xf32, #tpu.memory_space<hbm>>
      %dma_wait3A_218 = arith.constant 0 : i32
      %dma_wait3A_219 = arith.constant 0 : i32
      %dma_wait3A_220 = tpu.memref_slice %arg8[%dma_wait3A_218, %dma_wait3A_219] : memref<128x128xf32, #tpu.memory_space<vmem>> -> memref<80x128xf32, #tpu.memory_space<vmem>>
      tpu.wait_dma2 semaphore(%arg12 : memref<!tpu.dma_semaphore, #tpu.memory_space<semaphore_mem>>) src(%dma_wait3A_220 : memref<80x128xf32, #tpu.memory_space<vmem>>) dst(%dma_wait3A_217 : memref<80x128xf32, #tpu.memory_space<hbm>>)
      %dma_start3A = arith.constant 0 : i32
      %dma_start3A_221 = arith.constant 0 : i32
      %dma_start3A_222 = tpu.memref_slice %arg8[%dma_start3A, %dma_start3A_221] : memref<128x128xf32, #tpu.memory_space<vmem>> -> memref<80x128xf32, #tpu.memory_space<vmem>>
      %dma_start3A_223 = arith.constant 0 : i32
      %dma_start3A_224 = tpu.memref_slice %arg5[%mul3A_206, %dma_start3A_223] : memref<10064x128xf32, #tpu.memory_space<vmem_shared>> -> memref<80x128xf32, #tpu.memory_space<vmem_shared>>
      %dma_start3A_225 = arith.constant 0 : i32
      %dma_start3A_226 = arith.constant 0 : i32
      %dma_start3A_227 = tpu.memref_slice %arg8[%dma_start3A_225, %dma_start3A_226] : memref<128x128xf32, #tpu.memory_space<vmem>> -> memref<80x128xf32, #tpu.memory_space<vmem>>
      %dma_start3A_228 = arith.constant 0 : i32
      %dma_start3A_229 = tpu.memref_slice %arg5[%mul3A_206, %dma_start3A_228] : memref<10064x128xf32, #tpu.memory_space<vmem_shared>> -> memref<80x128xf32, #tpu.memory_space<vmem_shared>>
      tpu.enqueue_dma source(%dma_start3A_229 : memref<80x128xf32, #tpu.memory_space<vmem_shared>>) target(%dma_start3A_227 : memref<80x128xf32, #tpu.memory_space<vmem>>) target_semaphore(%arg10 : memref<!tpu.dma_semaphore, #tpu.memory_space<semaphore_mem>>)
      %dma_wait3A_230 = arith.constant 0 : i32
      %dma_wait3A_231 = arith.constant 0 : i32
      %dma_wait3A_232 = tpu.memref_slice %arg8[%dma_wait3A_230, %dma_wait3A_231] : memref<128x128xf32, #tpu.memory_space<vmem>> -> memref<80x128xf32, #tpu.memory_space<vmem>>
      %dma_wait3A_233 = arith.constant 0 : i32
      %dma_wait3A_234 = arith.constant 0 : i32
      %dma_wait3A_235 = tpu.memref_slice %arg5[%dma_wait3A_233, %dma_wait3A_234] : memref<10064x128xf32, #tpu.memory_space<vmem_shared>> -> memref<80x128xf32, #tpu.memory_space<vmem_shared>>
      %dma_wait3A_236 = arith.constant 0 : i32
      %dma_wait3A_237 = arith.constant 0 : i32
      %dma_wait3A_238 = tpu.memref_slice %arg8[%dma_wait3A_236, %dma_wait3A_237] : memref<128x128xf32, #tpu.memory_space<vmem>> -> memref<80x128xf32, #tpu.memory_space<vmem>>
      %dma_wait3A_239 = arith.constant 0 : i32
      %dma_wait3A_240 = arith.constant 0 : i32
      %dma_wait3A_241 = tpu.memref_slice %arg5[%dma_wait3A_239, %dma_wait3A_240] : memref<10064x128xf32, #tpu.memory_space<vmem_shared>> -> memref<80x128xf32, #tpu.memory_space<vmem_shared>>
      tpu.wait_dma2 semaphore(%arg10 : memref<!tpu.dma_semaphore, #tpu.memory_space<semaphore_mem>>) src(%dma_wait3A_241 : memref<80x128xf32, #tpu.memory_space<vmem_shared>>) dst(%dma_wait3A_238 : memref<80x128xf32, #tpu.memory_space<vmem>>)
      %dma_start3A_242 = arith.constant 0 : i32
      %dma_start3A_243 = arith.constant 0 : i32
      %dma_start3A_244 = tpu.memref_slice %arg8[%dma_start3A_242, %dma_start3A_243] : memref<128x128xf32, #tpu.memory_space<vmem>> -> memref<80x128xf32, #tpu.memory_space<vmem>>
      %dma_start3A_245 = arith.constant 0 : i32
      %dma_start3A_246 = tpu.memref_slice %arg4[%arg0, %mul3A_206, %dma_start3A_245] : memref<2x10000x128xf32, #tpu.memory_space<hbm>> -> memref<1x80x128xf32, #tpu.memory_space<hbm>>
      %dma_start3A_247 = tpu.memref_squeeze %dma_start3A_246 : memref<1x80x128xf32, #tpu.memory_space<hbm>> -> memref<80x128xf32, #tpu.memory_space<hbm>>
      %dma_start3A_248 = arith.constant 0 : i32
      %dma_start3A_249 = tpu.memref_slice %arg4[%arg0, %mul3A_206, %dma_start3A_248] : memref<2x10000x128xf32, #tpu.memory_space<hbm>> -> memref<1x80x128xf32, #tpu.memory_space<hbm>>
      %dma_start3A_250 = tpu.memref_squeeze %dma_start3A_249 : memref<1x80x128xf32, #tpu.memory_space<hbm>> -> memref<80x128xf32, #tpu.memory_space<hbm>>
      %dma_start3A_251 = arith.constant 0 : i32
      %dma_start3A_252 = arith.constant 0 : i32
      %dma_start3A_253 = tpu.memref_slice %arg8[%dma_start3A_251, %dma_start3A_252] : memref<128x128xf32, #tpu.memory_space<vmem>> -> memref<80x128xf32, #tpu.memory_space<vmem>>
      tpu.enqueue_dma source(%dma_start3A_253 : memref<80x128xf32, #tpu.memory_space<vmem>>) target(%dma_start3A_250 : memref<80x128xf32, #tpu.memory_space<hbm>>) target_semaphore(%arg12 : memref<!tpu.dma_semaphore, #tpu.memory_space<semaphore_mem>>)
    } else {
    }
    %add3A_171 = arith.constant 112 : i32
    %add3A_172 = arith.addi %arg1, %add3A_171 : i32
    %lt3A_173 = arith.constant 125 : i32
    %lt3A_174 = arith.cmpi slt, %add3A_172, %lt3A_173 : i32
    %convert_element_type3A_175 = arith.extui %lt3A_174 : i1 to i32
    %cond3A_176 = arith.constant 0 : i32
    %cond3A_177 = arith.cmpi ne, %convert_element_type3A_175, %cond3A_176 : i32
    scf.if %cond3A_177 {
      %mul3A_205 = arith.constant 80 : i32
      %mul3A_206 = arith.muli %mul3A_205, %add3A_172 : i32
      %dma_wait3A_207 = arith.constant 0 : i32
      %dma_wait3A_208 = arith.constant 0 : i32
      %dma_wait3A_209 = tpu.memref_slice %arg9[%dma_wait3A_207, %dma_wait3A_208] : memref<128x128xf32, #tpu.memory_space<vmem>> -> memref<80x128xf32, #tpu.memory_space<vmem>>
      %dma_wait3A_210 = arith.constant 0 : i32
      %dma_wait3A_211 = arith.constant 0 : i32
      %dma_wait3A_212 = tpu.memref_slice %arg4[%arg0, %dma_wait3A_210, %dma_wait3A_211] : memref<2x10000x128xf32, #tpu.memory_space<hbm>> -> memref<1x80x128xf32, #tpu.memory_space<hbm>>
      %dma_wait3A_213 = tpu.memref_squeeze %dma_wait3A_212 : memref<1x80x128xf32, #tpu.memory_space<hbm>> -> memref<80x128xf32, #tpu.memory_space<hbm>>
      %dma_wait3A_214 = arith.constant 0 : i32
      %dma_wait3A_215 = arith.constant 0 : i32
      %dma_wait3A_216 = tpu.memref_slice %arg4[%arg0, %dma_wait3A_214, %dma_wait3A_215] : memref<2x10000x128xf32, #tpu.memory_space<hbm>> -> memref<1x80x128xf32, #tpu.memory_space<hbm>>
      %dma_wait3A_217 = tpu.memref_squeeze %dma_wait3A_216 : memref<1x80x128xf32, #tpu.memory_space<hbm>> -> memref<80x128xf32, #tpu.memory_space<hbm>>
      %dma_wait3A_218 = arith.constant 0 : i32
      %dma_wait3A_219 = arith.constant 0 : i32
      %dma_wait3A_220 = tpu.memref_slice %arg9[%dma_wait3A_218, %dma_wait3A_219] : memref<128x128xf32, #tpu.memory_space<vmem>> -> memref<80x128xf32, #tpu.memory_space<vmem>>
      tpu.wait_dma2 semaphore(%arg13 : memref<!tpu.dma_semaphore, #tpu.memory_space<semaphore_mem>>) src(%dma_wait3A_220 : memref<80x128xf32, #tpu.memory_space<vmem>>) dst(%dma_wait3A_217 : memref<80x128xf32, #tpu.memory_space<hbm>>)
      %dma_start3A = arith.constant 0 : i32
      %dma_start3A_221 = arith.constant 0 : i32
      %dma_start3A_222 = tpu.memref_slice %arg9[%dma_start3A, %dma_start3A_221] : memref<128x128xf32, #tpu.memory_space<vmem>> -> memref<80x128xf32, #tpu.memory_space<vmem>>
      %dma_start3A_223 = arith.constant 0 : i32
      %dma_start3A_224 = tpu.memref_slice %arg5[%mul3A_206, %dma_start3A_223] : memref<10064x128xf32, #tpu.memory_space<vmem_shared>> -> memref<80x128xf32, #tpu.memory_space<vmem_shared>>
      %dma_start3A_225 = arith.constant 0 : i32
      %dma_start3A_226 = arith.constant 0 : i32
      %dma_start3A_227 = tpu.memref_slice %arg9[%dma_start3A_225, %dma_start3A_226] : memref<128x128xf32, #tpu.memory_space<vmem>> -> memref<80x128xf32, #tpu.memory_space<vmem>>
      %dma_start3A_228 = arith.constant 0 : i32
      %dma_start3A_229 = tpu.memref_slice %arg5[%mul3A_206, %dma_start3A_228] : memref<10064x128xf32, #tpu.memory_space<vmem_shared>> -> memref<80x128xf32, #tpu.memory_space<vmem_shared>>
      tpu.enqueue_dma source(%dma_start3A_229 : memref<80x128xf32, #tpu.memory_space<vmem_shared>>) target(%dma_start3A_227 : memref<80x128xf32, #tpu.memory_space<vmem>>) target_semaphore(%arg11 : memref<!tpu.dma_semaphore, #tpu.memory_space<semaphore_mem>>)
      %dma_wait3A_230 = arith.constant 0 : i32
      %dma_wait3A_231 = arith.constant 0 : i32
      %dma_wait3A_232 = tpu.memref_slice %arg9[%dma_wait3A_230, %dma_wait3A_231] : memref<128x128xf32, #tpu.memory_space<vmem>> -> memref<80x128xf32, #tpu.memory_space<vmem>>
      %dma_wait3A_233 = arith.constant 0 : i32
      %dma_wait3A_234 = arith.constant 0 : i32
      %dma_wait3A_235 = tpu.memref_slice %arg5[%dma_wait3A_233, %dma_wait3A_234] : memref<10064x128xf32, #tpu.memory_space<vmem_shared>> -> memref<80x128xf32, #tpu.memory_space<vmem_shared>>
      %dma_wait3A_236 = arith.constant 0 : i32
      %dma_wait3A_237 = arith.constant 0 : i32
      %dma_wait3A_238 = tpu.memref_slice %arg9[%dma_wait3A_236, %dma_wait3A_237] : memref<128x128xf32, #tpu.memory_space<vmem>> -> memref<80x128xf32, #tpu.memory_space<vmem>>
      %dma_wait3A_239 = arith.constant 0 : i32
      %dma_wait3A_240 = arith.constant 0 : i32
      %dma_wait3A_241 = tpu.memref_slice %arg5[%dma_wait3A_239, %dma_wait3A_240] : memref<10064x128xf32, #tpu.memory_space<vmem_shared>> -> memref<80x128xf32, #tpu.memory_space<vmem_shared>>
      tpu.wait_dma2 semaphore(%arg11 : memref<!tpu.dma_semaphore, #tpu.memory_space<semaphore_mem>>) src(%dma_wait3A_241 : memref<80x128xf32, #tpu.memory_space<vmem_shared>>) dst(%dma_wait3A_238 : memref<80x128xf32, #tpu.memory_space<vmem>>)
      %dma_start3A_242 = arith.constant 0 : i32
      %dma_start3A_243 = arith.constant 0 : i32
      %dma_start3A_244 = tpu.memref_slice %arg9[%dma_start3A_242, %dma_start3A_243] : memref<128x128xf32, #tpu.memory_space<vmem>> -> memref<80x128xf32, #tpu.memory_space<vmem>>
      %dma_start3A_245 = arith.constant 0 : i32
      %dma_start3A_246 = tpu.memref_slice %arg4[%arg0, %mul3A_206, %dma_start3A_245] : memref<2x10000x128xf32, #tpu.memory_space<hbm>> -> memref<1x80x128xf32, #tpu.memory_space<hbm>>
      %dma_start3A_247 = tpu.memref_squeeze %dma_start3A_246 : memref<1x80x128xf32, #tpu.memory_space<hbm>> -> memref<80x128xf32, #tpu.memory_space<hbm>>
      %dma_start3A_248 = arith.constant 0 : i32
      %dma_start3A_249 = tpu.memref_slice %arg4[%arg0, %mul3A_206, %dma_start3A_248] : memref<2x10000x128xf32, #tpu.memory_space<hbm>> -> memref<1x80x128xf32, #tpu.memory_space<hbm>>
      %dma_start3A_250 = tpu.memref_squeeze %dma_start3A_249 : memref<1x80x128xf32, #tpu.memory_space<hbm>> -> memref<80x128xf32, #tpu.memory_space<hbm>>
      %dma_start3A_251 = arith.constant 0 : i32
      %dma_start3A_252 = arith.constant 0 : i32
      %dma_start3A_253 = tpu.memref_slice %arg9[%dma_start3A_251, %dma_start3A_252] : memref<128x128xf32, #tpu.memory_space<vmem>> -> memref<80x128xf32, #tpu.memory_space<vmem>>
      tpu.enqueue_dma source(%dma_start3A_253 : memref<80x128xf32, #tpu.memory_space<vmem>>) target(%dma_start3A_250 : memref<80x128xf32, #tpu.memory_space<hbm>>) target_semaphore(%arg13 : memref<!tpu.dma_semaphore, #tpu.memory_space<semaphore_mem>>)
    } else {
    }
    %dma_wait3A = arith.constant 0 : i32
    %dma_wait3A_178 = arith.constant 0 : i32
    %dma_wait3A_179 = tpu.memref_slice %arg8[%dma_wait3A, %dma_wait3A_178] : memref<128x128xf32, #tpu.memory_space<vmem>> -> memref<80x128xf32, #tpu.memory_space<vmem>>
    %dma_wait3A_180 = arith.constant 0 : i32
    %dma_wait3A_181 = arith.constant 0 : i32
    %dma_wait3A_182 = tpu.memref_slice %arg4[%arg0, %dma_wait3A_180, %dma_wait3A_181] : memref<2x10000x128xf32, #tpu.memory_space<hbm>> -> memref<1x80x128xf32, #tpu.memory_space<hbm>>
    %dma_wait3A_183 = tpu.memref_squeeze %dma_wait3A_182 : memref<1x80x128xf32, #tpu.memory_space<hbm>> -> memref<80x128xf32, #tpu.memory_space<hbm>>
    %dma_wait3A_184 = arith.constant 0 : i32
    %dma_wait3A_185 = arith.constant 0 : i32
    %dma_wait3A_186 = tpu.memref_slice %arg4[%arg0, %dma_wait3A_184, %dma_wait3A_185] : memref<2x10000x128xf32, #tpu.memory_space<hbm>> -> memref<1x80x128xf32, #tpu.memory_space<hbm>>
    %dma_wait3A_187 = tpu.memref_squeeze %dma_wait3A_186 : memref<1x80x128xf32, #tpu.memory_space<hbm>> -> memref<80x128xf32, #tpu.memory_space<hbm>>
    %dma_wait3A_188 = arith.constant 0 : i32
    %dma_wait3A_189 = arith.constant 0 : i32
    %dma_wait3A_190 = tpu.memref_slice %arg8[%dma_wait3A_188, %dma_wait3A_189] : memref<128x128xf32, #tpu.memory_space<vmem>> -> memref<80x128xf32, #tpu.memory_space<vmem>>
    tpu.wait_dma2 semaphore(%arg12 : memref<!tpu.dma_semaphore, #tpu.memory_space<semaphore_mem>>) src(%dma_wait3A_190 : memref<80x128xf32, #tpu.memory_space<vmem>>) dst(%dma_wait3A_187 : memref<80x128xf32, #tpu.memory_space<hbm>>)
    %dma_wait3A_191 = arith.constant 0 : i32
    %dma_wait3A_192 = arith.constant 0 : i32
    %dma_wait3A_193 = tpu.memref_slice %arg9[%dma_wait3A_191, %dma_wait3A_192] : memref<128x128xf32, #tpu.memory_space<vmem>> -> memref<80x128xf32, #tpu.memory_space<vmem>>
    %dma_wait3A_194 = arith.constant 0 : i32
    %dma_wait3A_195 = arith.constant 0 : i32
    %dma_wait3A_196 = tpu.memref_slice %arg4[%arg0, %dma_wait3A_194, %dma_wait3A_195] : memref<2x10000x128xf32, #tpu.memory_space<hbm>> -> memref<1x80x128xf32, #tpu.memory_space<hbm>>
    %dma_wait3A_197 = tpu.memref_squeeze %dma_wait3A_196 : memref<1x80x128xf32, #tpu.memory_space<hbm>> -> memref<80x128xf32, #tpu.memory_space<hbm>>
    %dma_wait3A_198 = arith.constant 0 : i32
    %dma_wait3A_199 = arith.constant 0 : i32
    %dma_wait3A_200 = tpu.memref_slice %arg4[%arg0, %dma_wait3A_198, %dma_wait3A_199] : memref<2x10000x128xf32, #tpu.memory_space<hbm>> -> memref<1x80x128xf32, #tpu.memory_space<hbm>>
    %dma_wait3A_201 = tpu.memref_squeeze %dma_wait3A_200 : memref<1x80x128xf32, #tpu.memory_space<hbm>> -> memref<80x128xf32, #tpu.memory_space<hbm>>
    %dma_wait3A_202 = arith.constant 0 : i32
    %dma_wait3A_203 = arith.constant 0 : i32
    %dma_wait3A_204 = tpu.memref_slice %arg9[%dma_wait3A_202, %dma_wait3A_203] : memref<128x128xf32, #tpu.memory_space<vmem>> -> memref<80x128xf32, #tpu.memory_space<vmem>>
    tpu.wait_dma2 semaphore(%arg13 : memref<!tpu.dma_semaphore, #tpu.memory_space<semaphore_mem>>) src(%dma_wait3A_204 : memref<80x128xf32, #tpu.memory_space<vmem>>) dst(%dma_wait3A_201 : memref<80x128xf32, #tpu.memory_space<hbm>>)
    return
  }
}

#map = affine_map<(d0, d1) -> (0, 0)>
#map1 = affine_map<(d0, d1) -> (0, 0, 0, 0)>
#map2 = affine_map<(d0, d1) -> (0, 0, 0)>
module attributes {stable_mosaic.version = 14 : i64} {
  func.func @_scatter_sc(%arg0: i32, %arg1: i32, %arg2: memref<10000x128xf32, #tpu.memory_space<hbm>>, %arg3: memref<2x32x80x128xi32, #tpu.memory_space<hbm>>, %arg4: memref<2x10000x128xf32, #tpu.memory_space<hbm>>, %arg5: memref<10064x128xf32, #tpu.memory_space<vmem_shared>>, %arg6: memref<40x128xi32, #tpu.memory_space<vmem>>, %arg7: memref<40x128xi32, #tpu.memory_space<vmem>>, %arg8: memref<128x128xf32, #tpu.memory_space<vmem>>, %arg9: memref<128x128xf32, #tpu.memory_space<vmem>>, %arg10: memref<!tpu.dma_semaphore, #tpu.memory_space<semaphore_mem>>, %arg11: memref<!tpu.dma_semaphore, #tpu.memory_space<semaphore_mem>>, %arg12: memref<!tpu.dma_semaphore, #tpu.memory_space<semaphore_mem>>, %arg13: memref<!tpu.dma_semaphore, #tpu.memory_space<semaphore_mem>>) attributes {dimension_semantics = [#tpu.dimension_semantics<core_parallel>, #tpu.dimension_semantics<subcore_parallel>], iteration_bounds = array<i64: 2, 16>, scalar_prefetch = 0 : i64, scratch_operands = 9 : i64, tpu.core_type = #tpu.core_type<sc_vector_subcore>, window_params = [{transform_indices = #map}, {transform_indices = #map1}, {transform_indices = #map2}]} {
    %mul3A = arith.constant 2 : i32
    %mul3A_0 = arith.muli %arg1, %mul3A : i32
    %add3A = arith.addi %mul3A_0, %arg0 : i32
    %scan3A = arith.constant 0 : i32
    %scan3A_1 = arith.constant 0 : i32
    %scan3A_2 = arith.constant 80 : i32
    %scan3A_3 = arith.addi %scan3A_1, %scan3A_2 : i32
    %scan3A_4 = arith.constant 1 : i32
    scf.for %scan3A_205 = %scan3A_1 to %scan3A_3 step %scan3A_4  : i32 {
      %broadcast_in_dim3A = arith.constant 0.000000e+00 : f32
      %broadcast_in_dim3A_206 = vector.broadcast %broadcast_in_dim3A : f32 to vector<16xf32>
      %swap3A = arith.index_cast %scan3A_205 : i32 to index
      %swap3A_207 = arith.constant 0 : index
      %swap3A_208 = tpu.vector_load %arg8[%swap3A, %swap3A_207] {strides = array<i32>} : memref<128x128xf32, #tpu.memory_space<vmem>>, vector<1x16xf32>,
      %swap3A_209 = vector.shape_cast %swap3A_208 : vector<1x16xf32> to vector<16xf32>
      %swap3A_210 = vector.shape_cast %broadcast_in_dim3A_206 : vector<16xf32> to vector<1x16xf32>
      tpu.vector_store %arg8[%swap3A, %swap3A_207], %swap3A_210 {strides = array<i32>} : memref<128x128xf32, #tpu.memory_space<vmem>>, vector<1x16xf32>,
      %broadcast_in_dim3A_211 = arith.constant 0.000000e+00 : f32
      %broadcast_in_dim3A_212 = vector.broadcast %broadcast_in_dim3A_211 : f32 to vector<16xf32>
      %swap3A_213 = arith.index_cast %scan3A_205 : i32 to index
      %swap3A_214 = arith.constant 16 : index
      %swap3A_215 = tpu.vector_load %arg8[%swap3A_213, %swap3A_214] {strides = array<i32>} : memref<128x128xf32, #tpu.memory_space<vmem>>, vector<1x16xf32>,
      %swap3A_216 = vector.shape_cast %swap3A_215 : vector<1x16xf32> to vector<16xf32>
      %swap3A_217 = vector.shape_cast %broadcast_in_dim3A_212 : vector<16xf32> to vector<1x16xf32>
      tpu.vector_store %arg8[%swap3A_213, %swap3A_214], %swap3A_217 {strides = array<i32>} : memref<128x128xf32, #tpu.memory_space<vmem>>, vector<1x16xf32>,
      %broadcast_in_dim3A_218 = arith.constant 0.000000e+00 : f32
      %broadcast_in_dim3A_219 = vector.broadcast %broadcast_in_dim3A_218 : f32 to vector<16xf32>
      %swap3A_220 = arith.index_cast %scan3A_205 : i32 to index
      %swap3A_221 = arith.constant 32 : index
      %swap3A_222 = tpu.vector_load %arg8[%swap3A_220, %swap3A_221] {strides = array<i32>} : memref<128x128xf32, #tpu.memory_space<vmem>>, vector<1x16xf32>,
      %swap3A_223 = vector.shape_cast %swap3A_222 : vector<1x16xf32> to vector<16xf32>
      %swap3A_224 = vector.shape_cast %broadcast_in_dim3A_219 : vector<16xf32> to vector<1x16xf32>
      tpu.vector_store %arg8[%swap3A_220, %swap3A_221], %swap3A_224 {strides = array<i32>} : memref<128x128xf32, #tpu.memory_space<vmem>>, vector<1x16xf32>,
      %broadcast_in_dim3A_225 = arith.constant 0.000000e+00 : f32
      %broadcast_in_dim3A_226 = vector.broadcast %broadcast_in_dim3A_225 : f32 to vector<16xf32>
      %swap3A_227 = arith.index_cast %scan3A_205 : i32 to index
      %swap3A_228 = arith.constant 48 : index
      %swap3A_229 = tpu.vector_load %arg8[%swap3A_227, %swap3A_228] {strides = array<i32>} : memref<128x128xf32, #tpu.memory_space<vmem>>, vector<1x16xf32>,
      %swap3A_230 = vector.shape_cast %swap3A_229 : vector<1x16xf32> to vector<16xf32>
      %swap3A_231 = vector.shape_cast %broadcast_in_dim3A_226 : vector<16xf32> to vector<1x16xf32>
      tpu.vector_store %arg8[%swap3A_227, %swap3A_228], %swap3A_231 {strides = array<i32>} : memref<128x128xf32, #tpu.memory_space<vmem>>, vector<1x16xf32>,
      %broadcast_in_dim3A_232 = arith.constant 0.000000e+00 : f32
      %broadcast_in_dim3A_233 = vector.broadcast %broadcast_in_dim3A_232 : f32 to vector<16xf32>
      %swap3A_234 = arith.index_cast %scan3A_205 : i32 to index
      %swap3A_235 = arith.constant 64 : index
      %swap3A_236 = tpu.vector_load %arg8[%swap3A_234, %swap3A_235] {strides = array<i32>} : memref<128x128xf32, #tpu.memory_space<vmem>>, vector<1x16xf32>,
      %swap3A_237 = vector.shape_cast %swap3A_236 : vector<1x16xf32> to vector<16xf32>
      %swap3A_238 = vector.shape_cast %broadcast_in_dim3A_233 : vector<16xf32> to vector<1x16xf32>
      tpu.vector_store %arg8[%swap3A_234, %swap3A_235], %swap3A_238 {strides = array<i32>} : memref<128x128xf32, #tpu.memory_space<vmem>>, vector<1x16xf32>,
      %broadcast_in_dim3A_239 = arith.constant 0.000000e+00 : f32
      %broadcast_in_dim3A_240 = vector.broadcast %broadcast_in_dim3A_239 : f32 to vector<16xf32>
      %swap3A_241 = arith.index_cast %scan3A_205 : i32 to index
      %swap3A_242 = arith.constant 80 : index
      %swap3A_243 = tpu.vector_load %arg8[%swap3A_241, %swap3A_242] {strides = array<i32>} : memref<128x128xf32, #tpu.memory_space<vmem>>, vector<1x16xf32>,
      %swap3A_244 = vector.shape_cast %swap3A_243 : vector<1x16xf32> to vector<16xf32>
      %swap3A_245 = vector.shape_cast %broadcast_in_dim3A_240 : vector<16xf32> to vector<1x16xf32>
      tpu.vector_store %arg8[%swap3A_241, %swap3A_242], %swap3A_245 {strides = array<i32>} : memref<128x128xf32, #tpu.memory_space<vmem>>, vector<1x16xf32>,
      %broadcast_in_dim3A_246 = arith.constant 0.000000e+00 : f32
      %broadcast_in_dim3A_247 = vector.broadcast %broadcast_in_dim3A_246 : f32 to vector<16xf32>
      %swap3A_248 = arith.index_cast %scan3A_205 : i32 to index
      %swap3A_249 = arith.constant 96 : index
      %swap3A_250 = tpu.vector_load %arg8[%swap3A_248, %swap3A_249] {strides = array<i32>} : memref<128x128xf32, #tpu.memory_space<vmem>>, vector<1x16xf32>,
      %swap3A_251 = vector.shape_cast %swap3A_250 : vector<1x16xf32> to vector<16xf32>
      %swap3A_252 = vector.shape_cast %broadcast_in_dim3A_247 : vector<16xf32> to vector<1x16xf32>
      tpu.vector_store %arg8[%swap3A_248, %swap3A_249], %swap3A_252 {strides = array<i32>} : memref<128x128xf32, #tpu.memory_space<vmem>>, vector<1x16xf32>,
      %broadcast_in_dim3A_253 = arith.constant 0.000000e+00 : f32
      %broadcast_in_dim3A_254 = vector.broadcast %broadcast_in_dim3A_253 : f32 to vector<16xf32>
      %swap3A_255 = arith.index_cast %scan3A_205 : i32 to index
      %swap3A_256 = arith.constant 112 : index
      %swap3A_257 = tpu.vector_load %arg8[%swap3A_255, %swap3A_256] {strides = array<i32>} : memref<128x128xf32, #tpu.memory_space<vmem>>, vector<1x16xf32>,
      %swap3A_258 = vector.shape_cast %swap3A_257 : vector<1x16xf32> to vector<16xf32>
      %swap3A_259 = vector.shape_cast %broadcast_in_dim3A_254 : vector<16xf32> to vector<1x16xf32>
      tpu.vector_store %arg8[%swap3A_255, %swap3A_256], %swap3A_259 {strides = array<i32>} : memref<128x128xf32, #tpu.memory_space<vmem>>, vector<1x16xf32>,
    }
    %scan3A_5 = arith.constant 80 : i32
    %add3A_6 = arith.constant 0 : i32
    %add3A_7 = arith.addi %arg1, %add3A_6 : i32
    %lt3A = arith.constant 125 : i32
    %lt3A_8 = arith.cmpi slt, %add3A_7, %lt3A : i32
    %convert_element_type3A = arith.extui %lt3A_8 : i1 to i32
    %cond3A = arith.constant 0 : i32
    %cond3A_9 = arith.cmpi ne, %convert_element_type3A, %cond3A : i32
    scf.if %cond3A_9 {
      %mul3A_205 = arith.constant 80 : i32
      %mul3A_206 = arith.muli %mul3A_205, %add3A_7 : i32
      %dma_start3A = arith.constant 0 : i32
      %dma_start3A_207 = arith.constant 0 : i32
      %dma_start3A_208 = tpu.memref_slice %arg8[%dma_start3A, %dma_start3A_207] : memref<128x128xf32, #tpu.memory_space<vmem>> -> memref<80x128xf32, #tpu.memory_space<vmem>>
      %dma_start3A_209 = arith.constant 0 : i32
      %dma_start3A_210 = tpu.memref_slice %arg5[%mul3A_206, %dma_start3A_209] : memref<10064x128xf32, #tpu.memory_space<vmem_shared>> -> memref<80x128xf32, #tpu.memory_space<vmem_shared>>
      %dma_start3A_211 = arith.constant 0 : i32
      %dma_start3A_212 = tpu.memref_slice %arg5[%mul3A_206, %dma_start3A_211] : memref<10064x128xf32, #tpu.memory_space<vmem_shared>> -> memref<80x128xf32, #tpu.memory_space<vmem_shared>>
      %dma_start3A_213 = arith.constant 0 : i32
      %dma_start3A_214 = arith.constant 0 : i32
      %dma_start3A_215 = tpu.memref_slice %arg8[%dma_start3A_213, %dma_start3A_214] : memref<128x128xf32, #tpu.memory_space<vmem>> -> memref<80x128xf32, #tpu.memory_space<vmem>>
      tpu.enqueue_dma source(%dma_start3A_215 : memref<80x128xf32, #tpu.memory_space<vmem>>) target(%dma_start3A_212 : memref<80x128xf32, #tpu.memory_space<vmem_shared>>) target_semaphore(%arg10 : memref<!tpu.dma_semaphore, #tpu.memory_space<semaphore_mem>>)
    } else {
    }
    %add3A_10 = arith.constant 16 : i32
    %add3A_11 = arith.addi %arg1, %add3A_10 : i32
    %lt3A_12 = arith.constant 125 : i32
    %lt3A_13 = arith.cmpi slt, %add3A_11, %lt3A_12 : i32
    %convert_element_type3A_14 = arith.extui %lt3A_13 : i1 to i32
    %cond3A_15 = arith.constant 0 : i32
    %cond3A_16 = arith.cmpi ne, %convert_element_type3A_14, %cond3A_15 : i32
    scf.if %cond3A_16 {
      %mul3A_205 = arith.constant 80 : i32
      %mul3A_206 = arith.muli %mul3A_205, %add3A_11 : i32
      %dma_start3A = arith.constant 0 : i32
      %dma_start3A_207 = arith.constant 0 : i32
      %dma_start3A_208 = tpu.memref_slice %arg8[%dma_start3A, %dma_start3A_207] : memref<128x128xf32, #tpu.memory_space<vmem>> -> memref<80x128xf32, #tpu.memory_space<vmem>>
      %dma_start3A_209 = arith.constant 0 : i32
      %dma_start3A_210 = tpu.memref_slice %arg5[%mul3A_206, %dma_start3A_209] : memref<10064x128xf32, #tpu.memory_space<vmem_shared>> -> memref<80x128xf32, #tpu.memory_space<vmem_shared>>
      %dma_start3A_211 = arith.constant 0 : i32
      %dma_start3A_212 = tpu.memref_slice %arg5[%mul3A_206, %dma_start3A_211] : memref<10064x128xf32, #tpu.memory_space<vmem_shared>> -> memref<80x128xf32, #tpu.memory_space<vmem_shared>>
      %dma_start3A_213 = arith.constant 0 : i32
      %dma_start3A_214 = arith.constant 0 : i32
      %dma_start3A_215 = tpu.memref_slice %arg8[%dma_start3A_213, %dma_start3A_214] : memref<128x128xf32, #tpu.memory_space<vmem>> -> memref<80x128xf32, #tpu.memory_space<vmem>>
      tpu.enqueue_dma source(%dma_start3A_215 : memref<80x128xf32, #tpu.memory_space<vmem>>) target(%dma_start3A_212 : memref<80x128xf32, #tpu.memory_space<vmem_shared>>) target_semaphore(%arg10 : memref<!tpu.dma_semaphore, #tpu.memory_space<semaphore_mem>>)
    } else {
    }
    %add3A_17 = arith.constant 32 : i32
    %add3A_18 = arith.addi %arg1, %add3A_17 : i32
    %lt3A_19 = arith.constant 125 : i32
    %lt3A_20 = arith.cmpi slt, %add3A_18, %lt3A_19 : i32
    %convert_element_type3A_21 = arith.extui %lt3A_20 : i1 to i32
    %cond3A_22 = arith.constant 0 : i32
    %cond3A_23 = arith.cmpi ne, %convert_element_type3A_21, %cond3A_22 : i32
    scf.if %cond3A_23 {
      %mul3A_205 = arith.constant 80 : i32
      %mul3A_206 = arith.muli %mul3A_205, %add3A_18 : i32
      %dma_start3A = arith.constant 0 : i32
      %dma_start3A_207 = arith.constant 0 : i32
      %dma_start3A_208 = tpu.memref_slice %arg8[%dma_start3A, %dma_start3A_207] : memref<128x128xf32, #tpu.memory_space<vmem>> -> memref<80x128xf32, #tpu.memory_space<vmem>>
      %dma_start3A_209 = arith.constant 0 : i32
      %dma_start3A_210 = tpu.memref_slice %arg5[%mul3A_206, %dma_start3A_209] : memref<10064x128xf32, #tpu.memory_space<vmem_shared>> -> memref<80x128xf32, #tpu.memory_space<vmem_shared>>
      %dma_start3A_211 = arith.constant 0 : i32
      %dma_start3A_212 = tpu.memref_slice %arg5[%mul3A_206, %dma_start3A_211] : memref<10064x128xf32, #tpu.memory_space<vmem_shared>> -> memref<80x128xf32, #tpu.memory_space<vmem_shared>>
      %dma_start3A_213 = arith.constant 0 : i32
      %dma_start3A_214 = arith.constant 0 : i32
      %dma_start3A_215 = tpu.memref_slice %arg8[%dma_start3A_213, %dma_start3A_214] : memref<128x128xf32, #tpu.memory_space<vmem>> -> memref<80x128xf32, #tpu.memory_space<vmem>>
      tpu.enqueue_dma source(%dma_start3A_215 : memref<80x128xf32, #tpu.memory_space<vmem>>) target(%dma_start3A_212 : memref<80x128xf32, #tpu.memory_space<vmem_shared>>) target_semaphore(%arg10 : memref<!tpu.dma_semaphore, #tpu.memory_space<semaphore_mem>>)
    } else {
    }
    %add3A_24 = arith.constant 48 : i32
    %add3A_25 = arith.addi %arg1, %add3A_24 : i32
    %lt3A_26 = arith.constant 125 : i32
    %lt3A_27 = arith.cmpi slt, %add3A_25, %lt3A_26 : i32
    %convert_element_type3A_28 = arith.extui %lt3A_27 : i1 to i32
    %cond3A_29 = arith.constant 0 : i32
    %cond3A_30 = arith.cmpi ne, %convert_element_type3A_28, %cond3A_29 : i32
    scf.if %cond3A_30 {
      %mul3A_205 = arith.constant 80 : i32
      %mul3A_206 = arith.muli %mul3A_205, %add3A_25 : i32
      %dma_start3A = arith.constant 0 : i32
      %dma_start3A_207 = arith.constant 0 : i32
      %dma_start3A_208 = tpu.memref_slice %arg8[%dma_start3A, %dma_start3A_207] : memref<128x128xf32, #tpu.memory_space<vmem>> -> memref<80x128xf32, #tpu.memory_space<vmem>>
      %dma_start3A_209 = arith.constant 0 : i32
      %dma_start3A_210 = tpu.memref_slice %arg5[%mul3A_206, %dma_start3A_209] : memref<10064x128xf32, #tpu.memory_space<vmem_shared>> -> memref<80x128xf32, #tpu.memory_space<vmem_shared>>
      %dma_start3A_211 = arith.constant 0 : i32
      %dma_start3A_212 = tpu.memref_slice %arg5[%mul3A_206, %dma_start3A_211] : memref<10064x128xf32, #tpu.memory_space<vmem_shared>> -> memref<80x128xf32, #tpu.memory_space<vmem_shared>>
      %dma_start3A_213 = arith.constant 0 : i32
      %dma_start3A_214 = arith.constant 0 : i32
      %dma_start3A_215 = tpu.memref_slice %arg8[%dma_start3A_213, %dma_start3A_214] : memref<128x128xf32, #tpu.memory_space<vmem>> -> memref<80x128xf32, #tpu.memory_space<vmem>>
      tpu.enqueue_dma source(%dma_start3A_215 : memref<80x128xf32, #tpu.memory_space<vmem>>) target(%dma_start3A_212 : memref<80x128xf32, #tpu.memory_space<vmem_shared>>) target_semaphore(%arg10 : memref<!tpu.dma_semaphore, #tpu.memory_space<semaphore_mem>>)
    } else {
    }
    %add3A_31 = arith.constant 64 : i32
    %add3A_32 = arith.addi %arg1, %add3A_31 : i32
    %lt3A_33 = arith.constant 125 : i32
    %lt3A_34 = arith.cmpi slt, %add3A_32, %lt3A_33 : i32
    %convert_element_type3A_35 = arith.extui %lt3A_34 : i1 to i32
    %cond3A_36 = arith.constant 0 : i32
    %cond3A_37 = arith.cmpi ne, %convert_element_type3A_35, %cond3A_36 : i32
    scf.if %cond3A_37 {
      %mul3A_205 = arith.constant 80 : i32
      %mul3A_206 = arith.muli %mul3A_205, %add3A_32 : i32
      %dma_start3A = arith.constant 0 : i32
      %dma_start3A_207 = arith.constant 0 : i32
      %dma_start3A_208 = tpu.memref_slice %arg8[%dma_start3A, %dma_start3A_207] : memref<128x128xf32, #tpu.memory_space<vmem>> -> memref<80x128xf32, #tpu.memory_space<vmem>>
      %dma_start3A_209 = arith.constant 0 : i32
      %dma_start3A_210 = tpu.memref_slice %arg5[%mul3A_206, %dma_start3A_209] : memref<10064x128xf32, #tpu.memory_space<vmem_shared>> -> memref<80x128xf32, #tpu.memory_space<vmem_shared>>
      %dma_start3A_211 = arith.constant 0 : i32
      %dma_start3A_212 = tpu.memref_slice %arg5[%mul3A_206, %dma_start3A_211] : memref<10064x128xf32, #tpu.memory_space<vmem_shared>> -> memref<80x128xf32, #tpu.memory_space<vmem_shared>>
      %dma_start3A_213 = arith.constant 0 : i32
      %dma_start3A_214 = arith.constant 0 : i32
      %dma_start3A_215 = tpu.memref_slice %arg8[%dma_start3A_213, %dma_start3A_214] : memref<128x128xf32, #tpu.memory_space<vmem>> -> memref<80x128xf32, #tpu.memory_space<vmem>>
      tpu.enqueue_dma source(%dma_start3A_215 : memref<80x128xf32, #tpu.memory_space<vmem>>) target(%dma_start3A_212 : memref<80x128xf32, #tpu.memory_space<vmem_shared>>) target_semaphore(%arg10 : memref<!tpu.dma_semaphore, #tpu.memory_space<semaphore_mem>>)
    } else {
    }
    %add3A_38 = arith.constant 80 : i32
    %add3A_39 = arith.addi %arg1, %add3A_38 : i32
    %lt3A_40 = arith.constant 125 : i32
    %lt3A_41 = arith.cmpi slt, %add3A_39, %lt3A_40 : i32
    %convert_element_type3A_42 = arith.extui %lt3A_41 : i1 to i32
    %cond3A_43 = arith.constant 0 : i32
    %cond3A_44 = arith.cmpi ne, %convert_element_type3A_42, %cond3A_43 : i32
    scf.if %cond3A_44 {
      %mul3A_205 = arith.constant 80 : i32
      %mul3A_206 = arith.muli %mul3A_205, %add3A_39 : i32
      %dma_start3A = arith.constant 0 : i32
      %dma_start3A_207 = arith.constant 0 : i32
      %dma_start3A_208 = tpu.memref_slice %arg8[%dma_start3A, %dma_start3A_207] : memref<128x128xf32, #tpu.memory_space<vmem>> -> memref<80x128xf32, #tpu.memory_space<vmem>>
      %dma_start3A_209 = arith.constant 0 : i32
      %dma_start3A_210 = tpu.memref_slice %arg5[%mul3A_206, %dma_start3A_209] : memref<10064x128xf32, #tpu.memory_space<vmem_shared>> -> memref<80x128xf32, #tpu.memory_space<vmem_shared>>
      %dma_start3A_211 = arith.constant 0 : i32
      %dma_start3A_212 = tpu.memref_slice %arg5[%mul3A_206, %dma_start3A_211] : memref<10064x128xf32, #tpu.memory_space<vmem_shared>> -> memref<80x128xf32, #tpu.memory_space<vmem_shared>>
      %dma_start3A_213 = arith.constant 0 : i32
      %dma_start3A_214 = arith.constant 0 : i32
      %dma_start3A_215 = tpu.memref_slice %arg8[%dma_start3A_213, %dma_start3A_214] : memref<128x128xf32, #tpu.memory_space<vmem>> -> memref<80x128xf32, #tpu.memory_space<vmem>>
      tpu.enqueue_dma source(%dma_start3A_215 : memref<80x128xf32, #tpu.memory_space<vmem>>) target(%dma_start3A_212 : memref<80x128xf32, #tpu.memory_space<vmem_shared>>) target_semaphore(%arg10 : memref<!tpu.dma_semaphore, #tpu.memory_space<semaphore_mem>>)
    } else {
    }
    %add3A_45 = arith.constant 96 : i32
    %add3A_46 = arith.addi %arg1, %add3A_45 : i32
    %lt3A_47 = arith.constant 125 : i32
    %lt3A_48 = arith.cmpi slt, %add3A_46, %lt3A_47 : i32
    %convert_element_type3A_49 = arith.extui %lt3A_48 : i1 to i32
    %cond3A_50 = arith.constant 0 : i32
    %cond3A_51 = arith.cmpi ne, %convert_element_type3A_49, %cond3A_50 : i32
    scf.if %cond3A_51 {
      %mul3A_205 = arith.constant 80 : i32
      %mul3A_206 = arith.muli %mul3A_205, %add3A_46 : i32
      %dma_start3A = arith.constant 0 : i32
      %dma_start3A_207 = arith.constant 0 : i32
      %dma_start3A_208 = tpu.memref_slice %arg8[%dma_start3A, %dma_start3A_207] : memref<128x128xf32, #tpu.memory_space<vmem>> -> memref<80x128xf32, #tpu.memory_space<vmem>>
      %dma_start3A_209 = arith.constant 0 : i32
      %dma_start3A_210 = tpu.memref_slice %arg5[%mul3A_206, %dma_start3A_209] : memref<10064x128xf32, #tpu.memory_space<vmem_shared>> -> memref<80x128xf32, #tpu.memory_space<vmem_shared>>
      %dma_start3A_211 = arith.constant 0 : i32
      %dma_start3A_212 = tpu.memref_slice %arg5[%mul3A_206, %dma_start3A_211] : memref<10064x128xf32, #tpu.memory_space<vmem_shared>> -> memref<80x128xf32, #tpu.memory_space<vmem_shared>>
      %dma_start3A_213 = arith.constant 0 : i32
      %dma_start3A_214 = arith.constant 0 : i32
      %dma_start3A_215 = tpu.memref_slice %arg8[%dma_start3A_213, %dma_start3A_214] : memref<128x128xf32, #tpu.memory_space<vmem>> -> memref<80x128xf32, #tpu.memory_space<vmem>>
      tpu.enqueue_dma source(%dma_start3A_215 : memref<80x128xf32, #tpu.memory_space<vmem>>) target(%dma_start3A_212 : memref<80x128xf32, #tpu.memory_space<vmem_shared>>) target_semaphore(%arg10 : memref<!tpu.dma_semaphore, #tpu.memory_space<semaphore_mem>>)
    } else {
    }
    %add3A_52 = arith.constant 112 : i32
    %add3A_53 = arith.addi %arg1, %add3A_52 : i32
    %lt3A_54 = arith.constant 125 : i32
    %lt3A_55 = arith.cmpi slt, %add3A_53, %lt3A_54 : i32
    %convert_element_type3A_56 = arith.extui %lt3A_55 : i1 to i32
    %cond3A_57 = arith.constant 0 : i32
    %cond3A_58 = arith.cmpi ne, %convert_element_type3A_56, %cond3A_57 : i32
    scf.if %cond3A_58 {
      %mul3A_205 = arith.constant 80 : i32
      %mul3A_206 = arith.muli %mul3A_205, %add3A_53 : i32
      %dma_start3A = arith.constant 0 : i32
      %dma_start3A_207 = arith.constant 0 : i32
      %dma_start3A_208 = tpu.memref_slice %arg8[%dma_start3A, %dma_start3A_207] : memref<128x128xf32, #tpu.memory_space<vmem>> -> memref<80x128xf32, #tpu.memory_space<vmem>>
      %dma_start3A_209 = arith.constant 0 : i32
      %dma_start3A_210 = tpu.memref_slice %arg5[%mul3A_206, %dma_start3A_209] : memref<10064x128xf32, #tpu.memory_space<vmem_shared>> -> memref<80x128xf32, #tpu.memory_space<vmem_shared>>
      %dma_start3A_211 = arith.constant 0 : i32
      %dma_start3A_212 = tpu.memref_slice %arg5[%mul3A_206, %dma_start3A_211] : memref<10064x128xf32, #tpu.memory_space<vmem_shared>> -> memref<80x128xf32, #tpu.memory_space<vmem_shared>>
      %dma_start3A_213 = arith.constant 0 : i32
      %dma_start3A_214 = arith.constant 0 : i32
      %dma_start3A_215 = tpu.memref_slice %arg8[%dma_start3A_213, %dma_start3A_214] : memref<128x128xf32, #tpu.memory_space<vmem>> -> memref<80x128xf32, #tpu.memory_space<vmem>>
      tpu.enqueue_dma source(%dma_start3A_215 : memref<80x128xf32, #tpu.memory_space<vmem>>) target(%dma_start3A_212 : memref<80x128xf32, #tpu.memory_space<vmem_shared>>) target_semaphore(%arg10 : memref<!tpu.dma_semaphore, #tpu.memory_space<semaphore_mem>>)
    } else {
    }
    %add3A_59 = arith.constant 0 : i32
    %add3A_60 = arith.addi %arg1, %add3A_59 : i32
    %lt3A_61 = arith.constant 125 : i32
    %lt3A_62 = arith.cmpi slt, %add3A_60, %lt3A_61 : i32
    %convert_element_type3A_63 = arith.extui %lt3A_62 : i1 to i32
    %cond3A_64 = arith.constant 0 : i32
    %cond3A_65 = arith.cmpi ne, %convert_element_type3A_63, %cond3A_64 : i32
    scf.if %cond3A_65 {
      %dma_wait3A_205 = arith.constant 0 : i32
      %dma_wait3A_206 = arith.constant 0 : i32
      %dma_wait3A_207 = tpu.memref_slice %arg8[%dma_wait3A_205, %dma_wait3A_206] : memref<128x128xf32, #tpu.memory_space<vmem>> -> memref<80x128xf32, #tpu.memory_space<vmem>>
      %dma_wait3A_208 = arith.constant 0 : i32
      %dma_wait3A_209 = arith.constant 0 : i32
      %dma_wait3A_210 = tpu.memref_slice %arg5[%dma_wait3A_208, %dma_wait3A_209] : memref<10064x128xf32, #tpu.memory_space<vmem_shared>> -> memref<80x128xf32, #tpu.memory_space<vmem_shared>>
      %dma_wait3A_211 = arith.constant 0 : i32
      %dma_wait3A_212 = arith.constant 0 : i32
      %dma_wait3A_213 = tpu.memref_slice %arg5[%dma_wait3A_211, %dma_wait3A_212] : memref<10064x128xf32, #tpu.memory_space<vmem_shared>> -> memref<80x128xf32, #tpu.memory_space<vmem_shared>>
      %dma_wait3A_214 = arith.constant 0 : i32
      %dma_wait3A_215 = arith.constant 0 : i32
      %dma_wait3A_216 = tpu.memref_slice %arg8[%dma_wait3A_214, %dma_wait3A_215] : memref<128x128xf32, #tpu.memory_space<vmem>> -> memref<80x128xf32, #tpu.memory_space<vmem>>
      tpu.wait_dma2 semaphore(%arg10 : memref<!tpu.dma_semaphore, #tpu.memory_space<semaphore_mem>>) src(%dma_wait3A_216 : memref<80x128xf32, #tpu.memory_space<vmem>>) dst(%dma_wait3A_213 : memref<80x128xf32, #tpu.memory_space<vmem_shared>>)
    } else {
    }
    %add3A_66 = arith.constant 16 : i32
    %add3A_67 = arith.addi %arg1, %add3A_66 : i32
    %lt3A_68 = arith.constant 125 : i32
    %lt3A_69 = arith.cmpi slt, %add3A_67, %lt3A_68 : i32
    %convert_element_type3A_70 = arith.extui %lt3A_69 : i1 to i32
    %cond3A_71 = arith.constant 0 : i32
    %cond3A_72 = arith.cmpi ne, %convert_element_type3A_70, %cond3A_71 : i32
    scf.if %cond3A_72 {
      %dma_wait3A_205 = arith.constant 0 : i32
      %dma_wait3A_206 = arith.constant 0 : i32
      %dma_wait3A_207 = tpu.memref_slice %arg8[%dma_wait3A_205, %dma_wait3A_206] : memref<128x128xf32, #tpu.memory_space<vmem>> -> memref<80x128xf32, #tpu.memory_space<vmem>>
      %dma_wait3A_208 = arith.constant 0 : i32
      %dma_wait3A_209 = arith.constant 0 : i32
      %dma_wait3A_210 = tpu.memref_slice %arg5[%dma_wait3A_208, %dma_wait3A_209] : memref<10064x128xf32, #tpu.memory_space<vmem_shared>> -> memref<80x128xf32, #tpu.memory_space<vmem_shared>>
      %dma_wait3A_211 = arith.constant 0 : i32
      %dma_wait3A_212 = arith.constant 0 : i32
      %dma_wait3A_213 = tpu.memref_slice %arg5[%dma_wait3A_211, %dma_wait3A_212] : memref<10064x128xf32, #tpu.memory_space<vmem_shared>> -> memref<80x128xf32, #tpu.memory_space<vmem_shared>>
      %dma_wait3A_214 = arith.constant 0 : i32
      %dma_wait3A_215 = arith.constant 0 : i32
      %dma_wait3A_216 = tpu.memref_slice %arg8[%dma_wait3A_214, %dma_wait3A_215] : memref<128x128xf32, #tpu.memory_space<vmem>> -> memref<80x128xf32, #tpu.memory_space<vmem>>
      tpu.wait_dma2 semaphore(%arg10 : memref<!tpu.dma_semaphore, #tpu.memory_space<semaphore_mem>>) src(%dma_wait3A_216 : memref<80x128xf32, #tpu.memory_space<vmem>>) dst(%dma_wait3A_213 : memref<80x128xf32, #tpu.memory_space<vmem_shared>>)
    } else {
    }
    %add3A_73 = arith.constant 32 : i32
    %add3A_74 = arith.addi %arg1, %add3A_73 : i32
    %lt3A_75 = arith.constant 125 : i32
    %lt3A_76 = arith.cmpi slt, %add3A_74, %lt3A_75 : i32
    %convert_element_type3A_77 = arith.extui %lt3A_76 : i1 to i32
    %cond3A_78 = arith.constant 0 : i32
    %cond3A_79 = arith.cmpi ne, %convert_element_type3A_77, %cond3A_78 : i32
    scf.if %cond3A_79 {
      %dma_wait3A_205 = arith.constant 0 : i32
      %dma_wait3A_206 = arith.constant 0 : i32
      %dma_wait3A_207 = tpu.memref_slice %arg8[%dma_wait3A_205, %dma_wait3A_206] : memref<128x128xf32, #tpu.memory_space<vmem>> -> memref<80x128xf32, #tpu.memory_space<vmem>>
      %dma_wait3A_208 = arith.constant 0 : i32
      %dma_wait3A_209 = arith.constant 0 : i32
      %dma_wait3A_210 = tpu.memref_slice %arg5[%dma_wait3A_208, %dma_wait3A_209] : memref<10064x128xf32, #tpu.memory_space<vmem_shared>> -> memref<80x128xf32, #tpu.memory_space<vmem_shared>>
      %dma_wait3A_211 = arith.constant 0 : i32
      %dma_wait3A_212 = arith.constant 0 : i32
      %dma_wait3A_213 = tpu.memref_slice %arg5[%dma_wait3A_211, %dma_wait3A_212] : memref<10064x128xf32, #tpu.memory_space<vmem_shared>> -> memref<80x128xf32, #tpu.memory_space<vmem_shared>>
      %dma_wait3A_214 = arith.constant 0 : i32
      %dma_wait3A_215 = arith.constant 0 : i32
      %dma_wait3A_216 = tpu.memref_slice %arg8[%dma_wait3A_214, %dma_wait3A_215] : memref<128x128xf32, #tpu.memory_space<vmem>> -> memref<80x128xf32, #tpu.memory_space<vmem>>
      tpu.wait_dma2 semaphore(%arg10 : memref<!tpu.dma_semaphore, #tpu.memory_space<semaphore_mem>>) src(%dma_wait3A_216 : memref<80x128xf32, #tpu.memory_space<vmem>>) dst(%dma_wait3A_213 : memref<80x128xf32, #tpu.memory_space<vmem_shared>>)
    } else {
    }
    %add3A_80 = arith.constant 48 : i32
    %add3A_81 = arith.addi %arg1, %add3A_80 : i32
    %lt3A_82 = arith.constant 125 : i32
    %lt3A_83 = arith.cmpi slt, %add3A_81, %lt3A_82 : i32
    %convert_element_type3A_84 = arith.extui %lt3A_83 : i1 to i32
    %cond3A_85 = arith.constant 0 : i32
    %cond3A_86 = arith.cmpi ne, %convert_element_type3A_84, %cond3A_85 : i32
    scf.if %cond3A_86 {
      %dma_wait3A_205 = arith.constant 0 : i32
      %dma_wait3A_206 = arith.constant 0 : i32
      %dma_wait3A_207 = tpu.memref_slice %arg8[%dma_wait3A_205, %dma_wait3A_206] : memref<128x128xf32, #tpu.memory_space<vmem>> -> memref<80x128xf32, #tpu.memory_space<vmem>>
      %dma_wait3A_208 = arith.constant 0 : i32
      %dma_wait3A_209 = arith.constant 0 : i32
      %dma_wait3A_210 = tpu.memref_slice %arg5[%dma_wait3A_208, %dma_wait3A_209] : memref<10064x128xf32, #tpu.memory_space<vmem_shared>> -> memref<80x128xf32, #tpu.memory_space<vmem_shared>>
      %dma_wait3A_211 = arith.constant 0 : i32
      %dma_wait3A_212 = arith.constant 0 : i32
      %dma_wait3A_213 = tpu.memref_slice %arg5[%dma_wait3A_211, %dma_wait3A_212] : memref<10064x128xf32, #tpu.memory_space<vmem_shared>> -> memref<80x128xf32, #tpu.memory_space<vmem_shared>>
      %dma_wait3A_214 = arith.constant 0 : i32
      %dma_wait3A_215 = arith.constant 0 : i32
      %dma_wait3A_216 = tpu.memref_slice %arg8[%dma_wait3A_214, %dma_wait3A_215] : memref<128x128xf32, #tpu.memory_space<vmem>> -> memref<80x128xf32, #tpu.memory_space<vmem>>
      tpu.wait_dma2 semaphore(%arg10 : memref<!tpu.dma_semaphore, #tpu.memory_space<semaphore_mem>>) src(%dma_wait3A_216 : memref<80x128xf32, #tpu.memory_space<vmem>>) dst(%dma_wait3A_213 : memref<80x128xf32, #tpu.memory_space<vmem_shared>>)
    } else {
    }
    %add3A_87 = arith.constant 64 : i32
    %add3A_88 = arith.addi %arg1, %add3A_87 : i32
    %lt3A_89 = arith.constant 125 : i32
    %lt3A_90 = arith.cmpi slt, %add3A_88, %lt3A_89 : i32
    %convert_element_type3A_91 = arith.extui %lt3A_90 : i1 to i32
    %cond3A_92 = arith.constant 0 : i32
    %cond3A_93 = arith.cmpi ne, %convert_element_type3A_91, %cond3A_92 : i32
    scf.if %cond3A_93 {
      %dma_wait3A_205 = arith.constant 0 : i32
      %dma_wait3A_206 = arith.constant 0 : i32
      %dma_wait3A_207 = tpu.memref_slice %arg8[%dma_wait3A_205, %dma_wait3A_206] : memref<128x128xf32, #tpu.memory_space<vmem>> -> memref<80x128xf32, #tpu.memory_space<vmem>>
      %dma_wait3A_208 = arith.constant 0 : i32
      %dma_wait3A_209 = arith.constant 0 : i32
      %dma_wait3A_210 = tpu.memref_slice %arg5[%dma_wait3A_208, %dma_wait3A_209] : memref<10064x128xf32, #tpu.memory_space<vmem_shared>> -> memref<80x128xf32, #tpu.memory_space<vmem_shared>>
      %dma_wait3A_211 = arith.constant 0 : i32
      %dma_wait3A_212 = arith.constant 0 : i32
      %dma_wait3A_213 = tpu.memref_slice %arg5[%dma_wait3A_211, %dma_wait3A_212] : memref<10064x128xf32, #tpu.memory_space<vmem_shared>> -> memref<80x128xf32, #tpu.memory_space<vmem_shared>>
      %dma_wait3A_214 = arith.constant 0 : i32
      %dma_wait3A_215 = arith.constant 0 : i32
      %dma_wait3A_216 = tpu.memref_slice %arg8[%dma_wait3A_214, %dma_wait3A_215] : memref<128x128xf32, #tpu.memory_space<vmem>> -> memref<80x128xf32, #tpu.memory_space<vmem>>
      tpu.wait_dma2 semaphore(%arg10 : memref<!tpu.dma_semaphore, #tpu.memory_space<semaphore_mem>>) src(%dma_wait3A_216 : memref<80x128xf32, #tpu.memory_space<vmem>>) dst(%dma_wait3A_213 : memref<80x128xf32, #tpu.memory_space<vmem_shared>>)
    } else {
    }
    %add3A_94 = arith.constant 80 : i32
    %add3A_95 = arith.addi %arg1, %add3A_94 : i32
    %lt3A_96 = arith.constant 125 : i32
    %lt3A_97 = arith.cmpi slt, %add3A_95, %lt3A_96 : i32
    %convert_element_type3A_98 = arith.extui %lt3A_97 : i1 to i32
    %cond3A_99 = arith.constant 0 : i32
    %cond3A_100 = arith.cmpi ne, %convert_element_type3A_98, %cond3A_99 : i32
    scf.if %cond3A_100 {
      %dma_wait3A_205 = arith.constant 0 : i32
      %dma_wait3A_206 = arith.constant 0 : i32
      %dma_wait3A_207 = tpu.memref_slice %arg8[%dma_wait3A_205, %dma_wait3A_206] : memref<128x128xf32, #tpu.memory_space<vmem>> -> memref<80x128xf32, #tpu.memory_space<vmem>>
      %dma_wait3A_208 = arith.constant 0 : i32
      %dma_wait3A_209 = arith.constant 0 : i32
      %dma_wait3A_210 = tpu.memref_slice %arg5[%dma_wait3A_208, %dma_wait3A_209] : memref<10064x128xf32, #tpu.memory_space<vmem_shared>> -> memref<80x128xf32, #tpu.memory_space<vmem_shared>>
      %dma_wait3A_211 = arith.constant 0 : i32
      %dma_wait3A_212 = arith.constant 0 : i32
      %dma_wait3A_213 = tpu.memref_slice %arg5[%dma_wait3A_211, %dma_wait3A_212] : memref<10064x128xf32, #tpu.memory_space<vmem_shared>> -> memref<80x128xf32, #tpu.memory_space<vmem_shared>>
      %dma_wait3A_214 = arith.constant 0 : i32
      %dma_wait3A_215 = arith.constant 0 : i32
      %dma_wait3A_216 = tpu.memref_slice %arg8[%dma_wait3A_214, %dma_wait3A_215] : memref<128x128xf32, #tpu.memory_space<vmem>> -> memref<80x128xf32, #tpu.memory_space<vmem>>
      tpu.wait_dma2 semaphore(%arg10 : memref<!tpu.dma_semaphore, #tpu.memory_space<semaphore_mem>>) src(%dma_wait3A_216 : memref<80x128xf32, #tpu.memory_space<vmem>>) dst(%dma_wait3A_213 : memref<80x128xf32, #tpu.memory_space<vmem_shared>>)
    } else {
    }
    %add3A_101 = arith.constant 96 : i32
    %add3A_102 = arith.addi %arg1, %add3A_101 : i32
    %lt3A_103 = arith.constant 125 : i32
    %lt3A_104 = arith.cmpi slt, %add3A_102, %lt3A_103 : i32
    %convert_element_type3A_105 = arith.extui %lt3A_104 : i1 to i32
    %cond3A_106 = arith.constant 0 : i32
    %cond3A_107 = arith.cmpi ne, %convert_element_type3A_105, %cond3A_106 : i32
    scf.if %cond3A_107 {
      %dma_wait3A_205 = arith.constant 0 : i32
      %dma_wait3A_206 = arith.constant 0 : i32
      %dma_wait3A_207 = tpu.memref_slice %arg8[%dma_wait3A_205, %dma_wait3A_206] : memref<128x128xf32, #tpu.memory_space<vmem>> -> memref<80x128xf32, #tpu.memory_space<vmem>>
      %dma_wait3A_208 = arith.constant 0 : i32
      %dma_wait3A_209 = arith.constant 0 : i32
      %dma_wait3A_210 = tpu.memref_slice %arg5[%dma_wait3A_208, %dma_wait3A_209] : memref<10064x128xf32, #tpu.memory_space<vmem_shared>> -> memref<80x128xf32, #tpu.memory_space<vmem_shared>>
      %dma_wait3A_211 = arith.constant 0 : i32
      %dma_wait3A_212 = arith.constant 0 : i32
      %dma_wait3A_213 = tpu.memref_slice %arg5[%dma_wait3A_211, %dma_wait3A_212] : memref<10064x128xf32, #tpu.memory_space<vmem_shared>> -> memref<80x128xf32, #tpu.memory_space<vmem_shared>>
      %dma_wait3A_214 = arith.constant 0 : i32
      %dma_wait3A_215 = arith.constant 0 : i32
      %dma_wait3A_216 = tpu.memref_slice %arg8[%dma_wait3A_214, %dma_wait3A_215] : memref<128x128xf32, #tpu.memory_space<vmem>> -> memref<80x128xf32, #tpu.memory_space<vmem>>
      tpu.wait_dma2 semaphore(%arg10 : memref<!tpu.dma_semaphore, #tpu.memory_space<semaphore_mem>>) src(%dma_wait3A_216 : memref<80x128xf32, #tpu.memory_space<vmem>>) dst(%dma_wait3A_213 : memref<80x128xf32, #tpu.memory_space<vmem_shared>>)
    } else {
    }
    %add3A_108 = arith.constant 112 : i32
    %add3A_109 = arith.addi %arg1, %add3A_108 : i32
    %lt3A_110 = arith.constant 125 : i32
    %lt3A_111 = arith.cmpi slt, %add3A_109, %lt3A_110 : i32
    %convert_element_type3A_112 = arith.extui %lt3A_111 : i1 to i32
    %cond3A_113 = arith.constant 0 : i32
    %cond3A_114 = arith.cmpi ne, %convert_element_type3A_112, %cond3A_113 : i32
    scf.if %cond3A_114 {
      %dma_wait3A_205 = arith.constant 0 : i32
      %dma_wait3A_206 = arith.constant 0 : i32
      %dma_wait3A_207 = tpu.memref_slice %arg8[%dma_wait3A_205, %dma_wait3A_206] : memref<128x128xf32, #tpu.memory_space<vmem>> -> memref<80x128xf32, #tpu.memory_space<vmem>>
      %dma_wait3A_208 = arith.constant 0 : i32
      %dma_wait3A_209 = arith.constant 0 : i32
      %dma_wait3A_210 = tpu.memref_slice %arg5[%dma_wait3A_208, %dma_wait3A_209] : memref<10064x128xf32, #tpu.memory_space<vmem_shared>> -> memref<80x128xf32, #tpu.memory_space<vmem_shared>>
      %dma_wait3A_211 = arith.constant 0 : i32
      %dma_wait3A_212 = arith.constant 0 : i32
      %dma_wait3A_213 = tpu.memref_slice %arg5[%dma_wait3A_211, %dma_wait3A_212] : memref<10064x128xf32, #tpu.memory_space<vmem_shared>> -> memref<80x128xf32, #tpu.memory_space<vmem_shared>>
      %dma_wait3A_214 = arith.constant 0 : i32
      %dma_wait3A_215 = arith.constant 0 : i32
      %dma_wait3A_216 = tpu.memref_slice %arg8[%dma_wait3A_214, %dma_wait3A_215] : memref<128x128xf32, #tpu.memory_space<vmem>> -> memref<80x128xf32, #tpu.memory_space<vmem>>
      tpu.wait_dma2 semaphore(%arg10 : memref<!tpu.dma_semaphore, #tpu.memory_space<semaphore_mem>>) src(%dma_wait3A_216 : memref<80x128xf32, #tpu.memory_space<vmem>>) dst(%dma_wait3A_213 : memref<80x128xf32, #tpu.memory_space<vmem_shared>>)
    } else {
    }
    %barrier3A = arith.constant 0 : index
    tpu.barrier barrier_id(%barrier3A)
    %scan3A_115 = arith.constant 0 : i32
    %scan3A_116 = arith.constant 0 : i32
    %scan3A_117 = arith.constant 2 : i32
    %scan3A_118 = arith.addi %scan3A_116, %scan3A_117 : i32
    %scan3A_119 = arith.constant 1 : i32
    scf.for %scan3A_205 = %scan3A_116 to %scan3A_118 step %scan3A_119  : i32 {
      %mul3A_206 = arith.constant 40 : i32
      %mul3A_207 = arith.muli %mul3A_206, %scan3A_205 : i32
      %run_scoped3A = arith.constant 0 : i32
      "tpu.region"() ({
        %run_scoped3A_222 = tpu.sem_alloc : memref<!tpu.dma_semaphore, #tpu.memory_space<semaphore_mem>>
        %dma_start3A_223 = arith.constant 0 : i32
        %dma_start3A_224 = tpu.memref_slice %arg3[%run_scoped3A, %add3A, %mul3A_207, %dma_start3A_223] : memref<2x32x80x128xi32, #tpu.memory_space<hbm>> -> memref<1x1x40x128xi32, #tpu.memory_space<hbm>>
        %dma_start3A_225 = tpu.memref_squeeze %dma_start3A_224 : memref<1x1x40x128xi32, #tpu.memory_space<hbm>> -> memref<40x128xi32, #tpu.memory_space<hbm>>
        %dma_start3A_226 = arith.constant 0 : i32
        %dma_start3A_227 = tpu.memref_slice %arg3[%run_scoped3A, %add3A, %mul3A_207, %dma_start3A_226] : memref<2x32x80x128xi32, #tpu.memory_space<hbm>> -> memref<1x1x40x128xi32, #tpu.memory_space<hbm>>
        %dma_start3A_228 = tpu.memref_squeeze %dma_start3A_227 : memref<1x1x40x128xi32, #tpu.memory_space<hbm>> -> memref<40x128xi32, #tpu.memory_space<hbm>>
        tpu.enqueue_dma source(%dma_start3A_228 : memref<40x128xi32, #tpu.memory_space<hbm>>) target(%arg6 : memref<40x128xi32, #tpu.memory_space<vmem>>) target_semaphore(%run_scoped3A_222 : memref<!tpu.dma_semaphore, #tpu.memory_space<semaphore_mem>>)
        %dma_wait3A_229 = arith.constant 0 : i32
        %dma_wait3A_230 = tpu.memref_slice %arg3[%run_scoped3A, %add3A, %mul3A_207, %dma_wait3A_229] : memref<2x32x80x128xi32, #tpu.memory_space<hbm>> -> memref<1x1x40x128xi32, #tpu.memory_space<hbm>>
        %dma_wait3A_231 = tpu.memref_squeeze %dma_wait3A_230 : memref<1x1x40x128xi32, #tpu.memory_space<hbm>> -> memref<40x128xi32, #tpu.memory_space<hbm>>
        %dma_wait3A_232 = arith.constant 0 : i32
        %dma_wait3A_233 = tpu.memref_slice %arg3[%run_scoped3A, %add3A, %mul3A_207, %dma_wait3A_232] : memref<2x32x80x128xi32, #tpu.memory_space<hbm>> -> memref<1x1x40x128xi32, #tpu.memory_space<hbm>>
        %dma_wait3A_234 = tpu.memref_squeeze %dma_wait3A_233 : memref<1x1x40x128xi32, #tpu.memory_space<hbm>> -> memref<40x128xi32, #tpu.memory_space<hbm>>
        tpu.wait_dma2 semaphore(%run_scoped3A_222 : memref<!tpu.dma_semaphore, #tpu.memory_space<semaphore_mem>>) src(%dma_wait3A_234 : memref<40x128xi32, #tpu.memory_space<hbm>>) dst(%arg6 : memref<40x128xi32, #tpu.memory_space<vmem>>)
        tpu.yield
      }) : () -> ()
      %mul3A_208 = arith.constant 40 : i32
      %mul3A_209 = arith.muli %mul3A_208, %scan3A_205 : i32
      %run_scoped3A_210 = arith.constant 1 : i32
      "tpu.region"() ({
        %run_scoped3A_222 = tpu.sem_alloc : memref<!tpu.dma_semaphore, #tpu.memory_space<semaphore_mem>>
        %dma_start3A_223 = arith.constant 0 : i32
        %dma_start3A_224 = tpu.memref_slice %arg3[%run_scoped3A_210, %add3A, %mul3A_209, %dma_start3A_223] : memref<2x32x80x128xi32, #tpu.memory_space<hbm>> -> memref<1x1x40x128xi32, #tpu.memory_space<hbm>>
        %dma_start3A_225 = tpu.memref_squeeze %dma_start3A_224 : memref<1x1x40x128xi32, #tpu.memory_space<hbm>> -> memref<40x128xi32, #tpu.memory_space<hbm>>
        %dma_start3A_226 = arith.constant 0 : i32
        %dma_start3A_227 = tpu.memref_slice %arg3[%run_scoped3A_210, %add3A, %mul3A_209, %dma_start3A_226] : memref<2x32x80x128xi32, #tpu.memory_space<hbm>> -> memref<1x1x40x128xi32, #tpu.memory_space<hbm>>
        %dma_start3A_228 = tpu.memref_squeeze %dma_start3A_227 : memref<1x1x40x128xi32, #tpu.memory_space<hbm>> -> memref<40x128xi32, #tpu.memory_space<hbm>>
        tpu.enqueue_dma source(%dma_start3A_228 : memref<40x128xi32, #tpu.memory_space<hbm>>) target(%arg7 : memref<40x128xi32, #tpu.memory_space<vmem>>) target_semaphore(%run_scoped3A_222 : memref<!tpu.dma_semaphore, #tpu.memory_space<semaphore_mem>>)
        %dma_wait3A_229 = arith.constant 0 : i32
        %dma_wait3A_230 = tpu.memref_slice %arg3[%run_scoped3A_210, %add3A, %mul3A_209, %dma_wait3A_229] : memref<2x32x80x128xi32, #tpu.memory_space<hbm>> -> memref<1x1x40x128xi32, #tpu.memory_space<hbm>>
        %dma_wait3A_231 = tpu.memref_squeeze %dma_wait3A_230 : memref<1x1x40x128xi32, #tpu.memory_space<hbm>> -> memref<40x128xi32, #tpu.memory_space<hbm>>
        %dma_wait3A_232 = arith.constant 0 : i32
        %dma_wait3A_233 = tpu.memref_slice %arg3[%run_scoped3A_210, %add3A, %mul3A_209, %dma_wait3A_232] : memref<2x32x80x128xi32, #tpu.memory_space<hbm>> -> memref<1x1x40x128xi32, #tpu.memory_space<hbm>>
        %dma_wait3A_234 = tpu.memref_squeeze %dma_wait3A_233 : memref<1x1x40x128xi32, #tpu.memory_space<hbm>> -> memref<40x128xi32, #tpu.memory_space<hbm>>
        tpu.wait_dma2 semaphore(%run_scoped3A_222 : memref<!tpu.dma_semaphore, #tpu.memory_space<semaphore_mem>>) src(%dma_wait3A_234 : memref<40x128xi32, #tpu.memory_space<hbm>>) dst(%arg7 : memref<40x128xi32, #tpu.memory_space<vmem>>)
        tpu.yield
      }) : () -> ()
      %dma_start3A = arith.constant 0 : i32
      %dma_start3A_211 = arith.constant 0 : i32
      %dma_start3A_212 = tpu.memref_slice %arg6[%dma_start3A, %dma_start3A_211] : memref<40x128xi32, #tpu.memory_space<vmem>> -> memref<1x128xi32, #tpu.memory_space<vmem>>
      %dma_start3A_213 = tpu.memref_squeeze %dma_start3A_212 : memref<1x128xi32, #tpu.memory_space<vmem>> -> memref<128xi32, #tpu.memory_space<vmem>>
      %dma_start3A_214 = arith.constant 0 : i32
      %dma_start3A_215 = arith.constant 0 : i32
      %dma_start3A_216 = tpu.memref_slice %arg2[%dma_start3A_214, %dma_start3A_215] : memref<10000x128xf32, #tpu.memory_space<hbm>> -> memref<10000x128xf32, #tpu.memory_space<hbm>>
      tpu.enqueue_indirect_dma source(%dma_start3A_216 : memref<10000x128xf32, #tpu.memory_space<hbm>>) target(%arg8 : memref<128x128xf32, #tpu.memory_space<vmem>>) offsets(%dma_start3A_213 : memref<128xi32, #tpu.memory_space<vmem>>) semaphore(%arg10 : memref<!tpu.dma_semaphore, #tpu.memory_space<semaphore_mem>>)
      %scan3A_217 = arith.constant 0 : i32
      %scan3A_218 = arith.constant 20 : i32
      %scan3A_219 = arith.addi %scan3A_217, %scan3A_218 : i32
      %scan3A_220 = arith.constant 1 : i32
      scf.for %scan3A_222 = %scan3A_217 to %scan3A_219 step %scan3A_220  : i32 {
        %mul3A_223 = arith.constant 2 : i32
        %mul3A_224 = arith.muli %mul3A_223, %scan3A_222 : i32
        %add3A_225 = arith.constant 1 : i32
        %add3A_226 = arith.addi %mul3A_224, %add3A_225 : i32
        %dma_start3A_227 = arith.constant 0 : i32
        %dma_start3A_228 = tpu.memref_slice %arg6[%add3A_226, %dma_start3A_227] : memref<40x128xi32, #tpu.memory_space<vmem>> -> memref<1x128xi32, #tpu.memory_space<vmem>>
        %dma_start3A_229 = tpu.memref_squeeze %dma_start3A_228 : memref<1x128xi32, #tpu.memory_space<vmem>> -> memref<128xi32, #tpu.memory_space<vmem>>
        %dma_start3A_230 = arith.constant 0 : i32
        %dma_start3A_231 = arith.constant 0 : i32
        %dma_start3A_232 = tpu.memref_slice %arg2[%dma_start3A_230, %dma_start3A_231] : memref<10000x128xf32, #tpu.memory_space<hbm>> -> memref<10000x128xf32, #tpu.memory_space<hbm>>
        tpu.enqueue_indirect_dma source(%dma_start3A_232 : memref<10000x128xf32, #tpu.memory_space<hbm>>) target(%arg9 : memref<128x128xf32, #tpu.memory_space<vmem>>) offsets(%dma_start3A_229 : memref<128xi32, #tpu.memory_space<vmem>>) semaphore(%arg11 : memref<!tpu.dma_semaphore, #tpu.memory_space<semaphore_mem>>)
        %dma_wait3A_233 = arith.constant 0 : i32
        %dma_wait3A_234 = arith.constant 0 : i32
        %dma_wait3A_235 = tpu.memref_slice %arg6[%dma_wait3A_233, %dma_wait3A_234] : memref<40x128xi32, #tpu.memory_space<vmem>> -> memref<1x128xi32, #tpu.memory_space<vmem>>
        %dma_wait3A_236 = tpu.memref_squeeze %dma_wait3A_235 : memref<1x128xi32, #tpu.memory_space<vmem>> -> memref<128xi32, #tpu.memory_space<vmem>>
        %dma_wait3A_237 = arith.constant 0 : i32
        %dma_wait3A_238 = arith.constant 0 : i32
        %dma_wait3A_239 = tpu.memref_slice %arg2[%dma_wait3A_237, %dma_wait3A_238] : memref<10000x128xf32, #tpu.memory_space<hbm>> -> memref<10000x128xf32, #tpu.memory_space<hbm>>
        tpu.wait_indirect_dma semaphore(%arg10 : memref<!tpu.dma_semaphore, #tpu.memory_space<semaphore_mem>>) src(%dma_wait3A_239 : memref<10000x128xf32, #tpu.memory_space<hbm>>) dst(%arg8 : memref<128x128xf32, #tpu.memory_space<vmem>>)
        "tpu.region"() ({
          %run_scoped3A_256 = tpu.sem_alloc : memref<!tpu.dma_semaphore, #tpu.memory_space<semaphore_mem>>
          %dma_start3A_257 = arith.constant 0 : i32
          %dma_start3A_258 = tpu.memref_slice %arg7[%mul3A_224, %dma_start3A_257] : memref<40x128xi32, #tpu.memory_space<vmem>> -> memref<1x128xi32, #tpu.memory_space<vmem>>
          %dma_start3A_259 = tpu.memref_squeeze %dma_start3A_258 : memref<1x128xi32, #tpu.memory_space<vmem>> -> memref<128xi32, #tpu.memory_space<vmem>>
          %dma_start3A_260 = arith.constant 0 : i32
          %dma_start3A_261 = arith.constant 0 : i32
          %dma_start3A_262 = tpu.memref_slice %arg5[%dma_start3A_260, %dma_start3A_261] : memref<10064x128xf32, #tpu.memory_space<vmem_shared>> -> memref<10064x128xf32, #tpu.memory_space<vmem_shared>>
          tpu.enqueue_indirect_dma source(%arg8 : memref<128x128xf32, #tpu.memory_space<vmem>>) target(%dma_start3A_262 : memref<10064x128xf32, #tpu.memory_space<vmem_shared>>) offsets(%dma_start3A_259 : memref<128xi32, #tpu.memory_space<vmem>>) semaphore(%run_scoped3A_256 : memref<!tpu.dma_semaphore, #tpu.memory_space<semaphore_mem>>) {add = true}
          %dma_wait3A_263 = arith.constant 0 : i32
          %dma_wait3A_264 = tpu.memref_slice %arg7[%mul3A_224, %dma_wait3A_263] : memref<40x128xi32, #tpu.memory_space<vmem>> -> memref<1x128xi32, #tpu.memory_space<vmem>>
          %dma_wait3A_265 = tpu.memref_squeeze %dma_wait3A_264 : memref<1x128xi32, #tpu.memory_space<vmem>> -> memref<128xi32, #tpu.memory_space<vmem>>
          %dma_wait3A_266 = arith.constant 0 : i32
          %dma_wait3A_267 = arith.constant 0 : i32
          %dma_wait3A_268 = tpu.memref_slice %arg5[%dma_wait3A_266, %dma_wait3A_267] : memref<10064x128xf32, #tpu.memory_space<vmem_shared>> -> memref<10064x128xf32, #tpu.memory_space<vmem_shared>>
          tpu.wait_indirect_dma semaphore(%run_scoped3A_256 : memref<!tpu.dma_semaphore, #tpu.memory_space<semaphore_mem>>) src(%arg8 : memref<128x128xf32, #tpu.memory_space<vmem>>) dst(%dma_wait3A_268 : memref<10064x128xf32, #tpu.memory_space<vmem_shared>>)
          tpu.yield
        }) : () -> ()
        %add3A_240 = arith.constant 2 : i32
        %add3A_241 = arith.addi %mul3A_224, %add3A_240 : i32
        %lt3A_242 = arith.constant 40 : i32
        %lt3A_243 = arith.cmpi slt, %add3A_241, %lt3A_242 : i32
        %convert_element_type3A_244 = arith.extui %lt3A_243 : i1 to i32
        %cond3A_245 = arith.constant 0 : i32
        %cond3A_246 = arith.cmpi ne, %convert_element_type3A_244, %cond3A_245 : i32
        scf.if %cond3A_246 {
          %add3A_256 = arith.constant 2 : i32
          %add3A_257 = arith.addi %mul3A_224, %add3A_256 : i32
          %dma_start3A_258 = arith.constant 0 : i32
          %dma_start3A_259 = tpu.memref_slice %arg6[%add3A_257, %dma_start3A_258] : memref<40x128xi32, #tpu.memory_space<vmem>> -> memref<1x128xi32, #tpu.memory_space<vmem>>
          %dma_start3A_260 = tpu.memref_squeeze %dma_start3A_259 : memref<1x128xi32, #tpu.memory_space<vmem>> -> memref<128xi32, #tpu.memory_space<vmem>>
          %dma_start3A_261 = arith.constant 0 : i32
          %dma_start3A_262 = arith.constant 0 : i32
          %dma_start3A_263 = tpu.memref_slice %arg2[%dma_start3A_261, %dma_start3A_262] : memref<10000x128xf32, #tpu.memory_space<hbm>> -> memref<10000x128xf32, #tpu.memory_space<hbm>>
          tpu.enqueue_indirect_dma source(%dma_start3A_263 : memref<10000x128xf32, #tpu.memory_space<hbm>>) target(%arg8 : memref<128x128xf32, #tpu.memory_space<vmem>>) offsets(%dma_start3A_260 : memref<128xi32, #tpu.memory_space<vmem>>) semaphore(%arg10 : memref<!tpu.dma_semaphore, #tpu.memory_space<semaphore_mem>>)
        } else {
        }
        %dma_wait3A_247 = arith.constant 0 : i32
        %dma_wait3A_248 = arith.constant 0 : i32
        %dma_wait3A_249 = tpu.memref_slice %arg6[%dma_wait3A_247, %dma_wait3A_248] : memref<40x128xi32, #tpu.memory_space<vmem>> -> memref<1x128xi32, #tpu.memory_space<vmem>>
        %dma_wait3A_250 = tpu.memref_squeeze %dma_wait3A_249 : memref<1x128xi32, #tpu.memory_space<vmem>> -> memref<128xi32, #tpu.memory_space<vmem>>
        %dma_wait3A_251 = arith.constant 0 : i32
        %dma_wait3A_252 = arith.constant 0 : i32
        %dma_wait3A_253 = tpu.memref_slice %arg2[%dma_wait3A_251, %dma_wait3A_252] : memref<10000x128xf32, #tpu.memory_space<hbm>> -> memref<10000x128xf32, #tpu.memory_space<hbm>>
        tpu.wait_indirect_dma semaphore(%arg11 : memref<!tpu.dma_semaphore, #tpu.memory_space<semaphore_mem>>) src(%dma_wait3A_253 : memref<10000x128xf32, #tpu.memory_space<hbm>>) dst(%arg9 : memref<128x128xf32, #tpu.memory_space<vmem>>)
        %add3A_254 = arith.constant 1 : i32
        %add3A_255 = arith.addi %mul3A_224, %add3A_254 : i32
        "tpu.region"() ({
          %run_scoped3A_256 = tpu.sem_alloc : memref<!tpu.dma_semaphore, #tpu.memory_space<semaphore_mem>>
          %dma_start3A_257 = arith.constant 0 : i32
          %dma_start3A_258 = tpu.memref_slice %arg7[%add3A_255, %dma_start3A_257] : memref<40x128xi32, #tpu.memory_space<vmem>> -> memref<1x128xi32, #tpu.memory_space<vmem>>
          %dma_start3A_259 = tpu.memref_squeeze %dma_start3A_258 : memref<1x128xi32, #tpu.memory_space<vmem>> -> memref<128xi32, #tpu.memory_space<vmem>>
          %dma_start3A_260 = arith.constant 0 : i32
          %dma_start3A_261 = arith.constant 0 : i32
          %dma_start3A_262 = tpu.memref_slice %arg5[%dma_start3A_260, %dma_start3A_261] : memref<10064x128xf32, #tpu.memory_space<vmem_shared>> -> memref<10064x128xf32, #tpu.memory_space<vmem_shared>>
          tpu.enqueue_indirect_dma source(%arg9 : memref<128x128xf32, #tpu.memory_space<vmem>>) target(%dma_start3A_262 : memref<10064x128xf32, #tpu.memory_space<vmem_shared>>) offsets(%dma_start3A_259 : memref<128xi32, #tpu.memory_space<vmem>>) semaphore(%run_scoped3A_256 : memref<!tpu.dma_semaphore, #tpu.memory_space<semaphore_mem>>) {add = true}
          %dma_wait3A_263 = arith.constant 0 : i32
          %dma_wait3A_264 = tpu.memref_slice %arg7[%add3A_255, %dma_wait3A_263] : memref<40x128xi32, #tpu.memory_space<vmem>> -> memref<1x128xi32, #tpu.memory_space<vmem>>
          %dma_wait3A_265 = tpu.memref_squeeze %dma_wait3A_264 : memref<1x128xi32, #tpu.memory_space<vmem>> -> memref<128xi32, #tpu.memory_space<vmem>>
          %dma_wait3A_266 = arith.constant 0 : i32
          %dma_wait3A_267 = arith.constant 0 : i32
          %dma_wait3A_268 = tpu.memref_slice %arg5[%dma_wait3A_266, %dma_wait3A_267] : memref<10064x128xf32, #tpu.memory_space<vmem_shared>> -> memref<10064x128xf32, #tpu.memory_space<vmem_shared>>
          tpu.wait_indirect_dma semaphore(%run_scoped3A_256 : memref<!tpu.dma_semaphore, #tpu.memory_space<semaphore_mem>>) src(%arg9 : memref<128x128xf32, #tpu.memory_space<vmem>>) dst(%dma_wait3A_268 : memref<10064x128xf32, #tpu.memory_space<vmem_shared>>)
          tpu.yield
        }) : () -> ()
      }
      %scan3A_221 = arith.constant 20 : i32
    }
    %scan3A_120 = arith.constant 2 : i32
    %barrier3A_121 = arith.constant 0 : index
    tpu.barrier barrier_id(%barrier3A_121)
    %add3A_122 = arith.constant 0 : i32
    %add3A_123 = arith.addi %arg1, %add3A_122 : i32
    %lt3A_124 = arith.constant 125 : i32
    %lt3A_125 = arith.cmpi slt, %add3A_123, %lt3A_124 : i32
    %convert_element_type3A_126 = arith.extui %lt3A_125 : i1 to i32
    %cond3A_127 = arith.constant 0 : i32
    %cond3A_128 = arith.cmpi ne, %convert_element_type3A_126, %cond3A_127 : i32
    scf.if %cond3A_128 {
      %mul3A_205 = arith.constant 80 : i32
      %mul3A_206 = arith.muli %mul3A_205, %add3A_123 : i32
      %dma_start3A = arith.constant 0 : i32
      %dma_start3A_207 = arith.constant 0 : i32
      %dma_start3A_208 = tpu.memref_slice %arg8[%dma_start3A, %dma_start3A_207] : memref<128x128xf32, #tpu.memory_space<vmem>> -> memref<80x128xf32, #tpu.memory_space<vmem>>
      %dma_start3A_209 = arith.constant 0 : i32
      %dma_start3A_210 = tpu.memref_slice %arg5[%mul3A_206, %dma_start3A_209] : memref<10064x128xf32, #tpu.memory_space<vmem_shared>> -> memref<80x128xf32, #tpu.memory_space<vmem_shared>>
      %dma_start3A_211 = arith.constant 0 : i32
      %dma_start3A_212 = arith.constant 0 : i32
      %dma_start3A_213 = tpu.memref_slice %arg8[%dma_start3A_211, %dma_start3A_212] : memref<128x128xf32, #tpu.memory_space<vmem>> -> memref<80x128xf32, #tpu.memory_space<vmem>>
      %dma_start3A_214 = arith.constant 0 : i32
      %dma_start3A_215 = tpu.memref_slice %arg5[%mul3A_206, %dma_start3A_214] : memref<10064x128xf32, #tpu.memory_space<vmem_shared>> -> memref<80x128xf32, #tpu.memory_space<vmem_shared>>
      tpu.enqueue_dma source(%dma_start3A_215 : memref<80x128xf32, #tpu.memory_space<vmem_shared>>) target(%dma_start3A_213 : memref<80x128xf32, #tpu.memory_space<vmem>>) target_semaphore(%arg10 : memref<!tpu.dma_semaphore, #tpu.memory_space<semaphore_mem>>)
      %dma_wait3A_216 = arith.constant 0 : i32
      %dma_wait3A_217 = arith.constant 0 : i32
      %dma_wait3A_218 = tpu.memref_slice %arg8[%dma_wait3A_216, %dma_wait3A_217] : memref<128x128xf32, #tpu.memory_space<vmem>> -> memref<80x128xf32, #tpu.memory_space<vmem>>
      %dma_wait3A_219 = arith.constant 0 : i32
      %dma_wait3A_220 = arith.constant 0 : i32
      %dma_wait3A_221 = tpu.memref_slice %arg5[%dma_wait3A_219, %dma_wait3A_220] : memref<10064x128xf32, #tpu.memory_space<vmem_shared>> -> memref<80x128xf32, #tpu.memory_space<vmem_shared>>
      %dma_wait3A_222 = arith.constant 0 : i32
      %dma_wait3A_223 = arith.constant 0 : i32
      %dma_wait3A_224 = tpu.memref_slice %arg8[%dma_wait3A_222, %dma_wait3A_223] : memref<128x128xf32, #tpu.memory_space<vmem>> -> memref<80x128xf32, #tpu.memory_space<vmem>>
      %dma_wait3A_225 = arith.constant 0 : i32
      %dma_wait3A_226 = arith.constant 0 : i32
      %dma_wait3A_227 = tpu.memref_slice %arg5[%dma_wait3A_225, %dma_wait3A_226] : memref<10064x128xf32, #tpu.memory_space<vmem_shared>> -> memref<80x128xf32, #tpu.memory_space<vmem_shared>>
      tpu.wait_dma2 semaphore(%arg10 : memref<!tpu.dma_semaphore, #tpu.memory_space<semaphore_mem>>) src(%dma_wait3A_227 : memref<80x128xf32, #tpu.memory_space<vmem_shared>>) dst(%dma_wait3A_224 : memref<80x128xf32, #tpu.memory_space<vmem>>)
      %dma_start3A_228 = arith.constant 0 : i32
      %dma_start3A_229 = arith.constant 0 : i32
      %dma_start3A_230 = tpu.memref_slice %arg8[%dma_start3A_228, %dma_start3A_229] : memref<128x128xf32, #tpu.memory_space<vmem>> -> memref<80x128xf32, #tpu.memory_space<vmem>>
      %dma_start3A_231 = arith.constant 0 : i32
      %dma_start3A_232 = tpu.memref_slice %arg4[%arg0, %mul3A_206, %dma_start3A_231] : memref<2x10000x128xf32, #tpu.memory_space<hbm>> -> memref<1x80x128xf32, #tpu.memory_space<hbm>>
      %dma_start3A_233 = tpu.memref_squeeze %dma_start3A_232 : memref<1x80x128xf32, #tpu.memory_space<hbm>> -> memref<80x128xf32, #tpu.memory_space<hbm>>
      %dma_start3A_234 = arith.constant 0 : i32
      %dma_start3A_235 = tpu.memref_slice %arg4[%arg0, %mul3A_206, %dma_start3A_234] : memref<2x10000x128xf32, #tpu.memory_space<hbm>> -> memref<1x80x128xf32, #tpu.memory_space<hbm>>
      %dma_start3A_236 = tpu.memref_squeeze %dma_start3A_235 : memref<1x80x128xf32, #tpu.memory_space<hbm>> -> memref<80x128xf32, #tpu.memory_space<hbm>>
      %dma_start3A_237 = arith.constant 0 : i32
      %dma_start3A_238 = arith.constant 0 : i32
      %dma_start3A_239 = tpu.memref_slice %arg8[%dma_start3A_237, %dma_start3A_238] : memref<128x128xf32, #tpu.memory_space<vmem>> -> memref<80x128xf32, #tpu.memory_space<vmem>>
      tpu.enqueue_dma source(%dma_start3A_239 : memref<80x128xf32, #tpu.memory_space<vmem>>) target(%dma_start3A_236 : memref<80x128xf32, #tpu.memory_space<hbm>>) target_semaphore(%arg12 : memref<!tpu.dma_semaphore, #tpu.memory_space<semaphore_mem>>)
    } else {
    }
    %add3A_129 = arith.constant 16 : i32
    %add3A_130 = arith.addi %arg1, %add3A_129 : i32
    %lt3A_131 = arith.constant 125 : i32
    %lt3A_132 = arith.cmpi slt, %add3A_130, %lt3A_131 : i32
    %convert_element_type3A_133 = arith.extui %lt3A_132 : i1 to i32
    %cond3A_134 = arith.constant 0 : i32
    %cond3A_135 = arith.cmpi ne, %convert_element_type3A_133, %cond3A_134 : i32
    scf.if %cond3A_135 {
      %mul3A_205 = arith.constant 80 : i32
      %mul3A_206 = arith.muli %mul3A_205, %add3A_130 : i32
      %dma_start3A = arith.constant 0 : i32
      %dma_start3A_207 = arith.constant 0 : i32
      %dma_start3A_208 = tpu.memref_slice %arg9[%dma_start3A, %dma_start3A_207] : memref<128x128xf32, #tpu.memory_space<vmem>> -> memref<80x128xf32, #tpu.memory_space<vmem>>
      %dma_start3A_209 = arith.constant 0 : i32
      %dma_start3A_210 = tpu.memref_slice %arg5[%mul3A_206, %dma_start3A_209] : memref<10064x128xf32, #tpu.memory_space<vmem_shared>> -> memref<80x128xf32, #tpu.memory_space<vmem_shared>>
      %dma_start3A_211 = arith.constant 0 : i32
      %dma_start3A_212 = arith.constant 0 : i32
      %dma_start3A_213 = tpu.memref_slice %arg9[%dma_start3A_211, %dma_start3A_212] : memref<128x128xf32, #tpu.memory_space<vmem>> -> memref<80x128xf32, #tpu.memory_space<vmem>>
      %dma_start3A_214 = arith.constant 0 : i32
      %dma_start3A_215 = tpu.memref_slice %arg5[%mul3A_206, %dma_start3A_214] : memref<10064x128xf32, #tpu.memory_space<vmem_shared>> -> memref<80x128xf32, #tpu.memory_space<vmem_shared>>
      tpu.enqueue_dma source(%dma_start3A_215 : memref<80x128xf32, #tpu.memory_space<vmem_shared>>) target(%dma_start3A_213 : memref<80x128xf32, #tpu.memory_space<vmem>>) target_semaphore(%arg11 : memref<!tpu.dma_semaphore, #tpu.memory_space<semaphore_mem>>)
      %dma_wait3A_216 = arith.constant 0 : i32
      %dma_wait3A_217 = arith.constant 0 : i32
      %dma_wait3A_218 = tpu.memref_slice %arg9[%dma_wait3A_216, %dma_wait3A_217] : memref<128x128xf32, #tpu.memory_space<vmem>> -> memref<80x128xf32, #tpu.memory_space<vmem>>
      %dma_wait3A_219 = arith.constant 0 : i32
      %dma_wait3A_220 = arith.constant 0 : i32
      %dma_wait3A_221 = tpu.memref_slice %arg5[%dma_wait3A_219, %dma_wait3A_220] : memref<10064x128xf32, #tpu.memory_space<vmem_shared>> -> memref<80x128xf32, #tpu.memory_space<vmem_shared>>
      %dma_wait3A_222 = arith.constant 0 : i32
      %dma_wait3A_223 = arith.constant 0 : i32
      %dma_wait3A_224 = tpu.memref_slice %arg9[%dma_wait3A_222, %dma_wait3A_223] : memref<128x128xf32, #tpu.memory_space<vmem>> -> memref<80x128xf32, #tpu.memory_space<vmem>>
      %dma_wait3A_225 = arith.constant 0 : i32
      %dma_wait3A_226 = arith.constant 0 : i32
      %dma_wait3A_227 = tpu.memref_slice %arg5[%dma_wait3A_225, %dma_wait3A_226] : memref<10064x128xf32, #tpu.memory_space<vmem_shared>> -> memref<80x128xf32, #tpu.memory_space<vmem_shared>>
      tpu.wait_dma2 semaphore(%arg11 : memref<!tpu.dma_semaphore, #tpu.memory_space<semaphore_mem>>) src(%dma_wait3A_227 : memref<80x128xf32, #tpu.memory_space<vmem_shared>>) dst(%dma_wait3A_224 : memref<80x128xf32, #tpu.memory_space<vmem>>)
      %dma_start3A_228 = arith.constant 0 : i32
      %dma_start3A_229 = arith.constant 0 : i32
      %dma_start3A_230 = tpu.memref_slice %arg9[%dma_start3A_228, %dma_start3A_229] : memref<128x128xf32, #tpu.memory_space<vmem>> -> memref<80x128xf32, #tpu.memory_space<vmem>>
      %dma_start3A_231 = arith.constant 0 : i32
      %dma_start3A_232 = tpu.memref_slice %arg4[%arg0, %mul3A_206, %dma_start3A_231] : memref<2x10000x128xf32, #tpu.memory_space<hbm>> -> memref<1x80x128xf32, #tpu.memory_space<hbm>>
      %dma_start3A_233 = tpu.memref_squeeze %dma_start3A_232 : memref<1x80x128xf32, #tpu.memory_space<hbm>> -> memref<80x128xf32, #tpu.memory_space<hbm>>
      %dma_start3A_234 = arith.constant 0 : i32
      %dma_start3A_235 = tpu.memref_slice %arg4[%arg0, %mul3A_206, %dma_start3A_234] : memref<2x10000x128xf32, #tpu.memory_space<hbm>> -> memref<1x80x128xf32, #tpu.memory_space<hbm>>
      %dma_start3A_236 = tpu.memref_squeeze %dma_start3A_235 : memref<1x80x128xf32, #tpu.memory_space<hbm>> -> memref<80x128xf32, #tpu.memory_space<hbm>>
      %dma_start3A_237 = arith.constant 0 : i32
      %dma_start3A_238 = arith.constant 0 : i32
      %dma_start3A_239 = tpu.memref_slice %arg9[%dma_start3A_237, %dma_start3A_238] : memref<128x128xf32, #tpu.memory_space<vmem>> -> memref<80x128xf32, #tpu.memory_space<vmem>>
      tpu.enqueue_dma source(%dma_start3A_239 : memref<80x128xf32, #tpu.memory_space<vmem>>) target(%dma_start3A_236 : memref<80x128xf32, #tpu.memory_space<hbm>>) target_semaphore(%arg13 : memref<!tpu.dma_semaphore, #tpu.memory_space<semaphore_mem>>)
    } else {
    }
    %add3A_136 = arith.constant 32 : i32
    %add3A_137 = arith.addi %arg1, %add3A_136 : i32
    %lt3A_138 = arith.constant 125 : i32
    %lt3A_139 = arith.cmpi slt, %add3A_137, %lt3A_138 : i32
    %convert_element_type3A_140 = arith.extui %lt3A_139 : i1 to i32
    %cond3A_141 = arith.constant 0 : i32
    %cond3A_142 = arith.cmpi ne, %convert_element_type3A_140, %cond3A_141 : i32
    scf.if %cond3A_142 {
      %mul3A_205 = arith.constant 80 : i32
      %mul3A_206 = arith.muli %mul3A_205, %add3A_137 : i32
      %dma_wait3A_207 = arith.constant 0 : i32
      %dma_wait3A_208 = arith.constant 0 : i32
      %dma_wait3A_209 = tpu.memref_slice %arg8[%dma_wait3A_207, %dma_wait3A_208] : memref<128x128xf32, #tpu.memory_space<vmem>> -> memref<80x128xf32, #tpu.memory_space<vmem>>
      %dma_wait3A_210 = arith.constant 0 : i32
      %dma_wait3A_211 = arith.constant 0 : i32
      %dma_wait3A_212 = tpu.memref_slice %arg4[%arg0, %dma_wait3A_210, %dma_wait3A_211] : memref<2x10000x128xf32, #tpu.memory_space<hbm>> -> memref<1x80x128xf32, #tpu.memory_space<hbm>>
      %dma_wait3A_213 = tpu.memref_squeeze %dma_wait3A_212 : memref<1x80x128xf32, #tpu.memory_space<hbm>> -> memref<80x128xf32, #tpu.memory_space<hbm>>
      %dma_wait3A_214 = arith.constant 0 : i32
      %dma_wait3A_215 = arith.constant 0 : i32
      %dma_wait3A_216 = tpu.memref_slice %arg4[%arg0, %dma_wait3A_214, %dma_wait3A_215] : memref<2x10000x128xf32, #tpu.memory_space<hbm>> -> memref<1x80x128xf32, #tpu.memory_space<hbm>>
      %dma_wait3A_217 = tpu.memref_squeeze %dma_wait3A_216 : memref<1x80x128xf32, #tpu.memory_space<hbm>> -> memref<80x128xf32, #tpu.memory_space<hbm>>
      %dma_wait3A_218 = arith.constant 0 : i32
      %dma_wait3A_219 = arith.constant 0 : i32
      %dma_wait3A_220 = tpu.memref_slice %arg8[%dma_wait3A_218, %dma_wait3A_219] : memref<128x128xf32, #tpu.memory_space<vmem>> -> memref<80x128xf32, #tpu.memory_space<vmem>>
      tpu.wait_dma2 semaphore(%arg12 : memref<!tpu.dma_semaphore, #tpu.memory_space<semaphore_mem>>) src(%dma_wait3A_220 : memref<80x128xf32, #tpu.memory_space<vmem>>) dst(%dma_wait3A_217 : memref<80x128xf32, #tpu.memory_space<hbm>>)
      %dma_start3A = arith.constant 0 : i32
      %dma_start3A_221 = arith.constant 0 : i32
      %dma_start3A_222 = tpu.memref_slice %arg8[%dma_start3A, %dma_start3A_221] : memref<128x128xf32, #tpu.memory_space<vmem>> -> memref<80x128xf32, #tpu.memory_space<vmem>>
      %dma_start3A_223 = arith.constant 0 : i32
      %dma_start3A_224 = tpu.memref_slice %arg5[%mul3A_206, %dma_start3A_223] : memref<10064x128xf32, #tpu.memory_space<vmem_shared>> -> memref<80x128xf32, #tpu.memory_space<vmem_shared>>
      %dma_start3A_225 = arith.constant 0 : i32
      %dma_start3A_226 = arith.constant 0 : i32
      %dma_start3A_227 = tpu.memref_slice %arg8[%dma_start3A_225, %dma_start3A_226] : memref<128x128xf32, #tpu.memory_space<vmem>> -> memref<80x128xf32, #tpu.memory_space<vmem>>
      %dma_start3A_228 = arith.constant 0 : i32
      %dma_start3A_229 = tpu.memref_slice %arg5[%mul3A_206, %dma_start3A_228] : memref<10064x128xf32, #tpu.memory_space<vmem_shared>> -> memref<80x128xf32, #tpu.memory_space<vmem_shared>>
      tpu.enqueue_dma source(%dma_start3A_229 : memref<80x128xf32, #tpu.memory_space<vmem_shared>>) target(%dma_start3A_227 : memref<80x128xf32, #tpu.memory_space<vmem>>) target_semaphore(%arg10 : memref<!tpu.dma_semaphore, #tpu.memory_space<semaphore_mem>>)
      %dma_wait3A_230 = arith.constant 0 : i32
      %dma_wait3A_231 = arith.constant 0 : i32
      %dma_wait3A_232 = tpu.memref_slice %arg8[%dma_wait3A_230, %dma_wait3A_231] : memref<128x128xf32, #tpu.memory_space<vmem>> -> memref<80x128xf32, #tpu.memory_space<vmem>>
      %dma_wait3A_233 = arith.constant 0 : i32
      %dma_wait3A_234 = arith.constant 0 : i32
      %dma_wait3A_235 = tpu.memref_slice %arg5[%dma_wait3A_233, %dma_wait3A_234] : memref<10064x128xf32, #tpu.memory_space<vmem_shared>> -> memref<80x128xf32, #tpu.memory_space<vmem_shared>>
      %dma_wait3A_236 = arith.constant 0 : i32
      %dma_wait3A_237 = arith.constant 0 : i32
      %dma_wait3A_238 = tpu.memref_slice %arg8[%dma_wait3A_236, %dma_wait3A_237] : memref<128x128xf32, #tpu.memory_space<vmem>> -> memref<80x128xf32, #tpu.memory_space<vmem>>
      %dma_wait3A_239 = arith.constant 0 : i32
      %dma_wait3A_240 = arith.constant 0 : i32
      %dma_wait3A_241 = tpu.memref_slice %arg5[%dma_wait3A_239, %dma_wait3A_240] : memref<10064x128xf32, #tpu.memory_space<vmem_shared>> -> memref<80x128xf32, #tpu.memory_space<vmem_shared>>
      tpu.wait_dma2 semaphore(%arg10 : memref<!tpu.dma_semaphore, #tpu.memory_space<semaphore_mem>>) src(%dma_wait3A_241 : memref<80x128xf32, #tpu.memory_space<vmem_shared>>) dst(%dma_wait3A_238 : memref<80x128xf32, #tpu.memory_space<vmem>>)
      %dma_start3A_242 = arith.constant 0 : i32
      %dma_start3A_243 = arith.constant 0 : i32
      %dma_start3A_244 = tpu.memref_slice %arg8[%dma_start3A_242, %dma_start3A_243] : memref<128x128xf32, #tpu.memory_space<vmem>> -> memref<80x128xf32, #tpu.memory_space<vmem>>
      %dma_start3A_245 = arith.constant 0 : i32
      %dma_start3A_246 = tpu.memref_slice %arg4[%arg0, %mul3A_206, %dma_start3A_245] : memref<2x10000x128xf32, #tpu.memory_space<hbm>> -> memref<1x80x128xf32, #tpu.memory_space<hbm>>
      %dma_start3A_247 = tpu.memref_squeeze %dma_start3A_246 : memref<1x80x128xf32, #tpu.memory_space<hbm>> -> memref<80x128xf32, #tpu.memory_space<hbm>>
      %dma_start3A_248 = arith.constant 0 : i32
      %dma_start3A_249 = tpu.memref_slice %arg4[%arg0, %mul3A_206, %dma_start3A_248] : memref<2x10000x128xf32, #tpu.memory_space<hbm>> -> memref<1x80x128xf32, #tpu.memory_space<hbm>>
      %dma_start3A_250 = tpu.memref_squeeze %dma_start3A_249 : memref<1x80x128xf32, #tpu.memory_space<hbm>> -> memref<80x128xf32, #tpu.memory_space<hbm>>
      %dma_start3A_251 = arith.constant 0 : i32
      %dma_start3A_252 = arith.constant 0 : i32
      %dma_start3A_253 = tpu.memref_slice %arg8[%dma_start3A_251, %dma_start3A_252] : memref<128x128xf32, #tpu.memory_space<vmem>> -> memref<80x128xf32, #tpu.memory_space<vmem>>
      tpu.enqueue_dma source(%dma_start3A_253 : memref<80x128xf32, #tpu.memory_space<vmem>>) target(%dma_start3A_250 : memref<80x128xf32, #tpu.memory_space<hbm>>) target_semaphore(%arg12 : memref<!tpu.dma_semaphore, #tpu.memory_space<semaphore_mem>>)
    } else {
    }
    %add3A_143 = arith.constant 48 : i32
    %add3A_144 = arith.addi %arg1, %add3A_143 : i32
    %lt3A_145 = arith.constant 125 : i32
    %lt3A_146 = arith.cmpi slt, %add3A_144, %lt3A_145 : i32
    %convert_element_type3A_147 = arith.extui %lt3A_146 : i1 to i32
    %cond3A_148 = arith.constant 0 : i32
    %cond3A_149 = arith.cmpi ne, %convert_element_type3A_147, %cond3A_148 : i32
    scf.if %cond3A_149 {
      %mul3A_205 = arith.constant 80 : i32
      %mul3A_206 = arith.muli %mul3A_205, %add3A_144 : i32
      %dma_wait3A_207 = arith.constant 0 : i32
      %dma_wait3A_208 = arith.constant 0 : i32
      %dma_wait3A_209 = tpu.memref_slice %arg9[%dma_wait3A_207, %dma_wait3A_208] : memref<128x128xf32, #tpu.memory_space<vmem>> -> memref<80x128xf32, #tpu.memory_space<vmem>>
      %dma_wait3A_210 = arith.constant 0 : i32
      %dma_wait3A_211 = arith.constant 0 : i32
      %dma_wait3A_212 = tpu.memref_slice %arg4[%arg0, %dma_wait3A_210, %dma_wait3A_211] : memref<2x10000x128xf32, #tpu.memory_space<hbm>> -> memref<1x80x128xf32, #tpu.memory_space<hbm>>
      %dma_wait3A_213 = tpu.memref_squeeze %dma_wait3A_212 : memref<1x80x128xf32, #tpu.memory_space<hbm>> -> memref<80x128xf32, #tpu.memory_space<hbm>>
      %dma_wait3A_214 = arith.constant 0 : i32
      %dma_wait3A_215 = arith.constant 0 : i32
      %dma_wait3A_216 = tpu.memref_slice %arg4[%arg0, %dma_wait3A_214, %dma_wait3A_215] : memref<2x10000x128xf32, #tpu.memory_space<hbm>> -> memref<1x80x128xf32, #tpu.memory_space<hbm>>
      %dma_wait3A_217 = tpu.memref_squeeze %dma_wait3A_216 : memref<1x80x128xf32, #tpu.memory_space<hbm>> -> memref<80x128xf32, #tpu.memory_space<hbm>>
      %dma_wait3A_218 = arith.constant 0 : i32
      %dma_wait3A_219 = arith.constant 0 : i32
      %dma_wait3A_220 = tpu.memref_slice %arg9[%dma_wait3A_218, %dma_wait3A_219] : memref<128x128xf32, #tpu.memory_space<vmem>> -> memref<80x128xf32, #tpu.memory_space<vmem>>
      tpu.wait_dma2 semaphore(%arg13 : memref<!tpu.dma_semaphore, #tpu.memory_space<semaphore_mem>>) src(%dma_wait3A_220 : memref<80x128xf32, #tpu.memory_space<vmem>>) dst(%dma_wait3A_217 : memref<80x128xf32, #tpu.memory_space<hbm>>)
      %dma_start3A = arith.constant 0 : i32
      %dma_start3A_221 = arith.constant 0 : i32
      %dma_start3A_222 = tpu.memref_slice %arg9[%dma_start3A, %dma_start3A_221] : memref<128x128xf32, #tpu.memory_space<vmem>> -> memref<80x128xf32, #tpu.memory_space<vmem>>
      %dma_start3A_223 = arith.constant 0 : i32
      %dma_start3A_224 = tpu.memref_slice %arg5[%mul3A_206, %dma_start3A_223] : memref<10064x128xf32, #tpu.memory_space<vmem_shared>> -> memref<80x128xf32, #tpu.memory_space<vmem_shared>>
      %dma_start3A_225 = arith.constant 0 : i32
      %dma_start3A_226 = arith.constant 0 : i32
      %dma_start3A_227 = tpu.memref_slice %arg9[%dma_start3A_225, %dma_start3A_226] : memref<128x128xf32, #tpu.memory_space<vmem>> -> memref<80x128xf32, #tpu.memory_space<vmem>>
      %dma_start3A_228 = arith.constant 0 : i32
      %dma_start3A_229 = tpu.memref_slice %arg5[%mul3A_206, %dma_start3A_228] : memref<10064x128xf32, #tpu.memory_space<vmem_shared>> -> memref<80x128xf32, #tpu.memory_space<vmem_shared>>
      tpu.enqueue_dma source(%dma_start3A_229 : memref<80x128xf32, #tpu.memory_space<vmem_shared>>) target(%dma_start3A_227 : memref<80x128xf32, #tpu.memory_space<vmem>>) target_semaphore(%arg11 : memref<!tpu.dma_semaphore, #tpu.memory_space<semaphore_mem>>)
      %dma_wait3A_230 = arith.constant 0 : i32
      %dma_wait3A_231 = arith.constant 0 : i32
      %dma_wait3A_232 = tpu.memref_slice %arg9[%dma_wait3A_230, %dma_wait3A_231] : memref<128x128xf32, #tpu.memory_space<vmem>> -> memref<80x128xf32, #tpu.memory_space<vmem>>
      %dma_wait3A_233 = arith.constant 0 : i32
      %dma_wait3A_234 = arith.constant 0 : i32
      %dma_wait3A_235 = tpu.memref_slice %arg5[%dma_wait3A_233, %dma_wait3A_234] : memref<10064x128xf32, #tpu.memory_space<vmem_shared>> -> memref<80x128xf32, #tpu.memory_space<vmem_shared>>
      %dma_wait3A_236 = arith.constant 0 : i32
      %dma_wait3A_237 = arith.constant 0 : i32
      %dma_wait3A_238 = tpu.memref_slice %arg9[%dma_wait3A_236, %dma_wait3A_237] : memref<128x128xf32, #tpu.memory_space<vmem>> -> memref<80x128xf32, #tpu.memory_space<vmem>>
      %dma_wait3A_239 = arith.constant 0 : i32
      %dma_wait3A_240 = arith.constant 0 : i32
      %dma_wait3A_241 = tpu.memref_slice %arg5[%dma_wait3A_239, %dma_wait3A_240] : memref<10064x128xf32, #tpu.memory_space<vmem_shared>> -> memref<80x128xf32, #tpu.memory_space<vmem_shared>>
      tpu.wait_dma2 semaphore(%arg11 : memref<!tpu.dma_semaphore, #tpu.memory_space<semaphore_mem>>) src(%dma_wait3A_241 : memref<80x128xf32, #tpu.memory_space<vmem_shared>>) dst(%dma_wait3A_238 : memref<80x128xf32, #tpu.memory_space<vmem>>)
      %dma_start3A_242 = arith.constant 0 : i32
      %dma_start3A_243 = arith.constant 0 : i32
      %dma_start3A_244 = tpu.memref_slice %arg9[%dma_start3A_242, %dma_start3A_243] : memref<128x128xf32, #tpu.memory_space<vmem>> -> memref<80x128xf32, #tpu.memory_space<vmem>>
      %dma_start3A_245 = arith.constant 0 : i32
      %dma_start3A_246 = tpu.memref_slice %arg4[%arg0, %mul3A_206, %dma_start3A_245] : memref<2x10000x128xf32, #tpu.memory_space<hbm>> -> memref<1x80x128xf32, #tpu.memory_space<hbm>>
      %dma_start3A_247 = tpu.memref_squeeze %dma_start3A_246 : memref<1x80x128xf32, #tpu.memory_space<hbm>> -> memref<80x128xf32, #tpu.memory_space<hbm>>
      %dma_start3A_248 = arith.constant 0 : i32
      %dma_start3A_249 = tpu.memref_slice %arg4[%arg0, %mul3A_206, %dma_start3A_248] : memref<2x10000x128xf32, #tpu.memory_space<hbm>> -> memref<1x80x128xf32, #tpu.memory_space<hbm>>
      %dma_start3A_250 = tpu.memref_squeeze %dma_start3A_249 : memref<1x80x128xf32, #tpu.memory_space<hbm>> -> memref<80x128xf32, #tpu.memory_space<hbm>>
      %dma_start3A_251 = arith.constant 0 : i32
      %dma_start3A_252 = arith.constant 0 : i32
      %dma_start3A_253 = tpu.memref_slice %arg9[%dma_start3A_251, %dma_start3A_252] : memref<128x128xf32, #tpu.memory_space<vmem>> -> memref<80x128xf32, #tpu.memory_space<vmem>>
      tpu.enqueue_dma source(%dma_start3A_253 : memref<80x128xf32, #tpu.memory_space<vmem>>) target(%dma_start3A_250 : memref<80x128xf32, #tpu.memory_space<hbm>>) target_semaphore(%arg13 : memref<!tpu.dma_semaphore, #tpu.memory_space<semaphore_mem>>)
    } else {
    }
    %add3A_150 = arith.constant 64 : i32
    %add3A_151 = arith.addi %arg1, %add3A_150 : i32
    %lt3A_152 = arith.constant 125 : i32
    %lt3A_153 = arith.cmpi slt, %add3A_151, %lt3A_152 : i32
    %convert_element_type3A_154 = arith.extui %lt3A_153 : i1 to i32
    %cond3A_155 = arith.constant 0 : i32
    %cond3A_156 = arith.cmpi ne, %convert_element_type3A_154, %cond3A_155 : i32
    scf.if %cond3A_156 {
      %mul3A_205 = arith.constant 80 : i32
      %mul3A_206 = arith.muli %mul3A_205, %add3A_151 : i32
      %dma_wait3A_207 = arith.constant 0 : i32
      %dma_wait3A_208 = arith.constant 0 : i32
      %dma_wait3A_209 = tpu.memref_slice %arg8[%dma_wait3A_207, %dma_wait3A_208] : memref<128x128xf32, #tpu.memory_space<vmem>> -> memref<80x128xf32, #tpu.memory_space<vmem>>
      %dma_wait3A_210 = arith.constant 0 : i32
      %dma_wait3A_211 = arith.constant 0 : i32
      %dma_wait3A_212 = tpu.memref_slice %arg4[%arg0, %dma_wait3A_210, %dma_wait3A_211] : memref<2x10000x128xf32, #tpu.memory_space<hbm>> -> memref<1x80x128xf32, #tpu.memory_space<hbm>>
      %dma_wait3A_213 = tpu.memref_squeeze %dma_wait3A_212 : memref<1x80x128xf32, #tpu.memory_space<hbm>> -> memref<80x128xf32, #tpu.memory_space<hbm>>
      %dma_wait3A_214 = arith.constant 0 : i32
      %dma_wait3A_215 = arith.constant 0 : i32
      %dma_wait3A_216 = tpu.memref_slice %arg4[%arg0, %dma_wait3A_214, %dma_wait3A_215] : memref<2x10000x128xf32, #tpu.memory_space<hbm>> -> memref<1x80x128xf32, #tpu.memory_space<hbm>>
      %dma_wait3A_217 = tpu.memref_squeeze %dma_wait3A_216 : memref<1x80x128xf32, #tpu.memory_space<hbm>> -> memref<80x128xf32, #tpu.memory_space<hbm>>
      %dma_wait3A_218 = arith.constant 0 : i32
      %dma_wait3A_219 = arith.constant 0 : i32
      %dma_wait3A_220 = tpu.memref_slice %arg8[%dma_wait3A_218, %dma_wait3A_219] : memref<128x128xf32, #tpu.memory_space<vmem>> -> memref<80x128xf32, #tpu.memory_space<vmem>>
      tpu.wait_dma2 semaphore(%arg12 : memref<!tpu.dma_semaphore, #tpu.memory_space<semaphore_mem>>) src(%dma_wait3A_220 : memref<80x128xf32, #tpu.memory_space<vmem>>) dst(%dma_wait3A_217 : memref<80x128xf32, #tpu.memory_space<hbm>>)
      %dma_start3A = arith.constant 0 : i32
      %dma_start3A_221 = arith.constant 0 : i32
      %dma_start3A_222 = tpu.memref_slice %arg8[%dma_start3A, %dma_start3A_221] : memref<128x128xf32, #tpu.memory_space<vmem>> -> memref<80x128xf32, #tpu.memory_space<vmem>>
      %dma_start3A_223 = arith.constant 0 : i32
      %dma_start3A_224 = tpu.memref_slice %arg5[%mul3A_206, %dma_start3A_223] : memref<10064x128xf32, #tpu.memory_space<vmem_shared>> -> memref<80x128xf32, #tpu.memory_space<vmem_shared>>
      %dma_start3A_225 = arith.constant 0 : i32
      %dma_start3A_226 = arith.constant 0 : i32
      %dma_start3A_227 = tpu.memref_slice %arg8[%dma_start3A_225, %dma_start3A_226] : memref<128x128xf32, #tpu.memory_space<vmem>> -> memref<80x128xf32, #tpu.memory_space<vmem>>
      %dma_start3A_228 = arith.constant 0 : i32
      %dma_start3A_229 = tpu.memref_slice %arg5[%mul3A_206, %dma_start3A_228] : memref<10064x128xf32, #tpu.memory_space<vmem_shared>> -> memref<80x128xf32, #tpu.memory_space<vmem_shared>>
      tpu.enqueue_dma source(%dma_start3A_229 : memref<80x128xf32, #tpu.memory_space<vmem_shared>>) target(%dma_start3A_227 : memref<80x128xf32, #tpu.memory_space<vmem>>) target_semaphore(%arg10 : memref<!tpu.dma_semaphore, #tpu.memory_space<semaphore_mem>>)
      %dma_wait3A_230 = arith.constant 0 : i32
      %dma_wait3A_231 = arith.constant 0 : i32
      %dma_wait3A_232 = tpu.memref_slice %arg8[%dma_wait3A_230, %dma_wait3A_231] : memref<128x128xf32, #tpu.memory_space<vmem>> -> memref<80x128xf32, #tpu.memory_space<vmem>>
      %dma_wait3A_233 = arith.constant 0 : i32
      %dma_wait3A_234 = arith.constant 0 : i32
      %dma_wait3A_235 = tpu.memref_slice %arg5[%dma_wait3A_233, %dma_wait3A_234] : memref<10064x128xf32, #tpu.memory_space<vmem_shared>> -> memref<80x128xf32, #tpu.memory_space<vmem_shared>>
      %dma_wait3A_236 = arith.constant 0 : i32
      %dma_wait3A_237 = arith.constant 0 : i32
      %dma_wait3A_238 = tpu.memref_slice %arg8[%dma_wait3A_236, %dma_wait3A_237] : memref<128x128xf32, #tpu.memory_space<vmem>> -> memref<80x128xf32, #tpu.memory_space<vmem>>
      %dma_wait3A_239 = arith.constant 0 : i32
      %dma_wait3A_240 = arith.constant 0 : i32
      %dma_wait3A_241 = tpu.memref_slice %arg5[%dma_wait3A_239, %dma_wait3A_240] : memref<10064x128xf32, #tpu.memory_space<vmem_shared>> -> memref<80x128xf32, #tpu.memory_space<vmem_shared>>
      tpu.wait_dma2 semaphore(%arg10 : memref<!tpu.dma_semaphore, #tpu.memory_space<semaphore_mem>>) src(%dma_wait3A_241 : memref<80x128xf32, #tpu.memory_space<vmem_shared>>) dst(%dma_wait3A_238 : memref<80x128xf32, #tpu.memory_space<vmem>>)
      %dma_start3A_242 = arith.constant 0 : i32
      %dma_start3A_243 = arith.constant 0 : i32
      %dma_start3A_244 = tpu.memref_slice %arg8[%dma_start3A_242, %dma_start3A_243] : memref<128x128xf32, #tpu.memory_space<vmem>> -> memref<80x128xf32, #tpu.memory_space<vmem>>
      %dma_start3A_245 = arith.constant 0 : i32
      %dma_start3A_246 = tpu.memref_slice %arg4[%arg0, %mul3A_206, %dma_start3A_245] : memref<2x10000x128xf32, #tpu.memory_space<hbm>> -> memref<1x80x128xf32, #tpu.memory_space<hbm>>
      %dma_start3A_247 = tpu.memref_squeeze %dma_start3A_246 : memref<1x80x128xf32, #tpu.memory_space<hbm>> -> memref<80x128xf32, #tpu.memory_space<hbm>>
      %dma_start3A_248 = arith.constant 0 : i32
      %dma_start3A_249 = tpu.memref_slice %arg4[%arg0, %mul3A_206, %dma_start3A_248] : memref<2x10000x128xf32, #tpu.memory_space<hbm>> -> memref<1x80x128xf32, #tpu.memory_space<hbm>>
      %dma_start3A_250 = tpu.memref_squeeze %dma_start3A_249 : memref<1x80x128xf32, #tpu.memory_space<hbm>> -> memref<80x128xf32, #tpu.memory_space<hbm>>
      %dma_start3A_251 = arith.constant 0 : i32
      %dma_start3A_252 = arith.constant 0 : i32
      %dma_start3A_253 = tpu.memref_slice %arg8[%dma_start3A_251, %dma_start3A_252] : memref<128x128xf32, #tpu.memory_space<vmem>> -> memref<80x128xf32, #tpu.memory_space<vmem>>
      tpu.enqueue_dma source(%dma_start3A_253 : memref<80x128xf32, #tpu.memory_space<vmem>>) target(%dma_start3A_250 : memref<80x128xf32, #tpu.memory_space<hbm>>) target_semaphore(%arg12 : memref<!tpu.dma_semaphore, #tpu.memory_space<semaphore_mem>>)
    } else {
    }
    %add3A_157 = arith.constant 80 : i32
    %add3A_158 = arith.addi %arg1, %add3A_157 : i32
    %lt3A_159 = arith.constant 125 : i32
    %lt3A_160 = arith.cmpi slt, %add3A_158, %lt3A_159 : i32
    %convert_element_type3A_161 = arith.extui %lt3A_160 : i1 to i32
    %cond3A_162 = arith.constant 0 : i32
    %cond3A_163 = arith.cmpi ne, %convert_element_type3A_161, %cond3A_162 : i32
    scf.if %cond3A_163 {
      %mul3A_205 = arith.constant 80 : i32
      %mul3A_206 = arith.muli %mul3A_205, %add3A_158 : i32
      %dma_wait3A_207 = arith.constant 0 : i32
      %dma_wait3A_208 = arith.constant 0 : i32
      %dma_wait3A_209 = tpu.memref_slice %arg9[%dma_wait3A_207, %dma_wait3A_208] : memref<128x128xf32, #tpu.memory_space<vmem>> -> memref<80x128xf32, #tpu.memory_space<vmem>>
      %dma_wait3A_210 = arith.constant 0 : i32
      %dma_wait3A_211 = arith.constant 0 : i32
      %dma_wait3A_212 = tpu.memref_slice %arg4[%arg0, %dma_wait3A_210, %dma_wait3A_211] : memref<2x10000x128xf32, #tpu.memory_space<hbm>> -> memref<1x80x128xf32, #tpu.memory_space<hbm>>
      %dma_wait3A_213 = tpu.memref_squeeze %dma_wait3A_212 : memref<1x80x128xf32, #tpu.memory_space<hbm>> -> memref<80x128xf32, #tpu.memory_space<hbm>>
      %dma_wait3A_214 = arith.constant 0 : i32
      %dma_wait3A_215 = arith.constant 0 : i32
      %dma_wait3A_216 = tpu.memref_slice %arg4[%arg0, %dma_wait3A_214, %dma_wait3A_215] : memref<2x10000x128xf32, #tpu.memory_space<hbm>> -> memref<1x80x128xf32, #tpu.memory_space<hbm>>
      %dma_wait3A_217 = tpu.memref_squeeze %dma_wait3A_216 : memref<1x80x128xf32, #tpu.memory_space<hbm>> -> memref<80x128xf32, #tpu.memory_space<hbm>>
      %dma_wait3A_218 = arith.constant 0 : i32
      %dma_wait3A_219 = arith.constant 0 : i32
      %dma_wait3A_220 = tpu.memref_slice %arg9[%dma_wait3A_218, %dma_wait3A_219] : memref<128x128xf32, #tpu.memory_space<vmem>> -> memref<80x128xf32, #tpu.memory_space<vmem>>
      tpu.wait_dma2 semaphore(%arg13 : memref<!tpu.dma_semaphore, #tpu.memory_space<semaphore_mem>>) src(%dma_wait3A_220 : memref<80x128xf32, #tpu.memory_space<vmem>>) dst(%dma_wait3A_217 : memref<80x128xf32, #tpu.memory_space<hbm>>)
      %dma_start3A = arith.constant 0 : i32
      %dma_start3A_221 = arith.constant 0 : i32
      %dma_start3A_222 = tpu.memref_slice %arg9[%dma_start3A, %dma_start3A_221] : memref<128x128xf32, #tpu.memory_space<vmem>> -> memref<80x128xf32, #tpu.memory_space<vmem>>
      %dma_start3A_223 = arith.constant 0 : i32
      %dma_start3A_224 = tpu.memref_slice %arg5[%mul3A_206, %dma_start3A_223] : memref<10064x128xf32, #tpu.memory_space<vmem_shared>> -> memref<80x128xf32, #tpu.memory_space<vmem_shared>>
      %dma_start3A_225 = arith.constant 0 : i32
      %dma_start3A_226 = arith.constant 0 : i32
      %dma_start3A_227 = tpu.memref_slice %arg9[%dma_start3A_225, %dma_start3A_226] : memref<128x128xf32, #tpu.memory_space<vmem>> -> memref<80x128xf32, #tpu.memory_space<vmem>>
      %dma_start3A_228 = arith.constant 0 : i32
      %dma_start3A_229 = tpu.memref_slice %arg5[%mul3A_206, %dma_start3A_228] : memref<10064x128xf32, #tpu.memory_space<vmem_shared>> -> memref<80x128xf32, #tpu.memory_space<vmem_shared>>
      tpu.enqueue_dma source(%dma_start3A_229 : memref<80x128xf32, #tpu.memory_space<vmem_shared>>) target(%dma_start3A_227 : memref<80x128xf32, #tpu.memory_space<vmem>>) target_semaphore(%arg11 : memref<!tpu.dma_semaphore, #tpu.memory_space<semaphore_mem>>)
      %dma_wait3A_230 = arith.constant 0 : i32
      %dma_wait3A_231 = arith.constant 0 : i32
      %dma_wait3A_232 = tpu.memref_slice %arg9[%dma_wait3A_230, %dma_wait3A_231] : memref<128x128xf32, #tpu.memory_space<vmem>> -> memref<80x128xf32, #tpu.memory_space<vmem>>
      %dma_wait3A_233 = arith.constant 0 : i32
      %dma_wait3A_234 = arith.constant 0 : i32
      %dma_wait3A_235 = tpu.memref_slice %arg5[%dma_wait3A_233, %dma_wait3A_234] : memref<10064x128xf32, #tpu.memory_space<vmem_shared>> -> memref<80x128xf32, #tpu.memory_space<vmem_shared>>
      %dma_wait3A_236 = arith.constant 0 : i32
      %dma_wait3A_237 = arith.constant 0 : i32
      %dma_wait3A_238 = tpu.memref_slice %arg9[%dma_wait3A_236, %dma_wait3A_237] : memref<128x128xf32, #tpu.memory_space<vmem>> -> memref<80x128xf32, #tpu.memory_space<vmem>>
      %dma_wait3A_239 = arith.constant 0 : i32
      %dma_wait3A_240 = arith.constant 0 : i32
      %dma_wait3A_241 = tpu.memref_slice %arg5[%dma_wait3A_239, %dma_wait3A_240] : memref<10064x128xf32, #tpu.memory_space<vmem_shared>> -> memref<80x128xf32, #tpu.memory_space<vmem_shared>>
      tpu.wait_dma2 semaphore(%arg11 : memref<!tpu.dma_semaphore, #tpu.memory_space<semaphore_mem>>) src(%dma_wait3A_241 : memref<80x128xf32, #tpu.memory_space<vmem_shared>>) dst(%dma_wait3A_238 : memref<80x128xf32, #tpu.memory_space<vmem>>)
      %dma_start3A_242 = arith.constant 0 : i32
      %dma_start3A_243 = arith.constant 0 : i32
      %dma_start3A_244 = tpu.memref_slice %arg9[%dma_start3A_242, %dma_start3A_243] : memref<128x128xf32, #tpu.memory_space<vmem>> -> memref<80x128xf32, #tpu.memory_space<vmem>>
      %dma_start3A_245 = arith.constant 0 : i32
      %dma_start3A_246 = tpu.memref_slice %arg4[%arg0, %mul3A_206, %dma_start3A_245] : memref<2x10000x128xf32, #tpu.memory_space<hbm>> -> memref<1x80x128xf32, #tpu.memory_space<hbm>>
      %dma_start3A_247 = tpu.memref_squeeze %dma_start3A_246 : memref<1x80x128xf32, #tpu.memory_space<hbm>> -> memref<80x128xf32, #tpu.memory_space<hbm>>
      %dma_start3A_248 = arith.constant 0 : i32
      %dma_start3A_249 = tpu.memref_slice %arg4[%arg0, %mul3A_206, %dma_start3A_248] : memref<2x10000x128xf32, #tpu.memory_space<hbm>> -> memref<1x80x128xf32, #tpu.memory_space<hbm>>
      %dma_start3A_250 = tpu.memref_squeeze %dma_start3A_249 : memref<1x80x128xf32, #tpu.memory_space<hbm>> -> memref<80x128xf32, #tpu.memory_space<hbm>>
      %dma_start3A_251 = arith.constant 0 : i32
      %dma_start3A_252 = arith.constant 0 : i32
      %dma_start3A_253 = tpu.memref_slice %arg9[%dma_start3A_251, %dma_start3A_252] : memref<128x128xf32, #tpu.memory_space<vmem>> -> memref<80x128xf32, #tpu.memory_space<vmem>>
      tpu.enqueue_dma source(%dma_start3A_253 : memref<80x128xf32, #tpu.memory_space<vmem>>) target(%dma_start3A_250 : memref<80x128xf32, #tpu.memory_space<hbm>>) target_semaphore(%arg13 : memref<!tpu.dma_semaphore, #tpu.memory_space<semaphore_mem>>)
    } else {
    }
    %add3A_164 = arith.constant 96 : i32
    %add3A_165 = arith.addi %arg1, %add3A_164 : i32
    %lt3A_166 = arith.constant 125 : i32
    %lt3A_167 = arith.cmpi slt, %add3A_165, %lt3A_166 : i32
    %convert_element_type3A_168 = arith.extui %lt3A_167 : i1 to i32
    %cond3A_169 = arith.constant 0 : i32
    %cond3A_170 = arith.cmpi ne, %convert_element_type3A_168, %cond3A_169 : i32
    scf.if %cond3A_170 {
      %mul3A_205 = arith.constant 80 : i32
      %mul3A_206 = arith.muli %mul3A_205, %add3A_165 : i32
      %dma_wait3A_207 = arith.constant 0 : i32
      %dma_wait3A_208 = arith.constant 0 : i32
      %dma_wait3A_209 = tpu.memref_slice %arg8[%dma_wait3A_207, %dma_wait3A_208] : memref<128x128xf32, #tpu.memory_space<vmem>> -> memref<80x128xf32, #tpu.memory_space<vmem>>
      %dma_wait3A_210 = arith.constant 0 : i32
      %dma_wait3A_211 = arith.constant 0 : i32
      %dma_wait3A_212 = tpu.memref_slice %arg4[%arg0, %dma_wait3A_210, %dma_wait3A_211] : memref<2x10000x128xf32, #tpu.memory_space<hbm>> -> memref<1x80x128xf32, #tpu.memory_space<hbm>>
      %dma_wait3A_213 = tpu.memref_squeeze %dma_wait3A_212 : memref<1x80x128xf32, #tpu.memory_space<hbm>> -> memref<80x128xf32, #tpu.memory_space<hbm>>
      %dma_wait3A_214 = arith.constant 0 : i32
      %dma_wait3A_215 = arith.constant 0 : i32
      %dma_wait3A_216 = tpu.memref_slice %arg4[%arg0, %dma_wait3A_214, %dma_wait3A_215] : memref<2x10000x128xf32, #tpu.memory_space<hbm>> -> memref<1x80x128xf32, #tpu.memory_space<hbm>>
      %dma_wait3A_217 = tpu.memref_squeeze %dma_wait3A_216 : memref<1x80x128xf32, #tpu.memory_space<hbm>> -> memref<80x128xf32, #tpu.memory_space<hbm>>
      %dma_wait3A_218 = arith.constant 0 : i32
      %dma_wait3A_219 = arith.constant 0 : i32
      %dma_wait3A_220 = tpu.memref_slice %arg8[%dma_wait3A_218, %dma_wait3A_219] : memref<128x128xf32, #tpu.memory_space<vmem>> -> memref<80x128xf32, #tpu.memory_space<vmem>>
      tpu.wait_dma2 semaphore(%arg12 : memref<!tpu.dma_semaphore, #tpu.memory_space<semaphore_mem>>) src(%dma_wait3A_220 : memref<80x128xf32, #tpu.memory_space<vmem>>) dst(%dma_wait3A_217 : memref<80x128xf32, #tpu.memory_space<hbm>>)
      %dma_start3A = arith.constant 0 : i32
      %dma_start3A_221 = arith.constant 0 : i32
      %dma_start3A_222 = tpu.memref_slice %arg8[%dma_start3A, %dma_start3A_221] : memref<128x128xf32, #tpu.memory_space<vmem>> -> memref<80x128xf32, #tpu.memory_space<vmem>>
      %dma_start3A_223 = arith.constant 0 : i32
      %dma_start3A_224 = tpu.memref_slice %arg5[%mul3A_206, %dma_start3A_223] : memref<10064x128xf32, #tpu.memory_space<vmem_shared>> -> memref<80x128xf32, #tpu.memory_space<vmem_shared>>
      %dma_start3A_225 = arith.constant 0 : i32
      %dma_start3A_226 = arith.constant 0 : i32
      %dma_start3A_227 = tpu.memref_slice %arg8[%dma_start3A_225, %dma_start3A_226] : memref<128x128xf32, #tpu.memory_space<vmem>> -> memref<80x128xf32, #tpu.memory_space<vmem>>
      %dma_start3A_228 = arith.constant 0 : i32
      %dma_start3A_229 = tpu.memref_slice %arg5[%mul3A_206, %dma_start3A_228] : memref<10064x128xf32, #tpu.memory_space<vmem_shared>> -> memref<80x128xf32, #tpu.memory_space<vmem_shared>>
      tpu.enqueue_dma source(%dma_start3A_229 : memref<80x128xf32, #tpu.memory_space<vmem_shared>>) target(%dma_start3A_227 : memref<80x128xf32, #tpu.memory_space<vmem>>) target_semaphore(%arg10 : memref<!tpu.dma_semaphore, #tpu.memory_space<semaphore_mem>>)
      %dma_wait3A_230 = arith.constant 0 : i32
      %dma_wait3A_231 = arith.constant 0 : i32
      %dma_wait3A_232 = tpu.memref_slice %arg8[%dma_wait3A_230, %dma_wait3A_231] : memref<128x128xf32, #tpu.memory_space<vmem>> -> memref<80x128xf32, #tpu.memory_space<vmem>>
      %dma_wait3A_233 = arith.constant 0 : i32
      %dma_wait3A_234 = arith.constant 0 : i32
      %dma_wait3A_235 = tpu.memref_slice %arg5[%dma_wait3A_233, %dma_wait3A_234] : memref<10064x128xf32, #tpu.memory_space<vmem_shared>> -> memref<80x128xf32, #tpu.memory_space<vmem_shared>>
      %dma_wait3A_236 = arith.constant 0 : i32
      %dma_wait3A_237 = arith.constant 0 : i32
      %dma_wait3A_238 = tpu.memref_slice %arg8[%dma_wait3A_236, %dma_wait3A_237] : memref<128x128xf32, #tpu.memory_space<vmem>> -> memref<80x128xf32, #tpu.memory_space<vmem>>
      %dma_wait3A_239 = arith.constant 0 : i32
      %dma_wait3A_240 = arith.constant 0 : i32
      %dma_wait3A_241 = tpu.memref_slice %arg5[%dma_wait3A_239, %dma_wait3A_240] : memref<10064x128xf32, #tpu.memory_space<vmem_shared>> -> memref<80x128xf32, #tpu.memory_space<vmem_shared>>
      tpu.wait_dma2 semaphore(%arg10 : memref<!tpu.dma_semaphore, #tpu.memory_space<semaphore_mem>>) src(%dma_wait3A_241 : memref<80x128xf32, #tpu.memory_space<vmem_shared>>) dst(%dma_wait3A_238 : memref<80x128xf32, #tpu.memory_space<vmem>>)
      %dma_start3A_242 = arith.constant 0 : i32
      %dma_start3A_243 = arith.constant 0 : i32
      %dma_start3A_244 = tpu.memref_slice %arg8[%dma_start3A_242, %dma_start3A_243] : memref<128x128xf32, #tpu.memory_space<vmem>> -> memref<80x128xf32, #tpu.memory_space<vmem>>
      %dma_start3A_245 = arith.constant 0 : i32
      %dma_start3A_246 = tpu.memref_slice %arg4[%arg0, %mul3A_206, %dma_start3A_245] : memref<2x10000x128xf32, #tpu.memory_space<hbm>> -> memref<1x80x128xf32, #tpu.memory_space<hbm>>
      %dma_start3A_247 = tpu.memref_squeeze %dma_start3A_246 : memref<1x80x128xf32, #tpu.memory_space<hbm>> -> memref<80x128xf32, #tpu.memory_space<hbm>>
      %dma_start3A_248 = arith.constant 0 : i32
      %dma_start3A_249 = tpu.memref_slice %arg4[%arg0, %mul3A_206, %dma_start3A_248] : memref<2x10000x128xf32, #tpu.memory_space<hbm>> -> memref<1x80x128xf32, #tpu.memory_space<hbm>>
      %dma_start3A_250 = tpu.memref_squeeze %dma_start3A_249 : memref<1x80x128xf32, #tpu.memory_space<hbm>> -> memref<80x128xf32, #tpu.memory_space<hbm>>
      %dma_start3A_251 = arith.constant 0 : i32
      %dma_start3A_252 = arith.constant 0 : i32
      %dma_start3A_253 = tpu.memref_slice %arg8[%dma_start3A_251, %dma_start3A_252] : memref<128x128xf32, #tpu.memory_space<vmem>> -> memref<80x128xf32, #tpu.memory_space<vmem>>
      tpu.enqueue_dma source(%dma_start3A_253 : memref<80x128xf32, #tpu.memory_space<vmem>>) target(%dma_start3A_250 : memref<80x128xf32, #tpu.memory_space<hbm>>) target_semaphore(%arg12 : memref<!tpu.dma_semaphore, #tpu.memory_space<semaphore_mem>>)
    } else {
    }
    %add3A_171 = arith.constant 112 : i32
    %add3A_172 = arith.addi %arg1, %add3A_171 : i32
    %lt3A_173 = arith.constant 125 : i32
    %lt3A_174 = arith.cmpi slt, %add3A_172, %lt3A_173 : i32
    %convert_element_type3A_175 = arith.extui %lt3A_174 : i1 to i32
    %cond3A_176 = arith.constant 0 : i32
    %cond3A_177 = arith.cmpi ne, %convert_element_type3A_175, %cond3A_176 : i32
    scf.if %cond3A_177 {
      %mul3A_205 = arith.constant 80 : i32
      %mul3A_206 = arith.muli %mul3A_205, %add3A_172 : i32
      %dma_wait3A_207 = arith.constant 0 : i32
      %dma_wait3A_208 = arith.constant 0 : i32
      %dma_wait3A_209 = tpu.memref_slice %arg9[%dma_wait3A_207, %dma_wait3A_208] : memref<128x128xf32, #tpu.memory_space<vmem>> -> memref<80x128xf32, #tpu.memory_space<vmem>>
      %dma_wait3A_210 = arith.constant 0 : i32
      %dma_wait3A_211 = arith.constant 0 : i32
      %dma_wait3A_212 = tpu.memref_slice %arg4[%arg0, %dma_wait3A_210, %dma_wait3A_211] : memref<2x10000x128xf32, #tpu.memory_space<hbm>> -> memref<1x80x128xf32, #tpu.memory_space<hbm>>
      %dma_wait3A_213 = tpu.memref_squeeze %dma_wait3A_212 : memref<1x80x128xf32, #tpu.memory_space<hbm>> -> memref<80x128xf32, #tpu.memory_space<hbm>>
      %dma_wait3A_214 = arith.constant 0 : i32
      %dma_wait3A_215 = arith.constant 0 : i32
      %dma_wait3A_216 = tpu.memref_slice %arg4[%arg0, %dma_wait3A_214, %dma_wait3A_215] : memref<2x10000x128xf32, #tpu.memory_space<hbm>> -> memref<1x80x128xf32, #tpu.memory_space<hbm>>
      %dma_wait3A_217 = tpu.memref_squeeze %dma_wait3A_216 : memref<1x80x128xf32, #tpu.memory_space<hbm>> -> memref<80x128xf32, #tpu.memory_space<hbm>>
      %dma_wait3A_218 = arith.constant 0 : i32
      %dma_wait3A_219 = arith.constant 0 : i32
      %dma_wait3A_220 = tpu.memref_slice %arg9[%dma_wait3A_218, %dma_wait3A_219] : memref<128x128xf32, #tpu.memory_space<vmem>> -> memref<80x128xf32, #tpu.memory_space<vmem>>
      tpu.wait_dma2 semaphore(%arg13 : memref<!tpu.dma_semaphore, #tpu.memory_space<semaphore_mem>>) src(%dma_wait3A_220 : memref<80x128xf32, #tpu.memory_space<vmem>>) dst(%dma_wait3A_217 : memref<80x128xf32, #tpu.memory_space<hbm>>)
      %dma_start3A = arith.constant 0 : i32
      %dma_start3A_221 = arith.constant 0 : i32
      %dma_start3A_222 = tpu.memref_slice %arg9[%dma_start3A, %dma_start3A_221] : memref<128x128xf32, #tpu.memory_space<vmem>> -> memref<80x128xf32, #tpu.memory_space<vmem>>
      %dma_start3A_223 = arith.constant 0 : i32
      %dma_start3A_224 = tpu.memref_slice %arg5[%mul3A_206, %dma_start3A_223] : memref<10064x128xf32, #tpu.memory_space<vmem_shared>> -> memref<80x128xf32, #tpu.memory_space<vmem_shared>>
      %dma_start3A_225 = arith.constant 0 : i32
      %dma_start3A_226 = arith.constant 0 : i32
      %dma_start3A_227 = tpu.memref_slice %arg9[%dma_start3A_225, %dma_start3A_226] : memref<128x128xf32, #tpu.memory_space<vmem>> -> memref<80x128xf32, #tpu.memory_space<vmem>>
      %dma_start3A_228 = arith.constant 0 : i32
      %dma_start3A_229 = tpu.memref_slice %arg5[%mul3A_206, %dma_start3A_228] : memref<10064x128xf32, #tpu.memory_space<vmem_shared>> -> memref<80x128xf32, #tpu.memory_space<vmem_shared>>
      tpu.enqueue_dma source(%dma_start3A_229 : memref<80x128xf32, #tpu.memory_space<vmem_shared>>) target(%dma_start3A_227 : memref<80x128xf32, #tpu.memory_space<vmem>>) target_semaphore(%arg11 : memref<!tpu.dma_semaphore, #tpu.memory_space<semaphore_mem>>)
      %dma_wait3A_230 = arith.constant 0 : i32
      %dma_wait3A_231 = arith.constant 0 : i32
      %dma_wait3A_232 = tpu.memref_slice %arg9[%dma_wait3A_230, %dma_wait3A_231] : memref<128x128xf32, #tpu.memory_space<vmem>> -> memref<80x128xf32, #tpu.memory_space<vmem>>
      %dma_wait3A_233 = arith.constant 0 : i32
      %dma_wait3A_234 = arith.constant 0 : i32
      %dma_wait3A_235 = tpu.memref_slice %arg5[%dma_wait3A_233, %dma_wait3A_234] : memref<10064x128xf32, #tpu.memory_space<vmem_shared>> -> memref<80x128xf32, #tpu.memory_space<vmem_shared>>
      %dma_wait3A_236 = arith.constant 0 : i32
      %dma_wait3A_237 = arith.constant 0 : i32
      %dma_wait3A_238 = tpu.memref_slice %arg9[%dma_wait3A_236, %dma_wait3A_237] : memref<128x128xf32, #tpu.memory_space<vmem>> -> memref<80x128xf32, #tpu.memory_space<vmem>>
      %dma_wait3A_239 = arith.constant 0 : i32
      %dma_wait3A_240 = arith.constant 0 : i32
      %dma_wait3A_241 = tpu.memref_slice %arg5[%dma_wait3A_239, %dma_wait3A_240] : memref<10064x128xf32, #tpu.memory_space<vmem_shared>> -> memref<80x128xf32, #tpu.memory_space<vmem_shared>>
      tpu.wait_dma2 semaphore(%arg11 : memref<!tpu.dma_semaphore, #tpu.memory_space<semaphore_mem>>) src(%dma_wait3A_241 : memref<80x128xf32, #tpu.memory_space<vmem_shared>>) dst(%dma_wait3A_238 : memref<80x128xf32, #tpu.memory_space<vmem>>)
      %dma_start3A_242 = arith.constant 0 : i32
      %dma_start3A_243 = arith.constant 0 : i32
      %dma_start3A_244 = tpu.memref_slice %arg9[%dma_start3A_242, %dma_start3A_243] : memref<128x128xf32, #tpu.memory_space<vmem>> -> memref<80x128xf32, #tpu.memory_space<vmem>>
      %dma_start3A_245 = arith.constant 0 : i32
      %dma_start3A_246 = tpu.memref_slice %arg4[%arg0, %mul3A_206, %dma_start3A_245] : memref<2x10000x128xf32, #tpu.memory_space<hbm>> -> memref<1x80x128xf32, #tpu.memory_space<hbm>>
      %dma_start3A_247 = tpu.memref_squeeze %dma_start3A_246 : memref<1x80x128xf32, #tpu.memory_space<hbm>> -> memref<80x128xf32, #tpu.memory_space<hbm>>
      %dma_start3A_248 = arith.constant 0 : i32
      %dma_start3A_249 = tpu.memref_slice %arg4[%arg0, %mul3A_206, %dma_start3A_248] : memref<2x10000x128xf32, #tpu.memory_space<hbm>> -> memref<1x80x128xf32, #tpu.memory_space<hbm>>
      %dma_start3A_250 = tpu.memref_squeeze %dma_start3A_249 : memref<1x80x128xf32, #tpu.memory_space<hbm>> -> memref<80x128xf32, #tpu.memory_space<hbm>>
      %dma_start3A_251 = arith.constant 0 : i32
      %dma_start3A_252 = arith.constant 0 : i32
      %dma_start3A_253 = tpu.memref_slice %arg9[%dma_start3A_251, %dma_start3A_252] : memref<128x128xf32, #tpu.memory_space<vmem>> -> memref<80x128xf32, #tpu.memory_space<vmem>>
      tpu.enqueue_dma source(%dma_start3A_253 : memref<80x128xf32, #tpu.memory_space<vmem>>) target(%dma_start3A_250 : memref<80x128xf32, #tpu.memory_space<hbm>>) target_semaphore(%arg13 : memref<!tpu.dma_semaphore, #tpu.memory_space<semaphore_mem>>)
    } else {
    }
    %dma_wait3A = arith.constant 0 : i32
    %dma_wait3A_178 = arith.constant 0 : i32
    %dma_wait3A_179 = tpu.memref_slice %arg8[%dma_wait3A, %dma_wait3A_178] : memref<128x128xf32, #tpu.memory_space<vmem>> -> memref<80x128xf32, #tpu.memory_space<vmem>>
    %dma_wait3A_180 = arith.constant 0 : i32
    %dma_wait3A_181 = arith.constant 0 : i32
    %dma_wait3A_182 = tpu.memref_slice %arg4[%arg0, %dma_wait3A_180, %dma_wait3A_181] : memref<2x10000x128xf32, #tpu.memory_space<hbm>> -> memref<1x80x128xf32, #tpu.memory_space<hbm>>
    %dma_wait3A_183 = tpu.memref_squeeze %dma_wait3A_182 : memref<1x80x128xf32, #tpu.memory_space<hbm>> -> memref<80x128xf32, #tpu.memory_space<hbm>>
    %dma_wait3A_184 = arith.constant 0 : i32
    %dma_wait3A_185 = arith.constant 0 : i32
    %dma_wait3A_186 = tpu.memref_slice %arg4[%arg0, %dma_wait3A_184, %dma_wait3A_185] : memref<2x10000x128xf32, #tpu.memory_space<hbm>> -> memref<1x80x128xf32, #tpu.memory_space<hbm>>
    %dma_wait3A_187 = tpu.memref_squeeze %dma_wait3A_186 : memref<1x80x128xf32, #tpu.memory_space<hbm>> -> memref<80x128xf32, #tpu.memory_space<hbm>>
    %dma_wait3A_188 = arith.constant 0 : i32
    %dma_wait3A_189 = arith.constant 0 : i32
    %dma_wait3A_190 = tpu.memref_slice %arg8[%dma_wait3A_188, %dma_wait3A_189] : memref<128x128xf32, #tpu.memory_space<vmem>> -> memref<80x128xf32, #tpu.memory_space<vmem>>
    tpu.wait_dma2 semaphore(%arg12 : memref<!tpu.dma_semaphore, #tpu.memory_space<semaphore_mem>>) src(%dma_wait3A_190 : memref<80x128xf32, #tpu.memory_space<vmem>>) dst(%dma_wait3A_187 : memref<80x128xf32, #tpu.memory_space<hbm>>)
    %dma_wait3A_191 = arith.constant 0 : i32
    %dma_wait3A_192 = arith.constant 0 : i32
    %dma_wait3A_193 = tpu.memref_slice %arg9[%dma_wait3A_191, %dma_wait3A_192] : memref<128x128xf32, #tpu.memory_space<vmem>> -> memref<80x128xf32, #tpu.memory_space<vmem>>
    %dma_wait3A_194 = arith.constant 0 : i32
    %dma_wait3A_195 = arith.constant 0 : i32
    %dma_wait3A_196 = tpu.memref_slice %arg4[%arg0, %dma_wait3A_194, %dma_wait3A_195] : memref<2x10000x128xf32, #tpu.memory_space<hbm>> -> memref<1x80x128xf32, #tpu.memory_space<hbm>>
    %dma_wait3A_197 = tpu.memref_squeeze %dma_wait3A_196 : memref<1x80x128xf32, #tpu.memory_space<hbm>> -> memref<80x128xf32, #tpu.memory_space<hbm>>
    %dma_wait3A_198 = arith.constant 0 : i32
    %dma_wait3A_199 = arith.constant 0 : i32
    %dma_wait3A_200 = tpu.memref_slice %arg4[%arg0, %dma_wait3A_198, %dma_wait3A_199] : memref<2x10000x128xf32, #tpu.memory_space<hbm>> -> memref<1x80x128xf32, #tpu.memory_space<hbm>>
    %dma_wait3A_201 = tpu.memref_squeeze %dma_wait3A_200 : memref<1x80x128xf32, #tpu.memory_space<hbm>> -> memref<80x128xf32, #tpu.memory_space<hbm>>
    %dma_wait3A_202 = arith.constant 0 : i32
    %dma_wait3A_203 = arith.constant 0 : i32
    %dma_wait3A_204 = tpu.memref_slice %arg9[%dma_wait3A_202, %dma_wait3A_203] : memref<128x128xf32, #tpu.memory_space<vmem>> -> memref<80x128xf32, #tpu.memory_space<vmem>>
    tpu.wait_dma2 semaphore(%arg13 : memref<!tpu.dma_semaphore, #tpu.memory_space<semaphore_mem>>) src(%dma_wait3A_204 : memref<80x128xf32, #tpu.memory_space<vmem>>) dst(%dma_wait3A_201 : memref<80x128xf32, #tpu.memory_space<hbm>>)
    return
  }
}

module attributes {stable_mosaic.version = 14 : i64} {
  func.func @_pre_tc_body(%arg0: i32, %arg1: memref<1000x128xf32, #tpu.memory_space<vmem>>, %arg2: memref<2x1000x16xf32, #tpu.memory_space<vmem>>, %arg3: memref<128x128xf32, #tpu.memory_space<vmem>>, %arg4: memref<1000x128xf32, #tpu.memory_space<vmem>>) attributes {dimension_semantics = [#tpu.dimension_semantics<arbitrary>], iteration_bounds = array<i64: 10>, scalar_prefetch = 0 : i64, scratch_operands = 0 : i64, tpu.core_type = #tpu.core_type<tc>, window_params = [{transform_indices = @transform_0, window_bounds = array<i64: 1000, 128>}, {transform_indices = @transform_1, window_bounds = array<i64: 2, 1000, 16>}, {pipeline_mode = #tpu.pipeline_mode<synchronous>, transform_indices = @transform_2, window_bounds = array<i64: 128, 128>}, {transform_indices = @transform_3, window_bounds = array<i64: 1000, 128>}]} {
    %get3A = arith.constant 0 : index
    %get3A_0 = arith.constant 0 : index
    %get3A_1 = arith.constant 0 : index
    %get3A_2 = vector.load %arg2[%get3A, %get3A_0, %get3A_1] : memref<2x1000x16xf32, #tpu.memory_space<vmem>>, vector<2x1000x16xf32>
    %slice3A = vector.extract_strided_slice %get3A_2 {offsets = [0, 0, 0], sizes = [1, 1000, 1], strides = [1, 1, 1]} : vector<2x1000x16xf32> to vector<1x1000x1xf32>
    %squeeze3A = vector.shape_cast %slice3A : vector<1x1000x1xf32> to vector<1000x1xf32>
    %slice3A_3 = vector.extract_strided_slice %get3A_2 {offsets = [1, 0, 0], sizes = [1, 1000, 1], strides = [1, 1, 1]} : vector<2x1000x16xf32> to vector<1x1000x1xf32>
    %squeeze3A_4 = vector.shape_cast %slice3A_3 : vector<1x1000x1xf32> to vector<1000x1xf32>
    %add3A = arith.addf %squeeze3A, %squeeze3A_4 : vector<1000x1xf32>
    %add3A_5 = arith.constant 1.000000e+00 : f32
    %add3A_6 = vector.broadcast %add3A_5 : f32 to vector<1000x1xf32>
    %add3A_7 = arith.addf %add3A, %add3A_6 : vector<1000x1xf32>
    %rsqrt3A = math.rsqrt %add3A_7 : vector<1000x1xf32>
    %get3A_8 = arith.constant 0 : index
    %get3A_9 = arith.constant 0 : index
    %get3A_10 = vector.load %arg1[%get3A_8, %get3A_9] : memref<1000x128xf32, #tpu.memory_space<vmem>>, vector<1000x128xf32>
    %get3A_11 = arith.constant 0 : index
    %get3A_12 = arith.constant 0 : index
    %get3A_13 = vector.load %arg3[%get3A_11, %get3A_12] : memref<128x128xf32, #tpu.memory_space<vmem>>, vector<128x128xf32>
    %dot_general3A = arith.constant dense<0.000000e+00> : vector<1000x128xf32>
    %dot_general3A_14 = tpu.matmul %get3A_10, %get3A_13, %dot_general3A {dimension_numbers = #tpu.dot_dimension_numbers<[1], [0], [0], [1], [0, 0, 1, 1], [], []>, transpose_lhs_hint = false} : vector<1000x128xf32>, vector<128x128xf32>, vector<1000x128xf32> -> vector<1000x128xf32>
    %mul3A = vector.broadcast %rsqrt3A : vector<1000x1xf32> to vector<1000x128xf32>
    %mul3A_15 = arith.mulf %mul3A, %dot_general3A_14 : vector<1000x128xf32>
    %swap3A = arith.constant 0 : index
    %swap3A_16 = arith.constant 0 : index
    %swap3A_17 = vector.load %arg4[%swap3A, %swap3A_16] : memref<1000x128xf32, #tpu.memory_space<vmem>>, vector<1000x128xf32>
    tpu.vector_store %arg4[%swap3A, %swap3A_16], %mul3A_15 {strides = array<i32>} : memref<1000x128xf32, #tpu.memory_space<vmem>>, vector<1000x128xf32>,
    return
  }
  func.func @transform_0(%arg0: i32) -> (i32, i32) {
    %c0_i32 = arith.constant 0 : i32
    %c0_i32_0 = arith.constant 0 : i32
    return %arg0, %c0_i32 : i32, i32
  }
  func.func @transform_1(%arg0: i32) -> (i32, i32, i32) {
    %c0_i32 = arith.constant 0 : i32
    %c0_i32_0 = arith.constant 0 : i32
    %c0_i32_1 = arith.constant 0 : i32
    return %c0_i32, %arg0, %c0_i32_0 : i32, i32, i32
  }
  func.func @transform_2(%arg0: i32) -> (i32, i32) {
    %c0_i32 = arith.constant 0 : i32
    %c0_i32_0 = arith.constant 0 : i32
    %c0_i32_1 = arith.constant 0 : i32
    return %c0_i32, %c0_i32_0 : i32, i32
  }
  func.func @transform_3(%arg0: i32) -> (i32, i32) {
    %c0_i32 = arith.constant 0 : i32
    %c0_i32_0 = arith.constant 0 : i32
    return %arg0, %c0_i32 : i32, i32
  }
}

module attributes {stable_mosaic.version = 14 : i64} {
  func.func @_layer_tc_body(%arg0: i32, %arg1: memref<2x1000x128xf32, #tpu.memory_space<vmem>>, %arg2: memref<1000x128xf32, #tpu.memory_space<vmem>>, %arg3: memref<2x1000x16xf32, #tpu.memory_space<vmem>>, %arg4: memref<1x128xf32, #tpu.memory_space<vmem>>, %arg5: memref<128x128xf32, #tpu.memory_space<vmem>>, %arg6: memref<1x128xf32, #tpu.memory_space<vmem>>, %arg7: memref<128x128xf32, #tpu.memory_space<vmem>>, %arg8: memref<1x128xf32, #tpu.memory_space<vmem>>, %arg9: memref<128x128xf32, #tpu.memory_space<vmem>>, %arg10: memref<1x10x128xf32, #tpu.memory_space<vmem>>, %arg11: memref<1000x128xf32, #tpu.memory_space<vmem>>) attributes {dimension_semantics = [#tpu.dimension_semantics<arbitrary>], iteration_bounds = array<i64: 10>, scalar_prefetch = 0 : i64, scratch_operands = 0 : i64, tpu.core_type = #tpu.core_type<tc>, window_params = [{transform_indices = @transform_0, window_bounds = array<i64: 2, 1000, 128>}, {transform_indices = @transform_1, window_bounds = array<i64: 1000, 128>}, {transform_indices = @transform_2, window_bounds = array<i64: 2, 1000, 16>}, {pipeline_mode = #tpu.pipeline_mode<synchronous>, transform_indices = @transform_3, window_bounds = array<i64: 1, 128>}, {pipeline_mode = #tpu.pipeline_mode<synchronous>, transform_indices = @transform_4, window_bounds = array<i64: 128, 128>}, {pipeline_mode = #tpu.pipeline_mode<synchronous>, transform_indices = @transform_5, window_bounds = array<i64: 1, 128>}, {pipeline_mode = #tpu.pipeline_mode<synchronous>, transform_indices = @transform_6, window_bounds = array<i64: 128, 128>}, {pipeline_mode = #tpu.pipeline_mode<synchronous>, transform_indices = @transform_7, window_bounds = array<i64: 1, 128>}, {pipeline_mode = #tpu.pipeline_mode<synchronous>, transform_indices = @transform_8, window_bounds = array<i64: 128, 128>}, {transform_indices = @transform_9, window_bounds = array<i64: 1, 10, 128>}, {transform_indices = @transform_10, window_bounds = array<i64: 1000, 128>}]} {
    %get3A = arith.constant 0 : index
    %get3A_0 = arith.constant 0 : index
    %get3A_1 = arith.constant 0 : index
    %get3A_2 = vector.load %arg3[%get3A, %get3A_0, %get3A_1] : memref<2x1000x16xf32, #tpu.memory_space<vmem>>, vector<2x1000x16xf32>
    %slice3A = vector.extract_strided_slice %get3A_2 {offsets = [0, 0, 0], sizes = [1, 1000, 1], strides = [1, 1, 1]} : vector<2x1000x16xf32> to vector<1x1000x1xf32>
    %squeeze3A = vector.shape_cast %slice3A : vector<1x1000x1xf32> to vector<1000x1xf32>
    %slice3A_3 = vector.extract_strided_slice %get3A_2 {offsets = [1, 0, 0], sizes = [1, 1000, 1], strides = [1, 1, 1]} : vector<2x1000x16xf32> to vector<1x1000x1xf32>
    %squeeze3A_4 = vector.shape_cast %slice3A_3 : vector<1x1000x1xf32> to vector<1000x1xf32>
    %add3A = arith.addf %squeeze3A, %squeeze3A_4 : vector<1000x1xf32>
    %add3A_5 = arith.constant 1.000000e+00 : f32
    %add3A_6 = vector.broadcast %add3A_5 : f32 to vector<1000x1xf32>
    %add3A_7 = arith.addf %add3A, %add3A_6 : vector<1000x1xf32>
    %rsqrt3A = math.rsqrt %add3A_7 : vector<1000x1xf32>
    %get3A_8 = arith.constant 0 : index
    %get3A_9 = arith.constant 0 : index
    %get3A_10 = arith.constant 0 : index
    %get3A_11 = vector.load %arg1[%get3A_8, %get3A_9, %get3A_10] : memref<2x1000x128xf32, #tpu.memory_space<vmem>>, vector<2x1000x128xf32>
    %slice3A_12 = vector.extract_strided_slice %get3A_11 {offsets = [0, 0, 0], sizes = [1, 1000, 128], strides = [1, 1, 1]} : vector<2x1000x128xf32> to vector<1x1000x128xf32>
    %squeeze3A_13 = vector.shape_cast %slice3A_12 : vector<1x1000x128xf32> to vector<1000x128xf32>
    %slice3A_14 = vector.extract_strided_slice %get3A_11 {offsets = [1, 0, 0], sizes = [1, 1000, 128], strides = [1, 1, 1]} : vector<2x1000x128xf32> to vector<1x1000x128xf32>
    %squeeze3A_15 = vector.shape_cast %slice3A_14 : vector<1x1000x128xf32> to vector<1000x128xf32>
    %add3A_16 = arith.addf %squeeze3A_13, %squeeze3A_15 : vector<1000x128xf32>
    %get3A_17 = arith.constant 0 : index
    %get3A_18 = arith.constant 0 : index
    %get3A_19 = vector.load %arg2[%get3A_17, %get3A_18] : memref<1000x128xf32, #tpu.memory_space<vmem>>, vector<1000x128xf32>
    %add3A_20 = arith.addf %add3A_16, %get3A_19 : vector<1000x128xf32>
    %mul3A = vector.broadcast %rsqrt3A : vector<1000x1xf32> to vector<1000x128xf32>
    %mul3A_21 = arith.mulf %mul3A, %add3A_20 : vector<1000x128xf32>
    %get3A_22 = arith.constant 0 : index
    %get3A_23 = arith.constant 0 : index
    %get3A_24 = vector.load %arg4[%get3A_22, %get3A_23] : memref<1x128xf32, #tpu.memory_space<vmem>>, vector<1x128xf32>
    %add3A_25 = vector.broadcast %get3A_24 : vector<1x128xf32> to vector<1000x128xf32>
    %add3A_26 = arith.addf %mul3A_21, %add3A_25 : vector<1000x128xf32>
    %reshape3A = vector.shape_cast %add3A_26 : vector<1000x128xf32> to vector<10x100x128xf32>
    %reduce_sum3A = arith.constant dense<0.000000e+00> : vector<10x128xf32>
    %reduce_sum3A_27 = vector.multi_reduction <add>, %reshape3A, %reduce_sum3A [1] : vector<10x100x128xf32> to vector<10x128xf32>
    %div3A = arith.constant 1.000000e+02 : f32
    %div3A_28 = vector.broadcast %div3A : f32 to vector<10x128xf32>
    %div3A_29 = arith.divf %reduce_sum3A_27, %div3A_28 : vector<10x128xf32>
    %get3A_30 = arith.constant 0 : index
    %get3A_31 = arith.constant 0 : index
    %get3A_32 = vector.load %arg5[%get3A_30, %get3A_31] : memref<128x128xf32, #tpu.memory_space<vmem>>, vector<128x128xf32>
    %dot_general3A = arith.constant dense<0.000000e+00> : vector<10x128xf32>
    %dot_general3A_33 = tpu.matmul %div3A_29, %get3A_32, %dot_general3A {dimension_numbers = #tpu.dot_dimension_numbers<[1], [0], [0], [1], [0, 0, 1, 1], [], []>, transpose_lhs_hint = false} : vector<10x128xf32>, vector<128x128xf32>, vector<10x128xf32> -> vector<10x128xf32>
    %get3A_34 = arith.constant 0 : index
    %get3A_35 = arith.constant 0 : index
    %get3A_36 = vector.load %arg6[%get3A_34, %get3A_35] : memref<1x128xf32, #tpu.memory_space<vmem>>, vector<1x128xf32>
    %add3A_37 = vector.broadcast %get3A_36 : vector<1x128xf32> to vector<10x128xf32>
    %add3A_38 = arith.addf %dot_general3A_33, %add3A_37 : vector<10x128xf32>
    %get3A_39 = arith.constant 0 : index
    %get3A_40 = arith.constant 0 : index
    %get3A_41 = vector.load %arg7[%get3A_39, %get3A_40] : memref<128x128xf32, #tpu.memory_space<vmem>>, vector<128x128xf32>
    %dot_general3A_42 = arith.constant dense<0.000000e+00> : vector<1000x128xf32>
    %dot_general3A_43 = tpu.matmul %add3A_26, %get3A_41, %dot_general3A_42 {dimension_numbers = #tpu.dot_dimension_numbers<[1], [0], [0], [1], [0, 0, 1, 1], [], []>, transpose_lhs_hint = false} : vector<1000x128xf32>, vector<128x128xf32>, vector<1000x128xf32> -> vector<1000x128xf32>
    %get3A_44 = arith.constant 0 : index
    %get3A_45 = arith.constant 0 : index
    %get3A_46 = vector.load %arg8[%get3A_44, %get3A_45] : memref<1x128xf32, #tpu.memory_space<vmem>>, vector<1x128xf32>
    %add3A_47 = vector.broadcast %get3A_46 : vector<1x128xf32> to vector<1000x128xf32>
    %add3A_48 = arith.addf %dot_general3A_43, %add3A_47 : vector<1000x128xf32>
    %broadcast_in_dim3A = vector.shape_cast %add3A_38 : vector<10x128xf32> to vector<10x1x128xf32>
    %broadcast_in_dim3A_49 = vector.shape_cast %broadcast_in_dim3A : vector<10x1x128xf32> to vector<10x1x128xf32>
    %broadcast_in_dim3A_50 = vector.broadcast %broadcast_in_dim3A_49 : vector<10x1x128xf32> to vector<10x100x128xf32>
    %reshape3A_51 = vector.shape_cast %broadcast_in_dim3A_50 : vector<10x100x128xf32> to vector<1000x128xf32>
    %mul3A_52 = arith.mulf %add3A_48, %reshape3A_51 : vector<1000x128xf32>
    %reduce_sum3A_53 = arith.constant dense<0.000000e+00> : vector<1000xf32>
    %reduce_sum3A_54 = vector.multi_reduction <add>, %mul3A_52, %reduce_sum3A_53 [1] : vector<1000x128xf32> to vector<1000xf32>
    %broadcast_in_dim3A_55 = vector.shape_cast %reduce_sum3A_54 : vector<1000xf32> to vector<1000x1xf32>
    %mul3A_56 = arith.constant 0.0883883461 : f32
    %mul3A_57 = vector.broadcast %mul3A_56 : f32 to vector<1000x1xf32>
    %mul3A_58 = arith.mulf %broadcast_in_dim3A_55, %mul3A_57 : vector<1000x1xf32>
    %logistic3A = arith.negf %mul3A_58 : vector<1000x1xf32>
    %logistic3A_59 = math.exp %logistic3A : vector<1000x1xf32>
    %logistic3A_60 = arith.constant 1.000000e+00 : f32
    %logistic3A_61 = vector.broadcast %logistic3A_60 : f32 to vector<1000x1xf32>
    %logistic3A_62 = arith.addf %logistic3A_61, %logistic3A_59 : vector<1000x1xf32>
    %logistic3A_63 = arith.divf %logistic3A_61, %logistic3A_62 : vector<1000x1xf32>
    %mul3A_64 = vector.broadcast %logistic3A_63 : vector<1000x1xf32> to vector<1000x128xf32>
    %mul3A_65 = arith.mulf %add3A_26, %mul3A_64 : vector<1000x128xf32>
    %reshape3A_66 = vector.shape_cast %mul3A_65 : vector<1000x128xf32> to vector<10x100x128xf32>
    %reduce_sum3A_67 = arith.constant dense<0.000000e+00> : vector<10x128xf32>
    %reduce_sum3A_68 = vector.multi_reduction <add>, %reshape3A_66, %reduce_sum3A_67 [1] : vector<10x100x128xf32> to vector<10x128xf32>
    %div3A_69 = arith.constant 1.000000e+02 : f32
    %div3A_70 = vector.broadcast %div3A_69 : f32 to vector<10x128xf32>
    %div3A_71 = arith.divf %reduce_sum3A_68, %div3A_70 : vector<10x128xf32>
    %reshape3A_72 = vector.shape_cast %div3A_71 : vector<10x128xf32> to vector<1x10x128xf32>
    %swap3A = arith.constant 0 : index
    %swap3A_73 = arith.constant 0 : index
    %swap3A_74 = arith.constant 0 : index
    %swap3A_75 = vector.load %arg10[%swap3A, %swap3A_73, %swap3A_74] : memref<1x10x128xf32, #tpu.memory_space<vmem>>, vector<1x10x128xf32>
    tpu.vector_store %arg10[%swap3A, %swap3A_73, %swap3A_74], %reshape3A_72 {strides = array<i32>} : memref<1x10x128xf32, #tpu.memory_space<vmem>>, vector<1x10x128xf32>,
    %get3A_76 = arith.constant 0 : index
    %get3A_77 = arith.constant 0 : index
    %get3A_78 = vector.load %arg9[%get3A_76, %get3A_77] : memref<128x128xf32, #tpu.memory_space<vmem>>, vector<128x128xf32>
    %dot_general3A_79 = arith.constant dense<0.000000e+00> : vector<1000x128xf32>
    %dot_general3A_80 = tpu.matmul %add3A_26, %get3A_78, %dot_general3A_79 {dimension_numbers = #tpu.dot_dimension_numbers<[1], [0], [0], [1], [0, 0, 1, 1], [], []>, transpose_lhs_hint = false} : vector<1000x128xf32>, vector<128x128xf32>, vector<1000x128xf32> -> vector<1000x128xf32>
    %mul3A_81 = vector.broadcast %rsqrt3A : vector<1000x1xf32> to vector<1000x128xf32>
    %mul3A_82 = arith.mulf %mul3A_81, %dot_general3A_80 : vector<1000x128xf32>
    %swap3A_83 = arith.constant 0 : index
    %swap3A_84 = arith.constant 0 : index
    %swap3A_85 = vector.load %arg11[%swap3A_83, %swap3A_84] : memref<1000x128xf32, #tpu.memory_space<vmem>>, vector<1000x128xf32>
    tpu.vector_store %arg11[%swap3A_83, %swap3A_84], %mul3A_82 {strides = array<i32>} : memref<1000x128xf32, #tpu.memory_space<vmem>>, vector<1000x128xf32>,
    return
  }
  func.func @transform_0(%arg0: i32) -> (i32, i32, i32) {
    %c0_i32 = arith.constant 0 : i32
    %c0_i32_0 = arith.constant 0 : i32
    %c0_i32_1 = arith.constant 0 : i32
    return %c0_i32, %arg0, %c0_i32_0 : i32, i32, i32
  }
  func.func @transform_1(%arg0: i32) -> (i32, i32) {
    %c0_i32 = arith.constant 0 : i32
    %c0_i32_0 = arith.constant 0 : i32
    return %arg0, %c0_i32 : i32, i32
  }
  func.func @transform_2(%arg0: i32) -> (i32, i32, i32) {
    %c0_i32 = arith.constant 0 : i32
    %c0_i32_0 = arith.constant 0 : i32
    %c0_i32_1 = arith.constant 0 : i32
    return %c0_i32, %arg0, %c0_i32_0 : i32, i32, i32
  }
  func.func @transform_3(%arg0: i32) -> (i32, i32) {
    %c0_i32 = arith.constant 0 : i32
    %c0_i32_0 = arith.constant 0 : i32
    %c0_i32_1 = arith.constant 0 : i32
    return %c0_i32, %c0_i32_0 : i32, i32
  }
  func.func @transform_4(%arg0: i32) -> (i32, i32) {
    %c0_i32 = arith.constant 0 : i32
    %c0_i32_0 = arith.constant 0 : i32
    %c0_i32_1 = arith.constant 0 : i32
    return %c0_i32, %c0_i32_0 : i32, i32
  }
  func.func @transform_5(%arg0: i32) -> (i32, i32) {
    %c0_i32 = arith.constant 0 : i32
    %c0_i32_0 = arith.constant 0 : i32
    %c0_i32_1 = arith.constant 0 : i32
    return %c0_i32, %c0_i32_0 : i32, i32
  }
  func.func @transform_6(%arg0: i32) -> (i32, i32) {
    %c0_i32 = arith.constant 0 : i32
    %c0_i32_0 = arith.constant 0 : i32
    %c0_i32_1 = arith.constant 0 : i32
    return %c0_i32, %c0_i32_0 : i32, i32
  }
  func.func @transform_7(%arg0: i32) -> (i32, i32) {
    %c0_i32 = arith.constant 0 : i32
    %c0_i32_0 = arith.constant 0 : i32
    %c0_i32_1 = arith.constant 0 : i32
    return %c0_i32, %c0_i32_0 : i32, i32
  }
  func.func @transform_8(%arg0: i32) -> (i32, i32) {
    %c0_i32 = arith.constant 0 : i32
    %c0_i32_0 = arith.constant 0 : i32
    %c0_i32_1 = arith.constant 0 : i32
    return %c0_i32, %c0_i32_0 : i32, i32
  }
  func.func @transform_9(%arg0: i32) -> (i32, i32, i32) {
    %c0_i32 = arith.constant 0 : i32
    %c0_i32_0 = arith.constant 0 : i32
    %c0_i32_1 = arith.constant 0 : i32
    return %arg0, %c0_i32, %c0_i32_0 : i32, i32, i32
  }
  func.func @transform_10(%arg0: i32) -> (i32, i32) {
    %c0_i32 = arith.constant 0 : i32
    %c0_i32_0 = arith.constant 0 : i32
    return %arg0, %c0_i32 : i32, i32
  }
}

module attributes {stable_mosaic.version = 14 : i64} {
  func.func @_layer_tc_body(%arg0: i32, %arg1: memref<2x1000x128xf32, #tpu.memory_space<vmem>>, %arg2: memref<1000x128xf32, #tpu.memory_space<vmem>>, %arg3: memref<2x1000x16xf32, #tpu.memory_space<vmem>>, %arg4: memref<1x128xf32, #tpu.memory_space<vmem>>, %arg5: memref<128x128xf32, #tpu.memory_space<vmem>>, %arg6: memref<1x128xf32, #tpu.memory_space<vmem>>, %arg7: memref<128x128xf32, #tpu.memory_space<vmem>>, %arg8: memref<1x128xf32, #tpu.memory_space<vmem>>, %arg9: memref<1x10x128xf32, #tpu.memory_space<vmem>>) attributes {dimension_semantics = [#tpu.dimension_semantics<arbitrary>], iteration_bounds = array<i64: 10>, scalar_prefetch = 0 : i64, scratch_operands = 0 : i64, tpu.core_type = #tpu.core_type<tc>, window_params = [{transform_indices = @transform_0, window_bounds = array<i64: 2, 1000, 128>}, {transform_indices = @transform_1, window_bounds = array<i64: 1000, 128>}, {transform_indices = @transform_2, window_bounds = array<i64: 2, 1000, 16>}, {pipeline_mode = #tpu.pipeline_mode<synchronous>, transform_indices = @transform_3, window_bounds = array<i64: 1, 128>}, {pipeline_mode = #tpu.pipeline_mode<synchronous>, transform_indices = @transform_4, window_bounds = array<i64: 128, 128>}, {pipeline_mode = #tpu.pipeline_mode<synchronous>, transform_indices = @transform_5, window_bounds = array<i64: 1, 128>}, {pipeline_mode = #tpu.pipeline_mode<synchronous>, transform_indices = @transform_6, window_bounds = array<i64: 128, 128>}, {pipeline_mode = #tpu.pipeline_mode<synchronous>, transform_indices = @transform_7, window_bounds = array<i64: 1, 128>}, {transform_indices = @transform_8, window_bounds = array<i64: 1, 10, 128>}]} {
    %get3A = arith.constant 0 : index
    %get3A_0 = arith.constant 0 : index
    %get3A_1 = arith.constant 0 : index
    %get3A_2 = vector.load %arg3[%get3A, %get3A_0, %get3A_1] : memref<2x1000x16xf32, #tpu.memory_space<vmem>>, vector<2x1000x16xf32>
    %slice3A = vector.extract_strided_slice %get3A_2 {offsets = [0, 0, 0], sizes = [1, 1000, 1], strides = [1, 1, 1]} : vector<2x1000x16xf32> to vector<1x1000x1xf32>
    %squeeze3A = vector.shape_cast %slice3A : vector<1x1000x1xf32> to vector<1000x1xf32>
    %slice3A_3 = vector.extract_strided_slice %get3A_2 {offsets = [1, 0, 0], sizes = [1, 1000, 1], strides = [1, 1, 1]} : vector<2x1000x16xf32> to vector<1x1000x1xf32>
    %squeeze3A_4 = vector.shape_cast %slice3A_3 : vector<1x1000x1xf32> to vector<1000x1xf32>
    %add3A = arith.addf %squeeze3A, %squeeze3A_4 : vector<1000x1xf32>
    %add3A_5 = arith.constant 1.000000e+00 : f32
    %add3A_6 = vector.broadcast %add3A_5 : f32 to vector<1000x1xf32>
    %add3A_7 = arith.addf %add3A, %add3A_6 : vector<1000x1xf32>
    %rsqrt3A = math.rsqrt %add3A_7 : vector<1000x1xf32>
    %get3A_8 = arith.constant 0 : index
    %get3A_9 = arith.constant 0 : index
    %get3A_10 = arith.constant 0 : index
    %get3A_11 = vector.load %arg1[%get3A_8, %get3A_9, %get3A_10] : memref<2x1000x128xf32, #tpu.memory_space<vmem>>, vector<2x1000x128xf32>
    %slice3A_12 = vector.extract_strided_slice %get3A_11 {offsets = [0, 0, 0], sizes = [1, 1000, 128], strides = [1, 1, 1]} : vector<2x1000x128xf32> to vector<1x1000x128xf32>
    %squeeze3A_13 = vector.shape_cast %slice3A_12 : vector<1x1000x128xf32> to vector<1000x128xf32>
    %slice3A_14 = vector.extract_strided_slice %get3A_11 {offsets = [1, 0, 0], sizes = [1, 1000, 128], strides = [1, 1, 1]} : vector<2x1000x128xf32> to vector<1x1000x128xf32>
    %squeeze3A_15 = vector.shape_cast %slice3A_14 : vector<1x1000x128xf32> to vector<1000x128xf32>
    %add3A_16 = arith.addf %squeeze3A_13, %squeeze3A_15 : vector<1000x128xf32>
    %get3A_17 = arith.constant 0 : index
    %get3A_18 = arith.constant 0 : index
    %get3A_19 = vector.load %arg2[%get3A_17, %get3A_18] : memref<1000x128xf32, #tpu.memory_space<vmem>>, vector<1000x128xf32>
    %add3A_20 = arith.addf %add3A_16, %get3A_19 : vector<1000x128xf32>
    %mul3A = vector.broadcast %rsqrt3A : vector<1000x1xf32> to vector<1000x128xf32>
    %mul3A_21 = arith.mulf %mul3A, %add3A_20 : vector<1000x128xf32>
    %get3A_22 = arith.constant 0 : index
    %get3A_23 = arith.constant 0 : index
    %get3A_24 = vector.load %arg4[%get3A_22, %get3A_23] : memref<1x128xf32, #tpu.memory_space<vmem>>, vector<1x128xf32>
    %add3A_25 = vector.broadcast %get3A_24 : vector<1x128xf32> to vector<1000x128xf32>
    %add3A_26 = arith.addf %mul3A_21, %add3A_25 : vector<1000x128xf32>
    %reshape3A = vector.shape_cast %add3A_26 : vector<1000x128xf32> to vector<10x100x128xf32>
    %reduce_sum3A = arith.constant dense<0.000000e+00> : vector<10x128xf32>
    %reduce_sum3A_27 = vector.multi_reduction <add>, %reshape3A, %reduce_sum3A [1] : vector<10x100x128xf32> to vector<10x128xf32>
    %div3A = arith.constant 1.000000e+02 : f32
    %div3A_28 = vector.broadcast %div3A : f32 to vector<10x128xf32>
    %div3A_29 = arith.divf %reduce_sum3A_27, %div3A_28 : vector<10x128xf32>
    %get3A_30 = arith.constant 0 : index
    %get3A_31 = arith.constant 0 : index
    %get3A_32 = vector.load %arg5[%get3A_30, %get3A_31] : memref<128x128xf32, #tpu.memory_space<vmem>>, vector<128x128xf32>
    %dot_general3A = arith.constant dense<0.000000e+00> : vector<10x128xf32>
    %dot_general3A_33 = tpu.matmul %div3A_29, %get3A_32, %dot_general3A {dimension_numbers = #tpu.dot_dimension_numbers<[1], [0], [0], [1], [0, 0, 1, 1], [], []>, transpose_lhs_hint = false} : vector<10x128xf32>, vector<128x128xf32>, vector<10x128xf32> -> vector<10x128xf32>
    %get3A_34 = arith.constant 0 : index
    %get3A_35 = arith.constant 0 : index
    %get3A_36 = vector.load %arg6[%get3A_34, %get3A_35] : memref<1x128xf32, #tpu.memory_space<vmem>>, vector<1x128xf32>
    %add3A_37 = vector.broadcast %get3A_36 : vector<1x128xf32> to vector<10x128xf32>
    %add3A_38 = arith.addf %dot_general3A_33, %add3A_37 : vector<10x128xf32>
    %get3A_39 = arith.constant 0 : index
    %get3A_40 = arith.constant 0 : index
    %get3A_41 = vector.load %arg7[%get3A_39, %get3A_40] : memref<128x128xf32, #tpu.memory_space<vmem>>, vector<128x128xf32>
    %dot_general3A_42 = arith.constant dense<0.000000e+00> : vector<1000x128xf32>
    %dot_general3A_43 = tpu.matmul %add3A_26, %get3A_41, %dot_general3A_42 {dimension_numbers = #tpu.dot_dimension_numbers<[1], [0], [0], [1], [0, 0, 1, 1], [], []>, transpose_lhs_hint = false} : vector<1000x128xf32>, vector<128x128xf32>, vector<1000x128xf32> -> vector<1000x128xf32>
    %get3A_44 = arith.constant 0 : index
    %get3A_45 = arith.constant 0 : index
    %get3A_46 = vector.load %arg8[%get3A_44, %get3A_45] : memref<1x128xf32, #tpu.memory_space<vmem>>, vector<1x128xf32>
    %add3A_47 = vector.broadcast %get3A_46 : vector<1x128xf32> to vector<1000x128xf32>
    %add3A_48 = arith.addf %dot_general3A_43, %add3A_47 : vector<1000x128xf32>
    %broadcast_in_dim3A = vector.shape_cast %add3A_38 : vector<10x128xf32> to vector<10x1x128xf32>
    %broadcast_in_dim3A_49 = vector.shape_cast %broadcast_in_dim3A : vector<10x1x128xf32> to vector<10x1x128xf32>
    %broadcast_in_dim3A_50 = vector.broadcast %broadcast_in_dim3A_49 : vector<10x1x128xf32> to vector<10x100x128xf32>
    %reshape3A_51 = vector.shape_cast %broadcast_in_dim3A_50 : vector<10x100x128xf32> to vector<1000x128xf32>
    %mul3A_52 = arith.mulf %add3A_48, %reshape3A_51 : vector<1000x128xf32>
    %reduce_sum3A_53 = arith.constant dense<0.000000e+00> : vector<1000xf32>
    %reduce_sum3A_54 = vector.multi_reduction <add>, %mul3A_52, %reduce_sum3A_53 [1] : vector<1000x128xf32> to vector<1000xf32>
    %broadcast_in_dim3A_55 = vector.shape_cast %reduce_sum3A_54 : vector<1000xf32> to vector<1000x1xf32>
    %mul3A_56 = arith.constant 0.0883883461 : f32
    %mul3A_57 = vector.broadcast %mul3A_56 : f32 to vector<1000x1xf32>
    %mul3A_58 = arith.mulf %broadcast_in_dim3A_55, %mul3A_57 : vector<1000x1xf32>
    %logistic3A = arith.negf %mul3A_58 : vector<1000x1xf32>
    %logistic3A_59 = math.exp %logistic3A : vector<1000x1xf32>
    %logistic3A_60 = arith.constant 1.000000e+00 : f32
    %logistic3A_61 = vector.broadcast %logistic3A_60 : f32 to vector<1000x1xf32>
    %logistic3A_62 = arith.addf %logistic3A_61, %logistic3A_59 : vector<1000x1xf32>
    %logistic3A_63 = arith.divf %logistic3A_61, %logistic3A_62 : vector<1000x1xf32>
    %mul3A_64 = vector.broadcast %logistic3A_63 : vector<1000x1xf32> to vector<1000x128xf32>
    %mul3A_65 = arith.mulf %add3A_26, %mul3A_64 : vector<1000x128xf32>
    %reshape3A_66 = vector.shape_cast %mul3A_65 : vector<1000x128xf32> to vector<10x100x128xf32>
    %reduce_sum3A_67 = arith.constant dense<0.000000e+00> : vector<10x128xf32>
    %reduce_sum3A_68 = vector.multi_reduction <add>, %reshape3A_66, %reduce_sum3A_67 [1] : vector<10x100x128xf32> to vector<10x128xf32>
    %div3A_69 = arith.constant 1.000000e+02 : f32
    %div3A_70 = vector.broadcast %div3A_69 : f32 to vector<10x128xf32>
    %div3A_71 = arith.divf %reduce_sum3A_68, %div3A_70 : vector<10x128xf32>
    %reshape3A_72 = vector.shape_cast %div3A_71 : vector<10x128xf32> to vector<1x10x128xf32>
    %swap3A = arith.constant 0 : index
    %swap3A_73 = arith.constant 0 : index
    %swap3A_74 = arith.constant 0 : index
    %swap3A_75 = vector.load %arg9[%swap3A, %swap3A_73, %swap3A_74] : memref<1x10x128xf32, #tpu.memory_space<vmem>>, vector<1x10x128xf32>
    tpu.vector_store %arg9[%swap3A, %swap3A_73, %swap3A_74], %reshape3A_72 {strides = array<i32>} : memref<1x10x128xf32, #tpu.memory_space<vmem>>, vector<1x10x128xf32>,
    return
  }
  func.func @transform_0(%arg0: i32) -> (i32, i32, i32) {
    %c0_i32 = arith.constant 0 : i32
    %c0_i32_0 = arith.constant 0 : i32
    %c0_i32_1 = arith.constant 0 : i32
    return %c0_i32, %arg0, %c0_i32_0 : i32, i32, i32
  }
  func.func @transform_1(%arg0: i32) -> (i32, i32) {
    %c0_i32 = arith.constant 0 : i32
    %c0_i32_0 = arith.constant 0 : i32
    return %arg0, %c0_i32 : i32, i32
  }
  func.func @transform_2(%arg0: i32) -> (i32, i32, i32) {
    %c0_i32 = arith.constant 0 : i32
    %c0_i32_0 = arith.constant 0 : i32
    %c0_i32_1 = arith.constant 0 : i32
    return %c0_i32, %arg0, %c0_i32_0 : i32, i32, i32
  }
  func.func @transform_3(%arg0: i32) -> (i32, i32) {
    %c0_i32 = arith.constant 0 : i32
    %c0_i32_0 = arith.constant 0 : i32
    %c0_i32_1 = arith.constant 0 : i32
    return %c0_i32, %c0_i32_0 : i32, i32
  }
  func.func @transform_4(%arg0: i32) -> (i32, i32) {
    %c0_i32 = arith.constant 0 : i32
    %c0_i32_0 = arith.constant 0 : i32
    %c0_i32_1 = arith.constant 0 : i32
    return %c0_i32, %c0_i32_0 : i32, i32
  }
  func.func @transform_5(%arg0: i32) -> (i32, i32) {
    %c0_i32 = arith.constant 0 : i32
    %c0_i32_0 = arith.constant 0 : i32
    %c0_i32_1 = arith.constant 0 : i32
    return %c0_i32, %c0_i32_0 : i32, i32
  }
  func.func @transform_6(%arg0: i32) -> (i32, i32) {
    %c0_i32 = arith.constant 0 : i32
    %c0_i32_0 = arith.constant 0 : i32
    %c0_i32_1 = arith.constant 0 : i32
    return %c0_i32, %c0_i32_0 : i32, i32
  }
  func.func @transform_7(%arg0: i32) -> (i32, i32) {
    %c0_i32 = arith.constant 0 : i32
    %c0_i32_0 = arith.constant 0 : i32
    %c0_i32_1 = arith.constant 0 : i32
    return %c0_i32, %c0_i32_0 : i32, i32
  }
  func.func @transform_8(%arg0: i32) -> (i32, i32, i32) {
    %c0_i32 = arith.constant 0 : i32
    %c0_i32_0 = arith.constant 0 : i32
    %c0_i32_1 = arith.constant 0 : i32
    return %arg0, %c0_i32, %c0_i32_0 : i32, i32, i32
  }
}

</mosaic_0001>

<sc_bundles>
// kernel: kernel.10.cloned.1.call-start
scs
__scs_entry_jumppad:
0x0: {  	(pc) =	sbr.rel $0x88, $3  }
0x1: {  	(tag) =	ssettag $0x0;
	lr =	simm.s32 $0x1  }
0x2: {  	[smem:$0x3F8D] =	sst lr;
	_ =	strace $0xD0000000  }
0x3: {  	_ = 	snop  }
0x4: {  	_ = 	snop  }
0x5: {  	_ = 	snop  }
0x6: {  	_ = 	snop  }
0x7: {  	_ = 	snop  }
__scs_overlays_trampoline_lowered:
0x8: {  	[smem:$0x3F9C] =	sst s0  }
0x9: {  	[smem:$0x3F9D] =	sst s1  }
0xa: {  	[smem:$0x3F9E] =	sst s2  }
0xb: {  	[smem:$0x3F9F] =	sst s3  }
0xc: {  	[smem:$0x3FA0] =	sst s4  }
0xd: {  	[smem:$0x3FA1] =	sst s5  }
0xe: {  	[smem:$0x3FA2] =	sst s6  }
0xf: {  	[smem:$0x3FA3] =	sst s7  }
0x10: {  	[smem:$0x3FA4] =	sst s8  }
0x11: {  	[smem:$0x3FA5] =	sst s9;
	s0 =	simm.s32 @!p0 $0x0  }
0x12: {  	s1 =	sld [smem:$0x3F8B];
	s0 =	simm.s32 @p0 $0x1  }
0x13: {  	[smem:$0x3FA6] =	sst s0;
	s0 =	simm.s32 @!p1 $0x0  }
0x14: {  	s2 =	sld [smem:$0x3F8A];
	s0 =	simm.s32 @p1 $0x1  }
0x15: {  	[smem:$0x3FA7] =	sst s0;
	s0 =	simm.s32 @!p2 $0x0  }
0x16: {  	s3 =	sld [smem:$0x3FDB];
	s0 =	simm.s32 @p2 $0x1  }
0x17: {  	s4 =	simm.s32 $0x1BF5;
	[smem:$0x3FA9] =	sst s0  }
0x18: {  	s0 =	sld [smem:$0x3F8C];
	_ =	swait.ge [sflag:s4], $0x0  }
0x19: {  	s7 =	sld [smem:$0x3F8D]  }
0x1a: {  	s8 =	sadd.s32 $0xFFFFE003, lr  }
0x1b: {  	s9 =	sadd.s32 $0xFFFFFEF7, lr;
	s5 =	simm.s32 $0xFFFFFFFF;
	p2 =	slt.u32 s8, $0xFFFFF086  }
0x1c: {  	p1 =	slt.u32 s9, $0xF7A;
	s5 =	simm.s32 @!p2 $0x0  }
0x1d: {  	s5 =	simm.s32 @p1 $0x1;
	p0 =	seq.s32 s7, s2  }
0x1e: {  	s7 =	smul.u32 @!p0 $0xF7A, s2;
	p2 =	seq.s32 @!p0 s5, $0x0  }
0x1f: {  	s9 =	smul.u32 $0xF7A, s1;
	s8 =	simm.s32 @!p0 $0x1BF5;
	p2 =	por !p2, p0  }
0x20: {  	[sflag:s8] =	ssyncset.s32 @!p0 $0xFFFFF086;
	s6 =	sadd.s32 @!p0 s3, s7;
	s7 =	simm.s32 @!p0 $0x108  }
0x21: {  	s3 =	sadd.s32 s3, s9;
	s6 =	sadd.s32 @!p0 $0x88, s6;
	s7 =	simm.s32 @p2 $0x1082  }
0x22: {  	[simem:s7], [sflag:s8] =	dma.local @!p0 [hbm:s6], $0xF7A  }
0x23: {  	s9 =	sor.u32 $0xD0000000, s2;
	s6 =	simm.s32 $0x108;
	_ =	swait.ge @!p0 [sflag:s8], $0x0  }
0x24: {  	s3 =	sadd.s32 $0x88, s3;
	s6 =	simm.s32 @!p1 $0x1082;
	[sflag:s4] =	ssyncset.s32 $0xFFFFF086  }
0x25: {  	[simem:s6], [sflag:s4] =	dma.local [hbm:s3], $0xF7A  }
0x26: {  	[smem:$0x3F8D] =	sst s1;
	(tag) =	ssettag s2;
	_ =	strace s9  }
0x27: {  	s1 =	sld [smem:$0x3F9D]  }
0x28: {  	s2 =	sld [smem:$0x3F9E]  }
0x29: {  	s4 =	sld [smem:$0x3FA0]  }
0x2a: {  	p0 =	seq.s32 s5, $0x0;
	s5 =	sld [smem:$0x3FA1]  }
0x2b: {  	s6 =	sld [smem:$0x3FA2]  }
0x2c: {  	s7 =	sld [smem:$0x3FA3]  }
0x2d: {  	s3 =	simm.s32 $0x108;
	s8 =	sld [smem:$0x3FA4]  }
0x2e: {  	s3 =	simm.s32 @!p0 $0x1082;
	s9 =	sld [smem:$0x3FA5]  }
0x2f: {  	lr =	sadd.s32 s0, s3;
	s0 =	sld [smem:$0x3F9C]  }
0x30: {  	s3 =	sld [smem:$0x3F9F]  }
0x31: {  	[smem:$0x3FA8] =	sst s10  }
0x32: {  	s10 =	sld [smem:$0x3FA6];
	_ =	sdelay $0x3  }
0x33: {  	p0 =	seq.s32 s10, $0x1;
	s10 =	sld [smem:$0x3FA8];
	_ =	sdelay $0x3  }
0x34: {  	[smem:$0x3FA8] =	sst s10  }
0x35: {  	s10 =	sld [smem:$0x3FA7];
	_ =	sdelay $0x3  }
0x36: {  	p1 =	seq.s32 s10, $0x1;
	s10 =	sld [smem:$0x3FA8];
	_ =	sdelay $0x3  }
0x37: {  	[smem:$0x3FA8] =	sst s10  }
0x38: {  	s10 =	sld [smem:$0x3FA9]  }
0x39: {  	_ = 	snop;
	(pc) =	sbr.ind lr, $3  }
0x3a: {  	_ = 	snop  }
0x3b: {  	_ = 	snop  }
0x3c: {  	p2 =	seq.s32 s10, $0x1;
	s10 =	sld [smem:$0x3FA8]  }
0x3d: {  	_ =	shalt  }
0x3e: {  	_ =	shalt  }
0x3f: {  	_ =	shalt  }
0x40: {  	_ =	shalt  }
0x41: {  	_ =	shalt  }
0x42: {  	_ =	shalt  }
0x43: {  	_ =	shalt  }
0x44: {  	_ =	shalt  }
0x45: {  	_ =	shalt  }
0x46: {  	_ =	shalt  }
0x47: {  	_ =	shalt  }
0x48: {  	_ =	shalt  }
0x49: {  	_ =	shalt  }
0x4a: {  	_ =	shalt  }
0x4b: {  	_ =	shalt  }
0x4c: {  	_ =	shalt  }
0x4d: {  	_ =	shalt  }
0x4e: {  	_ =	shalt  }
0x4f: {  	_ =	shalt  }
0x50: {  	_ =	shalt  }
0x51: {  	_ =	shalt  }
0x52: {  	_ =	shalt  }
0x53: {  	_ =	shalt  }
0x54: {  	_ =	shalt  }
0x55: {  	_ =	shalt  }
0x56: {  	_ =	shalt  }
0x57: {  	_ =	shalt  }
0x58: {  	_ =	shalt  }
0x59: {  	_ =	shalt  }
0x5a: {  	_ =	shalt  }
0x5b: {  	_ =	shalt  }
0x5c: {  	_ =	shalt  }
0x5d: {  	_ =	shalt  }
0x5e: {  	_ =	shalt  }
0x5f: {  	_ =	shalt  }
0x60: {  	_ =	shalt  }
0x61: {  	_ =	shalt  }
0x62: {  	_ =	shalt  }
0x63: {  	_ =	shalt  }
0x64: {  	_ =	shalt  }
0x65: {  	_ =	shalt  }
0x66: {  	_ =	shalt  }
0x67: {  	_ =	shalt  }
0x68: {  	_ =	shalt  }
0x69: {  	_ =	shalt  }
0x6a: {  	_ =	shalt  }
0x6b: {  	_ =	shalt  }
0x6c: {  	_ =	shalt  }
0x6d: {  	_ =	shalt  }
0x6e: {  	_ =	shalt  }
0x6f: {  	_ =	shalt  }
0x70: {  	_ =	shalt  }
0x71: {  	_ =	shalt  }
0x72: {  	_ =	shalt  }
0x73: {  	_ =	shalt  }
0x74: {  	_ =	shalt  }
0x75: {  	_ =	shalt  }
0x76: {  	_ =	shalt  }
0x77: {  	_ =	shalt  }
0x78: {  	_ =	shalt  }
0x79: {  	_ =	shalt  }
0x7a: {  	_ =	shalt  }
0x7b: {  	_ =	shalt  }
0x7c: {  	_ =	shalt  }
0x7d: {  	_ =	shalt  }
0x7e: {  	_ =	shalt  }
0x7f: {  	_ =	shalt  }
0x80: {  	_ =	shalt  }
0x81: {  	_ =	shalt  }
0x82: {  	_ =	shalt  }
0x83: {  	_ =	shalt  }
0x84: {  	_ =	shalt  }
0x85: {  	_ =	shalt  }
0x86: {  	_ =	shalt  }
0x87: {  	_ =	shalt  }
.Lfunc_end0:
.L_simem_size_0:
called_computation_lowered:
.L_overlay_start_0:
0x88: {  	s2 =	sld [smem:$0x3FD9]  }
0x89: {  	s3 =	sld [smem:$0x3FFE];
	_ =	sdelay $0x1  }
0x8a: {  	s1 =	srdreg.scid  }
0x8b: {  	s0 =	sand.u32 $0x1, s1  }
0x8c: {  	s17 =	sshll.u32 s0, $0xA;
	s2 =	sadd.s32 s3, s2  }
0x8d: {  	s2 =	sadd.s32 s2, s17  }
0x8e: {  	[smem:$0x3FB4] =	sst s2  }
0x8f: {  	_ = 	snop  }
0x90: {  	s2 =	sld [smem:$0x3FD0];
	(tm) =	ssettm $0x1  }
0x91: {  	s18 =	sld [smem:$0x3FFB];
	_ =	sdelay $0x3  }
0x92: {  	_ =	strace s18  }
0x93: {  	s3 =	sld [smem:$0x3FFC];
	_ =	sdelay $0x3  }
0x94: {  	_ =	strace s3  }
0x95: {  	s3 =	sld [smem:$0x3FFD];
	_ =	sdelay $0x3  }
0x96: {  	_ =	strace s3  }
0x97: {  	_ =	strace $0x8FFFFFFF  }
0x98: {  	s19 =	sld [smem:$0x3FDB];
	_ =	sdelay $0x1  }
0x99: {  	s4 =	simm.s32 $_scs_section_size  }
0x9a: {  	s5 =	simm.s32 $_size__tile_overlayer_lowered;
	s6 =	simm.s32 $_tile_overlayer_lowered  }
0x9b: {  	s22 =	simm.s32 $0x1BFF;
	s21 =	sshll.u32 s6, $0x1;
	s3 =	sadd.s32 s4, s19  }
0x9c: {  	s7 =	simm.s32 $0x0;
	s20 =	sshll.u32 s5, $0x1;
	s5 =	sadd.s32 s21, s3  }
0x9d: {  	[timem:s7], [sflag:s22] =	dma.local [hbm:s5], s20  }
0x9e: {  	_ =	swait.ge [sflag:s22], s20  }
0x9f: {  	s4 =	ssub.s32 $0x0, s20;
	[sflag:s22] =	ssyncset.done $0x0  }
0xa0: {  	[sflag:s22] =	ssyncadd.s32 s4;
	_ =	sdelay $0x1  }
0xa1: {  	s23 =	simm.s32 $0x1B8B  }
0xa2: {  	_ =	swait.ge [sflag:s23], $0x1  }
0xa3: {  	[sflag:s23] =	ssyncset.done $0x0  }
0xa4: {  	s25 =	simm.s32 $0x1B8E;
	s24 =	sld [smem:$0x3FFE];
	[sflag:s23] =	ssyncadd.s32 $0xFFFFFFFF  }
0xa5: {  	s26 =	simm.s32 $execute0_lowered;
	[smem:$0x3FD2] =	sst s25  }
0xa6: {  	s5 =	sshll.u32 s26, $0x1;
	_ =	strace $0x80000046;
	[dreg:$0x1] =	wrdreg $0xFFFFFFFF  }
0xa7: {  	s28 =	simm.s32 $_size_execute0_lowered;
	s3 =	sadd.s32 s3, s5;
	[dreg:$0x0] =	wrdreg $0x0  }
0xa8: {  	s5 =	sshll.u32 s28, $0x1;
	[dreg:$0x2] =	wrdreg s3  }
0xa9: {  	[dreg:$0x3] =	wrdreg s5  }
0xaa: {  	[dreg:$0x4] =	wrdreg $0xC0  }
0xab: {  	_ =	task [dreg:s7], $0x5FFFF  }
0xac: {  	[dreg:$0x1] =	wrdreg $0xFFFFFFFF  }
0xad: {  	[dreg:$0x0] =	wrdreg $0x60  }
0xae: {  	[dreg:$0x2] =	wrdreg s24  }
0xaf: {  	[dreg:$0x3] =	wrdreg s2  }
0xb0: {  	[dreg:$0x4] =	wrdreg $0x0  }
0xb1: {  	[dreg:$0x5] =	wrdreg $0x9  }
0xb2: {  	_ =	task.clear_ibuf [dreg:s7], $0x6FFFF;
	_ =	strace $0x90000046  }
0xb3: {  	s29 =	simm.s32 $0x9;
	_ =	strace $0x80000048  }
0xb4: {  	_ =	swait.ge [sflag:s29], $0x1  }
0xb5: {  	[sflag:s29] =	ssyncadd.s32 $0xFFFFFFFF  }
0xb6: {  	_ =	strace $0x90000048  }
0xb7: {  	_ =	sfence  }
0xb8: {  	s30 =	sld [smem:$0x0];
	_ =	sdelay $0x2  }
0xb9: {  	s31 =	sshll.u32 s1, $0xD;
	s1 =	sshrl.u32 s1, $0x2  }
0xba: {  	s3 =	sand.u32 $0x4000, s31;
	s1 =	sadd.s32 s1, s30  }
0xbb: {  	s0 =	sor.u32 s3, s0;
	s1 =	sshll.u32 s1, $0x11  }
0xbc: {  	s0 =	sor.u32 s1, s0  }
0xbd: {  	s0 =	sadd.s32 $0x8F2B, s0  }
0xbe: {  	[sflag:s0] =	ssyncadd.remote.s32 $0x1  }
0xbf: {  	_ =	sfence.sel $0xFFFF  }
0xc0: {  	[dreg:$0x0] =	wrdreg $0xFFFFFFFF;
	(pc) =	sbr.abs _section_cstart, $3  }
0xc1: {  	[dreg:$0x1] =	wrdreg $0xFFFFFFFF  }
0xc2: {  	_ =	task.clear_ibuf [dreg:s7], $0x2FFFF;
	_ =	strace $0x9FFFFFFF  }
0xc3: {  	(tm) =	ssettm $0x7FFFFFFF  }
tec
execute0_lowered:
.L_overlay_start_1:
0x0: {  	(tag) =	ssettag $0x1  }
0x1: {  	s6 =	rddreg [dreg:$0x0]  }
0x2: {  	s2 =	rddreg [dreg:$0x1]  }
0x3: {  	s3 =	rddreg [dreg:$0x2]  }
0x4: {  	s0 =	rddreg [dreg:$0x3];
	s4 =	srdreg.scid  }
0x5: {  	s1 =	stileid.u32;
	s12 =	simm.s32 $0x5000;
	s13 =	simm.s32 $0x2800  }
0x6: {  	s14 =	simm.s32 $0x80;
	s15 =	simm.s32 $0x1;
	s18 =	simm.s32 $0x0  }
0x7: {  	s7 =	sand.u32 $0x1, s4;
	s8 =	smul.u32 $0x2800, s1;
	s5 =	sshll.u32 s1, $0x1  }
0x8: {  	s4 =	simm.s32 $0x0;
	s16 =	sshll.u32 s1, $0x6;
	s9 =	smul.u32 $0x28000, s7  }
0x9: {  	s5 =	sor.u32 s7, s5;
	[smem:$0x7FF] =	sst s4;
	s7 =	ssub.s32 $0x2, s7  }
0xa: {  	s16 =	sor.u32 $0x1C02, s16;
	s10 =	smul.u32 $0x2800, s5;
	_ =	strace $0x80000047  }
0xb: {  	s5 =	sadd.s32 $0x1A800, s6;
	s11 =	sshrl.u32 s7, $0x1;
	s9 =	sadd.s32 s8, s9  }
0xc: {  	s11 =	ssub.s32 s7, s11;
	s9 =	sshrl.u32 s9, $0x3;
	s10 =	sshrl.u32 s10, $0x3  }
0xd: {  	s9 =	sadd.s32 s9, s6;
	s10 =	sadd.s32 s6, s10;
	s6 =	sadd.s32 s8, s3  }
0xe: {  	s7 =	sadd.s32 $0x10800, s10;
	s8 =	sadd.s32 $0x1AA00, s9;
	s9 =	smax.u32 s11, $0x1  }
0xf: {  	s10 =	simm.s32 $0x5800;
	s11 =	simm.s32 $0x2;
	s17 =	sshrl.u32 s6, $0x3  }
.LBB2_1:
0x10: {  	[tilespmem:s10], [sflag:$0x2] =	stream.linear.gather [hbm4b:s2+s4], $0x2800, $0x38;
	[tilespmem:$0x8000] =	vst v63  }
0x11: {  	_ =	swait.ge [sflag:s11], $0x2800  }
0x12: {  	[sflag:s11] =	ssyncset.done $0x0  }
0x13: {  	[sflag:s11] =	ssyncadd.s32 $0xFFFFD800  }
0x14: {  	[spmem:s6] =	stream.linear.scatter [tilespmem:s10], [sflag:$0x2], $0x2800, $0x38;
	[tilespmem:$0x8000] =	vst v63  }
0x15: {  	_ =	swait.ge [sflag:s11], $0x2800  }
0x16: {  	[sflag:s11] =	ssyncset.done $0x0  }
0x17: {  	[sflag:s11] =	ssyncadd.s32 $0xFFFFD800  }
0x18: {  	[tilespmem:s12], [sflag:$0x2] =	stream.linear.gather [hbm4b:s5+s4], $0x800, $0x38;
	[tilespmem:$0x8000] =	vst v63  }
0x19: {  	_ =	swait.ge [sflag:s11], $0x800  }
0x1a: {  	[sflag:s11] =	ssyncset.done $0x0  }
0x1b: {  	[sflag:s11] =	ssyncadd.s32 $0xFFFFF800  }
0x1c: {  	[tilespmem:s13], [sflag:$0x2] =	stream.linear.gather [hbm4b:s7+s4], $0x2800, $0x38;
	[tilespmem:$0x8000] =	vst v63  }
0x1d: {  	_ =	swait.ge [sflag:s11], $0x2800  }
0x1e: {  	[sflag:s11] =	ssyncset.done $0x0  }
0x1f: {  	[sflag:s11] =	ssyncadd.s32 $0xFFFFD800  }
0x20: {  	s19 =	simm.s32 $0x2800;
	[bflag:$0x0] =	sbarrier.arrive $0xFFFF  }
0x21: {  	[spmem:s3] =	stream.indirect.scatter.add.f32 [tilespmem:s12], [sflag:$0x1], $0x10, s19, s14, $0xb8;
	[tilespmem:$0x8000] =	vst v63  }
0x22: {  	s24 =	simm.s32 $0x2880  }
0x23: {  	[spmem:s3] =	stream.indirect.scatter.add.f32 [tilespmem:s12], [sflag:$0x1], $0x10, s24, s14, $0xb8;
	[tilespmem:$0x8000] =	vst v63  }
0x24: {  	s25 =	simm.s32 $0x2900  }
0x25: {  	[spmem:s3] =	stream.indirect.scatter.add.f32 [tilespmem:s12], [sflag:$0x1], $0x10, s25, s14, $0xb8;
	[tilespmem:$0x8000] =	vst v63  }
0x26: {  	s26 =	simm.s32 $0x2980  }
0x27: {  	[spmem:s3] =	stream.indirect.scatter.add.f32 [tilespmem:s12], [sflag:$0x1], $0x10, s26, s14, $0xb8;
	[tilespmem:$0x8000] =	vst v63  }
0x28: {  	s28 =	simm.s32 $0x2A00  }
0x29: {  	[spmem:s3] =	stream.indirect.scatter.add.f32 [tilespmem:s12], [sflag:$0x1], $0x10, s28, s14, $0xb8;
	[tilespmem:$0x8000] =	vst v63  }
0x2a: {  	s29 =	simm.s32 $0x2A80  }
0x2b: {  	[spmem:s3] =	stream.indirect.scatter.add.f32 [tilespmem:s12], [sflag:$0x1], $0x10, s29, s14, $0xb8;
	[tilespmem:$0x8000] =	vst v63  }
0x2c: {  	s30 =	simm.s32 $0x2B00  }
0x2d: {  	[spmem:s3] =	stream.indirect.scatter.add.f32 [tilespmem:s12], [sflag:$0x1], $0x10, s30, s14, $0xb8;
	[tilespmem:$0x8000] =	vst v63  }
0x2e: {  	s31 =	simm.s32 $0x2B80  }
0x2f: {  	[spmem:s3] =	stream.indirect.scatter.add.f32 [tilespmem:s12], [sflag:$0x1], $0x10, s31, s14, $0xb8;
	[tilespmem:$0x8000] =	vst v63  }
0x30: {  	_ =	swait.ge [sflag:s15], $0x800  }
0x31: {  	[sflag:s15] =	ssyncset.done $0x0  }
0x32: {  	[sflag:s15] =	ssyncadd.s32 $0xFFFFF800  }
0x33: {  	_ =	swait.ge [sflag:s15], $0x800  }
0x34: {  	[sflag:s15] =	ssyncset.done $0x0  }
0x35: {  	[sflag:s15] =	ssyncadd.s32 $0xFFFFF800  }
0x36: {  	_ =	swait.ge [sflag:s15], $0x800  }
0x37: {  	[sflag:s15] =	ssyncset.done $0x0  }
0x38: {  	[sflag:s15] =	ssyncadd.s32 $0xFFFFF800  }
0x39: {  	_ =	swait.ge [sflag:s15], $0x800  }
0x3a: {  	[sflag:s15] =	ssyncset.done $0x0  }
0x3b: {  	[sflag:s15] =	ssyncadd.s32 $0xFFFFF800  }
0x3c: {  	_ =	swait.ge [sflag:s15], $0x800  }
0x3d: {  	[sflag:s15] =	ssyncset.done $0x0  }
0x3e: {  	[sflag:s15] =	ssyncadd.s32 $0xFFFFF800  }
0x3f: {  	_ =	swait.ge [sflag:s15], $0x800  }
0x40: {  	[sflag:s15] =	ssyncset.done $0x0  }
0x41: {  	[sflag:s15] =	ssyncadd.s32 $0xFFFFF800  }
0x42: {  	_ =	swait.ge [sflag:s15], $0x800  }
0x43: {  	[sflag:s15] =	ssyncset.done $0x0  }
0x44: {  	[sflag:s15] =	ssyncadd.s32 $0xFFFFF800  }
0x45: {  	_ =	swait.ge [sflag:s15], $0x800  }
0x46: {  	s22 =	simm.s32 $0x2000;
	s21 =	simm.s32 $0x400;
	[sflag:s15] =	ssyncset.done $0x0  }
.LBB2_2:
0x47: {  	s23 =	sadd.s32 $0x2800, s21  }
0x48: {  	[sflag:s15] =	ssyncadd.s32 $0xFFFFF800;
	s20 =	smov.u32 s22;
	s19 =	sadd.s32 $0x1000, s22  }
0x49: {  	[spmem:s3] =	stream.indirect.scatter.add.f32 [tilespmem:s12], [sflag:$0x1], $0x10, s23, s14, $0xb8;
	[tilespmem:$0x8000] =	vst v63  }
0x4a: {  	p0 =	sne.s32 s22, $0x9000;
	s22 =	sadd.s32 $0x2880, s21  }
0x4b: {  	[spmem:s3] =	stream.indirect.scatter.add.f32 [tilespmem:s12], [sflag:$0x1], $0x10, s22, s14, $0xb8;
	[tilespmem:$0x8000] =	vst v63  }
0x4c: {  	s22 =	sadd.s32 $0x2900, s21  }
0x4d: {  	[spmem:s3] =	stream.indirect.scatter.add.f32 [tilespmem:s12], [sflag:$0x1], $0x10, s22, s14, $0xb8;
	[tilespmem:$0x8000] =	vst v63  }
0x4e: {  	s22 =	sadd.s32 $0x2980, s21  }
0x4f: {  	[spmem:s3] =	stream.indirect.scatter.add.f32 [tilespmem:s12], [sflag:$0x1], $0x10, s22, s14, $0xb8;
	[tilespmem:$0x8000] =	vst v63  }
0x50: {  	s22 =	sadd.s32 $0x2A00, s21  }
0x51: {  	[spmem:s3] =	stream.indirect.scatter.add.f32 [tilespmem:s12], [sflag:$0x1], $0x10, s22, s14, $0xb8;
	[tilespmem:$0x8000] =	vst v63  }
0x52: {  	s22 =	sadd.s32 $0x2A80, s21  }
0x53: {  	[spmem:s3] =	stream.indirect.scatter.add.f32 [tilespmem:s12], [sflag:$0x1], $0x10, s22, s14, $0xb8;
	[tilespmem:$0x8000] =	vst v63  }
0x54: {  	s22 =	sadd.s32 $0x2B00, s21  }
0x55: {  	[spmem:s3] =	stream.indirect.scatter.add.f32 [tilespmem:s12], [sflag:$0x1], $0x10, s22, s14, $0xb8;
	[tilespmem:$0x8000] =	vst v63  }
0x56: {  	s21 =	sadd.s32 $0x2B80, s21  }
0x57: {  	[spmem:s3] =	stream.indirect.scatter.add.f32 [tilespmem:s12], [sflag:$0x1], $0x10, s21, s14, $0xb8;
	[tilespmem:$0x8000] =	vst v63  }
0x58: {  	_ =	swait.ge [sflag:s15], $0x800  }
0x59: {  	[sflag:s15] =	ssyncset.done $0x0  }
0x5a: {  	[sflag:s15] =	ssyncadd.s32 $0xFFFFF800  }
0x5b: {  	_ =	swait.ge [sflag:s15], $0x800  }
0x5c: {  	[sflag:s15] =	ssyncset.done $0x0  }
0x5d: {  	[sflag:s15] =	ssyncadd.s32 $0xFFFFF800  }
0x5e: {  	_ =	swait.ge [sflag:s15], $0x800  }
0x5f: {  	[sflag:s15] =	ssyncset.done $0x0  }
0x60: {  	[sflag:s15] =	ssyncadd.s32 $0xFFFFF800  }
0x61: {  	_ =	swait.ge [sflag:s15], $0x800  }
0x62: {  	[sflag:s15] =	ssyncset.done $0x0  }
0x63: {  	[sflag:s15] =	ssyncadd.s32 $0xFFFFF800  }
0x64: {  	_ =	swait.ge [sflag:s15], $0x800  }
0x65: {  	[sflag:s15] =	ssyncset.done $0x0  }
0x66: {  	[sflag:s15] =	ssyncadd.s32 $0xFFFFF800  }
0x67: {  	_ =	swait.ge [sflag:s15], $0x800  }
0x68: {  	[sflag:s15] =	ssyncset.done $0x0  }
0x69: {  	[sflag:s15] =	ssyncadd.s32 $0xFFFFF800  }
.Ltmp0:
0x6a: {  	_ =	swait.ge [sflag:s15], $0x800;
	(pc) =	sbr.rel @p0 .LBB2_2-.Ltmp0, $4  }
0x6b: {  	[sflag:s15] =	ssyncset.done $0x0  }
0x6c: {  	[sflag:s15] =	ssyncadd.s32 $0xFFFFF800  }
0x6d: {  	_ =	swait.ge [sflag:s15], $0x800  }
0x6e: {  	s22 =	smov.u32 s19;
	s21 =	sshra.s32 s20, $0x2;
	[sflag:s15] =	ssyncset.done $0x0  }
0x6f: {  	s19 =	sadd.s32 $0x2800, s21;
	[sflag:s15] =	ssyncadd.s32 $0xFFFFF800  }
0x70: {  	[spmem:s3] =	stream.indirect.scatter.add.f32 [tilespmem:s12], [sflag:$0x1], $0x10, s19, s14, $0xb8;
	[tilespmem:$0x8000] =	vst v63  }
0x71: {  	s24 =	sadd.s32 $0x2880, s21  }
0x72: {  	[spmem:s3] =	stream.indirect.scatter.add.f32 [tilespmem:s12], [sflag:$0x1], $0x10, s24, s14, $0xb8;
	[tilespmem:$0x8000] =	vst v63  }
0x73: {  	s25 =	sadd.s32 $0x2900, s21  }
0x74: {  	[spmem:s3] =	stream.indirect.scatter.add.f32 [tilespmem:s12], [sflag:$0x1], $0x10, s25, s14, $0xb8;
	[tilespmem:$0x8000] =	vst v63  }
0x75: {  	s26 =	sadd.s32 $0x2980, s21  }
0x76: {  	[spmem:s3] =	stream.indirect.scatter.add.f32 [tilespmem:s12], [sflag:$0x1], $0x10, s26, s14, $0xb8;
	[tilespmem:$0x8000] =	vst v63  }
0x77: {  	s28 =	sadd.s32 $0x2A00, s21  }
0x78: {  	[spmem:s3] =	stream.indirect.scatter.add.f32 [tilespmem:s12], [sflag:$0x1], $0x10, s28, s14, $0xb8;
	[tilespmem:$0x8000] =	vst v63  }
0x79: {  	s29 =	sadd.s32 $0x2A80, s21  }
0x7a: {  	[spmem:s3] =	stream.indirect.scatter.add.f32 [tilespmem:s12], [sflag:$0x1], $0x10, s29, s14, $0xb8;
	[tilespmem:$0x8000] =	vst v63  }
0x7b: {  	s30 =	sadd.s32 $0x2B00, s21  }
0x7c: {  	[spmem:s3] =	stream.indirect.scatter.add.f32 [tilespmem:s12], [sflag:$0x1], $0x10, s30, s14, $0xb8;
	[tilespmem:$0x8000] =	vst v63  }
0x7d: {  	s31 =	sadd.s32 $0x2B80, s21  }
0x7e: {  	[spmem:s3] =	stream.indirect.scatter.add.f32 [tilespmem:s12], [sflag:$0x1], $0x10, s31, s14, $0xb8;
	[tilespmem:$0x8000] =	vst v63  }
0x7f: {  	_ =	swait.ge [sflag:s15], $0x800  }
0x80: {  	[sflag:s15] =	ssyncset.done $0x0  }
0x81: {  	[sflag:s15] =	ssyncadd.s32 $0xFFFFF800  }
0x82: {  	_ =	swait.ge [sflag:s15], $0x800  }
0x83: {  	[sflag:s15] =	ssyncset.done $0x0  }
0x84: {  	[sflag:s15] =	ssyncadd.s32 $0xFFFFF800  }
0x85: {  	_ =	swait.ge [sflag:s15], $0x800  }
0x86: {  	[sflag:s15] =	ssyncset.done $0x0  }
0x87: {  	[sflag:s15] =	ssyncadd.s32 $0xFFFFF800  }
0x88: {  	_ =	swait.ge [sflag:s15], $0x800  }
0x89: {  	[sflag:s15] =	ssyncset.done $0x0  }
0x8a: {  	[sflag:s15] =	ssyncadd.s32 $0xFFFFF800  }
0x8b: {  	_ =	swait.ge [sflag:s15], $0x800  }
0x8c: {  	[sflag:s15] =	ssyncset.done $0x0  }
0x8d: {  	[sflag:s15] =	ssyncadd.s32 $0xFFFFF800  }
0x8e: {  	_ =	swait.ge [sflag:s15], $0x800  }
0x8f: {  	[sflag:s15] =	ssyncset.done $0x0  }
0x90: {  	[sflag:s15] =	ssyncadd.s32 $0xFFFFF800  }
0x91: {  	_ =	swait.ge [sflag:s15], $0x800  }
0x92: {  	[sflag:s15] =	ssyncset.done $0x0  }
0x93: {  	[sflag:s15] =	ssyncadd.s32 $0xFFFFF800  }
0x94: {  	_ =	swait.ge [sflag:s15], $0x800  }
0x95: {  	s18 =	sadd.s32 $0x1, s18;
	[sflag:s15] =	ssyncset.done $0x0  }
0x96: {  	p0 =	sne.s32 s18, s9;
	[sflag:s15] =	ssyncadd.s32 $0xFFFFF800  }
.Ltmp1:
0x97: {  	[bflag:$0x0] =	sbarrier.arrive $0xFFFF;
	(pc) =	sbr.rel @p0 .LBB2_1-.Ltmp1, $4  }
0x98: {  	[hbm:s8], [sflag:s16] =	dma.local [spmem:s17], $0x500  }
0x99: {  	_ =	swait.ge [sflag:s11], $0x500  }
0x9a: {  	[sflag:s11] =	ssyncset.done $0x0  }
0x9b: {  	[sflag:s11] =	ssyncadd.s32 $0xFFFFFB00  }
0x9c: {  	_ =	sfence.sel $0x180000  }
0x9d: {  	[bflag:$0x0] =	sbarrier.arrive $0xFFFF  }
0x9e: {  	p0 =	sne.s32 s1, $0x0;
	_ =	strace $0x90000047  }
0x9f: {  	s0 =	sadd.s32 @!p0 $0x100000, s0;
	[bflag:$0x2] =	sbarrier.arrive $0xFFFF  }
0xa0: {  	[sflag:s0] =	ssyncadd.tile.s32 @!p0 $0x1;
	_ =	shalt  }
.Lfunc_end2:
_tile_overlayer_lowered:
.L_overlay_start_2:
0xa1: {  	(tag) =	ssettag $0x2  }
0xa2: {  	s0 =	rddreg [dreg:$0x0];
	s2 =	stileid.u32  }
0xa3: {  	s1 =	rddreg [dreg:$0x1];
	p0 =	sne.s32 s2, $0x0  }
0xa4: {  	s3 =	rddreg [dreg:$0x2];
	[bflag:$0x3] =	sbarrier.arrive $0xFFFF;
	s2 =	simm.s32 @!p0 $0x1C02  }
0xa5: {  	[timem:s3], [sflag:s2] =	dma.local @!p0 [hbm:s0], s1  }
0xa6: {  	s0 =	simm.s32 @!p0 $0x2  }
0xa7: {  	_ =	swait.ge @!p0 [sflag:s0], s1  }
0xa8: {  	s1 =	ssub.s32 @!p0 $0x0, s1;
	[sflag:s0] =	ssyncset.done @!p0 $0x0  }
0xa9: {  	[sflag:s0] =	ssyncadd.s32 @!p0 s1  }
0xaa: {  	[bflag:$0x3] =	sbarrier.arrive $0xFFFF  }
0xab: {  	_ =	shalt  }

// kernel: kernel.13.cloned.1.call-start
scs
__scs_entry_jumppad:
0x0: {  	(pc) =	sbr.rel $0x88, $3  }
0x1: {  	(tag) =	ssettag $0x0;
	lr =	simm.s32 $0x1  }
0x2: {  	[smem:$0x3F8D] =	sst lr;
	_ =	strace $0xD0000000  }
0x3: {  	_ = 	snop  }
0x4: {  	_ = 	snop  }
0x5: {  	_ = 	snop  }
0x6: {  	_ = 	snop  }
0x7: {  	_ = 	snop  }
__scs_overlays_trampoline_lowered:
0x8: {  	[smem:$0x3F9C] =	sst s0  }
0x9: {  	[smem:$0x3F9D] =	sst s1  }
0xa: {  	[smem:$0x3F9E] =	sst s2  }
0xb: {  	[smem:$0x3F9F] =	sst s3  }
0xc: {  	[smem:$0x3FA0] =	sst s4  }
0xd: {  	[smem:$0x3FA1] =	sst s5  }
0xe: {  	[smem:$0x3FA2] =	sst s6  }
0xf: {  	[smem:$0x3FA3] =	sst s7  }
0x10: {  	[smem:$0x3FA4] =	sst s8  }
0x11: {  	[smem:$0x3FA5] =	sst s9;
	s0 =	simm.s32 @!p0 $0x0  }
0x12: {  	s1 =	sld [smem:$0x3F8B];
	s0 =	simm.s32 @p0 $0x1  }
0x13: {  	[smem:$0x3FA6] =	sst s0;
	s0 =	simm.s32 @!p1 $0x0  }
0x14: {  	s2 =	sld [smem:$0x3F8A];
	s0 =	simm.s32 @p1 $0x1  }
0x15: {  	[smem:$0x3FA7] =	sst s0;
	s0 =	simm.s32 @!p2 $0x0  }
0x16: {  	s3 =	sld [smem:$0x3FDB];
	s0 =	simm.s32 @p2 $0x1  }
0x17: {  	s4 =	simm.s32 $0x1BF5;
	[smem:$0x3FA9] =	sst s0  }
0x18: {  	s0 =	sld [smem:$0x3F8C];
	_ =	swait.ge [sflag:s4], $0x0  }
0x19: {  	s7 =	sld [smem:$0x3F8D]  }
0x1a: {  	s8 =	sadd.s32 $0xFFFFE003, lr  }
0x1b: {  	s9 =	sadd.s32 $0xFFFFFEF7, lr;
	s5 =	simm.s32 $0xFFFFFFFF;
	p2 =	slt.u32 s8, $0xFFFFF086  }
0x1c: {  	p1 =	slt.u32 s9, $0xF7A;
	s5 =	simm.s32 @!p2 $0x0  }
0x1d: {  	s5 =	simm.s32 @p1 $0x1;
	p0 =	seq.s32 s7, s2  }
0x1e: {  	s7 =	smul.u32 @!p0 $0xF7A, s2;
	p2 =	seq.s32 @!p0 s5, $0x0  }
0x1f: {  	s9 =	smul.u32 $0xF7A, s1;
	s8 =	simm.s32 @!p0 $0x1BF5;
	p2 =	por !p2, p0  }
0x20: {  	[sflag:s8] =	ssyncset.s32 @!p0 $0xFFFFF086;
	s6 =	sadd.s32 @!p0 s3, s7;
	s7 =	simm.s32 @!p0 $0x108  }
0x21: {  	s3 =	sadd.s32 s3, s9;
	s6 =	sadd.s32 @!p0 $0x88, s6;
	s7 =	simm.s32 @p2 $0x1082  }
0x22: {  	[simem:s7], [sflag:s8] =	dma.local @!p0 [hbm:s6], $0xF7A  }
0x23: {  	s9 =	sor.u32 $0xD0000000, s2;
	s6 =	simm.s32 $0x108;
	_ =	swait.ge @!p0 [sflag:s8], $0x0  }
0x24: {  	s3 =	sadd.s32 $0x88, s3;
	s6 =	simm.s32 @!p1 $0x1082;
	[sflag:s4] =	ssyncset.s32 $0xFFFFF086  }
0x25: {  	[simem:s6], [sflag:s4] =	dma.local [hbm:s3], $0xF7A  }
0x26: {  	[smem:$0x3F8D] =	sst s1;
	(tag) =	ssettag s2;
	_ =	strace s9  }
0x27: {  	s1 =	sld [smem:$0x3F9D]  }
0x28: {  	s2 =	sld [smem:$0x3F9E]  }
0x29: {  	s4 =	sld [smem:$0x3FA0]  }
0x2a: {  	p0 =	seq.s32 s5, $0x0;
	s5 =	sld [smem:$0x3FA1]  }
0x2b: {  	s6 =	sld [smem:$0x3FA2]  }
0x2c: {  	s7 =	sld [smem:$0x3FA3]  }
0x2d: {  	s3 =	simm.s32 $0x108;
	s8 =	sld [smem:$0x3FA4]  }
0x2e: {  	s3 =	simm.s32 @!p0 $0x1082;
	s9 =	sld [smem:$0x3FA5]  }
0x2f: {  	lr =	sadd.s32 s0, s3;
	s0 =	sld [smem:$0x3F9C]  }
0x30: {  	s3 =	sld [smem:$0x3F9F]  }
0x31: {  	[smem:$0x3FA8] =	sst s10  }
0x32: {  	s10 =	sld [smem:$0x3FA6];
	_ =	sdelay $0x3  }
0x33: {  	p0 =	seq.s32 s10, $0x1;
	s10 =	sld [smem:$0x3FA8];
	_ =	sdelay $0x3  }
0x34: {  	[smem:$0x3FA8] =	sst s10  }
0x35: {  	s10 =	sld [smem:$0x3FA7];
	_ =	sdelay $0x3  }
0x36: {  	p1 =	seq.s32 s10, $0x1;
	s10 =	sld [smem:$0x3FA8];
	_ =	sdelay $0x3  }
0x37: {  	[smem:$0x3FA8] =	sst s10  }
0x38: {  	s10 =	sld [smem:$0x3FA9]  }
0x39: {  	_ = 	snop;
	(pc) =	sbr.ind lr, $3  }
0x3a: {  	_ = 	snop  }
0x3b: {  	_ = 	snop  }
0x3c: {  	p2 =	seq.s32 s10, $0x1;
	s10 =	sld [smem:$0x3FA8]  }
0x3d: {  	_ =	shalt  }
0x3e: {  	_ =	shalt  }
0x3f: {  	_ =	shalt  }
0x40: {  	_ =	shalt  }
0x41: {  	_ =	shalt  }
0x42: {  	_ =	shalt  }
0x43: {  	_ =	shalt  }
0x44: {  	_ =	shalt  }
0x45: {  	_ =	shalt  }
0x46: {  	_ =	shalt  }
0x47: {  	_ =	shalt  }
0x48: {  	_ =	shalt  }
0x49: {  	_ =	shalt  }
0x4a: {  	_ =	shalt  }
0x4b: {  	_ =	shalt  }
0x4c: {  	_ =	shalt  }
0x4d: {  	_ =	shalt  }
0x4e: {  	_ =	shalt  }
0x4f: {  	_ =	shalt  }
0x50: {  	_ =	shalt  }
0x51: {  	_ =	shalt  }
0x52: {  	_ =	shalt  }
0x53: {  	_ =	shalt  }
0x54: {  	_ =	shalt  }
0x55: {  	_ =	shalt  }
0x56: {  	_ =	shalt  }
0x57: {  	_ =	shalt  }
0x58: {  	_ =	shalt  }
0x59: {  	_ =	shalt  }
0x5a: {  	_ =	shalt  }
0x5b: {  	_ =	shalt  }
0x5c: {  	_ =	shalt  }
0x5d: {  	_ =	shalt  }
0x5e: {  	_ =	shalt  }
0x5f: {  	_ =	shalt  }
0x60: {  	_ =	shalt  }
0x61: {  	_ =	shalt  }
0x62: {  	_ =	shalt  }
0x63: {  	_ =	shalt  }
0x64: {  	_ =	shalt  }
0x65: {  	_ =	shalt  }
0x66: {  	_ =	shalt  }
0x67: {  	_ =	shalt  }
0x68: {  	_ =	shalt  }
0x69: {  	_ =	shalt  }
0x6a: {  	_ =	shalt  }
0x6b: {  	_ =	shalt  }
0x6c: {  	_ =	shalt  }
0x6d: {  	_ =	shalt  }
0x6e: {  	_ =	shalt  }
0x6f: {  	_ =	shalt  }
0x70: {  	_ =	shalt  }
0x71: {  	_ =	shalt  }
0x72: {  	_ =	shalt  }
0x73: {  	_ =	shalt  }
0x74: {  	_ =	shalt  }
0x75: {  	_ =	shalt  }
0x76: {  	_ =	shalt  }
0x77: {  	_ =	shalt  }
0x78: {  	_ =	shalt  }
0x79: {  	_ =	shalt  }
0x7a: {  	_ =	shalt  }
0x7b: {  	_ =	shalt  }
0x7c: {  	_ =	shalt  }
0x7d: {  	_ =	shalt  }
0x7e: {  	_ =	shalt  }
0x7f: {  	_ =	shalt  }
0x80: {  	_ =	shalt  }
0x81: {  	_ =	shalt  }
0x82: {  	_ =	shalt  }
0x83: {  	_ =	shalt  }
0x84: {  	_ =	shalt  }
0x85: {  	_ =	shalt  }
0x86: {  	_ =	shalt  }
0x87: {  	_ =	shalt  }
.Lfunc_end0:
.L_simem_size_0:
called_computation.1_lowered:
.L_overlay_start_0:
0x88: {  	s2 =	sld [smem:$0x3FD9]  }
0x89: {  	s3 =	sld [smem:$0x3FFE];
	_ =	sdelay $0x1  }
0x8a: {  	s1 =	srdreg.scid  }
0x8b: {  	s0 =	sand.u32 $0x1, s1  }
0x8c: {  	s16 =	sshll.u32 s0, $0xA;
	s2 =	sadd.s32 s3, s2  }
0x8d: {  	s2 =	sadd.s32 s2, s16  }
0x8e: {  	[smem:$0x3FB4] =	sst s2  }
0x8f: {  	_ = 	snop  }
0x90: {  	(tm) =	ssettm $0x1  }
0x91: {  	s17 =	sld [smem:$0x3FFB];
	_ =	sdelay $0x3  }
0x92: {  	_ =	strace s17  }
0x93: {  	s2 =	sld [smem:$0x3FFC];
	_ =	sdelay $0x3  }
0x94: {  	_ =	strace s2  }
0x95: {  	s2 =	sld [smem:$0x3FFD];
	_ =	sdelay $0x3  }
0x96: {  	_ =	strace s2  }
0x97: {  	_ =	strace $0x8FFFFFFF  }
0x98: {  	s18 =	sld [smem:$0x3FDB];
	_ =	sdelay $0x1  }
0x99: {  	s19 =	simm.s32 $_scs_section_size  }
0x9a: {  	s4 =	simm.s32 $_size__tile_overlayer_lowered;
	s5 =	simm.s32 $_tile_overlayer_lowered  }
0x9b: {  	s22 =	simm.s32 $0x1BFF;
	s21 =	sshll.u32 s5, $0x1;
	s2 =	sadd.s32 s19, s18  }
0x9c: {  	s6 =	simm.s32 $0x0;
	s20 =	sshll.u32 s4, $0x1;
	s4 =	sadd.s32 s21, s2  }
0x9d: {  	[timem:s6], [sflag:s22] =	dma.local [hbm:s4], s20  }
0x9e: {  	_ =	swait.ge [sflag:s22], s20  }
0x9f: {  	s3 =	ssub.s32 $0x0, s20;
	[sflag:s22] =	ssyncset.done $0x0  }
0xa0: {  	[sflag:s22] =	ssyncadd.s32 s3;
	_ =	sdelay $0x1  }
0xa1: {  	s23 =	simm.s32 $0x1B8B  }
0xa2: {  	_ =	swait.ge [sflag:s23], $0x1  }
0xa3: {  	[sflag:s23] =	ssyncset.done $0x0  }
0xa4: {  	s25 =	simm.s32 $0x1B8E;
	s24 =	sld [smem:$0x3FFE];
	[sflag:s23] =	ssyncadd.s32 $0xFFFFFFFF  }
0xa5: {  	s26 =	simm.s32 $execute0_lowered;
	[smem:$0x3FD2] =	sst s25  }
0xa6: {  	s4 =	sshll.u32 s26, $0x1;
	_ =	strace $0x80000049;
	[dreg:$0x1] =	wrdreg $0xFFFFFFFF  }
0xa7: {  	s28 =	simm.s32 $_size_execute0_lowered;
	s2 =	sadd.s32 s2, s4;
	[dreg:$0x0] =	wrdreg $0x0  }
0xa8: {  	s4 =	sshll.u32 s28, $0x1;
	[dreg:$0x2] =	wrdreg s2  }
0xa9: {  	[dreg:$0x3] =	wrdreg s4  }
0xaa: {  	[dreg:$0x4] =	wrdreg $0xC0  }
0xab: {  	_ =	task [dreg:s6], $0x5FFFF  }
0xac: {  	[dreg:$0x1] =	wrdreg $0xFFFFFFFF  }
0xad: {  	[dreg:$0x0] =	wrdreg $0x60  }
0xae: {  	[dreg:$0x2] =	wrdreg s24  }
0xaf: {  	[dreg:$0x3] =	wrdreg $0x0  }
0xb0: {  	[dreg:$0x4] =	wrdreg $0x9  }
0xb1: {  	_ =	task.clear_ibuf [dreg:s6], $0x5FFFF;
	_ =	strace $0x90000049  }
0xb2: {  	s29 =	simm.s32 $0x9;
	_ =	strace $0x8000004B  }
0xb3: {  	_ =	swait.ge [sflag:s29], $0x1  }
0xb4: {  	[sflag:s29] =	ssyncadd.s32 $0xFFFFFFFF  }
0xb5: {  	_ =	strace $0x9000004B  }
0xb6: {  	_ =	sfence  }
0xb7: {  	s30 =	sld [smem:$0x0];
	_ =	sdelay $0x2  }
0xb8: {  	s31 =	sshll.u32 s1, $0xD;
	s1 =	sshrl.u32 s1, $0x2  }
0xb9: {  	s3 =	sand.u32 $0x4000, s31;
	s1 =	sadd.s32 s1, s30  }
0xba: {  	s0 =	sor.u32 s3, s0;
	s1 =	sshll.u32 s1, $0x11  }
0xbb: {  	s0 =	sor.u32 s1, s0  }
0xbc: {  	s0 =	sadd.s32 $0x8F2B, s0  }
0xbd: {  	[sflag:s0] =	ssyncadd.remote.s32 $0x1  }
0xbe: {  	_ =	sfence.sel $0xFFFF  }
0xbf: {  	[dreg:$0x0] =	wrdreg $0xFFFFFFFF;
	(pc) =	sbr.abs _section_cstart, $3  }
0xc0: {  	[dreg:$0x1] =	wrdreg $0xFFFFFFFF  }
0xc1: {  	_ =	task.clear_ibuf [dreg:s6], $0x2FFFF;
	_ =	strace $0x9FFFFFFF  }
0xc2: {  	(tm) =	ssettm $0x7FFFFFFF  }
0xc3: {  	_ =	shalt  }
tec
execute0_lowered:
.L_overlay_start_1:
0x0: {  	(tag) =	ssettag $0x1  }
0x1: {  	s0 =	srdreg.scid  }
0x2: {  	s22 =	stileid.u32;
	s4 =	rddreg [dreg:$0x0];
	s1 =	simm.s32 $0x0  }
0x3: {  	s3 =	sand.u32 $0x1, s0;
	s6 =	sor.u32 $0x10, s22;
	s2 =	smul.u32 $0x2800, s22  }
0x4: {  	s14 =	sshll.u32 s22, $0x1;
	[smem:$0x7FF] =	sst s1;
	s7 =	smul.u32 $0xA000, s6  }
0x5: {  	s8 =	sadd.s32 $0x91A00, s4;
	s11 =	sor.u32 $0x30, s22;
	s10 =	smul.u32 $0x138800, s3  }
0x6: {  	s0 =	sor.u32 s3, s14;
	s15 =	ssub.s32 $0x2, s3;
	s3 =	smul.u32 $0x2800, s6  }
0x7: {  	s13 =	sor.u32 $0x40, s22;
	p0 =	sgt.u32 s22, $0xC;
	s18 =	smul.u32 $0x2800, s11  }
0x8: {  	s6 =	sor.u32 $0x50, s22;
	s11 =	smul.u32 $0xA000, s11;
	s9 =	sshrl.u32 s15, $0x1  }
0x9: {  	s14 =	sor.u32 $0x60, s22;
	s5 =	smul.u32 $0x2800, s0;
	s0 =	ssub.s32 s15, s9  }
0xa: {  	s9 =	sor.u32 $0x20, s22;
	s15 =	sor.u32 $0x70, s22;
	s12 =	sadd.s32 s2, s10  }
0xb: {  	s16 =	sadd.s32 s10, s3;
	s20 =	sadd.s32 s10, s18;
	s17 =	smul.u32 $0x2800, s9  }
0xc: {  	s7 =	sshrl.u32 s7, $0x2;
	s21 =	sshrl.u32 s20, $0x3;
	s20 =	smul.u32 $0x2800, s14  }
0xd: {  	s11 =	sshrl.u32 s11, $0x2;
	s12 =	sshrl.u32 s12, $0x3;
	s29 =	smul.u32 $0x2800, s15  }
0xe: {  	s16 =	sshrl.u32 s16, $0x3;
	s5 =	sshrl.u32 s5, $0x3;
	s9 =	smul.u32 $0xA000, s9  }
0xf: {  	s30 =	smax.u32 s0, $0x1;
	s12 =	sadd.s32 s8, s12;
	s16 =	sadd.s32 s8, s16  }
0x10: {  	s5 =	sadd.s32 s5, s4;
	[dreg:$0x4] =	wrdreg s16;
	s16 =	smul.u32 $0x2800, s6  }
0x11: {  	[dreg:$0x3] =	wrdreg s12;
	s19 =	sadd.s32 s10, s17;
	s6 =	smul.u32 $0xA000, s6  }
0x12: {  	s25 =	sadd.s32 s10, s20;
	s12 =	sshrl.u32 s19, $0x3;
	s19 =	smul.u32 $0x2800, s13  }
0x13: {  	s31 =	sadd.s32 $0x6800, s5;
	s26 =	sshrl.u32 s25, $0x3;
	s25 =	smul.u32 $0xA000, s13  }
0x14: {  	s0 =	sadd.s32 $0x6A80, s5;
	s13 =	smul.u32 $0xA000, s15;
	s12 =	sadd.s32 s8, s12  }
0x15: {  	[dreg:$0x5] =	wrdreg s12;
	s12 =	sadd.s32 s8, s21;
	s23 =	sadd.s32 s10, s19  }
0x16: {  	s21 =	sadd.s32 s10, s16;
	s10 =	sadd.s32 s10, s29;
	[dreg:$0x6] =	wrdreg s12  }
0x17: {  	s12 =	sshrl.u32 s23, $0x3;
	s24 =	sshrl.u32 s21, $0x3;
	s21 =	sshrl.u32 s10, $0x3  }
0x18: {  	s10 =	rddreg [dreg:$0x1];
	s23 =	smul.u32 $0xA000, s22;
	s12 =	sadd.s32 s8, s12  }
0x19: {  	s7 =	sadd.s32 s7, s10;
	s2 =	sadd.s32 s2, s10;
	s28 =	sadd.s32 s20, s10  }
0x1a: {  	s29 =	sadd.s32 s29, s10;
	[dreg:$0x7] =	wrdreg s12;
	s12 =	sadd.s32 s8, s24  }
0x1b: {  	[dreg:$0x8] =	wrdreg s12;
	s12 =	sadd.s32 s8, s26;
	s8 =	sadd.s32 s8, s21  }
0x1c: {  	s26 =	sshrl.u32 s9, $0x2;
	s9 =	smul.u32 $0xA000, s14;
	s14 =	sshrl.u32 s6, $0x2  }
0x1d: {  	s21 =	sshrl.u32 s13, $0x2;
	s6 =	simm.s32 $0x5;
	[dreg:$0x9] =	wrdreg s12  }
0x1e: {  	s13 =	simm.s32 $0x2;
	[dreg:$0xa] =	wrdreg s8;
	s8 =	sshrl.u32 s23, $0x2  }
0x1f: {  	s12 =	sadd.s32 $0x6A800, s4;
	s4 =	sshrl.u32 s25, $0x2;
	s23 =	sadd.s32 s21, s10  }
0x20: {  	s25 =	sadd.s32 s17, s10;
	_ =	strace $0x8000004A;
	[dreg:$0xc] =	wrdreg s7  }
0x21: {  	s17 =	simm.s32 $0x3;
	s24 =	sadd.s32 s8, s10;
	[dreg:$0x12] =	wrdreg s23  }
0x22: {  	s8 =	sadd.s32 s26, s10;
	s4 =	sadd.s32 s4, s10;
	[dreg:$0x13] =	wrdreg s2  }
0x23: {  	s15 =	sshrl.u32 s9, $0x2;
	[dreg:$0x15] =	wrdreg s25;
	s26 =	sadd.s32 s18, s10  }
0x24: {  	s25 =	sadd.s32 s19, s10;
	s2 =	sadd.s32 $0x10A80, s5;
	s7 =	simm.s32 $0x14E80  }
0x25: {  	s9 =	simm.s32 $0x80;
	s18 =	simm.s32 $0x4;
	[dreg:$0xb] =	wrdreg s24  }
0x26: {  	s19 =	simm.s32 $0x0;
	[dreg:$0xd] =	wrdreg s8;
	s8 =	sadd.s32 s11, s10  }
0x27: {  	[dreg:$0xf] =	wrdreg s4;
	s4 =	sadd.s32 s14, s10;
	s24 =	sadd.s32 s3, s10  }
0x28: {  	[dreg:$0x16] =	wrdreg s26;
	s26 =	sadd.s32 s16, s10;
	s3 =	simm.s32 $0x16280  }
0x29: {  	s11 =	simm.s32 $0x1A280;
	s14 =	simm.s32 $0x14E00;
	[dreg:$0xe] =	wrdreg s8  }
0x2a: {  	s16 =	simm.s32 $0x16200;
	[dreg:$0x10] =	wrdreg s4;
	s4 =	sadd.s32 s15, s10  }
0x2b: {  	[dreg:$0x14] =	wrdreg s24;
	s8 =	sadd.s32 $0x10800, s5;
	s5 =	simm.s32 $0x13A80  }
0x2c: {  	v0 =	vimm.f32 $0.0e+00;
	s15 =	simm.s32 $0x16180;
	[dreg:$0x11] =	wrdreg s4;
	s4 =	simm.s32 $0x1  }
.LBB2_1:
0x2d: {  	s20 =	simm.s32 $0x0;
	s21 =	simm.s32 $0x200  }
.LBB2_2:
0x2e: {  	p1 =	sne.s32 s21, $0x9E00;
	[tilespmem:s20+$0x162F0] =	vst v0  }
0x2f: {  	[tilespmem:s20+$0x16280] =	vst v0  }
0x30: {  	[tilespmem:s20+$0x16290] =	vst v0  }
.Ltmp0:
0x31: {  	[tilespmem:s20+$0x162A0] =	vst v0;
	(pc) =	sbr.rel @p1 .LBB2_2-.Ltmp0, $4  }
0x32: {  	[tilespmem:s20+$0x162B0] =	vst v0  }
0x33: {  	[tilespmem:s20+$0x162C0] =	vst v0  }
0x34: {  	[tilespmem:s20+$0x162D0] =	vst v0  }
0x35: {  	[tilespmem:s20+$0x162E0] =	vst v0;
	s20 =	sshra.s32 s21, $0x2;
	s21 =	sadd.s32 $0x200, s21  }
0x36: {  	[tilespmem:s20+$0x162F0] =	vst v0  }
0x37: {  	[tilespmem:s20+$0x16280] =	vst v0  }
0x38: {  	[tilespmem:s20+$0x16290] =	vst v0  }
0x39: {  	[tilespmem:s20+$0x162A0] =	vst v0  }
0x3a: {  	[tilespmem:s20+$0x162B0] =	vst v0  }
0x3b: {  	[tilespmem:s20+$0x162C0] =	vst v0  }
0x3c: {  	[tilespmem:s20+$0x162D0] =	vst v0  }
0x3d: {  	[tilespmem:s20+$0x162E0] =	vst v0;
	s21 =	rddreg [dreg:$0xb]  }
0x3e: {  	[spmem:s21] =	stream.linear.scatter [tilespmem:s3], [sflag:$0x1], $0x2800, $0x38;
	[tilespmem:$0x1E280] =	vst v63  }
0x3f: {  	s22 =	rddreg [dreg:$0xc]  }
0x40: {  	[spmem:s22] =	stream.linear.scatter [tilespmem:s3], [sflag:$0x1], $0x2800, $0x38;
	[tilespmem:$0x1E280] =	vst v63  }
0x41: {  	s23 =	rddreg [dreg:$0xd]  }
0x42: {  	[spmem:s23] =	stream.linear.scatter [tilespmem:s3], [sflag:$0x1], $0x2800, $0x38;
	[tilespmem:$0x1E280] =	vst v63  }
0x43: {  	s24 =	rddreg [dreg:$0xe]  }
0x44: {  	[spmem:s24] =	stream.linear.scatter [tilespmem:s3], [sflag:$0x1], $0x2800, $0x38;
	[tilespmem:$0x1E280] =	vst v63  }
0x45: {  	s21 =	rddreg [dreg:$0xf]  }
0x46: {  	[spmem:s21] =	stream.linear.scatter [tilespmem:s3], [sflag:$0x1], $0x2800, $0x38;
	[tilespmem:$0x1E280] =	vst v63  }
0x47: {  	s22 =	rddreg [dreg:$0x10]  }
0x48: {  	[spmem:s22] =	stream.linear.scatter [tilespmem:s3], [sflag:$0x1], $0x2800, $0x38;
	[tilespmem:$0x1E280] =	vst v63  }
0x49: {  	s23 =	rddreg [dreg:$0x11]  }
0x4a: {  	[spmem:s23] =	stream.linear.scatter [tilespmem:s3], [sflag:$0x1], $0x2800, $0x38;
	[tilespmem:$0x1E280] =	vst v63  }
0x4b: {  	s20 =	simm.s32 @!p0 $0x16280;
	s21 =	rddreg [dreg:$0x12]  }
0x4c: {  	[spmem:s21] =	stream.linear.scatter @!p0 [tilespmem:s20], [sflag:$0x1], $0x2800, $0x38;
	[tilespmem:$0x1E280] =	vst v63  }
0x4d: {  	_ =	swait.ge [sflag:s4], $0x2800  }
0x4e: {  	[sflag:s4] =	ssyncset.done $0x0  }
0x4f: {  	[sflag:s4] =	ssyncadd.s32 $0xFFFFD800  }
0x50: {  	_ =	swait.ge [sflag:s4], $0x2800  }
0x51: {  	[sflag:s4] =	ssyncset.done $0x0  }
0x52: {  	[sflag:s4] =	ssyncadd.s32 $0xFFFFD800  }
0x53: {  	_ =	swait.ge [sflag:s4], $0x2800  }
0x54: {  	[sflag:s4] =	ssyncset.done $0x0  }
0x55: {  	[sflag:s4] =	ssyncadd.s32 $0xFFFFD800  }
0x56: {  	_ =	swait.ge [sflag:s4], $0x2800  }
0x57: {  	[sflag:s4] =	ssyncset.done $0x0  }
0x58: {  	[sflag:s4] =	ssyncadd.s32 $0xFFFFD800  }
0x59: {  	_ =	swait.ge [sflag:s4], $0x2800  }
0x5a: {  	[sflag:s4] =	ssyncset.done $0x0  }
0x5b: {  	[sflag:s4] =	ssyncadd.s32 $0xFFFFD800  }
0x5c: {  	_ =	swait.ge [sflag:s4], $0x2800  }
0x5d: {  	[sflag:s4] =	ssyncset.done $0x0  }
0x5e: {  	[sflag:s4] =	ssyncadd.s32 $0xFFFFD800  }
0x5f: {  	_ =	swait.ge [sflag:s4], $0x2800  }
0x60: {  	[sflag:s4] =	ssyncset.done $0x0  }
0x61: {  	s20 =	simm.s32 @!p0 $0x1;
	[sflag:s4] =	ssyncadd.s32 $0xFFFFD800  }
0x62: {  	_ =	swait.ge @!p0 [sflag:s20], $0x2800  }
0x63: {  	[sflag:s20] =	ssyncset.done @!p0 $0x0  }
0x64: {  	[sflag:s20] =	ssyncadd.s32 @!p0 $0xFFFFD800  }
0x65: {  	s24 =	simm.s32 $0x0;
	[bflag:$0x0] =	sbarrier.arrive $0xFFFF  }
0x66: {  	[tilespmem:s5], [sflag:$0x5] =	stream.linear.gather [hbm4b:s31+s24], $0x1400, $0x38;
	[tilespmem:$0x1E280] =	vst v63  }
0x67: {  	_ =	swait.ge [sflag:s6], $0x1400  }
0x68: {  	[sflag:s6] =	ssyncset.done $0x0  }
0x69: {  	[sflag:s6] =	ssyncadd.s32 $0xFFFFEC00  }
0x6a: {  	[tilespmem:s7], [sflag:$0x5] =	stream.linear.gather [hbm4b:s8+s24], $0x1400, $0x38;
	[tilespmem:$0x1E280] =	vst v63  }
0x6b: {  	_ =	swait.ge [sflag:s6], $0x1400  }
0x6c: {  	[sflag:s6] =	ssyncset.done $0x0  }
0x6d: {  	[sflag:s6] =	ssyncadd.s32 $0xFFFFEC00  }
0x6e: {  	[tilespmem:s3], [sflag:$0x1] =	stream.indirect.gather [hbm4b:s12+s9], $0x80, s5, s9, $0xb8;
	[tilespmem:$0x1E280] =	vst v63  }
0x6f: {  	s21 =	simm.s32 $0x13B00  }
0x70: {  	[tilespmem:s11], [sflag:$0x2] =	stream.indirect.gather [hbm4b:s12+s9], $0x80, s21, s9, $0xb8;
	[tilespmem:$0x1E280] =	vst v63  }
0x71: {  	_ =	swait.ge [sflag:s4], $0x4000  }
0x72: {  	[sflag:s4] =	ssyncset.done $0x0  }
0x73: {  	s22 =	simm.s32 $0x14E80;
	[sflag:s4] =	ssyncadd.s32 $0xFFFFC000  }
0x74: {  	[spmem:s10] =	stream.indirect.scatter.add.f32 [tilespmem:s3], [sflag:$0x5], $0x80, s22, s9, $0xb8;
	[tilespmem:$0x1E280] =	vst v63  }
0x75: {  	_ =	swait.ge [sflag:s6], $0x4000  }
0x76: {  	[sflag:s6] =	ssyncset.done $0x0  }
0x77: {  	s23 =	simm.s32 $0x13B80;
	[sflag:s6] =	ssyncadd.s32 $0xFFFFC000  }
0x78: {  	[tilespmem:s3], [sflag:$0x1] =	stream.indirect.gather [hbm4b:s12+s9], $0x80, s23, s9, $0xb8;
	[tilespmem:$0x1E280] =	vst v63  }
0x79: {  	_ =	swait.ge [sflag:s13], $0x4000  }
0x7a: {  	[sflag:s13] =	ssyncset.done $0x0  }
0x7b: {  	s24 =	simm.s32 $0x14F00;
	[sflag:s13] =	ssyncadd.s32 $0xFFFFC000  }
0x7c: {  	[spmem:s10] =	stream.indirect.scatter.add.f32 [tilespmem:s11], [sflag:$0x5], $0x80, s24, s9, $0xb8;
	[tilespmem:$0x1E280] =	vst v63  }
0x7d: {  	_ =	swait.ge [sflag:s6], $0x4000  }
0x7e: {  	s20 =	simm.s32 $0x100;
	s21 =	simm.s32 $0x800;
	[sflag:s6] =	ssyncset.done $0x0  }
.LBB2_4:
0x7f: {  	s22 =	sadd.s32 $0x13B00, s20  }
0x80: {  	[sflag:s6] =	ssyncadd.s32 $0xFFFFC000;
	s23 =	smov.u32 s21;
	s24 =	sadd.s32 $0x400, s21  }
0x81: {  	[tilespmem:s11], [sflag:$0x2] =	stream.indirect.gather [hbm4b:s12+s9], $0x80, s22, s9, $0xb8;
	[tilespmem:$0x1E280] =	vst v63  }
0x82: {  	p1 =	sne.s32 s21, $0x4800;
	_ =	swait.ge [sflag:s4], $0x4000  }
0x83: {  	[sflag:s4] =	ssyncset.done $0x0  }
0x84: {  	s21 =	sadd.s32 $0x14E80, s20;
	[sflag:s4] =	ssyncadd.s32 $0xFFFFC000  }
0x85: {  	[spmem:s10] =	stream.indirect.scatter.add.f32 [tilespmem:s3], [sflag:$0x5], $0x80, s21, s9, $0xb8;
	[tilespmem:$0x1E280] =	vst v63  }
0x86: {  	_ =	swait.ge [sflag:s6], $0x4000  }
0x87: {  	[sflag:s6] =	ssyncset.done $0x0  }
0x88: {  	s21 =	sadd.s32 $0x13B80, s20;
	[sflag:s6] =	ssyncadd.s32 $0xFFFFC000  }
0x89: {  	[tilespmem:s3], [sflag:$0x1] =	stream.indirect.gather [hbm4b:s12+s9], $0x80, s21, s9, $0xb8;
	[tilespmem:$0x1E280] =	vst v63  }
0x8a: {  	_ =	swait.ge [sflag:s13], $0x4000  }
.Ltmp1:
0x8b: {  	[sflag:s13] =	ssyncset.done $0x0;
	(pc) =	sbr.rel @p1 .LBB2_4-.Ltmp1, $4  }
0x8c: {  	s20 =	sadd.s32 $0x14F00, s20;
	[sflag:s13] =	ssyncadd.s32 $0xFFFFC000  }
0x8d: {  	[spmem:s10] =	stream.indirect.scatter.add.f32 [tilespmem:s11], [sflag:$0x5], $0x80, s20, s9, $0xb8;
	[tilespmem:$0x1E280] =	vst v63  }
0x8e: {  	_ =	swait.ge [sflag:s6], $0x4000  }
0x8f: {  	s21 =	smov.u32 s24;
	s20 =	sshra.s32 s23, $0x2;
	[sflag:s6] =	ssyncset.done $0x0  }
0x90: {  	s21 =	sadd.s32 $0x13B00, s20;
	[sflag:s6] =	ssyncadd.s32 $0xFFFFC000  }
0x91: {  	[tilespmem:s11], [sflag:$0x2] =	stream.indirect.gather [hbm4b:s12+s9], $0x80, s21, s9, $0xb8;
	[tilespmem:$0x1E280] =	vst v63  }
0x92: {  	_ =	swait.ge [sflag:s4], $0x4000  }
0x93: {  	[sflag:s4] =	ssyncset.done $0x0  }
0x94: {  	s24 =	sadd.s32 $0x14E80, s20;
	[sflag:s4] =	ssyncadd.s32 $0xFFFFC000  }
0x95: {  	[spmem:s10] =	stream.indirect.scatter.add.f32 [tilespmem:s3], [sflag:$0x5], $0x80, s24, s9, $0xb8;
	[tilespmem:$0x1E280] =	vst v63  }
0x96: {  	_ =	swait.ge [sflag:s6], $0x4000  }
0x97: {  	[sflag:s6] =	ssyncset.done $0x0  }
0x98: {  	s22 =	sadd.s32 $0x13B80, s20;
	[sflag:s6] =	ssyncadd.s32 $0xFFFFC000  }
0x99: {  	[tilespmem:s3], [sflag:$0x1] =	stream.indirect.gather [hbm4b:s12+s9], $0x80, s22, s9, $0xb8;
	[tilespmem:$0x1E280] =	vst v63  }
0x9a: {  	_ =	swait.ge [sflag:s13], $0x4000  }
0x9b: {  	[sflag:s13] =	ssyncset.done $0x0  }
0x9c: {  	s23 =	sadd.s32 $0x14F00, s20;
	[sflag:s13] =	ssyncadd.s32 $0xFFFFC000  }
0x9d: {  	[spmem:s10] =	stream.indirect.scatter.add.f32 [tilespmem:s11], [sflag:$0x5], $0x80, s23, s9, $0xb8;
	[tilespmem:$0x1E280] =	vst v63  }
0x9e: {  	_ =	swait.ge [sflag:s6], $0x4000  }
0x9f: {  	[sflag:s6] =	ssyncset.done $0x0  }
0xa0: {  	[sflag:s6] =	ssyncadd.s32 $0xFFFFC000  }
0xa1: {  	[tilespmem:s11], [sflag:$0x2] =	stream.indirect.gather [hbm4b:s12+s9], $0x80, s14, s9, $0xb8;
	[tilespmem:$0x1E280] =	vst v63  }
0xa2: {  	_ =	swait.ge [sflag:s4], $0x4000  }
0xa3: {  	[sflag:s4] =	ssyncset.done $0x0  }
0xa4: {  	[sflag:s4] =	ssyncadd.s32 $0xFFFFC000  }
0xa5: {  	[spmem:s10] =	stream.indirect.scatter.add.f32 [tilespmem:s3], [sflag:$0x5], $0x80, s15, s9, $0xb8;
	[tilespmem:$0x1E280] =	vst v63  }
0xa6: {  	_ =	swait.ge [sflag:s6], $0x4000  }
0xa7: {  	[sflag:s6] =	ssyncset.done $0x0  }
0xa8: {  	[sflag:s6] =	ssyncadd.s32 $0xFFFFC000  }
0xa9: {  	_ =	swait.ge [sflag:s13], $0x4000  }
0xaa: {  	[sflag:s13] =	ssyncset.done $0x0  }
0xab: {  	[sflag:s13] =	ssyncadd.s32 $0xFFFFC000  }
0xac: {  	[spmem:s10] =	stream.indirect.scatter.add.f32 [tilespmem:s11], [sflag:$0x5], $0x80, s16, s9, $0xb8;
	[tilespmem:$0x1E280] =	vst v63  }
0xad: {  	_ =	swait.ge [sflag:s6], $0x4000  }
0xae: {  	[sflag:s6] =	ssyncset.done $0x0  }
0xaf: {  	s24 =	simm.s32 $0x0;
	[sflag:s6] =	ssyncadd.s32 $0xFFFFC000  }
0xb0: {  	[tilespmem:s5], [sflag:$0x5] =	stream.linear.gather [hbm4b:s0+s24], $0x1400, $0x38;
	[tilespmem:$0x1E280] =	vst v63  }
0xb1: {  	_ =	swait.ge [sflag:s6], $0x1400  }
0xb2: {  	[sflag:s6] =	ssyncset.done $0x0  }
0xb3: {  	[sflag:s6] =	ssyncadd.s32 $0xFFFFEC00  }
0xb4: {  	[tilespmem:s7], [sflag:$0x5] =	stream.linear.gather [hbm4b:s2+s24], $0x1400, $0x38;
	[tilespmem:$0x1E280] =	vst v63  }
0xb5: {  	_ =	swait.ge [sflag:s6], $0x1400  }
0xb6: {  	[sflag:s6] =	ssyncset.done $0x0  }
0xb7: {  	[sflag:s6] =	ssyncadd.s32 $0xFFFFEC00  }
0xb8: {  	[tilespmem:s3], [sflag:$0x1] =	stream.indirect.gather [hbm4b:s12+s9], $0x80, s5, s9, $0xb8;
	[tilespmem:$0x1E280] =	vst v63  }
0xb9: {  	s21 =	simm.s32 $0x13B00  }
0xba: {  	[tilespmem:s11], [sflag:$0x2] =	stream.indirect.gather [hbm4b:s12+s9], $0x80, s21, s9, $0xb8;
	[tilespmem:$0x1E280] =	vst v63  }
0xbb: {  	_ =	swait.ge [sflag:s4], $0x4000  }
0xbc: {  	[sflag:s4] =	ssyncset.done $0x0  }
0xbd: {  	s22 =	simm.s32 $0x14E80;
	[sflag:s4] =	ssyncadd.s32 $0xFFFFC000  }
0xbe: {  	[spmem:s10] =	stream.indirect.scatter.add.f32 [tilespmem:s3], [sflag:$0x5], $0x80, s22, s9, $0xb8;
	[tilespmem:$0x1E280] =	vst v63  }
0xbf: {  	_ =	swait.ge [sflag:s6], $0x4000  }
0xc0: {  	[sflag:s6] =	ssyncset.done $0x0  }
0xc1: {  	s23 =	simm.s32 $0x13B80;
	[sflag:s6] =	ssyncadd.s32 $0xFFFFC000  }
0xc2: {  	[tilespmem:s3], [sflag:$0x1] =	stream.indirect.gather [hbm4b:s12+s9], $0x80, s23, s9, $0xb8;
	[tilespmem:$0x1E280] =	vst v63  }
0xc3: {  	_ =	swait.ge [sflag:s13], $0x4000  }
0xc4: {  	[sflag:s13] =	ssyncset.done $0x0  }
0xc5: {  	s24 =	simm.s32 $0x14F00;
	[sflag:s13] =	ssyncadd.s32 $0xFFFFC000  }
0xc6: {  	[spmem:s10] =	stream.indirect.scatter.add.f32 [tilespmem:s11], [sflag:$0x5], $0x80, s24, s9, $0xb8;
	[tilespmem:$0x1E280] =	vst v63  }
0xc7: {  	_ =	swait.ge [sflag:s6], $0x4000  }
0xc8: {  	s20 =	simm.s32 $0x100;
	s21 =	simm.s32 $0x800;
	[sflag:s6] =	ssyncset.done $0x0  }
.LBB2_6:
0xc9: {  	s22 =	sadd.s32 $0x13B00, s20  }
0xca: {  	[sflag:s6] =	ssyncadd.s32 $0xFFFFC000;
	s23 =	smov.u32 s21;
	s24 =	sadd.s32 $0x400, s21  }
0xcb: {  	[tilespmem:s11], [sflag:$0x2] =	stream.indirect.gather [hbm4b:s12+s9], $0x80, s22, s9, $0xb8;
	[tilespmem:$0x1E280] =	vst v63  }
0xcc: {  	p1 =	sne.s32 s21, $0x4800;
	_ =	swait.ge [sflag:s4], $0x4000  }
0xcd: {  	[sflag:s4] =	ssyncset.done $0x0  }
0xce: {  	s21 =	sadd.s32 $0x14E80, s20;
	[sflag:s4] =	ssyncadd.s32 $0xFFFFC000  }
0xcf: {  	[spmem:s10] =	stream.indirect.scatter.add.f32 [tilespmem:s3], [sflag:$0x5], $0x80, s21, s9, $0xb8;
	[tilespmem:$0x1E280] =	vst v63  }
0xd0: {  	_ =	swait.ge [sflag:s6], $0x4000  }
0xd1: {  	[sflag:s6] =	ssyncset.done $0x0  }
0xd2: {  	s21 =	sadd.s32 $0x13B80, s20;
	[sflag:s6] =	ssyncadd.s32 $0xFFFFC000  }
0xd3: {  	[tilespmem:s3], [sflag:$0x1] =	stream.indirect.gather [hbm4b:s12+s9], $0x80, s21, s9, $0xb8;
	[tilespmem:$0x1E280] =	vst v63  }
0xd4: {  	_ =	swait.ge [sflag:s13], $0x4000  }
.Ltmp2:
0xd5: {  	[sflag:s13] =	ssyncset.done $0x0;
	(pc) =	sbr.rel @p1 .LBB2_6-.Ltmp2, $4  }
0xd6: {  	s20 =	sadd.s32 $0x14F00, s20;
	[sflag:s13] =	ssyncadd.s32 $0xFFFFC000  }
0xd7: {  	[spmem:s10] =	stream.indirect.scatter.add.f32 [tilespmem:s11], [sflag:$0x5], $0x80, s20, s9, $0xb8;
	[tilespmem:$0x1E280] =	vst v63  }
0xd8: {  	_ =	swait.ge [sflag:s6], $0x4000  }
0xd9: {  	s21 =	smov.u32 s24;
	s20 =	sshra.s32 s23, $0x2;
	[sflag:s6] =	ssyncset.done $0x0  }
0xda: {  	s21 =	sadd.s32 $0x13B00, s20;
	[sflag:s6] =	ssyncadd.s32 $0xFFFFC000  }
0xdb: {  	[tilespmem:s11], [sflag:$0x2] =	stream.indirect.gather [hbm4b:s12+s9], $0x80, s21, s9, $0xb8;
	[tilespmem:$0x1E280] =	vst v63  }
0xdc: {  	_ =	swait.ge [sflag:s4], $0x4000  }
0xdd: {  	[sflag:s4] =	ssyncset.done $0x0  }
0xde: {  	s23 =	sadd.s32 $0x14E80, s20;
	[sflag:s4] =	ssyncadd.s32 $0xFFFFC000  }
0xdf: {  	[spmem:s10] =	stream.indirect.scatter.add.f32 [tilespmem:s3], [sflag:$0x5], $0x80, s23, s9, $0xb8;
	[tilespmem:$0x1E280] =	vst v63  }
0xe0: {  	_ =	swait.ge [sflag:s6], $0x4000  }
0xe1: {  	[sflag:s6] =	ssyncset.done $0x0  }
0xe2: {  	s24 =	sadd.s32 $0x13B80, s20;
	[sflag:s6] =	ssyncadd.s32 $0xFFFFC000  }
0xe3: {  	[tilespmem:s3], [sflag:$0x1] =	stream.indirect.gather [hbm4b:s12+s9], $0x80, s24, s9, $0xb8;
	[tilespmem:$0x1E280] =	vst v63  }
0xe4: {  	_ =	swait.ge [sflag:s13], $0x4000  }
0xe5: {  	[sflag:s13] =	ssyncset.done $0x0  }
0xe6: {  	s21 =	sadd.s32 $0x14F00, s20;
	[sflag:s13] =	ssyncadd.s32 $0xFFFFC000  }
0xe7: {  	[spmem:s10] =	stream.indirect.scatter.add.f32 [tilespmem:s11], [sflag:$0x5], $0x80, s21, s9, $0xb8;
	[tilespmem:$0x1E280] =	vst v63  }
0xe8: {  	_ =	swait.ge [sflag:s6], $0x4000  }
0xe9: {  	[sflag:s6] =	ssyncset.done $0x0  }
0xea: {  	[sflag:s6] =	ssyncadd.s32 $0xFFFFC000  }
0xeb: {  	[tilespmem:s11], [sflag:$0x2] =	stream.indirect.gather [hbm4b:s12+s9], $0x80, s14, s9, $0xb8;
	[tilespmem:$0x1E280] =	vst v63  }
0xec: {  	_ =	swait.ge [sflag:s4], $0x4000  }
0xed: {  	[sflag:s4] =	ssyncset.done $0x0  }
0xee: {  	[sflag:s4] =	ssyncadd.s32 $0xFFFFC000  }
0xef: {  	[spmem:s10] =	stream.indirect.scatter.add.f32 [tilespmem:s3], [sflag:$0x5], $0x80, s15, s9, $0xb8;
	[tilespmem:$0x1E280] =	vst v63  }
0xf0: {  	_ =	swait.ge [sflag:s6], $0x4000  }
0xf1: {  	[sflag:s6] =	ssyncset.done $0x0  }
0xf2: {  	[sflag:s6] =	ssyncadd.s32 $0xFFFFC000  }
0xf3: {  	_ =	swait.ge [sflag:s13], $0x4000  }
0xf4: {  	[sflag:s13] =	ssyncset.done $0x0  }
0xf5: {  	[sflag:s13] =	ssyncadd.s32 $0xFFFFC000  }
0xf6: {  	[spmem:s10] =	stream.indirect.scatter.add.f32 [tilespmem:s11], [sflag:$0x5], $0x80, s16, s9, $0xb8;
	[tilespmem:$0x1E280] =	vst v63  }
0xf7: {  	_ =	swait.ge [sflag:s6], $0x4000  }
0xf8: {  	[sflag:s6] =	ssyncset.done $0x0  }
0xf9: {  	[sflag:s6] =	ssyncadd.s32 $0xFFFFC000  }
0xfa: {  	[bflag:$0x0] =	sbarrier.arrive $0xFFFF  }
0xfb: {  	s22 =	rddreg [dreg:$0x13]  }
0xfc: {  	[tilespmem:s3], [sflag:$0x1] =	stream.linear.gather [spmem:s22], $0x2800, $0x38;
	[tilespmem:$0x1E280] =	vst v63  }
0xfd: {  	_ =	swait.ge [sflag:s4], $0x2800  }
0xfe: {  	[sflag:s4] =	ssyncset.done $0x0  }
0xff: {  	s23 =	rddreg [dreg:$0x3];
	[sflag:s4] =	ssyncadd.s32 $0xFFFFD800  }
0x100: {  	[hbm4b:s23+s1] =	stream.linear.scatter [tilespmem:s3], [sflag:$0x3], $0x2800, $0x38;
	[tilespmem:$0x1E280] =	vst v63  }
0x101: {  	s24 =	rddreg [dreg:$0x14]  }
0x102: {  	[tilespmem:s11], [sflag:$0x2] =	stream.linear.gather [spmem:s24], $0x2800, $0x38;
	[tilespmem:$0x1E280] =	vst v63  }
0x103: {  	_ =	swait.ge [sflag:s13], $0x2800  }
0x104: {  	[sflag:s13] =	ssyncset.done $0x0  }
0x105: {  	s21 =	rddreg [dreg:$0x4];
	[sflag:s13] =	ssyncadd.s32 $0xFFFFD800  }
0x106: {  	[hbm4b:s21+s1] =	stream.linear.scatter [tilespmem:s11], [sflag:$0x4], $0x2800, $0x38;
	[tilespmem:$0x1E280] =	vst v63  }
0x107: {  	_ =	swait.ge [sflag:s17], $0x2800  }
0x108: {  	[sflag:s17] =	ssyncset.done $0x0  }
0x109: {  	s22 =	rddreg [dreg:$0x15];
	[sflag:s17] =	ssyncadd.s32 $0xFFFFD800  }
0x10a: {  	[tilespmem:s3], [sflag:$0x1] =	stream.linear.gather [spmem:s22], $0x2800, $0x38;
	[tilespmem:$0x1E280] =	vst v63  }
0x10b: {  	_ =	swait.ge [sflag:s4], $0x2800  }
0x10c: {  	[sflag:s4] =	ssyncset.done $0x0  }
0x10d: {  	s23 =	rddreg [dreg:$0x5];
	[sflag:s4] =	ssyncadd.s32 $0xFFFFD800  }
0x10e: {  	[hbm4b:s23+s1] =	stream.linear.scatter [tilespmem:s3], [sflag:$0x3], $0x2800, $0x38;
	[tilespmem:$0x1E280] =	vst v63  }
0x10f: {  	_ =	swait.ge [sflag:s18], $0x2800  }
0x110: {  	[sflag:s18] =	ssyncset.done $0x0  }
0x111: {  	s24 =	rddreg [dreg:$0x16];
	[sflag:s18] =	ssyncadd.s32 $0xFFFFD800  }
0x112: {  	[tilespmem:s11], [sflag:$0x2] =	stream.linear.gather [spmem:s24], $0x2800, $0x38;
	[tilespmem:$0x1E280] =	vst v63  }
0x113: {  	_ =	swait.ge [sflag:s13], $0x2800  }
0x114: {  	[sflag:s13] =	ssyncset.done $0x0  }
0x115: {  	s21 =	rddreg [dreg:$0x6];
	[sflag:s13] =	ssyncadd.s32 $0xFFFFD800  }
0x116: {  	[hbm4b:s21+s1] =	stream.linear.scatter [tilespmem:s11], [sflag:$0x4], $0x2800, $0x38;
	[tilespmem:$0x1E280] =	vst v63  }
0x117: {  	_ =	swait.ge [sflag:s17], $0x2800  }
0x118: {  	[sflag:s17] =	ssyncset.done $0x0  }
0x119: {  	[sflag:s17] =	ssyncadd.s32 $0xFFFFD800  }
0x11a: {  	[tilespmem:s3], [sflag:$0x1] =	stream.linear.gather [spmem:s25], $0x2800, $0x38;
	[tilespmem:$0x1E280] =	vst v63  }
0x11b: {  	_ =	swait.ge [sflag:s4], $0x2800  }
0x11c: {  	[sflag:s4] =	ssyncset.done $0x0  }
0x11d: {  	s22 =	rddreg [dreg:$0x7];
	[sflag:s4] =	ssyncadd.s32 $0xFFFFD800  }
0x11e: {  	[hbm4b:s22+s1] =	stream.linear.scatter [tilespmem:s3], [sflag:$0x3], $0x2800, $0x38;
	[tilespmem:$0x1E280] =	vst v63  }
0x11f: {  	_ =	swait.ge [sflag:s18], $0x2800  }
0x120: {  	[sflag:s18] =	ssyncset.done $0x0  }
0x121: {  	[sflag:s18] =	ssyncadd.s32 $0xFFFFD800  }
0x122: {  	[tilespmem:s11], [sflag:$0x2] =	stream.linear.gather [spmem:s26], $0x2800, $0x38;
	[tilespmem:$0x1E280] =	vst v63  }
0x123: {  	_ =	swait.ge [sflag:s13], $0x2800  }
0x124: {  	[sflag:s13] =	ssyncset.done $0x0  }
0x125: {  	s23 =	rddreg [dreg:$0x8];
	[sflag:s13] =	ssyncadd.s32 $0xFFFFD800  }
0x126: {  	[hbm4b:s23+s1] =	stream.linear.scatter [tilespmem:s11], [sflag:$0x4], $0x2800, $0x38;
	[tilespmem:$0x1E280] =	vst v63  }
0x127: {  	_ =	swait.ge [sflag:s17], $0x2800  }
0x128: {  	[sflag:s17] =	ssyncset.done $0x0  }
0x129: {  	[sflag:s17] =	ssyncadd.s32 $0xFFFFD800  }
0x12a: {  	[tilespmem:s3], [sflag:$0x1] =	stream.linear.gather [spmem:s28], $0x2800, $0x38;
	[tilespmem:$0x1E280] =	vst v63  }
0x12b: {  	_ =	swait.ge [sflag:s4], $0x2800  }
0x12c: {  	[sflag:s4] =	ssyncset.done $0x0  }
0x12d: {  	s20 =	simm.s32 @!p0 $0x4;
	s24 =	rddreg [dreg:$0x9];
	[sflag:s4] =	ssyncadd.s32 $0xFFFFD800  }
0x12e: {  	[hbm4b:s24+s1] =	stream.linear.scatter [tilespmem:s3], [sflag:$0x3], $0x2800, $0x38;
	[tilespmem:$0x1E280] =	vst v63  }
0x12f: {  	_ =	swait.ge @!p0 [sflag:s20], $0x2800  }
0x130: {  	[sflag:s20] =	ssyncset.done @!p0 $0x0  }
0x131: {  	s21 =	simm.s32 @!p0 $0x2;
	[sflag:s20] =	ssyncadd.s32 @!p0 $0xFFFFD800;
	s20 =	simm.s32 @!p0 $0x1A280  }
0x132: {  	[tilespmem:s20], [sflag:$0x2] =	stream.linear.gather @!p0 [spmem:s29], $0x2800, $0x38;
	[tilespmem:$0x1E280] =	vst v63  }
0x133: {  	_ =	swait.ge @!p0 [sflag:s21], $0x2800  }
0x134: {  	s19 =	sadd.s32 $0x1, s19;
	[sflag:s21] =	ssyncset.done @!p0 $0x0  }
0x135: {  	s22 =	rddreg [dreg:$0xa];
	[sflag:s21] =	ssyncadd.s32 @!p0 $0xFFFFD800;
	s21 =	simm.s32 @!p0 $0x0  }
0x136: {  	[hbm4b:s22+s21] =	stream.linear.scatter @!p0 [tilespmem:s20], [sflag:$0x4], $0x2800, $0x38;
	[tilespmem:$0x1E280] =	vst v63  }
0x137: {  	p1 =	sne.s32 s19, s30;
	_ =	swait.ge [sflag:s17], $0x2800  }
.Ltmp3:
0x138: {  	[sflag:s17] =	ssyncset.done $0x0;
	(pc) =	sbr.rel @p1 .LBB2_1-.Ltmp3, $4  }
0x139: {  	[sflag:s17] =	ssyncadd.s32 $0xFFFFD800  }
0x13a: {  	_ =	swait.ge [sflag:s18], $0x2800  }
0x13b: {  	[sflag:s18] =	ssyncset.done $0x0  }
0x13c: {  	[sflag:s18] =	ssyncadd.s32 $0xFFFFD800  }
0x13d: {  	_ =	sfence.sel $0x180000  }
0x13e: {  	[bflag:$0x0] =	sbarrier.arrive $0xFFFF  }
0x13f: {  	_ =	strace $0x9000004A  }
0x140: {  	s0 =	stileid.u32;
	[bflag:$0x2] =	sbarrier.arrive $0xFFFF  }
0x141: {  	p0 =	sne.s32 s0, $0x0;
	s0 =	rddreg [dreg:$0x2]  }
0x142: {  	s0 =	sadd.s32 @!p0 $0x100000, s0  }
0x143: {  	[sflag:s0] =	ssyncadd.tile.s32 @!p0 $0x1;
	_ =	shalt  }
.Lfunc_end2:
_tile_overlayer_lowered:
.L_overlay_start_2:
0x144: {  	(tag) =	ssettag $0x2  }
0x145: {  	s0 =	rddreg [dreg:$0x0];
	s2 =	stileid.u32  }
0x146: {  	s1 =	rddreg [dreg:$0x1];
	p0 =	sne.s32 s2, $0x0  }
0x147: {  	s3 =	rddreg [dreg:$0x2];
	[bflag:$0x3] =	sbarrier.arrive $0xFFFF;
	s2 =	simm.s32 @!p0 $0x1C05  }
0x148: {  	[timem:s3], [sflag:s2] =	dma.local @!p0 [hbm:s0], s1  }
0x149: {  	s0 =	simm.s32 @!p0 $0x5  }
0x14a: {  	_ =	swait.ge @!p0 [sflag:s0], s1  }
0x14b: {  	s1 =	ssub.s32 @!p0 $0x0, s1;
	[sflag:s0] =	ssyncset.done @!p0 $0x0  }
0x14c: {  	[sflag:s0] =	ssyncadd.s32 @!p0 s1  }
0x14d: {  	[bflag:$0x3] =	sbarrier.arrive $0xFFFF  }
0x14e: {  	_ =	shalt  }

// kernel: kernel.16.cloned.1.call-start
scs
__scs_entry_jumppad:
0x0: {  	(pc) =	sbr.rel $0x88, $3  }
0x1: {  	(tag) =	ssettag $0x0;
	lr =	simm.s32 $0x1  }
0x2: {  	[smem:$0x3F8D] =	sst lr;
	_ =	strace $0xD0000000  }
0x3: {  	_ = 	snop  }
0x4: {  	_ = 	snop  }
0x5: {  	_ = 	snop  }
0x6: {  	_ = 	snop  }
0x7: {  	_ = 	snop  }
__scs_overlays_trampoline_lowered:
0x8: {  	[smem:$0x3F9C] =	sst s0  }
0x9: {  	[smem:$0x3F9D] =	sst s1  }
0xa: {  	[smem:$0x3F9E] =	sst s2  }
0xb: {  	[smem:$0x3F9F] =	sst s3  }
0xc: {  	[smem:$0x3FA0] =	sst s4  }
0xd: {  	[smem:$0x3FA1] =	sst s5  }
0xe: {  	[smem:$0x3FA2] =	sst s6  }
0xf: {  	[smem:$0x3FA3] =	sst s7  }
0x10: {  	[smem:$0x3FA4] =	sst s8  }
0x11: {  	[smem:$0x3FA5] =	sst s9;
	s0 =	simm.s32 @!p0 $0x0  }
0x12: {  	s1 =	sld [smem:$0x3F8B];
	s0 =	simm.s32 @p0 $0x1  }
0x13: {  	[smem:$0x3FA6] =	sst s0;
	s0 =	simm.s32 @!p1 $0x0  }
0x14: {  	s2 =	sld [smem:$0x3F8A];
	s0 =	simm.s32 @p1 $0x1  }
0x15: {  	[smem:$0x3FA7] =	sst s0;
	s0 =	simm.s32 @!p2 $0x0  }
0x16: {  	s3 =	sld [smem:$0x3FDB];
	s0 =	simm.s32 @p2 $0x1  }
0x17: {  	s4 =	simm.s32 $0x1BF5;
	[smem:$0x3FA9] =	sst s0  }
0x18: {  	s0 =	sld [smem:$0x3F8C];
	_ =	swait.ge [sflag:s4], $0x0  }
0x19: {  	s7 =	sld [smem:$0x3F8D]  }
0x1a: {  	s8 =	sadd.s32 $0xFFFFE003, lr  }
0x1b: {  	s9 =	sadd.s32 $0xFFFFFEF7, lr;
	s5 =	simm.s32 $0xFFFFFFFF;
	p2 =	slt.u32 s8, $0xFFFFF086  }
0x1c: {  	p1 =	slt.u32 s9, $0xF7A;
	s5 =	simm.s32 @!p2 $0x0  }
0x1d: {  	s5 =	simm.s32 @p1 $0x1;
	p0 =	seq.s32 s7, s2  }
0x1e: {  	s7 =	smul.u32 @!p0 $0xF7A, s2;
	p2 =	seq.s32 @!p0 s5, $0x0  }
0x1f: {  	s9 =	smul.u32 $0xF7A, s1;
	s8 =	simm.s32 @!p0 $0x1BF5;
	p2 =	por !p2, p0  }
0x20: {  	[sflag:s8] =	ssyncset.s32 @!p0 $0xFFFFF086;
	s6 =	sadd.s32 @!p0 s3, s7;
	s7 =	simm.s32 @!p0 $0x108  }
0x21: {  	s3 =	sadd.s32 s3, s9;
	s6 =	sadd.s32 @!p0 $0x88, s6;
	s7 =	simm.s32 @p2 $0x1082  }
0x22: {  	[simem:s7], [sflag:s8] =	dma.local @!p0 [hbm:s6], $0xF7A  }
0x23: {  	s9 =	sor.u32 $0xD0000000, s2;
	s6 =	simm.s32 $0x108;
	_ =	swait.ge @!p0 [sflag:s8], $0x0  }
0x24: {  	s3 =	sadd.s32 $0x88, s3;
	s6 =	simm.s32 @!p1 $0x1082;
	[sflag:s4] =	ssyncset.s32 $0xFFFFF086  }
0x25: {  	[simem:s6], [sflag:s4] =	dma.local [hbm:s3], $0xF7A  }
0x26: {  	[smem:$0x3F8D] =	sst s1;
	(tag) =	ssettag s2;
	_ =	strace s9  }
0x27: {  	s1 =	sld [smem:$0x3F9D]  }
0x28: {  	s2 =	sld [smem:$0x3F9E]  }
0x29: {  	s4 =	sld [smem:$0x3FA0]  }
0x2a: {  	p0 =	seq.s32 s5, $0x0;
	s5 =	sld [smem:$0x3FA1]  }
0x2b: {  	s6 =	sld [smem:$0x3FA2]  }
0x2c: {  	s7 =	sld [smem:$0x3FA3]  }
0x2d: {  	s3 =	simm.s32 $0x108;
	s8 =	sld [smem:$0x3FA4]  }
0x2e: {  	s3 =	simm.s32 @!p0 $0x1082;
	s9 =	sld [smem:$0x3FA5]  }
0x2f: {  	lr =	sadd.s32 s0, s3;
	s0 =	sld [smem:$0x3F9C]  }
0x30: {  	s3 =	sld [smem:$0x3F9F]  }
0x31: {  	[smem:$0x3FA8] =	sst s10  }
0x32: {  	s10 =	sld [smem:$0x3FA6];
	_ =	sdelay $0x3  }
0x33: {  	p0 =	seq.s32 s10, $0x1;
	s10 =	sld [smem:$0x3FA8];
	_ =	sdelay $0x3  }
0x34: {  	[smem:$0x3FA8] =	sst s10  }
0x35: {  	s10 =	sld [smem:$0x3FA7];
	_ =	sdelay $0x3  }
0x36: {  	p1 =	seq.s32 s10, $0x1;
	s10 =	sld [smem:$0x3FA8];
	_ =	sdelay $0x3  }
0x37: {  	[smem:$0x3FA8] =	sst s10  }
0x38: {  	s10 =	sld [smem:$0x3FA9]  }
0x39: {  	_ = 	snop;
	(pc) =	sbr.ind lr, $3  }
0x3a: {  	_ = 	snop  }
0x3b: {  	_ = 	snop  }
0x3c: {  	p2 =	seq.s32 s10, $0x1;
	s10 =	sld [smem:$0x3FA8]  }
0x3d: {  	_ =	shalt  }
0x3e: {  	_ =	shalt  }
0x3f: {  	_ =	shalt  }
0x40: {  	_ =	shalt  }
0x41: {  	_ =	shalt  }
0x42: {  	_ =	shalt  }
0x43: {  	_ =	shalt  }
0x44: {  	_ =	shalt  }
0x45: {  	_ =	shalt  }
0x46: {  	_ =	shalt  }
0x47: {  	_ =	shalt  }
0x48: {  	_ =	shalt  }
0x49: {  	_ =	shalt  }
0x4a: {  	_ =	shalt  }
0x4b: {  	_ =	shalt  }
0x4c: {  	_ =	shalt  }
0x4d: {  	_ =	shalt  }
0x4e: {  	_ =	shalt  }
0x4f: {  	_ =	shalt  }
0x50: {  	_ =	shalt  }
0x51: {  	_ =	shalt  }
0x52: {  	_ =	shalt  }
0x53: {  	_ =	shalt  }
0x54: {  	_ =	shalt  }
0x55: {  	_ =	shalt  }
0x56: {  	_ =	shalt  }
0x57: {  	_ =	shalt  }
0x58: {  	_ =	shalt  }
0x59: {  	_ =	shalt  }
0x5a: {  	_ =	shalt  }
0x5b: {  	_ =	shalt  }
0x5c: {  	_ =	shalt  }
0x5d: {  	_ =	shalt  }
0x5e: {  	_ =	shalt  }
0x5f: {  	_ =	shalt  }
0x60: {  	_ =	shalt  }
0x61: {  	_ =	shalt  }
0x62: {  	_ =	shalt  }
0x63: {  	_ =	shalt  }
0x64: {  	_ =	shalt  }
0x65: {  	_ =	shalt  }
0x66: {  	_ =	shalt  }
0x67: {  	_ =	shalt  }
0x68: {  	_ =	shalt  }
0x69: {  	_ =	shalt  }
0x6a: {  	_ =	shalt  }
0x6b: {  	_ =	shalt  }
0x6c: {  	_ =	shalt  }
0x6d: {  	_ =	shalt  }
0x6e: {  	_ =	shalt  }
0x6f: {  	_ =	shalt  }
0x70: {  	_ =	shalt  }
0x71: {  	_ =	shalt  }
0x72: {  	_ =	shalt  }
0x73: {  	_ =	shalt  }
0x74: {  	_ =	shalt  }
0x75: {  	_ =	shalt  }
0x76: {  	_ =	shalt  }
0x77: {  	_ =	shalt  }
0x78: {  	_ =	shalt  }
0x79: {  	_ =	shalt  }
0x7a: {  	_ =	shalt  }
0x7b: {  	_ =	shalt  }
0x7c: {  	_ =	shalt  }
0x7d: {  	_ =	shalt  }
0x7e: {  	_ =	shalt  }
0x7f: {  	_ =	shalt  }
0x80: {  	_ =	shalt  }
0x81: {  	_ =	shalt  }
0x82: {  	_ =	shalt  }
0x83: {  	_ =	shalt  }
0x84: {  	_ =	shalt  }
0x85: {  	_ =	shalt  }
0x86: {  	_ =	shalt  }
0x87: {  	_ =	shalt  }
.Lfunc_end0:
.L_simem_size_0:
called_computation.2_lowered:
.L_overlay_start_0:
0x88: {  	s2 =	sld [smem:$0x3FD9]  }
0x89: {  	s3 =	sld [smem:$0x3FFE];
	_ =	sdelay $0x1  }
0x8a: {  	s1 =	srdreg.scid  }
0x8b: {  	s0 =	sand.u32 $0x1, s1  }
0x8c: {  	s16 =	sshll.u32 s0, $0xA;
	s2 =	sadd.s32 s3, s2  }
0x8d: {  	s2 =	sadd.s32 s2, s16  }
0x8e: {  	[smem:$0x3FB4] =	sst s2  }
0x8f: {  	_ = 	snop  }
0x90: {  	(tm) =	ssettm $0x1  }
0x91: {  	s17 =	sld [smem:$0x3FFB];
	_ =	sdelay $0x3  }
0x92: {  	_ =	strace s17  }
0x93: {  	s2 =	sld [smem:$0x3FFC];
	_ =	sdelay $0x3  }
0x94: {  	_ =	strace s2  }
0x95: {  	s2 =	sld [smem:$0x3FFD];
	_ =	sdelay $0x3  }
0x96: {  	_ =	strace s2  }
0x97: {  	_ =	strace $0x8FFFFFFF  }
0x98: {  	s18 =	sld [smem:$0x3FDB];
	_ =	sdelay $0x1  }
0x99: {  	s19 =	simm.s32 $_scs_section_size  }
0x9a: {  	s4 =	simm.s32 $_size__tile_overlayer_lowered;
	s5 =	simm.s32 $_tile_overlayer_lowered  }
0x9b: {  	s22 =	simm.s32 $0x1BFF;
	s21 =	sshll.u32 s5, $0x1;
	s2 =	sadd.s32 s19, s18  }
0x9c: {  	s6 =	simm.s32 $0x0;
	s20 =	sshll.u32 s4, $0x1;
	s4 =	sadd.s32 s21, s2  }
0x9d: {  	[timem:s6], [sflag:s22] =	dma.local [hbm:s4], s20  }
0x9e: {  	_ =	swait.ge [sflag:s22], s20  }
0x9f: {  	s3 =	ssub.s32 $0x0, s20;
	[sflag:s22] =	ssyncset.done $0x0  }
0xa0: {  	[sflag:s22] =	ssyncadd.s32 s3;
	_ =	sdelay $0x1  }
0xa1: {  	s23 =	simm.s32 $0x1B8B  }
0xa2: {  	_ =	swait.ge [sflag:s23], $0x1  }
0xa3: {  	[sflag:s23] =	ssyncset.done $0x0  }
0xa4: {  	s25 =	simm.s32 $0x1B8E;
	s24 =	sld [smem:$0x3FFE];
	[sflag:s23] =	ssyncadd.s32 $0xFFFFFFFF  }
0xa5: {  	s26 =	simm.s32 $execute0_lowered;
	[smem:$0x3FD2] =	sst s25  }
0xa6: {  	s4 =	sshll.u32 s26, $0x1;
	_ =	strace $0x8000004C;
	[dreg:$0x1] =	wrdreg $0xFFFFFFFF  }
0xa7: {  	s28 =	simm.s32 $_size_execute0_lowered;
	s2 =	sadd.s32 s2, s4;
	[dreg:$0x0] =	wrdreg $0x0  }
0xa8: {  	s4 =	sshll.u32 s28, $0x1;
	[dreg:$0x2] =	wrdreg s2  }
0xa9: {  	[dreg:$0x3] =	wrdreg s4  }
0xaa: {  	[dreg:$0x4] =	wrdreg $0xC0  }
0xab: {  	_ =	task [dreg:s6], $0x5FFFF  }
0xac: {  	[dreg:$0x1] =	wrdreg $0xFFFFFFFF  }
0xad: {  	[dreg:$0x0] =	wrdreg $0x60  }
0xae: {  	[dreg:$0x2] =	wrdreg s24  }
0xaf: {  	[dreg:$0x3] =	wrdreg $0x0  }
0xb0: {  	[dreg:$0x4] =	wrdreg $0x9  }
0xb1: {  	_ =	task.clear_ibuf [dreg:s6], $0x5FFFF;
	_ =	strace $0x9000004C  }
0xb2: {  	s29 =	simm.s32 $0x9;
	_ =	strace $0x8000004E  }
0xb3: {  	_ =	swait.ge [sflag:s29], $0x1  }
0xb4: {  	[sflag:s29] =	ssyncadd.s32 $0xFFFFFFFF  }
0xb5: {  	_ =	strace $0x9000004E  }
0xb6: {  	_ =	sfence  }
0xb7: {  	s30 =	sld [smem:$0x0];
	_ =	sdelay $0x2  }
0xb8: {  	s31 =	sshll.u32 s1, $0xD;
	s1 =	sshrl.u32 s1, $0x2  }
0xb9: {  	s3 =	sand.u32 $0x4000, s31;
	s1 =	sadd.s32 s1, s30  }
0xba: {  	s0 =	sor.u32 s3, s0;
	s1 =	sshll.u32 s1, $0x11  }
0xbb: {  	s0 =	sor.u32 s1, s0  }
0xbc: {  	s0 =	sadd.s32 $0x8F2B, s0  }
0xbd: {  	[sflag:s0] =	ssyncadd.remote.s32 $0x1  }
0xbe: {  	_ =	sfence.sel $0xFFFF  }
0xbf: {  	[dreg:$0x0] =	wrdreg $0xFFFFFFFF;
	(pc) =	sbr.abs _section_cstart, $3  }
0xc0: {  	[dreg:$0x1] =	wrdreg $0xFFFFFFFF  }
0xc1: {  	_ =	task.clear_ibuf [dreg:s6], $0x2FFFF;
	_ =	strace $0x9FFFFFFF  }
0xc2: {  	(tm) =	ssettm $0x7FFFFFFF  }
0xc3: {  	_ =	shalt  }
tec
execute0_lowered:
.L_overlay_start_1:
0x0: {  	(tag) =	ssettag $0x1  }
0x1: {  	s0 =	srdreg.scid  }
0x2: {  	s22 =	stileid.u32;
	s4 =	rddreg [dreg:$0x0];
	s1 =	simm.s32 $0x0  }
0x3: {  	s3 =	sand.u32 $0x1, s0;
	s6 =	sor.u32 $0x10, s22;
	s2 =	smul.u32 $0x2800, s22  }
0x4: {  	s14 =	sshll.u32 s22, $0x1;
	[smem:$0x7FF] =	sst s1;
	s7 =	smul.u32 $0xA000, s6  }
0x5: {  	s8 =	sadd.s32 $0x91A00, s4;
	s11 =	sor.u32 $0x30, s22;
	s10 =	smul.u32 $0x138800, s3  }
0x6: {  	s0 =	sor.u32 s3, s14;
	s15 =	ssub.s32 $0x2, s3;
	s3 =	smul.u32 $0x2800, s6  }
0x7: {  	s13 =	sor.u32 $0x40, s22;
	p0 =	sgt.u32 s22, $0xC;
	s18 =	smul.u32 $0x2800, s11  }
0x8: {  	s6 =	sor.u32 $0x50, s22;
	s11 =	smul.u32 $0xA000, s11;
	s9 =	sshrl.u32 s15, $0x1  }
0x9: {  	s14 =	sor.u32 $0x60, s22;
	s5 =	smul.u32 $0x2800, s0;
	s0 =	ssub.s32 s15, s9  }
0xa: {  	s9 =	sor.u32 $0x20, s22;
	s15 =	sor.u32 $0x70, s22;
	s12 =	sadd.s32 s2, s10  }
0xb: {  	s16 =	sadd.s32 s10, s3;
	s20 =	sadd.s32 s10, s18;
	s17 =	smul.u32 $0x2800, s9  }
0xc: {  	s7 =	sshrl.u32 s7, $0x2;
	s21 =	sshrl.u32 s20, $0x3;
	s20 =	smul.u32 $0x2800, s14  }
0xd: {  	s11 =	sshrl.u32 s11, $0x2;
	s12 =	sshrl.u32 s12, $0x3;
	s29 =	smul.u32 $0x2800, s15  }
0xe: {  	s16 =	sshrl.u32 s16, $0x3;
	s5 =	sshrl.u32 s5, $0x3;
	s9 =	smul.u32 $0xA000, s9  }
0xf: {  	s30 =	smax.u32 s0, $0x1;
	s12 =	sadd.s32 s8, s12;
	s16 =	sadd.s32 s8, s16  }
0x10: {  	s5 =	sadd.s32 s5, s4;
	[dreg:$0x4] =	wrdreg s16;
	s16 =	smul.u32 $0x2800, s6  }
0x11: {  	[dreg:$0x3] =	wrdreg s12;
	s19 =	sadd.s32 s10, s17;
	s6 =	smul.u32 $0xA000, s6  }
0x12: {  	s25 =	sadd.s32 s10, s20;
	s12 =	sshrl.u32 s19, $0x3;
	s19 =	smul.u32 $0x2800, s13  }
0x13: {  	s31 =	sadd.s32 $0x6800, s5;
	s26 =	sshrl.u32 s25, $0x3;
	s25 =	smul.u32 $0xA000, s13  }
0x14: {  	s0 =	sadd.s32 $0x6A80, s5;
	s13 =	smul.u32 $0xA000, s15;
	s12 =	sadd.s32 s8, s12  }
0x15: {  	[dreg:$0x5] =	wrdreg s12;
	s12 =	sadd.s32 s8, s21;
	s23 =	sadd.s32 s10, s19  }
0x16: {  	s21 =	sadd.s32 s10, s16;
	s10 =	sadd.s32 s10, s29;
	[dreg:$0x6] =	wrdreg s12  }
0x17: {  	s12 =	sshrl.u32 s23, $0x3;
	s24 =	sshrl.u32 s21, $0x3;
	s21 =	sshrl.u32 s10, $0x3  }
0x18: {  	s10 =	rddreg [dreg:$0x1];
	s23 =	smul.u32 $0xA000, s22;
	s12 =	sadd.s32 s8, s12  }
0x19: {  	s7 =	sadd.s32 s7, s10;
	s2 =	sadd.s32 s2, s10;
	s28 =	sadd.s32 s20, s10  }
0x1a: {  	s29 =	sadd.s32 s29, s10;
	[dreg:$0x7] =	wrdreg s12;
	s12 =	sadd.s32 s8, s24  }
0x1b: {  	[dreg:$0x8] =	wrdreg s12;
	s12 =	sadd.s32 s8, s26;
	s8 =	sadd.s32 s8, s21  }
0x1c: {  	s26 =	sshrl.u32 s9, $0x2;
	s9 =	smul.u32 $0xA000, s14;
	s14 =	sshrl.u32 s6, $0x2  }
0x1d: {  	s21 =	sshrl.u32 s13, $0x2;
	s6 =	simm.s32 $0x5;
	[dreg:$0x9] =	wrdreg s12  }
0x1e: {  	s13 =	simm.s32 $0x2;
	[dreg:$0xa] =	wrdreg s8;
	s8 =	sshrl.u32 s23, $0x2  }
0x1f: {  	s12 =	sadd.s32 $0x6A800, s4;
	s4 =	sshrl.u32 s25, $0x2;
	s23 =	sadd.s32 s21, s10  }
0x20: {  	s25 =	sadd.s32 s17, s10;
	_ =	strace $0x8000004D;
	[dreg:$0xc] =	wrdreg s7  }
0x21: {  	s17 =	simm.s32 $0x3;
	s24 =	sadd.s32 s8, s10;
	[dreg:$0x12] =	wrdreg s23  }
0x22: {  	s8 =	sadd.s32 s26, s10;
	s4 =	sadd.s32 s4, s10;
	[dreg:$0x13] =	wrdreg s2  }
0x23: {  	s15 =	sshrl.u32 s9, $0x2;
	[dreg:$0x15] =	wrdreg s25;
	s26 =	sadd.s32 s18, s10  }
0x24: {  	s25 =	sadd.s32 s19, s10;
	s2 =	sadd.s32 $0x10A80, s5;
	s7 =	simm.s32 $0x14E80  }
0x25: {  	s9 =	simm.s32 $0x80;
	s18 =	simm.s32 $0x4;
	[dreg:$0xb] =	wrdreg s24  }
0x26: {  	s19 =	simm.s32 $0x0;
	[dreg:$0xd] =	wrdreg s8;
	s8 =	sadd.s32 s11, s10  }
0x27: {  	[dreg:$0xf] =	wrdreg s4;
	s4 =	sadd.s32 s14, s10;
	s24 =	sadd.s32 s3, s10  }
0x28: {  	[dreg:$0x16] =	wrdreg s26;
	s26 =	sadd.s32 s16, s10;
	s3 =	simm.s32 $0x16280  }
0x29: {  	s11 =	simm.s32 $0x1A280;
	s14 =	simm.s32 $0x14E00;
	[dreg:$0xe] =	wrdreg s8  }
0x2a: {  	s16 =	simm.s32 $0x16200;
	[dreg:$0x10] =	wrdreg s4;
	s4 =	sadd.s32 s15, s10  }
0x2b: {  	[dreg:$0x14] =	wrdreg s24;
	s8 =	sadd.s32 $0x10800, s5;
	s5 =	simm.s32 $0x13A80  }
0x2c: {  	v0 =	vimm.f32 $0.0e+00;
	s15 =	simm.s32 $0x16180;
	[dreg:$0x11] =	wrdreg s4;
	s4 =	simm.s32 $0x1  }
.LBB2_1:
0x2d: {  	s20 =	simm.s32 $0x0;
	s21 =	simm.s32 $0x200  }
.LBB2_2:
0x2e: {  	p1 =	sne.s32 s21, $0x9E00;
	[tilespmem:s20+$0x162F0] =	vst v0  }
0x2f: {  	[tilespmem:s20+$0x16280] =	vst v0  }
0x30: {  	[tilespmem:s20+$0x16290] =	vst v0  }
.Ltmp0:
0x31: {  	[tilespmem:s20+$0x162A0] =	vst v0;
	(pc) =	sbr.rel @p1 .LBB2_2-.Ltmp0, $4  }
0x32: {  	[tilespmem:s20+$0x162B0] =	vst v0  }
0x33: {  	[tilespmem:s20+$0x162C0] =	vst v0  }
0x34: {  	[tilespmem:s20+$0x162D0] =	vst v0  }
0x35: {  	[tilespmem:s20+$0x162E0] =	vst v0;
	s20 =	sshra.s32 s21, $0x2;
	s21 =	sadd.s32 $0x200, s21  }
0x36: {  	[tilespmem:s20+$0x162F0] =	vst v0  }
0x37: {  	[tilespmem:s20+$0x16280] =	vst v0  }
0x38: {  	[tilespmem:s20+$0x16290] =	vst v0  }
0x39: {  	[tilespmem:s20+$0x162A0] =	vst v0  }
0x3a: {  	[tilespmem:s20+$0x162B0] =	vst v0  }
0x3b: {  	[tilespmem:s20+$0x162C0] =	vst v0  }
0x3c: {  	[tilespmem:s20+$0x162D0] =	vst v0  }
0x3d: {  	[tilespmem:s20+$0x162E0] =	vst v0;
	s21 =	rddreg [dreg:$0xb]  }
0x3e: {  	[spmem:s21] =	stream.linear.scatter [tilespmem:s3], [sflag:$0x1], $0x2800, $0x38;
	[tilespmem:$0x1E280] =	vst v63  }
0x3f: {  	s22 =	rddreg [dreg:$0xc]  }
0x40: {  	[spmem:s22] =	stream.linear.scatter [tilespmem:s3], [sflag:$0x1], $0x2800, $0x38;
	[tilespmem:$0x1E280] =	vst v63  }
0x41: {  	s23 =	rddreg [dreg:$0xd]  }
0x42: {  	[spmem:s23] =	stream.linear.scatter [tilespmem:s3], [sflag:$0x1], $0x2800, $0x38;
	[tilespmem:$0x1E280] =	vst v63  }
0x43: {  	s24 =	rddreg [dreg:$0xe]  }
0x44: {  	[spmem:s24] =	stream.linear.scatter [tilespmem:s3], [sflag:$0x1], $0x2800, $0x38;
	[tilespmem:$0x1E280] =	vst v63  }
0x45: {  	s21 =	rddreg [dreg:$0xf]  }
0x46: {  	[spmem:s21] =	stream.linear.scatter [tilespmem:s3], [sflag:$0x1], $0x2800, $0x38;
	[tilespmem:$0x1E280] =	vst v63  }
0x47: {  	s22 =	rddreg [dreg:$0x10]  }
0x48: {  	[spmem:s22] =	stream.linear.scatter [tilespmem:s3], [sflag:$0x1], $0x2800, $0x38;
	[tilespmem:$0x1E280] =	vst v63  }
0x49: {  	s23 =	rddreg [dreg:$0x11]  }
0x4a: {  	[spmem:s23] =	stream.linear.scatter [tilespmem:s3], [sflag:$0x1], $0x2800, $0x38;
	[tilespmem:$0x1E280] =	vst v63  }
0x4b: {  	s20 =	simm.s32 @!p0 $0x16280;
	s21 =	rddreg [dreg:$0x12]  }
0x4c: {  	[spmem:s21] =	stream.linear.scatter @!p0 [tilespmem:s20], [sflag:$0x1], $0x2800, $0x38;
	[tilespmem:$0x1E280] =	vst v63  }
0x4d: {  	_ =	swait.ge [sflag:s4], $0x2800  }
0x4e: {  	[sflag:s4] =	ssyncset.done $0x0  }
0x4f: {  	[sflag:s4] =	ssyncadd.s32 $0xFFFFD800  }
0x50: {  	_ =	swait.ge [sflag:s4], $0x2800  }
0x51: {  	[sflag:s4] =	ssyncset.done $0x0  }
0x52: {  	[sflag:s4] =	ssyncadd.s32 $0xFFFFD800  }
0x53: {  	_ =	swait.ge [sflag:s4], $0x2800  }
0x54: {  	[sflag:s4] =	ssyncset.done $0x0  }
0x55: {  	[sflag:s4] =	ssyncadd.s32 $0xFFFFD800  }
0x56: {  	_ =	swait.ge [sflag:s4], $0x2800  }
0x57: {  	[sflag:s4] =	ssyncset.done $0x0  }
0x58: {  	[sflag:s4] =	ssyncadd.s32 $0xFFFFD800  }
0x59: {  	_ =	swait.ge [sflag:s4], $0x2800  }
0x5a: {  	[sflag:s4] =	ssyncset.done $0x0  }
0x5b: {  	[sflag:s4] =	ssyncadd.s32 $0xFFFFD800  }
0x5c: {  	_ =	swait.ge [sflag:s4], $0x2800  }
0x5d: {  	[sflag:s4] =	ssyncset.done $0x0  }
0x5e: {  	[sflag:s4] =	ssyncadd.s32 $0xFFFFD800  }
0x5f: {  	_ =	swait.ge [sflag:s4], $0x2800  }
0x60: {  	[sflag:s4] =	ssyncset.done $0x0  }
0x61: {  	s20 =	simm.s32 @!p0 $0x1;
	[sflag:s4] =	ssyncadd.s32 $0xFFFFD800  }
0x62: {  	_ =	swait.ge @!p0 [sflag:s20], $0x2800  }
0x63: {  	[sflag:s20] =	ssyncset.done @!p0 $0x0  }
0x64: {  	[sflag:s20] =	ssyncadd.s32 @!p0 $0xFFFFD800  }
0x65: {  	s24 =	simm.s32 $0x0;
	[bflag:$0x0] =	sbarrier.arrive $0xFFFF  }
0x66: {  	[tilespmem:s5], [sflag:$0x5] =	stream.linear.gather [hbm4b:s31+s24], $0x1400, $0x38;
	[tilespmem:$0x1E280] =	vst v63  }
0x67: {  	_ =	swait.ge [sflag:s6], $0x1400  }
0x68: {  	[sflag:s6] =	ssyncset.done $0x0  }
0x69: {  	[sflag:s6] =	ssyncadd.s32 $0xFFFFEC00  }
0x6a: {  	[tilespmem:s7], [sflag:$0x5] =	stream.linear.gather [hbm4b:s8+s24], $0x1400, $0x38;
	[tilespmem:$0x1E280] =	vst v63  }
0x6b: {  	_ =	swait.ge [sflag:s6], $0x1400  }
0x6c: {  	[sflag:s6] =	ssyncset.done $0x0  }
0x6d: {  	[sflag:s6] =	ssyncadd.s32 $0xFFFFEC00  }
0x6e: {  	[tilespmem:s3], [sflag:$0x1] =	stream.indirect.gather [hbm4b:s12+s9], $0x80, s5, s9, $0xb8;
	[tilespmem:$0x1E280] =	vst v63  }
0x6f: {  	s21 =	simm.s32 $0x13B00  }
0x70: {  	[tilespmem:s11], [sflag:$0x2] =	stream.indirect.gather [hbm4b:s12+s9], $0x80, s21, s9, $0xb8;
	[tilespmem:$0x1E280] =	vst v63  }
0x71: {  	_ =	swait.ge [sflag:s4], $0x4000  }
0x72: {  	[sflag:s4] =	ssyncset.done $0x0  }
0x73: {  	s22 =	simm.s32 $0x14E80;
	[sflag:s4] =	ssyncadd.s32 $0xFFFFC000  }
0x74: {  	[spmem:s10] =	stream.indirect.scatter.add.f32 [tilespmem:s3], [sflag:$0x5], $0x80, s22, s9, $0xb8;
	[tilespmem:$0x1E280] =	vst v63  }
0x75: {  	_ =	swait.ge [sflag:s6], $0x4000  }
0x76: {  	[sflag:s6] =	ssyncset.done $0x0  }
0x77: {  	s23 =	simm.s32 $0x13B80;
	[sflag:s6] =	ssyncadd.s32 $0xFFFFC000  }
0x78: {  	[tilespmem:s3], [sflag:$0x1] =	stream.indirect.gather [hbm4b:s12+s9], $0x80, s23, s9, $0xb8;
	[tilespmem:$0x1E280] =	vst v63  }
0x79: {  	_ =	swait.ge [sflag:s13], $0x4000  }
0x7a: {  	[sflag:s13] =	ssyncset.done $0x0  }
0x7b: {  	s24 =	simm.s32 $0x14F00;
	[sflag:s13] =	ssyncadd.s32 $0xFFFFC000  }
0x7c: {  	[spmem:s10] =	stream.indirect.scatter.add.f32 [tilespmem:s11], [sflag:$0x5], $0x80, s24, s9, $0xb8;
	[tilespmem:$0x1E280] =	vst v63  }
0x7d: {  	_ =	swait.ge [sflag:s6], $0x4000  }
0x7e: {  	s20 =	simm.s32 $0x100;
	s21 =	simm.s32 $0x800;
	[sflag:s6] =	ssyncset.done $0x0  }
.LBB2_4:
0x7f: {  	s22 =	sadd.s32 $0x13B00, s20  }
0x80: {  	[sflag:s6] =	ssyncadd.s32 $0xFFFFC000;
	s23 =	smov.u32 s21;
	s24 =	sadd.s32 $0x400, s21  }
0x81: {  	[tilespmem:s11], [sflag:$0x2] =	stream.indirect.gather [hbm4b:s12+s9], $0x80, s22, s9, $0xb8;
	[tilespmem:$0x1E280] =	vst v63  }
0x82: {  	p1 =	sne.s32 s21, $0x4800;
	_ =	swait.ge [sflag:s4], $0x4000  }
0x83: {  	[sflag:s4] =	ssyncset.done $0x0  }
0x84: {  	s21 =	sadd.s32 $0x14E80, s20;
	[sflag:s4] =	ssyncadd.s32 $0xFFFFC000  }
0x85: {  	[spmem:s10] =	stream.indirect.scatter.add.f32 [tilespmem:s3], [sflag:$0x5], $0x80, s21, s9, $0xb8;
	[tilespmem:$0x1E280] =	vst v63  }
0x86: {  	_ =	swait.ge [sflag:s6], $0x4000  }
0x87: {  	[sflag:s6] =	ssyncset.done $0x0  }
0x88: {  	s21 =	sadd.s32 $0x13B80, s20;
	[sflag:s6] =	ssyncadd.s32 $0xFFFFC000  }
0x89: {  	[tilespmem:s3], [sflag:$0x1] =	stream.indirect.gather [hbm4b:s12+s9], $0x80, s21, s9, $0xb8;
	[tilespmem:$0x1E280] =	vst v63  }
0x8a: {  	_ =	swait.ge [sflag:s13], $0x4000  }
.Ltmp1:
0x8b: {  	[sflag:s13] =	ssyncset.done $0x0;
	(pc) =	sbr.rel @p1 .LBB2_4-.Ltmp1, $4  }
0x8c: {  	s20 =	sadd.s32 $0x14F00, s20;
	[sflag:s13] =	ssyncadd.s32 $0xFFFFC000  }
0x8d: {  	[spmem:s10] =	stream.indirect.scatter.add.f32 [tilespmem:s11], [sflag:$0x5], $0x80, s20, s9, $0xb8;
	[tilespmem:$0x1E280] =	vst v63  }
0x8e: {  	_ =	swait.ge [sflag:s6], $0x4000  }
0x8f: {  	s21 =	smov.u32 s24;
	s20 =	sshra.s32 s23, $0x2;
	[sflag:s6] =	ssyncset.done $0x0  }
0x90: {  	s21 =	sadd.s32 $0x13B00, s20;
	[sflag:s6] =	ssyncadd.s32 $0xFFFFC000  }
0x91: {  	[tilespmem:s11], [sflag:$0x2] =	stream.indirect.gather [hbm4b:s12+s9], $0x80, s21, s9, $0xb8;
	[tilespmem:$0x1E280] =	vst v63  }
0x92: {  	_ =	swait.ge [sflag:s4], $0x4000  }
0x93: {  	[sflag:s4] =	ssyncset.done $0x0  }
0x94: {  	s24 =	sadd.s32 $0x14E80, s20;
	[sflag:s4] =	ssyncadd.s32 $0xFFFFC000  }
0x95: {  	[spmem:s10] =	stream.indirect.scatter.add.f32 [tilespmem:s3], [sflag:$0x5], $0x80, s24, s9, $0xb8;
	[tilespmem:$0x1E280] =	vst v63  }
0x96: {  	_ =	swait.ge [sflag:s6], $0x4000  }
0x97: {  	[sflag:s6] =	ssyncset.done $0x0  }
0x98: {  	s22 =	sadd.s32 $0x13B80, s20;
	[sflag:s6] =	ssyncadd.s32 $0xFFFFC000  }
0x99: {  	[tilespmem:s3], [sflag:$0x1] =	stream.indirect.gather [hbm4b:s12+s9], $0x80, s22, s9, $0xb8;
	[tilespmem:$0x1E280] =	vst v63  }
0x9a: {  	_ =	swait.ge [sflag:s13], $0x4000  }
0x9b: {  	[sflag:s13] =	ssyncset.done $0x0  }
0x9c: {  	s23 =	sadd.s32 $0x14F00, s20;
	[sflag:s13] =	ssyncadd.s32 $0xFFFFC000  }
0x9d: {  	[spmem:s10] =	stream.indirect.scatter.add.f32 [tilespmem:s11], [sflag:$0x5], $0x80, s23, s9, $0xb8;
	[tilespmem:$0x1E280] =	vst v63  }
0x9e: {  	_ =	swait.ge [sflag:s6], $0x4000  }
0x9f: {  	[sflag:s6] =	ssyncset.done $0x0  }
0xa0: {  	[sflag:s6] =	ssyncadd.s32 $0xFFFFC000  }
0xa1: {  	[tilespmem:s11], [sflag:$0x2] =	stream.indirect.gather [hbm4b:s12+s9], $0x80, s14, s9, $0xb8;
	[tilespmem:$0x1E280] =	vst v63  }
0xa2: {  	_ =	swait.ge [sflag:s4], $0x4000  }
0xa3: {  	[sflag:s4] =	ssyncset.done $0x0  }
0xa4: {  	[sflag:s4] =	ssyncadd.s32 $0xFFFFC000  }
0xa5: {  	[spmem:s10] =	stream.indirect.scatter.add.f32 [tilespmem:s3], [sflag:$0x5], $0x80, s15, s9, $0xb8;
	[tilespmem:$0x1E280] =	vst v63  }
0xa6: {  	_ =	swait.ge [sflag:s6], $0x4000  }
0xa7: {  	[sflag:s6] =	ssyncset.done $0x0  }
0xa8: {  	[sflag:s6] =	ssyncadd.s32 $0xFFFFC000  }
0xa9: {  	_ =	swait.ge [sflag:s13], $0x4000  }
0xaa: {  	[sflag:s13] =	ssyncset.done $0x0  }
0xab: {  	[sflag:s13] =	ssyncadd.s32 $0xFFFFC000  }
0xac: {  	[spmem:s10] =	stream.indirect.scatter.add.f32 [tilespmem:s11], [sflag:$0x5], $0x80, s16, s9, $0xb8;
	[tilespmem:$0x1E280] =	vst v63  }
0xad: {  	_ =	swait.ge [sflag:s6], $0x4000  }
0xae: {  	[sflag:s6] =	ssyncset.done $0x0  }
0xaf: {  	s24 =	simm.s32 $0x0;
	[sflag:s6] =	ssyncadd.s32 $0xFFFFC000  }
0xb0: {  	[tilespmem:s5], [sflag:$0x5] =	stream.linear.gather [hbm4b:s0+s24], $0x1400, $0x38;
	[tilespmem:$0x1E280] =	vst v63  }
0xb1: {  	_ =	swait.ge [sflag:s6], $0x1400  }
0xb2: {  	[sflag:s6] =	ssyncset.done $0x0  }
0xb3: {  	[sflag:s6] =	ssyncadd.s32 $0xFFFFEC00  }
0xb4: {  	[tilespmem:s7], [sflag:$0x5] =	stream.linear.gather [hbm4b:s2+s24], $0x1400, $0x38;
	[tilespmem:$0x1E280] =	vst v63  }
0xb5: {  	_ =	swait.ge [sflag:s6], $0x1400  }
0xb6: {  	[sflag:s6] =	ssyncset.done $0x0  }
0xb7: {  	[sflag:s6] =	ssyncadd.s32 $0xFFFFEC00  }
0xb8: {  	[tilespmem:s3], [sflag:$0x1] =	stream.indirect.gather [hbm4b:s12+s9], $0x80, s5, s9, $0xb8;
	[tilespmem:$0x1E280] =	vst v63  }
0xb9: {  	s21 =	simm.s32 $0x13B00  }
0xba: {  	[tilespmem:s11], [sflag:$0x2] =	stream.indirect.gather [hbm4b:s12+s9], $0x80, s21, s9, $0xb8;
	[tilespmem:$0x1E280] =	vst v63  }
0xbb: {  	_ =	swait.ge [sflag:s4], $0x4000  }
0xbc: {  	[sflag:s4] =	ssyncset.done $0x0  }
0xbd: {  	s22 =	simm.s32 $0x14E80;
	[sflag:s4] =	ssyncadd.s32 $0xFFFFC000  }
0xbe: {  	[spmem:s10] =	stream.indirect.scatter.add.f32 [tilespmem:s3], [sflag:$0x5], $0x80, s22, s9, $0xb8;
	[tilespmem:$0x1E280] =	vst v63  }
0xbf: {  	_ =	swait.ge [sflag:s6], $0x4000  }
0xc0: {  	[sflag:s6] =	ssyncset.done $0x0  }
0xc1: {  	s23 =	simm.s32 $0x13B80;
	[sflag:s6] =	ssyncadd.s32 $0xFFFFC000  }
0xc2: {  	[tilespmem:s3], [sflag:$0x1] =	stream.indirect.gather [hbm4b:s12+s9], $0x80, s23, s9, $0xb8;
	[tilespmem:$0x1E280] =	vst v63  }
0xc3: {  	_ =	swait.ge [sflag:s13], $0x4000  }
0xc4: {  	[sflag:s13] =	ssyncset.done $0x0  }
0xc5: {  	s24 =	simm.s32 $0x14F00;
	[sflag:s13] =	ssyncadd.s32 $0xFFFFC000  }
0xc6: {  	[spmem:s10] =	stream.indirect.scatter.add.f32 [tilespmem:s11], [sflag:$0x5], $0x80, s24, s9, $0xb8;
	[tilespmem:$0x1E280] =	vst v63  }
0xc7: {  	_ =	swait.ge [sflag:s6], $0x4000  }
0xc8: {  	s20 =	simm.s32 $0x100;
	s21 =	simm.s32 $0x800;
	[sflag:s6] =	ssyncset.done $0x0  }
.LBB2_6:
0xc9: {  	s22 =	sadd.s32 $0x13B00, s20  }
0xca: {  	[sflag:s6] =	ssyncadd.s32 $0xFFFFC000;
	s23 =	smov.u32 s21;
	s24 =	sadd.s32 $0x400, s21  }
0xcb: {  	[tilespmem:s11], [sflag:$0x2] =	stream.indirect.gather [hbm4b:s12+s9], $0x80, s22, s9, $0xb8;
	[tilespmem:$0x1E280] =	vst v63  }
0xcc: {  	p1 =	sne.s32 s21, $0x4800;
	_ =	swait.ge [sflag:s4], $0x4000  }
0xcd: {  	[sflag:s4] =	ssyncset.done $0x0  }
0xce: {  	s21 =	sadd.s32 $0x14E80, s20;
	[sflag:s4] =	ssyncadd.s32 $0xFFFFC000  }
0xcf: {  	[spmem:s10] =	stream.indirect.scatter.add.f32 [tilespmem:s3], [sflag:$0x5], $0x80, s21, s9, $0xb8;
	[tilespmem:$0x1E280] =	vst v63  }
0xd0: {  	_ =	swait.ge [sflag:s6], $0x4000  }
0xd1: {  	[sflag:s6] =	ssyncset.done $0x0  }
0xd2: {  	s21 =	sadd.s32 $0x13B80, s20;
	[sflag:s6] =	ssyncadd.s32 $0xFFFFC000  }
0xd3: {  	[tilespmem:s3], [sflag:$0x1] =	stream.indirect.gather [hbm4b:s12+s9], $0x80, s21, s9, $0xb8;
	[tilespmem:$0x1E280] =	vst v63  }
0xd4: {  	_ =	swait.ge [sflag:s13], $0x4000  }
.Ltmp2:
0xd5: {  	[sflag:s13] =	ssyncset.done $0x0;
	(pc) =	sbr.rel @p1 .LBB2_6-.Ltmp2, $4  }
0xd6: {  	s20 =	sadd.s32 $0x14F00, s20;
	[sflag:s13] =	ssyncadd.s32 $0xFFFFC000  }
0xd7: {  	[spmem:s10] =	stream.indirect.scatter.add.f32 [tilespmem:s11], [sflag:$0x5], $0x80, s20, s9, $0xb8;
	[tilespmem:$0x1E280] =	vst v63  }
0xd8: {  	_ =	swait.ge [sflag:s6], $0x4000  }
0xd9: {  	s21 =	smov.u32 s24;
	s20 =	sshra.s32 s23, $0x2;
	[sflag:s6] =	ssyncset.done $0x0  }
0xda: {  	s21 =	sadd.s32 $0x13B00, s20;
	[sflag:s6] =	ssyncadd.s32 $0xFFFFC000  }
0xdb: {  	[tilespmem:s11], [sflag:$0x2] =	stream.indirect.gather [hbm4b:s12+s9], $0x80, s21, s9, $0xb8;
	[tilespmem:$0x1E280] =	vst v63  }
0xdc: {  	_ =	swait.ge [sflag:s4], $0x4000  }
0xdd: {  	[sflag:s4] =	ssyncset.done $0x0  }
0xde: {  	s23 =	sadd.s32 $0x14E80, s20;
	[sflag:s4] =	ssyncadd.s32 $0xFFFFC000  }
0xdf: {  	[spmem:s10] =	stream.indirect.scatter.add.f32 [tilespmem:s3], [sflag:$0x5], $0x80, s23, s9, $0xb8;
	[tilespmem:$0x1E280] =	vst v63  }
0xe0: {  	_ =	swait.ge [sflag:s6], $0x4000  }
0xe1: {  	[sflag:s6] =	ssyncset.done $0x0  }
0xe2: {  	s24 =	sadd.s32 $0x13B80, s20;
	[sflag:s6] =	ssyncadd.s32 $0xFFFFC000  }
0xe3: {  	[tilespmem:s3], [sflag:$0x1] =	stream.indirect.gather [hbm4b:s12+s9], $0x80, s24, s9, $0xb8;
	[tilespmem:$0x1E280] =	vst v63  }
0xe4: {  	_ =	swait.ge [sflag:s13], $0x4000  }
0xe5: {  	[sflag:s13] =	ssyncset.done $0x0  }
0xe6: {  	s21 =	sadd.s32 $0x14F00, s20;
	[sflag:s13] =	ssyncadd.s32 $0xFFFFC000  }
0xe7: {  	[spmem:s10] =	stream.indirect.scatter.add.f32 [tilespmem:s11], [sflag:$0x5], $0x80, s21, s9, $0xb8;
	[tilespmem:$0x1E280] =	vst v63  }
0xe8: {  	_ =	swait.ge [sflag:s6], $0x4000  }
0xe9: {  	[sflag:s6] =	ssyncset.done $0x0  }
0xea: {  	[sflag:s6] =	ssyncadd.s32 $0xFFFFC000  }
0xeb: {  	[tilespmem:s11], [sflag:$0x2] =	stream.indirect.gather [hbm4b:s12+s9], $0x80, s14, s9, $0xb8;
	[tilespmem:$0x1E280] =	vst v63  }
0xec: {  	_ =	swait.ge [sflag:s4], $0x4000  }
0xed: {  	[sflag:s4] =	ssyncset.done $0x0  }
0xee: {  	[sflag:s4] =	ssyncadd.s32 $0xFFFFC000  }
0xef: {  	[spmem:s10] =	stream.indirect.scatter.add.f32 [tilespmem:s3], [sflag:$0x5], $0x80, s15, s9, $0xb8;
	[tilespmem:$0x1E280] =	vst v63  }
0xf0: {  	_ =	swait.ge [sflag:s6], $0x4000  }
0xf1: {  	[sflag:s6] =	ssyncset.done $0x0  }
0xf2: {  	[sflag:s6] =	ssyncadd.s32 $0xFFFFC000  }
0xf3: {  	_ =	swait.ge [sflag:s13], $0x4000  }
0xf4: {  	[sflag:s13] =	ssyncset.done $0x0  }
0xf5: {  	[sflag:s13] =	ssyncadd.s32 $0xFFFFC000  }
0xf6: {  	[spmem:s10] =	stream.indirect.scatter.add.f32 [tilespmem:s11], [sflag:$0x5], $0x80, s16, s9, $0xb8;
	[tilespmem:$0x1E280] =	vst v63  }
0xf7: {  	_ =	swait.ge [sflag:s6], $0x4000  }
0xf8: {  	[sflag:s6] =	ssyncset.done $0x0  }
0xf9: {  	[sflag:s6] =	ssyncadd.s32 $0xFFFFC000  }
0xfa: {  	[bflag:$0x0] =	sbarrier.arrive $0xFFFF  }
0xfb: {  	s22 =	rddreg [dreg:$0x13]  }
0xfc: {  	[tilespmem:s3], [sflag:$0x1] =	stream.linear.gather [spmem:s22], $0x2800, $0x38;
	[tilespmem:$0x1E280] =	vst v63  }
0xfd: {  	_ =	swait.ge [sflag:s4], $0x2800  }
0xfe: {  	[sflag:s4] =	ssyncset.done $0x0  }
0xff: {  	s23 =	rddreg [dreg:$0x3];
	[sflag:s4] =	ssyncadd.s32 $0xFFFFD800  }
0x100: {  	[hbm4b:s23+s1] =	stream.linear.scatter [tilespmem:s3], [sflag:$0x3], $0x2800, $0x38;
	[tilespmem:$0x1E280] =	vst v63  }
0x101: {  	s24 =	rddreg [dreg:$0x14]  }
0x102: {  	[tilespmem:s11], [sflag:$0x2] =	stream.linear.gather [spmem:s24], $0x2800, $0x38;
	[tilespmem:$0x1E280] =	vst v63  }
0x103: {  	_ =	swait.ge [sflag:s13], $0x2800  }
0x104: {  	[sflag:s13] =	ssyncset.done $0x0  }
0x105: {  	s21 =	rddreg [dreg:$0x4];
	[sflag:s13] =	ssyncadd.s32 $0xFFFFD800  }
0x106: {  	[hbm4b:s21+s1] =	stream.linear.scatter [tilespmem:s11], [sflag:$0x4], $0x2800, $0x38;
	[tilespmem:$0x1E280] =	vst v63  }
0x107: {  	_ =	swait.ge [sflag:s17], $0x2800  }
0x108: {  	[sflag:s17] =	ssyncset.done $0x0  }
0x109: {  	s22 =	rddreg [dreg:$0x15];
	[sflag:s17] =	ssyncadd.s32 $0xFFFFD800  }
0x10a: {  	[tilespmem:s3], [sflag:$0x1] =	stream.linear.gather [spmem:s22], $0x2800, $0x38;
	[tilespmem:$0x1E280] =	vst v63  }
0x10b: {  	_ =	swait.ge [sflag:s4], $0x2800  }
0x10c: {  	[sflag:s4] =	ssyncset.done $0x0  }
0x10d: {  	s23 =	rddreg [dreg:$0x5];
	[sflag:s4] =	ssyncadd.s32 $0xFFFFD800  }
0x10e: {  	[hbm4b:s23+s1] =	stream.linear.scatter [tilespmem:s3], [sflag:$0x3], $0x2800, $0x38;
	[tilespmem:$0x1E280] =	vst v63  }
0x10f: {  	_ =	swait.ge [sflag:s18], $0x2800  }
0x110: {  	[sflag:s18] =	ssyncset.done $0x0  }
0x111: {  	s24 =	rddreg [dreg:$0x16];
	[sflag:s18] =	ssyncadd.s32 $0xFFFFD800  }
0x112: {  	[tilespmem:s11], [sflag:$0x2] =	stream.linear.gather [spmem:s24], $0x2800, $0x38;
	[tilespmem:$0x1E280] =	vst v63  }
0x113: {  	_ =	swait.ge [sflag:s13], $0x2800  }
0x114: {  	[sflag:s13] =	ssyncset.done $0x0  }
0x115: {  	s21 =	rddreg [dreg:$0x6];
	[sflag:s13] =	ssyncadd.s32 $0xFFFFD800  }
0x116: {  	[hbm4b:s21+s1] =	stream.linear.scatter [tilespmem:s11], [sflag:$0x4], $0x2800, $0x38;
	[tilespmem:$0x1E280] =	vst v63  }
0x117: {  	_ =	swait.ge [sflag:s17], $0x2800  }
0x118: {  	[sflag:s17] =	ssyncset.done $0x0  }
0x119: {  	[sflag:s17] =	ssyncadd.s32 $0xFFFFD800  }
0x11a: {  	[tilespmem:s3], [sflag:$0x1] =	stream.linear.gather [spmem:s25], $0x2800, $0x38;
	[tilespmem:$0x1E280] =	vst v63  }
0x11b: {  	_ =	swait.ge [sflag:s4], $0x2800  }
0x11c: {  	[sflag:s4] =	ssyncset.done $0x0  }
0x11d: {  	s22 =	rddreg [dreg:$0x7];
	[sflag:s4] =	ssyncadd.s32 $0xFFFFD800  }
0x11e: {  	[hbm4b:s22+s1] =	stream.linear.scatter [tilespmem:s3], [sflag:$0x3], $0x2800, $0x38;
	[tilespmem:$0x1E280] =	vst v63  }
0x11f: {  	_ =	swait.ge [sflag:s18], $0x2800  }
0x120: {  	[sflag:s18] =	ssyncset.done $0x0  }
0x121: {  	[sflag:s18] =	ssyncadd.s32 $0xFFFFD800  }
0x122: {  	[tilespmem:s11], [sflag:$0x2] =	stream.linear.gather [spmem:s26], $0x2800, $0x38;
	[tilespmem:$0x1E280] =	vst v63  }
0x123: {  	_ =	swait.ge [sflag:s13], $0x2800  }
0x124: {  	[sflag:s13] =	ssyncset.done $0x0  }
0x125: {  	s23 =	rddreg [dreg:$0x8];
	[sflag:s13] =	ssyncadd.s32 $0xFFFFD800  }
0x126: {  	[hbm4b:s23+s1] =	stream.linear.scatter [tilespmem:s11], [sflag:$0x4], $0x2800, $0x38;
	[tilespmem:$0x1E280] =	vst v63  }
0x127: {  	_ =	swait.ge [sflag:s17], $0x2800  }
0x128: {  	[sflag:s17] =	ssyncset.done $0x0  }
0x129: {  	[sflag:s17] =	ssyncadd.s32 $0xFFFFD800  }
0x12a: {  	[tilespmem:s3], [sflag:$0x1] =	stream.linear.gather [spmem:s28], $0x2800, $0x38;
	[tilespmem:$0x1E280] =	vst v63  }
0x12b: {  	_ =	swait.ge [sflag:s4], $0x2800  }
0x12c: {  	[sflag:s4] =	ssyncset.done $0x0  }
0x12d: {  	s20 =	simm.s32 @!p0 $0x4;
	s24 =	rddreg [dreg:$0x9];
	[sflag:s4] =	ssyncadd.s32 $0xFFFFD800  }
0x12e: {  	[hbm4b:s24+s1] =	stream.linear.scatter [tilespmem:s3], [sflag:$0x3], $0x2800, $0x38;
	[tilespmem:$0x1E280] =	vst v63  }
0x12f: {  	_ =	swait.ge @!p0 [sflag:s20], $0x2800  }
0x130: {  	[sflag:s20] =	ssyncset.done @!p0 $0x0  }
0x131: {  	s21 =	simm.s32 @!p0 $0x2;
	[sflag:s20] =	ssyncadd.s32 @!p0 $0xFFFFD800;
	s20 =	simm.s32 @!p0 $0x1A280  }
0x132: {  	[tilespmem:s20], [sflag:$0x2] =	stream.linear.gather @!p0 [spmem:s29], $0x2800, $0x38;
	[tilespmem:$0x1E280] =	vst v63  }
0x133: {  	_ =	swait.ge @!p0 [sflag:s21], $0x2800  }
0x134: {  	s19 =	sadd.s32 $0x1, s19;
	[sflag:s21] =	ssyncset.done @!p0 $0x0  }
0x135: {  	s22 =	rddreg [dreg:$0xa];
	[sflag:s21] =	ssyncadd.s32 @!p0 $0xFFFFD800;
	s21 =	simm.s32 @!p0 $0x0  }
0x136: {  	[hbm4b:s22+s21] =	stream.linear.scatter @!p0 [tilespmem:s20], [sflag:$0x4], $0x2800, $0x38;
	[tilespmem:$0x1E280] =	vst v63  }
0x137: {  	p1 =	sne.s32 s19, s30;
	_ =	swait.ge [sflag:s17], $0x2800  }
.Ltmp3:
0x138: {  	[sflag:s17] =	ssyncset.done $0x0;
	(pc) =	sbr.rel @p1 .LBB2_1-.Ltmp3, $4  }
0x139: {  	[sflag:s17] =	ssyncadd.s32 $0xFFFFD800  }
0x13a: {  	_ =	swait.ge [sflag:s18], $0x2800  }
0x13b: {  	[sflag:s18] =	ssyncset.done $0x0  }
0x13c: {  	[sflag:s18] =	ssyncadd.s32 $0xFFFFD800  }
0x13d: {  	_ =	sfence.sel $0x180000  }
0x13e: {  	[bflag:$0x0] =	sbarrier.arrive $0xFFFF  }
0x13f: {  	_ =	strace $0x9000004D  }
0x140: {  	s0 =	stileid.u32;
	[bflag:$0x2] =	sbarrier.arrive $0xFFFF  }
0x141: {  	p0 =	sne.s32 s0, $0x0;
	s0 =	rddreg [dreg:$0x2]  }
0x142: {  	s0 =	sadd.s32 @!p0 $0x100000, s0  }
0x143: {  	[sflag:s0] =	ssyncadd.tile.s32 @!p0 $0x1;
	_ =	shalt  }
.Lfunc_end2:
_tile_overlayer_lowered:
.L_overlay_start_2:
0x144: {  	(tag) =	ssettag $0x2  }
0x145: {  	s0 =	rddreg [dreg:$0x0];
	s2 =	stileid.u32  }
0x146: {  	s1 =	rddreg [dreg:$0x1];
	p0 =	sne.s32 s2, $0x0  }
0x147: {  	s3 =	rddreg [dreg:$0x2];
	[bflag:$0x3] =	sbarrier.arrive $0xFFFF;
	s2 =	simm.s32 @!p0 $0x1C05  }
0x148: {  	[timem:s3], [sflag:s2] =	dma.local @!p0 [hbm:s0], s1  }
0x149: {  	s0 =	simm.s32 @!p0 $0x5  }
0x14a: {  	_ =	swait.ge @!p0 [sflag:s0], s1  }
0x14b: {  	s1 =	ssub.s32 @!p0 $0x0, s1;
	[sflag:s0] =	ssyncset.done @!p0 $0x0  }
0x14c: {  	[sflag:s0] =	ssyncadd.s32 @!p0 s1  }
0x14d: {  	[bflag:$0x3] =	sbarrier.arrive $0xFFFF  }
0x14e: {  	_ =	shalt  }

// kernel: kernel.19.cloned.1.call-start
scs
__scs_entry_jumppad:
0x0: {  	(pc) =	sbr.rel $0x88, $3  }
0x1: {  	(tag) =	ssettag $0x0;
	lr =	simm.s32 $0x1  }
0x2: {  	[smem:$0x3F8D] =	sst lr;
	_ =	strace $0xD0000000  }
0x3: {  	_ = 	snop  }
0x4: {  	_ = 	snop  }
0x5: {  	_ = 	snop  }
0x6: {  	_ = 	snop  }
0x7: {  	_ = 	snop  }
__scs_overlays_trampoline_lowered:
0x8: {  	[smem:$0x3F9C] =	sst s0  }
0x9: {  	[smem:$0x3F9D] =	sst s1  }
0xa: {  	[smem:$0x3F9E] =	sst s2  }
0xb: {  	[smem:$0x3F9F] =	sst s3  }
0xc: {  	[smem:$0x3FA0] =	sst s4  }
0xd: {  	[smem:$0x3FA1] =	sst s5  }
0xe: {  	[smem:$0x3FA2] =	sst s6  }
0xf: {  	[smem:$0x3FA3] =	sst s7  }
0x10: {  	[smem:$0x3FA4] =	sst s8  }
0x11: {  	[smem:$0x3FA5] =	sst s9;
	s0 =	simm.s32 @!p0 $0x0  }
0x12: {  	s1 =	sld [smem:$0x3F8B];
	s0 =	simm.s32 @p0 $0x1  }
0x13: {  	[smem:$0x3FA6] =	sst s0;
	s0 =	simm.s32 @!p1 $0x0  }
0x14: {  	s2 =	sld [smem:$0x3F8A];
	s0 =	simm.s32 @p1 $0x1  }
0x15: {  	[smem:$0x3FA7] =	sst s0;
	s0 =	simm.s32 @!p2 $0x0  }
0x16: {  	s3 =	sld [smem:$0x3FDB];
	s0 =	simm.s32 @p2 $0x1  }
0x17: {  	s4 =	simm.s32 $0x1BF5;
	[smem:$0x3FA9] =	sst s0  }
0x18: {  	s0 =	sld [smem:$0x3F8C];
	_ =	swait.ge [sflag:s4], $0x0  }
0x19: {  	s7 =	sld [smem:$0x3F8D]  }
0x1a: {  	s8 =	sadd.s32 $0xFFFFE003, lr  }
0x1b: {  	s9 =	sadd.s32 $0xFFFFFEF7, lr;
	s5 =	simm.s32 $0xFFFFFFFF;
	p2 =	slt.u32 s8, $0xFFFFF086  }
0x1c: {  	p1 =	slt.u32 s9, $0xF7A;
	s5 =	simm.s32 @!p2 $0x0  }
0x1d: {  	s5 =	simm.s32 @p1 $0x1;
	p0 =	seq.s32 s7, s2  }
0x1e: {  	s7 =	smul.u32 @!p0 $0xF7A, s2;
	p2 =	seq.s32 @!p0 s5, $0x0  }
0x1f: {  	s9 =	smul.u32 $0xF7A, s1;
	s8 =	simm.s32 @!p0 $0x1BF5;
	p2 =	por !p2, p0  }
0x20: {  	[sflag:s8] =	ssyncset.s32 @!p0 $0xFFFFF086;
	s6 =	sadd.s32 @!p0 s3, s7;
	s7 =	simm.s32 @!p0 $0x108  }
0x21: {  	s3 =	sadd.s32 s3, s9;
	s6 =	sadd.s32 @!p0 $0x88, s6;
	s7 =	simm.s32 @p2 $0x1082  }
0x22: {  	[simem:s7], [sflag:s8] =	dma.local @!p0 [hbm:s6], $0xF7A  }
0x23: {  	s9 =	sor.u32 $0xD0000000, s2;
	s6 =	simm.s32 $0x108;
	_ =	swait.ge @!p0 [sflag:s8], $0x0  }
0x24: {  	s3 =	sadd.s32 $0x88, s3;
	s6 =	simm.s32 @!p1 $0x1082;
	[sflag:s4] =	ssyncset.s32 $0xFFFFF086  }
0x25: {  	[simem:s6], [sflag:s4] =	dma.local [hbm:s3], $0xF7A  }
0x26: {  	[smem:$0x3F8D] =	sst s1;
	(tag) =	ssettag s2;
	_ =	strace s9  }
0x27: {  	s1 =	sld [smem:$0x3F9D]  }
0x28: {  	s2 =	sld [smem:$0x3F9E]  }
0x29: {  	s4 =	sld [smem:$0x3FA0]  }
0x2a: {  	p0 =	seq.s32 s5, $0x0;
	s5 =	sld [smem:$0x3FA1]  }
0x2b: {  	s6 =	sld [smem:$0x3FA2]  }
0x2c: {  	s7 =	sld [smem:$0x3FA3]  }
0x2d: {  	s3 =	simm.s32 $0x108;
	s8 =	sld [smem:$0x3FA4]  }
0x2e: {  	s3 =	simm.s32 @!p0 $0x1082;
	s9 =	sld [smem:$0x3FA5]  }
0x2f: {  	lr =	sadd.s32 s0, s3;
	s0 =	sld [smem:$0x3F9C]  }
0x30: {  	s3 =	sld [smem:$0x3F9F]  }
0x31: {  	[smem:$0x3FA8] =	sst s10  }
0x32: {  	s10 =	sld [smem:$0x3FA6];
	_ =	sdelay $0x3  }
0x33: {  	p0 =	seq.s32 s10, $0x1;
	s10 =	sld [smem:$0x3FA8];
	_ =	sdelay $0x3  }
0x34: {  	[smem:$0x3FA8] =	sst s10  }
0x35: {  	s10 =	sld [smem:$0x3FA7];
	_ =	sdelay $0x3  }
0x36: {  	p1 =	seq.s32 s10, $0x1;
	s10 =	sld [smem:$0x3FA8];
	_ =	sdelay $0x3  }
0x37: {  	[smem:$0x3FA8] =	sst s10  }
0x38: {  	s10 =	sld [smem:$0x3FA9]  }
0x39: {  	_ = 	snop;
	(pc) =	sbr.ind lr, $3  }
0x3a: {  	_ = 	snop  }
0x3b: {  	_ = 	snop  }
0x3c: {  	p2 =	seq.s32 s10, $0x1;
	s10 =	sld [smem:$0x3FA8]  }
0x3d: {  	_ =	shalt  }
0x3e: {  	_ =	shalt  }
0x3f: {  	_ =	shalt  }
0x40: {  	_ =	shalt  }
0x41: {  	_ =	shalt  }
0x42: {  	_ =	shalt  }
0x43: {  	_ =	shalt  }
0x44: {  	_ =	shalt  }
0x45: {  	_ =	shalt  }
0x46: {  	_ =	shalt  }
0x47: {  	_ =	shalt  }
0x48: {  	_ =	shalt  }
0x49: {  	_ =	shalt  }
0x4a: {  	_ =	shalt  }
0x4b: {  	_ =	shalt  }
0x4c: {  	_ =	shalt  }
0x4d: {  	_ =	shalt  }
0x4e: {  	_ =	shalt  }
0x4f: {  	_ =	shalt  }
0x50: {  	_ =	shalt  }
0x51: {  	_ =	shalt  }
0x52: {  	_ =	shalt  }
0x53: {  	_ =	shalt  }
0x54: {  	_ =	shalt  }
0x55: {  	_ =	shalt  }
0x56: {  	_ =	shalt  }
0x57: {  	_ =	shalt  }
0x58: {  	_ =	shalt  }
0x59: {  	_ =	shalt  }
0x5a: {  	_ =	shalt  }
0x5b: {  	_ =	shalt  }
0x5c: {  	_ =	shalt  }
0x5d: {  	_ =	shalt  }
0x5e: {  	_ =	shalt  }
0x5f: {  	_ =	shalt  }
0x60: {  	_ =	shalt  }
0x61: {  	_ =	shalt  }
0x62: {  	_ =	shalt  }
0x63: {  	_ =	shalt  }
0x64: {  	_ =	shalt  }
0x65: {  	_ =	shalt  }
0x66: {  	_ =	shalt  }
0x67: {  	_ =	shalt  }
0x68: {  	_ =	shalt  }
0x69: {  	_ =	shalt  }
0x6a: {  	_ =	shalt  }
0x6b: {  	_ =	shalt  }
0x6c: {  	_ =	shalt  }
0x6d: {  	_ =	shalt  }
0x6e: {  	_ =	shalt  }
0x6f: {  	_ =	shalt  }
0x70: {  	_ =	shalt  }
0x71: {  	_ =	shalt  }
0x72: {  	_ =	shalt  }
0x73: {  	_ =	shalt  }
0x74: {  	_ =	shalt  }
0x75: {  	_ =	shalt  }
0x76: {  	_ =	shalt  }
0x77: {  	_ =	shalt  }
0x78: {  	_ =	shalt  }
0x79: {  	_ =	shalt  }
0x7a: {  	_ =	shalt  }
0x7b: {  	_ =	shalt  }
0x7c: {  	_ =	shalt  }
0x7d: {  	_ =	shalt  }
0x7e: {  	_ =	shalt  }
0x7f: {  	_ =	shalt  }
0x80: {  	_ =	shalt  }
0x81: {  	_ =	shalt  }
0x82: {  	_ =	shalt  }
0x83: {  	_ =	shalt  }
0x84: {  	_ =	shalt  }
0x85: {  	_ =	shalt  }
0x86: {  	_ =	shalt  }
0x87: {  	_ =	shalt  }
.Lfunc_end0:
.L_simem_size_0:
called_computation.3_lowered:
.L_overlay_start_0:
0x88: {  	s2 =	sld [smem:$0x3FD9]  }
0x89: {  	s3 =	sld [smem:$0x3FFE];
	_ =	sdelay $0x1  }
0x8a: {  	s1 =	srdreg.scid  }
0x8b: {  	s0 =	sand.u32 $0x1, s1  }
0x8c: {  	s16 =	sshll.u32 s0, $0xA;
	s2 =	sadd.s32 s3, s2  }
0x8d: {  	s2 =	sadd.s32 s2, s16  }
0x8e: {  	[smem:$0x3FB4] =	sst s2  }
0x8f: {  	_ = 	snop  }
0x90: {  	(tm) =	ssettm $0x1  }
0x91: {  	s17 =	sld [smem:$0x3FFB];
	_ =	sdelay $0x3  }
0x92: {  	_ =	strace s17  }
0x93: {  	s2 =	sld [smem:$0x3FFC];
	_ =	sdelay $0x3  }
0x94: {  	_ =	strace s2  }
0x95: {  	s2 =	sld [smem:$0x3FFD];
	_ =	sdelay $0x3  }
0x96: {  	_ =	strace s2  }
0x97: {  	_ =	strace $0x8FFFFFFF  }
0x98: {  	s18 =	sld [smem:$0x3FDB];
	_ =	sdelay $0x1  }
0x99: {  	s19 =	simm.s32 $_scs_section_size  }
0x9a: {  	s4 =	simm.s32 $_size__tile_overlayer_lowered;
	s5 =	simm.s32 $_tile_overlayer_lowered  }
0x9b: {  	s22 =	simm.s32 $0x1BFF;
	s21 =	sshll.u32 s5, $0x1;
	s2 =	sadd.s32 s19, s18  }
0x9c: {  	s6 =	simm.s32 $0x0;
	s20 =	sshll.u32 s4, $0x1;
	s4 =	sadd.s32 s21, s2  }
0x9d: {  	[timem:s6], [sflag:s22] =	dma.local [hbm:s4], s20  }
0x9e: {  	_ =	swait.ge [sflag:s22], s20  }
0x9f: {  	s3 =	ssub.s32 $0x0, s20;
	[sflag:s22] =	ssyncset.done $0x0  }
0xa0: {  	[sflag:s22] =	ssyncadd.s32 s3;
	_ =	sdelay $0x1  }
0xa1: {  	s23 =	simm.s32 $0x1B8B  }
0xa2: {  	_ =	swait.ge [sflag:s23], $0x1  }
0xa3: {  	[sflag:s23] =	ssyncset.done $0x0  }
0xa4: {  	s25 =	simm.s32 $0x1B8E;
	s24 =	sld [smem:$0x3FFE];
	[sflag:s23] =	ssyncadd.s32 $0xFFFFFFFF  }
0xa5: {  	s26 =	simm.s32 $execute0_lowered;
	[smem:$0x3FD2] =	sst s25  }
0xa6: {  	s4 =	sshll.u32 s26, $0x1;
	_ =	strace $0x8000004F;
	[dreg:$0x1] =	wrdreg $0xFFFFFFFF  }
0xa7: {  	s28 =	simm.s32 $_size_execute0_lowered;
	s2 =	sadd.s32 s2, s4;
	[dreg:$0x0] =	wrdreg $0x0  }
0xa8: {  	s4 =	sshll.u32 s28, $0x1;
	[dreg:$0x2] =	wrdreg s2  }
0xa9: {  	[dreg:$0x3] =	wrdreg s4  }
0xaa: {  	[dreg:$0x4] =	wrdreg $0xC0  }
0xab: {  	_ =	task [dreg:s6], $0x5FFFF  }
0xac: {  	[dreg:$0x1] =	wrdreg $0xFFFFFFFF  }
0xad: {  	[dreg:$0x0] =	wrdreg $0x60  }
0xae: {  	[dreg:$0x2] =	wrdreg s24  }
0xaf: {  	[dreg:$0x3] =	wrdreg $0x0  }
0xb0: {  	[dreg:$0x4] =	wrdreg $0x9  }
0xb1: {  	_ =	task.clear_ibuf [dreg:s6], $0x5FFFF;
	_ =	strace $0x9000004F  }
0xb2: {  	s29 =	simm.s32 $0x9;
	_ =	strace $0x80000051  }
0xb3: {  	_ =	swait.ge [sflag:s29], $0x1  }
0xb4: {  	[sflag:s29] =	ssyncadd.s32 $0xFFFFFFFF  }
0xb5: {  	_ =	strace $0x90000051  }
0xb6: {  	_ =	sfence  }
0xb7: {  	s30 =	sld [smem:$0x0];
	_ =	sdelay $0x2  }
0xb8: {  	s31 =	sshll.u32 s1, $0xD;
	s1 =	sshrl.u32 s1, $0x2  }
0xb9: {  	s3 =	sand.u32 $0x4000, s31;
	s1 =	sadd.s32 s1, s30  }
0xba: {  	s0 =	sor.u32 s3, s0;
	s1 =	sshll.u32 s1, $0x11  }
0xbb: {  	s0 =	sor.u32 s1, s0  }
0xbc: {  	s0 =	sadd.s32 $0x8F2B, s0  }
0xbd: {  	[sflag:s0] =	ssyncadd.remote.s32 $0x1  }
0xbe: {  	_ =	sfence.sel $0xFFFF  }
0xbf: {  	[dreg:$0x0] =	wrdreg $0xFFFFFFFF;
	(pc) =	sbr.abs _section_cstart, $3  }
0xc0: {  	[dreg:$0x1] =	wrdreg $0xFFFFFFFF  }
0xc1: {  	_ =	task.clear_ibuf [dreg:s6], $0x2FFFF;
	_ =	strace $0x9FFFFFFF  }
0xc2: {  	(tm) =	ssettm $0x7FFFFFFF  }
0xc3: {  	_ =	shalt  }
tec
execute0_lowered:
.L_overlay_start_1:
0x0: {  	(tag) =	ssettag $0x1  }
0x1: {  	s0 =	srdreg.scid  }
0x2: {  	s22 =	stileid.u32;
	s4 =	rddreg [dreg:$0x0];
	s1 =	simm.s32 $0x0  }
0x3: {  	s3 =	sand.u32 $0x1, s0;
	s6 =	sor.u32 $0x10, s22;
	s2 =	smul.u32 $0x2800, s22  }
0x4: {  	s14 =	sshll.u32 s22, $0x1;
	[smem:$0x7FF] =	sst s1;
	s7 =	smul.u32 $0xA000, s6  }
0x5: {  	s8 =	sadd.s32 $0x91A00, s4;
	s11 =	sor.u32 $0x30, s22;
	s10 =	smul.u32 $0x138800, s3  }
0x6: {  	s0 =	sor.u32 s3, s14;
	s15 =	ssub.s32 $0x2, s3;
	s3 =	smul.u32 $0x2800, s6  }
0x7: {  	s13 =	sor.u32 $0x40, s22;
	p0 =	sgt.u32 s22, $0xC;
	s18 =	smul.u32 $0x2800, s11  }
0x8: {  	s6 =	sor.u32 $0x50, s22;
	s11 =	smul.u32 $0xA000, s11;
	s9 =	sshrl.u32 s15, $0x1  }
0x9: {  	s14 =	sor.u32 $0x60, s22;
	s5 =	smul.u32 $0x2800, s0;
	s0 =	ssub.s32 s15, s9  }
0xa: {  	s9 =	sor.u32 $0x20, s22;
	s15 =	sor.u32 $0x70, s22;
	s12 =	sadd.s32 s2, s10  }
0xb: {  	s16 =	sadd.s32 s10, s3;
	s20 =	sadd.s32 s10, s18;
	s17 =	smul.u32 $0x2800, s9  }
0xc: {  	s7 =	sshrl.u32 s7, $0x2;
	s21 =	sshrl.u32 s20, $0x3;
	s20 =	smul.u32 $0x2800, s14  }
0xd: {  	s11 =	sshrl.u32 s11, $0x2;
	s12 =	sshrl.u32 s12, $0x3;
	s29 =	smul.u32 $0x2800, s15  }
0xe: {  	s16 =	sshrl.u32 s16, $0x3;
	s5 =	sshrl.u32 s5, $0x3;
	s9 =	smul.u32 $0xA000, s9  }
0xf: {  	s30 =	smax.u32 s0, $0x1;
	s12 =	sadd.s32 s8, s12;
	s16 =	sadd.s32 s8, s16  }
0x10: {  	s5 =	sadd.s32 s5, s4;
	[dreg:$0x4] =	wrdreg s16;
	s16 =	smul.u32 $0x2800, s6  }
0x11: {  	[dreg:$0x3] =	wrdreg s12;
	s19 =	sadd.s32 s10, s17;
	s6 =	smul.u32 $0xA000, s6  }
0x12: {  	s25 =	sadd.s32 s10, s20;
	s12 =	sshrl.u32 s19, $0x3;
	s19 =	smul.u32 $0x2800, s13  }
0x13: {  	s31 =	sadd.s32 $0x6800, s5;
	s26 =	sshrl.u32 s25, $0x3;
	s25 =	smul.u32 $0xA000, s13  }
0x14: {  	s0 =	sadd.s32 $0x6A80, s5;
	s13 =	smul.u32 $0xA000, s15;
	s12 =	sadd.s32 s8, s12  }
0x15: {  	[dreg:$0x5] =	wrdreg s12;
	s12 =	sadd.s32 s8, s21;
	s23 =	sadd.s32 s10, s19  }
0x16: {  	s21 =	sadd.s32 s10, s16;
	s10 =	sadd.s32 s10, s29;
	[dreg:$0x6] =	wrdreg s12  }
0x17: {  	s12 =	sshrl.u32 s23, $0x3;
	s24 =	sshrl.u32 s21, $0x3;
	s21 =	sshrl.u32 s10, $0x3  }
0x18: {  	s10 =	rddreg [dreg:$0x1];
	s23 =	smul.u32 $0xA000, s22;
	s12 =	sadd.s32 s8, s12  }
0x19: {  	s7 =	sadd.s32 s7, s10;
	s2 =	sadd.s32 s2, s10;
	s28 =	sadd.s32 s20, s10  }
0x1a: {  	s29 =	sadd.s32 s29, s10;
	[dreg:$0x7] =	wrdreg s12;
	s12 =	sadd.s32 s8, s24  }
0x1b: {  	[dreg:$0x8] =	wrdreg s12;
	s12 =	sadd.s32 s8, s26;
	s8 =	sadd.s32 s8, s21  }
0x1c: {  	s26 =	sshrl.u32 s9, $0x2;
	s9 =	smul.u32 $0xA000, s14;
	s14 =	sshrl.u32 s6, $0x2  }
0x1d: {  	s21 =	sshrl.u32 s13, $0x2;
	s6 =	simm.s32 $0x5;
	[dreg:$0x9] =	wrdreg s12  }
0x1e: {  	s13 =	simm.s32 $0x2;
	[dreg:$0xa] =	wrdreg s8;
	s8 =	sshrl.u32 s23, $0x2  }
0x1f: {  	s12 =	sadd.s32 $0x6A800, s4;
	s4 =	sshrl.u32 s25, $0x2;
	s23 =	sadd.s32 s21, s10  }
0x20: {  	s25 =	sadd.s32 s17, s10;
	_ =	strace $0x80000050;
	[dreg:$0xc] =	wrdreg s7  }
0x21: {  	s17 =	simm.s32 $0x3;
	s24 =	sadd.s32 s8, s10;
	[dreg:$0x12] =	wrdreg s23  }
0x22: {  	s8 =	sadd.s32 s26, s10;
	s4 =	sadd.s32 s4, s10;
	[dreg:$0x13] =	wrdreg s2  }
0x23: {  	s15 =	sshrl.u32 s9, $0x2;
	[dreg:$0x15] =	wrdreg s25;
	s26 =	sadd.s32 s18, s10  }
0x24: {  	s25 =	sadd.s32 s19, s10;
	s2 =	sadd.s32 $0x10A80, s5;
	s7 =	simm.s32 $0x14E80  }
0x25: {  	s9 =	simm.s32 $0x80;
	s18 =	simm.s32 $0x4;
	[dreg:$0xb] =	wrdreg s24  }
0x26: {  	s19 =	simm.s32 $0x0;
	[dreg:$0xd] =	wrdreg s8;
	s8 =	sadd.s32 s11, s10  }
0x27: {  	[dreg:$0xf] =	wrdreg s4;
	s4 =	sadd.s32 s14, s10;
	s24 =	sadd.s32 s3, s10  }
0x28: {  	[dreg:$0x16] =	wrdreg s26;
	s26 =	sadd.s32 s16, s10;
	s3 =	simm.s32 $0x16280  }
0x29: {  	s11 =	simm.s32 $0x1A280;
	s14 =	simm.s32 $0x14E00;
	[dreg:$0xe] =	wrdreg s8  }
0x2a: {  	s16 =	simm.s32 $0x16200;
	[dreg:$0x10] =	wrdreg s4;
	s4 =	sadd.s32 s15, s10  }
0x2b: {  	[dreg:$0x14] =	wrdreg s24;
	s8 =	sadd.s32 $0x10800, s5;
	s5 =	simm.s32 $0x13A80  }
0x2c: {  	v0 =	vimm.f32 $0.0e+00;
	s15 =	simm.s32 $0x16180;
	[dreg:$0x11] =	wrdreg s4;
	s4 =	simm.s32 $0x1  }
.LBB2_1:
0x2d: {  	s20 =	simm.s32 $0x0;
	s21 =	simm.s32 $0x200  }
.LBB2_2:
0x2e: {  	p1 =	sne.s32 s21, $0x9E00;
	[tilespmem:s20+$0x162F0] =	vst v0  }
0x2f: {  	[tilespmem:s20+$0x16280] =	vst v0  }
0x30: {  	[tilespmem:s20+$0x16290] =	vst v0  }
.Ltmp0:
0x31: {  	[tilespmem:s20+$0x162A0] =	vst v0;
	(pc) =	sbr.rel @p1 .LBB2_2-.Ltmp0, $4  }
0x32: {  	[tilespmem:s20+$0x162B0] =	vst v0  }
0x33: {  	[tilespmem:s20+$0x162C0] =	vst v0  }
0x34: {  	[tilespmem:s20+$0x162D0] =	vst v0  }
0x35: {  	[tilespmem:s20+$0x162E0] =	vst v0;
	s20 =	sshra.s32 s21, $0x2;
	s21 =	sadd.s32 $0x200, s21  }
0x36: {  	[tilespmem:s20+$0x162F0] =	vst v0  }
0x37: {  	[tilespmem:s20+$0x16280] =	vst v0  }
0x38: {  	[tilespmem:s20+$0x16290] =	vst v0  }
0x39: {  	[tilespmem:s20+$0x162A0] =	vst v0  }
0x3a: {  	[tilespmem:s20+$0x162B0] =	vst v0  }
0x3b: {  	[tilespmem:s20+$0x162C0] =	vst v0  }
0x3c: {  	[tilespmem:s20+$0x162D0] =	vst v0  }
0x3d: {  	[tilespmem:s20+$0x162E0] =	vst v0;
	s21 =	rddreg [dreg:$0xb]  }
0x3e: {  	[spmem:s21] =	stream.linear.scatter [tilespmem:s3], [sflag:$0x1], $0x2800, $0x38;
	[tilespmem:$0x1E280] =	vst v63  }
0x3f: {  	s22 =	rddreg [dreg:$0xc]  }
0x40: {  	[spmem:s22] =	stream.linear.scatter [tilespmem:s3], [sflag:$0x1], $0x2800, $0x38;
	[tilespmem:$0x1E280] =	vst v63  }
0x41: {  	s23 =	rddreg [dreg:$0xd]  }
0x42: {  	[spmem:s23] =	stream.linear.scatter [tilespmem:s3], [sflag:$0x1], $0x2800, $0x38;
	[tilespmem:$0x1E280] =	vst v63  }
0x43: {  	s24 =	rddreg [dreg:$0xe]  }
0x44: {  	[spmem:s24] =	stream.linear.scatter [tilespmem:s3], [sflag:$0x1], $0x2800, $0x38;
	[tilespmem:$0x1E280] =	vst v63  }
0x45: {  	s21 =	rddreg [dreg:$0xf]  }
0x46: {  	[spmem:s21] =	stream.linear.scatter [tilespmem:s3], [sflag:$0x1], $0x2800, $0x38;
	[tilespmem:$0x1E280] =	vst v63  }
0x47: {  	s22 =	rddreg [dreg:$0x10]  }
0x48: {  	[spmem:s22] =	stream.linear.scatter [tilespmem:s3], [sflag:$0x1], $0x2800, $0x38;
	[tilespmem:$0x1E280] =	vst v63  }
0x49: {  	s23 =	rddreg [dreg:$0x11]  }
0x4a: {  	[spmem:s23] =	stream.linear.scatter [tilespmem:s3], [sflag:$0x1], $0x2800, $0x38;
	[tilespmem:$0x1E280] =	vst v63  }
0x4b: {  	s20 =	simm.s32 @!p0 $0x16280;
	s21 =	rddreg [dreg:$0x12]  }
0x4c: {  	[spmem:s21] =	stream.linear.scatter @!p0 [tilespmem:s20], [sflag:$0x1], $0x2800, $0x38;
	[tilespmem:$0x1E280] =	vst v63  }
0x4d: {  	_ =	swait.ge [sflag:s4], $0x2800  }
0x4e: {  	[sflag:s4] =	ssyncset.done $0x0  }
0x4f: {  	[sflag:s4] =	ssyncadd.s32 $0xFFFFD800  }
0x50: {  	_ =	swait.ge [sflag:s4], $0x2800  }
0x51: {  	[sflag:s4] =	ssyncset.done $0x0  }
0x52: {  	[sflag:s4] =	ssyncadd.s32 $0xFFFFD800  }
0x53: {  	_ =	swait.ge [sflag:s4], $0x2800  }
0x54: {  	[sflag:s4] =	ssyncset.done $0x0  }
0x55: {  	[sflag:s4] =	ssyncadd.s32 $0xFFFFD800  }
0x56: {  	_ =	swait.ge [sflag:s4], $0x2800  }
0x57: {  	[sflag:s4] =	ssyncset.done $0x0  }
0x58: {  	[sflag:s4] =	ssyncadd.s32 $0xFFFFD800  }
0x59: {  	_ =	swait.ge [sflag:s4], $0x2800  }
0x5a: {  	[sflag:s4] =	ssyncset.done $0x0  }
0x5b: {  	[sflag:s4] =	ssyncadd.s32 $0xFFFFD800  }
0x5c: {  	_ =	swait.ge [sflag:s4], $0x2800  }
0x5d: {  	[sflag:s4] =	ssyncset.done $0x0  }
0x5e: {  	[sflag:s4] =	ssyncadd.s32 $0xFFFFD800  }
0x5f: {  	_ =	swait.ge [sflag:s4], $0x2800  }
0x60: {  	[sflag:s4] =	ssyncset.done $0x0  }
0x61: {  	s20 =	simm.s32 @!p0 $0x1;
	[sflag:s4] =	ssyncadd.s32 $0xFFFFD800  }
0x62: {  	_ =	swait.ge @!p0 [sflag:s20], $0x2800  }
0x63: {  	[sflag:s20] =	ssyncset.done @!p0 $0x0  }
0x64: {  	[sflag:s20] =	ssyncadd.s32 @!p0 $0xFFFFD800  }
0x65: {  	s24 =	simm.s32 $0x0;
	[bflag:$0x0] =	sbarrier.arrive $0xFFFF  }
0x66: {  	[tilespmem:s5], [sflag:$0x5] =	stream.linear.gather [hbm4b:s31+s24], $0x1400, $0x38;
	[tilespmem:$0x1E280] =	vst v63  }
0x67: {  	_ =	swait.ge [sflag:s6], $0x1400  }
0x68: {  	[sflag:s6] =	ssyncset.done $0x0  }
0x69: {  	[sflag:s6] =	ssyncadd.s32 $0xFFFFEC00  }
0x6a: {  	[tilespmem:s7], [sflag:$0x5] =	stream.linear.gather [hbm4b:s8+s24], $0x1400, $0x38;
	[tilespmem:$0x1E280] =	vst v63  }
0x6b: {  	_ =	swait.ge [sflag:s6], $0x1400  }
0x6c: {  	[sflag:s6] =	ssyncset.done $0x0  }
0x6d: {  	[sflag:s6] =	ssyncadd.s32 $0xFFFFEC00  }
0x6e: {  	[tilespmem:s3], [sflag:$0x1] =	stream.indirect.gather [hbm4b:s12+s9], $0x80, s5, s9, $0xb8;
	[tilespmem:$0x1E280] =	vst v63  }
0x6f: {  	s21 =	simm.s32 $0x13B00  }
0x70: {  	[tilespmem:s11], [sflag:$0x2] =	stream.indirect.gather [hbm4b:s12+s9], $0x80, s21, s9, $0xb8;
	[tilespmem:$0x1E280] =	vst v63  }
0x71: {  	_ =	swait.ge [sflag:s4], $0x4000  }
0x72: {  	[sflag:s4] =	ssyncset.done $0x0  }
0x73: {  	s22 =	simm.s32 $0x14E80;
	[sflag:s4] =	ssyncadd.s32 $0xFFFFC000  }
0x74: {  	[spmem:s10] =	stream.indirect.scatter.add.f32 [tilespmem:s3], [sflag:$0x5], $0x80, s22, s9, $0xb8;
	[tilespmem:$0x1E280] =	vst v63  }
0x75: {  	_ =	swait.ge [sflag:s6], $0x4000  }
0x76: {  	[sflag:s6] =	ssyncset.done $0x0  }
0x77: {  	s23 =	simm.s32 $0x13B80;
	[sflag:s6] =	ssyncadd.s32 $0xFFFFC000  }
0x78: {  	[tilespmem:s3], [sflag:$0x1] =	stream.indirect.gather [hbm4b:s12+s9], $0x80, s23, s9, $0xb8;
	[tilespmem:$0x1E280] =	vst v63  }
0x79: {  	_ =	swait.ge [sflag:s13], $0x4000  }
0x7a: {  	[sflag:s13] =	ssyncset.done $0x0  }
0x7b: {  	s24 =	simm.s32 $0x14F00;
	[sflag:s13] =	ssyncadd.s32 $0xFFFFC000  }
0x7c: {  	[spmem:s10] =	stream.indirect.scatter.add.f32 [tilespmem:s11], [sflag:$0x5], $0x80, s24, s9, $0xb8;
	[tilespmem:$0x1E280] =	vst v63  }
0x7d: {  	_ =	swait.ge [sflag:s6], $0x4000  }
0x7e: {  	s20 =	simm.s32 $0x100;
	s21 =	simm.s32 $0x800;
	[sflag:s6] =	ssyncset.done $0x0  }
.LBB2_4:
0x7f: {  	s22 =	sadd.s32 $0x13B00, s20  }
0x80: {  	[sflag:s6] =	ssyncadd.s32 $0xFFFFC000;
	s23 =	smov.u32 s21;
	s24 =	sadd.s32 $0x400, s21  }
0x81: {  	[tilespmem:s11], [sflag:$0x2] =	stream.indirect.gather [hbm4b:s12+s9], $0x80, s22, s9, $0xb8;
	[tilespmem:$0x1E280] =	vst v63  }
0x82: {  	p1 =	sne.s32 s21, $0x4800;
	_ =	swait.ge [sflag:s4], $0x4000  }
0x83: {  	[sflag:s4] =	ssyncset.done $0x0  }
0x84: {  	s21 =	sadd.s32 $0x14E80, s20;
	[sflag:s4] =	ssyncadd.s32 $0xFFFFC000  }
0x85: {  	[spmem:s10] =	stream.indirect.scatter.add.f32 [tilespmem:s3], [sflag:$0x5], $0x80, s21, s9, $0xb8;
	[tilespmem:$0x1E280] =	vst v63  }
0x86: {  	_ =	swait.ge [sflag:s6], $0x4000  }
0x87: {  	[sflag:s6] =	ssyncset.done $0x0  }
0x88: {  	s21 =	sadd.s32 $0x13B80, s20;
	[sflag:s6] =	ssyncadd.s32 $0xFFFFC000  }
0x89: {  	[tilespmem:s3], [sflag:$0x1] =	stream.indirect.gather [hbm4b:s12+s9], $0x80, s21, s9, $0xb8;
	[tilespmem:$0x1E280] =	vst v63  }
0x8a: {  	_ =	swait.ge [sflag:s13], $0x4000  }
.Ltmp1:
0x8b: {  	[sflag:s13] =	ssyncset.done $0x0;
	(pc) =	sbr.rel @p1 .LBB2_4-.Ltmp1, $4  }
0x8c: {  	s20 =	sadd.s32 $0x14F00, s20;
	[sflag:s13] =	ssyncadd.s32 $0xFFFFC000  }
0x8d: {  	[spmem:s10] =	stream.indirect.scatter.add.f32 [tilespmem:s11], [sflag:$0x5], $0x80, s20, s9, $0xb8;
	[tilespmem:$0x1E280] =	vst v63  }
0x8e: {  	_ =	swait.ge [sflag:s6], $0x4000  }
0x8f: {  	s21 =	smov.u32 s24;
	s20 =	sshra.s32 s23, $0x2;
	[sflag:s6] =	ssyncset.done $0x0  }
0x90: {  	s21 =	sadd.s32 $0x13B00, s20;
	[sflag:s6] =	ssyncadd.s32 $0xFFFFC000  }
0x91: {  	[tilespmem:s11], [sflag:$0x2] =	stream.indirect.gather [hbm4b:s12+s9], $0x80, s21, s9, $0xb8;
	[tilespmem:$0x1E280] =	vst v63  }
0x92: {  	_ =	swait.ge [sflag:s4], $0x4000  }
0x93: {  	[sflag:s4] =	ssyncset.done $0x0  }
0x94: {  	s24 =	sadd.s32 $0x14E80, s20;
	[sflag:s4] =	ssyncadd.s32 $0xFFFFC000  }
0x95: {  	[spmem:s10] =	stream.indirect.scatter.add.f32 [tilespmem:s3], [sflag:$0x5], $0x80, s24, s9, $0xb8;
	[tilespmem:$0x1E280] =	vst v63  }
0x96: {  	_ =	swait.ge [sflag:s6], $0x4000  }
0x97: {  	[sflag:s6] =	ssyncset.done $0x0  }
0x98: {  	s22 =	sadd.s32 $0x13B80, s20;
	[sflag:s6] =	ssyncadd.s32 $0xFFFFC000  }
0x99: {  	[tilespmem:s3], [sflag:$0x1] =	stream.indirect.gather [hbm4b:s12+s9], $0x80, s22, s9, $0xb8;
	[tilespmem:$0x1E280] =	vst v63  }
0x9a: {  	_ =	swait.ge [sflag:s13], $0x4000  }
0x9b: {  	[sflag:s13] =	ssyncset.done $0x0  }
0x9c: {  	s23 =	sadd.s32 $0x14F00, s20;
	[sflag:s13] =	ssyncadd.s32 $0xFFFFC000  }
0x9d: {  	[spmem:s10] =	stream.indirect.scatter.add.f32 [tilespmem:s11], [sflag:$0x5], $0x80, s23, s9, $0xb8;
	[tilespmem:$0x1E280] =	vst v63  }
0x9e: {  	_ =	swait.ge [sflag:s6], $0x4000  }
0x9f: {  	[sflag:s6] =	ssyncset.done $0x0  }
0xa0: {  	[sflag:s6] =	ssyncadd.s32 $0xFFFFC000  }
0xa1: {  	[tilespmem:s11], [sflag:$0x2] =	stream.indirect.gather [hbm4b:s12+s9], $0x80, s14, s9, $0xb8;
	[tilespmem:$0x1E280] =	vst v63  }
0xa2: {  	_ =	swait.ge [sflag:s4], $0x4000  }
0xa3: {  	[sflag:s4] =	ssyncset.done $0x0  }
0xa4: {  	[sflag:s4] =	ssyncadd.s32 $0xFFFFC000  }
0xa5: {  	[spmem:s10] =	stream.indirect.scatter.add.f32 [tilespmem:s3], [sflag:$0x5], $0x80, s15, s9, $0xb8;
	[tilespmem:$0x1E280] =	vst v63  }
0xa6: {  	_ =	swait.ge [sflag:s6], $0x4000  }
0xa7: {  	[sflag:s6] =	ssyncset.done $0x0  }
0xa8: {  	[sflag:s6] =	ssyncadd.s32 $0xFFFFC000  }
0xa9: {  	_ =	swait.ge [sflag:s13], $0x4000  }
0xaa: {  	[sflag:s13] =	ssyncset.done $0x0  }
0xab: {  	[sflag:s13] =	ssyncadd.s32 $0xFFFFC000  }
0xac: {  	[spmem:s10] =	stream.indirect.scatter.add.f32 [tilespmem:s11], [sflag:$0x5], $0x80, s16, s9, $0xb8;
	[tilespmem:$0x1E280] =	vst v63  }
0xad: {  	_ =	swait.ge [sflag:s6], $0x4000  }
0xae: {  	[sflag:s6] =	ssyncset.done $0x0  }
0xaf: {  	s24 =	simm.s32 $0x0;
	[sflag:s6] =	ssyncadd.s32 $0xFFFFC000  }
0xb0: {  	[tilespmem:s5], [sflag:$0x5] =	stream.linear.gather [hbm4b:s0+s24], $0x1400, $0x38;
	[tilespmem:$0x1E280] =	vst v63  }
0xb1: {  	_ =	swait.ge [sflag:s6], $0x1400  }
0xb2: {  	[sflag:s6] =	ssyncset.done $0x0  }
0xb3: {  	[sflag:s6] =	ssyncadd.s32 $0xFFFFEC00  }
0xb4: {  	[tilespmem:s7], [sflag:$0x5] =	stream.linear.gather [hbm4b:s2+s24], $0x1400, $0x38;
	[tilespmem:$0x1E280] =	vst v63  }
0xb5: {  	_ =	swait.ge [sflag:s6], $0x1400  }
0xb6: {  	[sflag:s6] =	ssyncset.done $0x0  }
0xb7: {  	[sflag:s6] =	ssyncadd.s32 $0xFFFFEC00  }
0xb8: {  	[tilespmem:s3], [sflag:$0x1] =	stream.indirect.gather [hbm4b:s12+s9], $0x80, s5, s9, $0xb8;
	[tilespmem:$0x1E280] =	vst v63  }
0xb9: {  	s21 =	simm.s32 $0x13B00  }
0xba: {  	[tilespmem:s11], [sflag:$0x2] =	stream.indirect.gather [hbm4b:s12+s9], $0x80, s21, s9, $0xb8;
	[tilespmem:$0x1E280] =	vst v63  }
0xbb: {  	_ =	swait.ge [sflag:s4], $0x4000  }
0xbc: {  	[sflag:s4] =	ssyncset.done $0x0  }
0xbd: {  	s22 =	simm.s32 $0x14E80;
	[sflag:s4] =	ssyncadd.s32 $0xFFFFC000  }
0xbe: {  	[spmem:s10] =	stream.indirect.scatter.add.f32 [tilespmem:s3], [sflag:$0x5], $0x80, s22, s9, $0xb8;
	[tilespmem:$0x1E280] =	vst v63  }
0xbf: {  	_ =	swait.ge [sflag:s6], $0x4000  }
0xc0: {  	[sflag:s6] =	ssyncset.done $0x0  }
0xc1: {  	s23 =	simm.s32 $0x13B80;
	[sflag:s6] =	ssyncadd.s32 $0xFFFFC000  }
0xc2: {  	[tilespmem:s3], [sflag:$0x1] =	stream.indirect.gather [hbm4b:s12+s9], $0x80, s23, s9, $0xb8;
	[tilespmem:$0x1E280] =	vst v63  }
0xc3: {  	_ =	swait.ge [sflag:s13], $0x4000  }
0xc4: {  	[sflag:s13] =	ssyncset.done $0x0  }
0xc5: {  	s24 =	simm.s32 $0x14F00;
	[sflag:s13] =	ssyncadd.s32 $0xFFFFC000  }
0xc6: {  	[spmem:s10] =	stream.indirect.scatter.add.f32 [tilespmem:s11], [sflag:$0x5], $0x80, s24, s9, $0xb8;
	[tilespmem:$0x1E280] =	vst v63  }
0xc7: {  	_ =	swait.ge [sflag:s6], $0x4000  }
0xc8: {  	s20 =	simm.s32 $0x100;
	s21 =	simm.s32 $0x800;
	[sflag:s6] =	ssyncset.done $0x0  }
.LBB2_6:
0xc9: {  	s22 =	sadd.s32 $0x13B00, s20  }
0xca: {  	[sflag:s6] =	ssyncadd.s32 $0xFFFFC000;
	s23 =	smov.u32 s21;
	s24 =	sadd.s32 $0x400, s21  }
0xcb: {  	[tilespmem:s11], [sflag:$0x2] =	stream.indirect.gather [hbm4b:s12+s9], $0x80, s22, s9, $0xb8;
	[tilespmem:$0x1E280] =	vst v63  }
0xcc: {  	p1 =	sne.s32 s21, $0x4800;
	_ =	swait.ge [sflag:s4], $0x4000  }
0xcd: {  	[sflag:s4] =	ssyncset.done $0x0  }
0xce: {  	s21 =	sadd.s32 $0x14E80, s20;
	[sflag:s4] =	ssyncadd.s32 $0xFFFFC000  }
0xcf: {  	[spmem:s10] =	stream.indirect.scatter.add.f32 [tilespmem:s3], [sflag:$0x5], $0x80, s21, s9, $0xb8;
	[tilespmem:$0x1E280] =	vst v63  }
0xd0: {  	_ =	swait.ge [sflag:s6], $0x4000  }
0xd1: {  	[sflag:s6] =	ssyncset.done $0x0  }
0xd2: {  	s21 =	sadd.s32 $0x13B80, s20;
	[sflag:s6] =	ssyncadd.s32 $0xFFFFC000  }
0xd3: {  	[tilespmem:s3], [sflag:$0x1] =	stream.indirect.gather [hbm4b:s12+s9], $0x80, s21, s9, $0xb8;
	[tilespmem:$0x1E280] =	vst v63  }
0xd4: {  	_ =	swait.ge [sflag:s13], $0x4000  }
.Ltmp2:
0xd5: {  	[sflag:s13] =	ssyncset.done $0x0;
	(pc) =	sbr.rel @p1 .LBB2_6-.Ltmp2, $4  }
0xd6: {  	s20 =	sadd.s32 $0x14F00, s20;
	[sflag:s13] =	ssyncadd.s32 $0xFFFFC000  }
0xd7: {  	[spmem:s10] =	stream.indirect.scatter.add.f32 [tilespmem:s11], [sflag:$0x5], $0x80, s20, s9, $0xb8;
	[tilespmem:$0x1E280] =	vst v63  }
0xd8: {  	_ =	swait.ge [sflag:s6], $0x4000  }
0xd9: {  	s21 =	smov.u32 s24;
	s20 =	sshra.s32 s23, $0x2;
	[sflag:s6] =	ssyncset.done $0x0  }
0xda: {  	s21 =	sadd.s32 $0x13B00, s20;
	[sflag:s6] =	ssyncadd.s32 $0xFFFFC000  }
0xdb: {  	[tilespmem:s11], [sflag:$0x2] =	stream.indirect.gather [hbm4b:s12+s9], $0x80, s21, s9, $0xb8;
	[tilespmem:$0x1E280] =	vst v63  }
0xdc: {  	_ =	swait.ge [sflag:s4], $0x4000  }
0xdd: {  	[sflag:s4] =	ssyncset.done $0x0  }
0xde: {  	s23 =	sadd.s32 $0x14E80, s20;
	[sflag:s4] =	ssyncadd.s32 $0xFFFFC000  }
0xdf: {  	[spmem:s10] =	stream.indirect.scatter.add.f32 [tilespmem:s3], [sflag:$0x5], $0x80, s23, s9, $0xb8;
	[tilespmem:$0x1E280] =	vst v63  }
0xe0: {  	_ =	swait.ge [sflag:s6], $0x4000  }
0xe1: {  	[sflag:s6] =	ssyncset.done $0x0  }
0xe2: {  	s24 =	sadd.s32 $0x13B80, s20;
	[sflag:s6] =	ssyncadd.s32 $0xFFFFC000  }
0xe3: {  	[tilespmem:s3], [sflag:$0x1] =	stream.indirect.gather [hbm4b:s12+s9], $0x80, s24, s9, $0xb8;
	[tilespmem:$0x1E280] =	vst v63  }
0xe4: {  	_ =	swait.ge [sflag:s13], $0x4000  }
0xe5: {  	[sflag:s13] =	ssyncset.done $0x0  }
0xe6: {  	s21 =	sadd.s32 $0x14F00, s20;
	[sflag:s13] =	ssyncadd.s32 $0xFFFFC000  }
0xe7: {  	[spmem:s10] =	stream.indirect.scatter.add.f32 [tilespmem:s11], [sflag:$0x5], $0x80, s21, s9, $0xb8;
	[tilespmem:$0x1E280] =	vst v63  }
0xe8: {  	_ =	swait.ge [sflag:s6], $0x4000  }
0xe9: {  	[sflag:s6] =	ssyncset.done $0x0  }
0xea: {  	[sflag:s6] =	ssyncadd.s32 $0xFFFFC000  }
0xeb: {  	[tilespmem:s11], [sflag:$0x2] =	stream.indirect.gather [hbm4b:s12+s9], $0x80, s14, s9, $0xb8;
	[tilespmem:$0x1E280] =	vst v63  }
0xec: {  	_ =	swait.ge [sflag:s4], $0x4000  }
0xed: {  	[sflag:s4] =	ssyncset.done $0x0  }
0xee: {  	[sflag:s4] =	ssyncadd.s32 $0xFFFFC000  }
0xef: {  	[spmem:s10] =	stream.indirect.scatter.add.f32 [tilespmem:s3], [sflag:$0x5], $0x80, s15, s9, $0xb8;
	[tilespmem:$0x1E280] =	vst v63  }
0xf0: {  	_ =	swait.ge [sflag:s6], $0x4000  }
0xf1: {  	[sflag:s6] =	ssyncset.done $0x0  }
0xf2: {  	[sflag:s6] =	ssyncadd.s32 $0xFFFFC000  }
0xf3: {  	_ =	swait.ge [sflag:s13], $0x4000  }
0xf4: {  	[sflag:s13] =	ssyncset.done $0x0  }
0xf5: {  	[sflag:s13] =	ssyncadd.s32 $0xFFFFC000  }
0xf6: {  	[spmem:s10] =	stream.indirect.scatter.add.f32 [tilespmem:s11], [sflag:$0x5], $0x80, s16, s9, $0xb8;
	[tilespmem:$0x1E280] =	vst v63  }
0xf7: {  	_ =	swait.ge [sflag:s6], $0x4000  }
0xf8: {  	[sflag:s6] =	ssyncset.done $0x0  }
0xf9: {  	[sflag:s6] =	ssyncadd.s32 $0xFFFFC000  }
0xfa: {  	[bflag:$0x0] =	sbarrier.arrive $0xFFFF  }
0xfb: {  	s22 =	rddreg [dreg:$0x13]  }
0xfc: {  	[tilespmem:s3], [sflag:$0x1] =	stream.linear.gather [spmem:s22], $0x2800, $0x38;
	[tilespmem:$0x1E280] =	vst v63  }
0xfd: {  	_ =	swait.ge [sflag:s4], $0x2800  }
0xfe: {  	[sflag:s4] =	ssyncset.done $0x0  }
0xff: {  	s23 =	rddreg [dreg:$0x3];
	[sflag:s4] =	ssyncadd.s32 $0xFFFFD800  }
0x100: {  	[hbm4b:s23+s1] =	stream.linear.scatter [tilespmem:s3], [sflag:$0x3], $0x2800, $0x38;
	[tilespmem:$0x1E280] =	vst v63  }
0x101: {  	s24 =	rddreg [dreg:$0x14]  }
0x102: {  	[tilespmem:s11], [sflag:$0x2] =	stream.linear.gather [spmem:s24], $0x2800, $0x38;
	[tilespmem:$0x1E280] =	vst v63  }
0x103: {  	_ =	swait.ge [sflag:s13], $0x2800  }
0x104: {  	[sflag:s13] =	ssyncset.done $0x0  }
0x105: {  	s21 =	rddreg [dreg:$0x4];
	[sflag:s13] =	ssyncadd.s32 $0xFFFFD800  }
0x106: {  	[hbm4b:s21+s1] =	stream.linear.scatter [tilespmem:s11], [sflag:$0x4], $0x2800, $0x38;
	[tilespmem:$0x1E280] =	vst v63  }
0x107: {  	_ =	swait.ge [sflag:s17], $0x2800  }
0x108: {  	[sflag:s17] =	ssyncset.done $0x0  }
0x109: {  	s22 =	rddreg [dreg:$0x15];
	[sflag:s17] =	ssyncadd.s32 $0xFFFFD800  }
0x10a: {  	[tilespmem:s3], [sflag:$0x1] =	stream.linear.gather [spmem:s22], $0x2800, $0x38;
	[tilespmem:$0x1E280] =	vst v63  }
0x10b: {  	_ =	swait.ge [sflag:s4], $0x2800  }
0x10c: {  	[sflag:s4] =	ssyncset.done $0x0  }
0x10d: {  	s23 =	rddreg [dreg:$0x5];
	[sflag:s4] =	ssyncadd.s32 $0xFFFFD800  }
0x10e: {  	[hbm4b:s23+s1] =	stream.linear.scatter [tilespmem:s3], [sflag:$0x3], $0x2800, $0x38;
	[tilespmem:$0x1E280] =	vst v63  }
0x10f: {  	_ =	swait.ge [sflag:s18], $0x2800  }
0x110: {  	[sflag:s18] =	ssyncset.done $0x0  }
0x111: {  	s24 =	rddreg [dreg:$0x16];
	[sflag:s18] =	ssyncadd.s32 $0xFFFFD800  }
0x112: {  	[tilespmem:s11], [sflag:$0x2] =	stream.linear.gather [spmem:s24], $0x2800, $0x38;
	[tilespmem:$0x1E280] =	vst v63  }
0x113: {  	_ =	swait.ge [sflag:s13], $0x2800  }
0x114: {  	[sflag:s13] =	ssyncset.done $0x0  }
0x115: {  	s21 =	rddreg [dreg:$0x6];
	[sflag:s13] =	ssyncadd.s32 $0xFFFFD800  }
0x116: {  	[hbm4b:s21+s1] =	stream.linear.scatter [tilespmem:s11], [sflag:$0x4], $0x2800, $0x38;
	[tilespmem:$0x1E280] =	vst v63  }
0x117: {  	_ =	swait.ge [sflag:s17], $0x2800  }
0x118: {  	[sflag:s17] =	ssyncset.done $0x0  }
0x119: {  	[sflag:s17] =	ssyncadd.s32 $0xFFFFD800  }
0x11a: {  	[tilespmem:s3], [sflag:$0x1] =	stream.linear.gather [spmem:s25], $0x2800, $0x38;
	[tilespmem:$0x1E280] =	vst v63  }
0x11b: {  	_ =	swait.ge [sflag:s4], $0x2800  }
0x11c: {  	[sflag:s4] =	ssyncset.done $0x0  }
0x11d: {  	s22 =	rddreg [dreg:$0x7];
	[sflag:s4] =	ssyncadd.s32 $0xFFFFD800  }
0x11e: {  	[hbm4b:s22+s1] =	stream.linear.scatter [tilespmem:s3], [sflag:$0x3], $0x2800, $0x38;
	[tilespmem:$0x1E280] =	vst v63  }
0x11f: {  	_ =	swait.ge [sflag:s18], $0x2800  }
0x120: {  	[sflag:s18] =	ssyncset.done $0x0  }
0x121: {  	[sflag:s18] =	ssyncadd.s32 $0xFFFFD800  }
0x122: {  	[tilespmem:s11], [sflag:$0x2] =	stream.linear.gather [spmem:s26], $0x2800, $0x38;
	[tilespmem:$0x1E280] =	vst v63  }
0x123: {  	_ =	swait.ge [sflag:s13], $0x2800  }
0x124: {  	[sflag:s13] =	ssyncset.done $0x0  }
0x125: {  	s23 =	rddreg [dreg:$0x8];
	[sflag:s13] =	ssyncadd.s32 $0xFFFFD800  }
0x126: {  	[hbm4b:s23+s1] =	stream.linear.scatter [tilespmem:s11], [sflag:$0x4], $0x2800, $0x38;
	[tilespmem:$0x1E280] =	vst v63  }
0x127: {  	_ =	swait.ge [sflag:s17], $0x2800  }
0x128: {  	[sflag:s17] =	ssyncset.done $0x0  }
0x129: {  	[sflag:s17] =	ssyncadd.s32 $0xFFFFD800  }
0x12a: {  	[tilespmem:s3], [sflag:$0x1] =	stream.linear.gather [spmem:s28], $0x2800, $0x38;
	[tilespmem:$0x1E280] =	vst v63  }
0x12b: {  	_ =	swait.ge [sflag:s4], $0x2800  }
0x12c: {  	[sflag:s4] =	ssyncset.done $0x0  }
0x12d: {  	s20 =	simm.s32 @!p0 $0x4;
	s24 =	rddreg [dreg:$0x9];
	[sflag:s4] =	ssyncadd.s32 $0xFFFFD800  }
0x12e: {  	[hbm4b:s24+s1] =	stream.linear.scatter [tilespmem:s3], [sflag:$0x3], $0x2800, $0x38;
	[tilespmem:$0x1E280] =	vst v63  }
0x12f: {  	_ =	swait.ge @!p0 [sflag:s20], $0x2800  }
0x130: {  	[sflag:s20] =	ssyncset.done @!p0 $0x0  }
0x131: {  	s21 =	simm.s32 @!p0 $0x2;
	[sflag:s20] =	ssyncadd.s32 @!p0 $0xFFFFD800;
	s20 =	simm.s32 @!p0 $0x1A280  }
0x132: {  	[tilespmem:s20], [sflag:$0x2] =	stream.linear.gather @!p0 [spmem:s29], $0x2800, $0x38;
	[tilespmem:$0x1E280] =	vst v63  }
0x133: {  	_ =	swait.ge @!p0 [sflag:s21], $0x2800  }
0x134: {  	s19 =	sadd.s32 $0x1, s19;
	[sflag:s21] =	ssyncset.done @!p0 $0x0  }
0x135: {  	s22 =	rddreg [dreg:$0xa];
	[sflag:s21] =	ssyncadd.s32 @!p0 $0xFFFFD800;
	s21 =	simm.s32 @!p0 $0x0  }
0x136: {  	[hbm4b:s22+s21] =	stream.linear.scatter @!p0 [tilespmem:s20], [sflag:$0x4], $0x2800, $0x38;
	[tilespmem:$0x1E280] =	vst v63  }
0x137: {  	p1 =	sne.s32 s19, s30;
	_ =	swait.ge [sflag:s17], $0x2800  }
.Ltmp3:
0x138: {  	[sflag:s17] =	ssyncset.done $0x0;
	(pc) =	sbr.rel @p1 .LBB2_1-.Ltmp3, $4  }
0x139: {  	[sflag:s17] =	ssyncadd.s32 $0xFFFFD800  }
0x13a: {  	_ =	swait.ge [sflag:s18], $0x2800  }
0x13b: {  	[sflag:s18] =	ssyncset.done $0x0  }
0x13c: {  	[sflag:s18] =	ssyncadd.s32 $0xFFFFD800  }
0x13d: {  	_ =	sfence.sel $0x180000  }
0x13e: {  	[bflag:$0x0] =	sbarrier.arrive $0xFFFF  }
0x13f: {  	_ =	strace $0x90000050  }
0x140: {  	s0 =	stileid.u32;
	[bflag:$0x2] =	sbarrier.arrive $0xFFFF  }
0x141: {  	p0 =	sne.s32 s0, $0x0;
	s0 =	rddreg [dreg:$0x2]  }
0x142: {  	s0 =	sadd.s32 @!p0 $0x100000, s0  }
0x143: {  	[sflag:s0] =	ssyncadd.tile.s32 @!p0 $0x1;
	_ =	shalt  }
.Lfunc_end2:
_tile_overlayer_lowered:
.L_overlay_start_2:
0x144: {  	(tag) =	ssettag $0x2  }
0x145: {  	s0 =	rddreg [dreg:$0x0];
	s2 =	stileid.u32  }
0x146: {  	s1 =	rddreg [dreg:$0x1];
	p0 =	sne.s32 s2, $0x0  }
0x147: {  	s3 =	rddreg [dreg:$0x2];
	[bflag:$0x3] =	sbarrier.arrive $0xFFFF;
	s2 =	simm.s32 @!p0 $0x1C05  }
0x148: {  	[timem:s3], [sflag:s2] =	dma.local @!p0 [hbm:s0], s1  }
0x149: {  	s0 =	simm.s32 @!p0 $0x5  }
0x14a: {  	_ =	swait.ge @!p0 [sflag:s0], s1  }
0x14b: {  	s1 =	ssub.s32 @!p0 $0x0, s1;
	[sflag:s0] =	ssyncset.done @!p0 $0x0  }
0x14c: {  	[sflag:s0] =	ssyncadd.s32 @!p0 s1  }
0x14d: {  	[bflag:$0x3] =	sbarrier.arrive $0xFFFF  }
0x14e: {  	_ =	shalt  }

</sc_bundles>
